<compile_context>
chip_gen: v7x
topology: tpu7x:2x2x1
jax: 0.10.2.dev20260603
libtpu: 0.0.44.dev20260713+nightly
codegen_flags: <defaults>
</compile_context>

<pallas_src>
import functools

import jax
import jax.numpy as jnp
from jax import lax
from jax.experimental import pallas as pl
from jax.experimental.pallas import tpu as pltpu
from jax.experimental.pallas import tpu_sc as plsc

N = 10000
E = 320000
F_IN = 128
DIM = 64
OUT = 32
G = 128

NC = 2
NS = 16
NW = NC * NS
CH = 128
NCHUNK = 80
E_PAD = NW * NCHUNK * CH
Z_ROWS = 10016
ROW_BLK = 2504
ZSL = 632
ZSL_LAST = N - (NS - 1) * ZSL


def _sc_agg_body(z_hbm, srcw_hbm, dstw_hbm, zeros_hbm, out_hbm,
                 src_v, dst_v, row_a, row_b, row_c, row_d, acc,
                 sem_a, sem_b, sem_c, sem_d, ssem_a, ssem_b, ssem_c, ssem_d):
    c = lax.axis_index("c")
    s = lax.axis_index("s")
    w = c * NS + s

    pltpu.sync_copy(srcw_hbm.at[pl.ds(w * NCHUNK, NCHUNK)], src_v)
    pltpu.sync_copy(dstw_hbm.at[pl.ds(w * NCHUNK, NCHUNK)], dst_v)

    @pl.when(s < NS - 1)
    def _():
        pltpu.sync_copy(zeros_hbm, acc.at[pl.ds(s * ZSL, ZSL)])

    @pl.when(s == NS - 1)
    def _():
        pltpu.sync_copy(zeros_hbm.at[pl.ds(0, ZSL_LAST)],
                        acc.at[pl.ds((NS - 1) * ZSL, ZSL_LAST)])

    plsc.subcore_barrier()

    bufs = ((row_a, sem_a, ssem_a), (row_b, sem_b, ssem_b),
            (row_c, sem_c, ssem_c), (row_d, sem_d, ssem_d))

    for k, (row, gsem, _) in enumerate(bufs):
        pltpu.async_copy(z_hbm.at[src_v.at[k]], row, gsem)

    def body(i, carry):
        j = 4 * i
        for k, (row, gsem, ssem) in enumerate(bufs):
            pltpu.make_async_copy(z_hbm.at[src_v.at[j + k]], row, gsem).wait()
            pltpu.async_copy(row, acc.at[dst_v.at[j + k]], ssem, add=True)
        for k, (row, gsem, ssem) in enumerate(bufs):
            pltpu.make_async_copy(row, acc.at[dst_v.at[j + k]], ssem).wait()
            pltpu.async_copy(z_hbm.at[src_v.at[j + 4 + k]], row, gsem)
        return carry

    lax.fori_loop(0, NCHUNK // 4 - 1, body, 0)
    jlast = NCHUNK - 4
    for k, (row, gsem, ssem) in enumerate(bufs):
        pltpu.make_async_copy(z_hbm.at[src_v.at[jlast + k]], row, gsem).wait()
        pltpu.async_copy(row, acc.at[dst_v.at[jlast + k]], ssem, add=True)
    for k, (row, gsem, ssem) in enumerate(bufs):
        pltpu.make_async_copy(row, acc.at[dst_v.at[jlast + k]], ssem).wait()
    plsc.subcore_barrier()

    @pl.when(s < NS - 1)
    def _():
        pltpu.sync_copy(acc.at[pl.ds(s * ZSL, ZSL)],
                        out_hbm.at[c, pl.ds(s * ZSL, ZSL)])

    @pl.when(s == NS - 1)
    def _():
        pltpu.sync_copy(acc.at[pl.ds((NS - 1) * ZSL, ZSL_LAST)],
                        out_hbm.at[c, pl.ds((NS - 1) * ZSL, ZSL_LAST)])


@functools.cache
def _sc_agg_kernel():
    return pl.kernel(
        _sc_agg_body,
        out_type=jax.ShapeDtypeStruct((NC, Z_ROWS, DIM), jnp.float32),
        mesh=plsc.VectorSubcoreMesh(core_axis_name="c", subcore_axis_name="s",
                                    num_cores=NC, num_subcores=NS),
        scratch_types=[
            pltpu.VMEM((NCHUNK, CH), jnp.int32),
            pltpu.VMEM((NCHUNK, CH), jnp.int32),
            pltpu.VMEM((CH, DIM), jnp.float32),
            pltpu.VMEM((CH, DIM), jnp.float32),
            pltpu.VMEM((CH, DIM), jnp.float32),
            pltpu.VMEM((CH, DIM), jnp.float32),
            pltpu.VMEM_SHARED((N, DIM), jnp.float32),
            pltpu.SemaphoreType.DMA,
            pltpu.SemaphoreType.DMA,
            pltpu.SemaphoreType.DMA,
            pltpu.SemaphoreType.DMA,
            pltpu.SemaphoreType.DMA,
            pltpu.SemaphoreType.DMA,
            pltpu.SemaphoreType.DMA,
            pltpu.SemaphoreType.DMA,
        ],
        compiler_params=pltpu.CompilerParams(use_tc_tiling_on_sc=False),
    )


def _sc_agg(z, srcw, dstw, zeros):
    return _sc_agg_kernel()(z, srcw, dstw, zeros)


def _pre_body(x_ref, w_ref, o_ref):
    o_ref[...] = jnp.dot(x_ref[...], w_ref[...],
                         preferred_element_type=jnp.float32)


def _tc_pre(x, w1):
    return pl.pallas_call(
        _pre_body,
        grid=(Z_ROWS // ROW_BLK,),
        in_specs=[
            pl.BlockSpec((ROW_BLK, F_IN), lambda i: (i, 0)),
            pl.BlockSpec((F_IN, DIM), lambda i: (0, 0)),
        ],
        out_specs=pl.BlockSpec((ROW_BLK, DIM), lambda i: (i, 0)),
        out_shape=jax.ShapeDtypeStruct((Z_ROWS, DIM), jnp.float32),
    )(x, w1)


def _tc_layer(z, agg, q, b1, w2, b2, li, w1n):
    has_next = w1n is not None
    if not has_next:
        w1n = w2
    out_shape = [jax.ShapeDtypeStruct((Z_ROWS, DIM), jnp.float32),
                 jax.ShapeDtypeStruct((Z_ROWS, OUT), jnp.float32)]
    out_specs = [pl.BlockSpec((ROW_BLK, DIM), lambda i: (i, 0)),
                 pl.BlockSpec((ROW_BLK, OUT), lambda i: (i, 0))]
    if not has_next:
        out_shape = out_shape[1:]
        out_specs = out_specs[1:]

    def body(z_ref, agg_ref, q_ref, b1_ref, w2_ref, b2_ref, li_ref, w1n_ref,
             *o_refs):
        if has_next:
            zn_ref, qn_ref = o_refs
        else:
            (qn_ref,) = o_refs
            zn_ref = None
        agg = agg_ref[...]
        zfull = z_ref[...]
        rows = (pl.program_id(0) * ROW_BLK
                + lax.broadcasted_iota(jnp.int32, (ROW_BLK, 1), 0))
        valid = jnp.broadcast_to(rows < N, (ROW_BLK, DIM))
        h = jnp.maximum(zfull + agg[0] + agg[1] + b1_ref[...], 0.0)
        h = jnp.where(valid, h, 0.0)
        xi = jnp.dot(h, w2_ref[...], preferred_element_type=jnp.float32)
        xi = jnp.where(valid, jnp.maximum(xi + b2_ref[...], 0.0), 0.0)
        qn_ref[...] = q_ref[...] + jnp.dot(
            xi, li_ref[...], preferred_element_type=jnp.float32)
        if has_next:
            zn_ref[...] = jnp.dot(xi, w1n_ref[...],
                                  preferred_element_type=jnp.float32)

    outs = pl.pallas_call(
        body,
        grid=(Z_ROWS // ROW_BLK,),
        in_specs=[
            pl.BlockSpec((ROW_BLK, DIM), lambda i: (i, 0)),
            pl.BlockSpec((NC, ROW_BLK, DIM), lambda i: (0, i, 0)),
            pl.BlockSpec((ROW_BLK, OUT), lambda i: (i, 0)),
            pl.BlockSpec((1, DIM), lambda i: (0, 0)),
            pl.BlockSpec((DIM, DIM), lambda i: (0, 0)),
            pl.BlockSpec((1, DIM), lambda i: (0, 0)),
            pl.BlockSpec((DIM, OUT), lambda i: (0, 0)),
            pl.BlockSpec((DIM, DIM), lambda i: (0, 0)),
        ],
        out_specs=out_specs,
        out_shape=out_shape,
    )(z, agg, q, b1.reshape(1, DIM), w2, b2.reshape(1, DIM), li, w1n)
    if has_next:
        return outs
    return None, outs[0]


_POOL_CHUNK = 1000


def _pool_body(q_ref, batch_ref, o_ref):
    def body(j, carry):
        s_acc, c_acc = carry
        brow = batch_ref[pl.ds(j, 1), :]
        gids = lax.broadcasted_iota(jnp.int32, (G, _POOL_CHUNK), 0)
        onehot_t = (jnp.broadcast_to(brow, (G, _POOL_CHUNK)) == gids
                    ).astype(jnp.float32)
        qc = q_ref[pl.ds(j * _POOL_CHUNK, _POOL_CHUNK), :]
        s_acc = s_acc + lax.dot_general(
            onehot_t, qc, (((1,), (0,)), ((), ())),
            preferred_element_type=jnp.float32)
        c_acc = c_acc + jnp.sum(onehot_t, axis=1, keepdims=True)
        return s_acc, c_acc

    s0 = jnp.zeros((G, OUT), jnp.float32)
    c0 = jnp.zeros((G, 1), jnp.float32)
    s_acc, c_acc = lax.fori_loop(0, N // _POOL_CHUNK, body, (s0, c0))
    o_ref[...] = jnp.tanh(s_acc / jnp.maximum(c_acc, 1.0))


def _tc_pool(q, batch2d):
    return pl.pallas_call(
        _pool_body,
        grid=(1,),
        in_specs=[
            pl.BlockSpec((N, OUT), lambda i: (0, 0)),
            pl.BlockSpec((N // _POOL_CHUNK, _POOL_CHUNK), lambda i: (0, 0)),
        ],
        out_specs=pl.BlockSpec((G, OUT), lambda i: (0, 0)),
        out_shape=jax.ShapeDtypeStruct((G, OUT), jnp.float32),
    )(q, batch2d)


def kernel(x, edge_index, batch,
           c1_W1, c1_b1, c1_W2, c1_b2,
           c2_W1, c2_b1, c2_W2, c2_b2,
           c3_W1, c3_b1, c3_W2, c3_b2,
           c4_W1, c4_b1, c4_W2, c4_b2,
           c5_W1, c5_b1, c5_W2, c5_b2,
           l1, l2, l3, l4, l5):
    src = edge_index[0].astype(jnp.int32)
    dst = edge_index[1].astype(jnp.int32)
    pad = E_PAD - E
    pad_ar = jnp.arange(pad, dtype=jnp.int32)
    src_p = jnp.concatenate([src, N + pad_ar % (Z_ROWS - N)])
    dst_p = jnp.concatenate([dst, (pad_ar * 131) % N])
    srcw = src_p.reshape(NW * NCHUNK, CH)
    dstw = dst_p.reshape(NW * NCHUNK, CH)
    zeros = jnp.zeros((ZSL, DIM), jnp.float32)
    batch2d = batch.astype(jnp.int32).reshape(N // _POOL_CHUNK, _POOL_CHUNK)
    xpad = jnp.pad(x, ((0, Z_ROWS - N), (0, 0)))

    q = jnp.zeros((Z_ROWS, OUT), jnp.float32)
    z = _tc_pre(xpad, c1_W1)
    params = [(c1_b1, c1_W2, c1_b2, l1, c2_W1),
              (c2_b1, c2_W2, c2_b2, l2, c3_W1),
              (c3_b1, c3_W2, c3_b2, l3, c4_W1),
              (c4_b1, c4_W2, c4_b2, l4, c5_W1),
              (c5_b1, c5_W2, c5_b2, l5, None)]
    for b1, w2, b2, li, w1n in params:
        agg = _sc_agg(z, srcw, dstw, zeros)
        z, q = _tc_layer(z, agg, q, b1, w2, b2, li, w1n)
    return _tc_pool(q[:N], batch2d)

# --- scband reference (transcript-rebuilt; emitter-appended) ---
"""Pipeline reference for scband-net-gin-17188459118904 (READ-ONLY COPY).

The authoritative reference and input builder live on the scoring server;
editing this copy changes nothing except your own understanding.
"""

import jax, jax.numpy as jnp
import numpy as np

N = 10000
E = 320000
F_IN = 128
DIM = 64
OUT = 32
G = 128


def _gin_conv(x, src, dst, W1, b1, W2, b2):
    # GINConv with eps=0: nn((1+eps)*x + sum_{j in N(i)} x_j)
    agg = jax.ops.segment_sum(x[src], dst, num_segments=x.shape[0])
    h = x + agg
    h = jnp.maximum(jnp.dot(h, W1) + b1, 0.0)
    return jnp.dot(h, W2) + b2


def _mean_pool(x, batch, num_graphs):
    s = jax.ops.segment_sum(x, batch, num_segments=num_graphs)
    c = jax.ops.segment_sum(jnp.ones((x.shape[0], 1), x.dtype), batch, num_segments=num_graphs)
    return s / jnp.maximum(c, 1.0)


def setup_inputs(seed: int = 0) -> dict:
    key = jax.random.key(seed)
    ks = jax.random.split(key, 40)
    inp = {}
    inp["x"] = jax.random.normal(ks[0], (N, F_IN), dtype=jnp.float32)
    inp["edge_index"] = jax.random.randint(ks[1], (2, E), 0, N)
    inp["batch"] = jnp.sort(jax.random.randint(ks[2], (N,), 0, G))
    k = 3
    for i in range(5):
        fin = F_IN if i == 0 else DIM
        inp[f"c{i+1}_W1"] = jax.random.normal(ks[k], (fin, DIM), dtype=jnp.float32) * 0.1; k += 1
        inp[f"c{i+1}_b1"] = jnp.zeros((DIM,), dtype=jnp.float32)
        inp[f"c{i+1}_W2"] = jax.random.normal(ks[k], (DIM, DIM), dtype=jnp.float32) * 0.1; k += 1
        inp[f"c{i+1}_b2"] = jnp.zeros((DIM,), dtype=jnp.float32)
    for i in range(5):
        inp[f"l{i+1}"] = jax.random.normal(ks[k], (DIM, OUT), dtype=jnp.float32) * 0.1; k += 1
    return inp


def reference(x, edge_index, batch,
              c1_W1, c1_b1, c1_W2, c1_b2,
              c2_W1, c2_b1, c2_W2, c2_b2,
              c3_W1, c3_b1, c3_W2, c3_b2,
              c4_W1, c4_b1, c4_W2, c4_b2,
              c5_W1, c5_b1, c5_W2, c5_b2,
              l1, l2, l3, l4, l5):
    src = edge_index[0]
    dst = edge_index[1]
    x1 = jnp.maximum(_gin_conv(x, src, dst, c1_W1, c1_b1, c1_W2, c1_b2), 0.0)
    x2 = jnp.maximum(_gin_conv(x1, src, dst, c2_W1, c2_b1, c2_W2, c2_b2), 0.0)
    x3 = jnp.maximum(_gin_conv(x2, src, dst, c3_W1, c3_b1, c3_W2, c3_b2), 0.0)
    x4 = jnp.maximum(_gin_conv(x3, src, dst, c4_W1, c4_b1, c4_W2, c4_b2), 0.0)
    x5 = jnp.maximum(_gin_conv(x4, src, dst, c5_W1, c5_b1, c5_W2, c5_b2), 0.0)
    m1 = _mean_pool(x1, batch, G)
    m2 = _mean_pool(x2, batch, G)
    m3 = _mean_pool(x3, batch, G)
    m4 = _mean_pool(x4, batch, G)
    m5 = _mean_pool(x5, batch, G)
    out = jnp.dot(m1, l1) + jnp.dot(m2, l2) + jnp.dot(m3, l3) + jnp.dot(m4, l4) + jnp.dot(m5, l5)
    return jnp.tanh(out)

if __name__ == "__main__":
    import jax
    _d = setup_inputs()
    print(jax.jit(kernel)(*tuple(_d.values())))

</pallas_src>

<mosaic_0001>
#map = affine_map<(d0, d1) -> (0, 0)>
#map1 = affine_map<(d0, d1) -> (0, 0, 0)>
module attributes {stable_mosaic.version = 14 : i64} {
  func.func @_sc_agg_body(%arg0: i32, %arg1: i32, %arg2: memref<10016x64xf32, #tpu.memory_space<hbm>>, %arg3: memref<2560x128xi32, #tpu.memory_space<hbm>>, %arg4: memref<2560x128xi32, #tpu.memory_space<hbm>>, %arg5: memref<632x64xf32, #tpu.memory_space<hbm>>, %arg6: memref<2x10016x64xf32, #tpu.memory_space<hbm>>, %arg7: memref<80x128xi32, #tpu.memory_space<vmem>>, %arg8: memref<80x128xi32, #tpu.memory_space<vmem>>, %arg9: memref<128x64xf32, #tpu.memory_space<vmem>>, %arg10: memref<128x64xf32, #tpu.memory_space<vmem>>, %arg11: memref<128x64xf32, #tpu.memory_space<vmem>>, %arg12: memref<128x64xf32, #tpu.memory_space<vmem>>, %arg13: memref<10000x64xf32, #tpu.memory_space<vmem_shared>>, %arg14: memref<!tpu.dma_semaphore, #tpu.memory_space<semaphore_mem>>, %arg15: memref<!tpu.dma_semaphore, #tpu.memory_space<semaphore_mem>>, %arg16: memref<!tpu.dma_semaphore, #tpu.memory_space<semaphore_mem>>, %arg17: memref<!tpu.dma_semaphore, #tpu.memory_space<semaphore_mem>>, %arg18: memref<!tpu.dma_semaphore, #tpu.memory_space<semaphore_mem>>, %arg19: memref<!tpu.dma_semaphore, #tpu.memory_space<semaphore_mem>>, %arg20: memref<!tpu.dma_semaphore, #tpu.memory_space<semaphore_mem>>, %arg21: memref<!tpu.dma_semaphore, #tpu.memory_space<semaphore_mem>>) attributes {dimension_semantics = [#tpu.dimension_semantics<core_parallel>, #tpu.dimension_semantics<subcore_parallel>], iteration_bounds = array<i64: 2, 16>, scalar_prefetch = 0 : i64, scratch_operands = 15 : i64, tpu.core_type = #tpu.core_type<sc_vector_subcore>, window_params = [{transform_indices = #map}, {transform_indices = #map}, {transform_indices = #map}, {transform_indices = #map}, {transform_indices = #map1}]} {
    %mul3A = arith.constant 16 : i32
    %mul3A_0 = arith.muli %arg0, %mul3A : i32
    %add3A = arith.addi %mul3A_0, %arg1 : i32
    %mul3A_1 = arith.constant 80 : i32
    %mul3A_2 = arith.muli %add3A, %mul3A_1 : i32
    "tpu.region"() ({
      %run_scoped3A = tpu.sem_alloc : memref<!tpu.dma_semaphore, #tpu.memory_space<semaphore_mem>>
      %dma_start3A_137 = arith.constant 0 : i32
      %dma_start3A_138 = tpu.memref_slice %arg3[%mul3A_2, %dma_start3A_137] : memref<2560x128xi32, #tpu.memory_space<hbm>> -> memref<80x128xi32, #tpu.memory_space<hbm>>
      %dma_start3A_139 = arith.constant 0 : i32
      %dma_start3A_140 = tpu.memref_slice %arg3[%mul3A_2, %dma_start3A_139] : memref<2560x128xi32, #tpu.memory_space<hbm>> -> memref<80x128xi32, #tpu.memory_space<hbm>>
      tpu.enqueue_dma source(%dma_start3A_140 : memref<80x128xi32, #tpu.memory_space<hbm>>) target(%arg7 : memref<80x128xi32, #tpu.memory_space<vmem>>) target_semaphore(%run_scoped3A : memref<!tpu.dma_semaphore, #tpu.memory_space<semaphore_mem>>)
      %dma_wait3A_141 = arith.constant 0 : i32
      %dma_wait3A_142 = tpu.memref_slice %arg3[%mul3A_2, %dma_wait3A_141] : memref<2560x128xi32, #tpu.memory_space<hbm>> -> memref<80x128xi32, #tpu.memory_space<hbm>>
      %dma_wait3A_143 = arith.constant 0 : i32
      %dma_wait3A_144 = tpu.memref_slice %arg3[%mul3A_2, %dma_wait3A_143] : memref<2560x128xi32, #tpu.memory_space<hbm>> -> memref<80x128xi32, #tpu.memory_space<hbm>>
      tpu.wait_dma2 semaphore(%run_scoped3A : memref<!tpu.dma_semaphore, #tpu.memory_space<semaphore_mem>>) src(%dma_wait3A_144 : memref<80x128xi32, #tpu.memory_space<hbm>>) dst(%arg7 : memref<80x128xi32, #tpu.memory_space<vmem>>)
      tpu.yield
    }) : () -> ()
    %mul3A_3 = arith.constant 80 : i32
    %mul3A_4 = arith.muli %add3A, %mul3A_3 : i32
    "tpu.region"() ({
      %run_scoped3A = tpu.sem_alloc : memref<!tpu.dma_semaphore, #tpu.memory_space<semaphore_mem>>
      %dma_start3A_137 = arith.constant 0 : i32
      %dma_start3A_138 = tpu.memref_slice %arg4[%mul3A_4, %dma_start3A_137] : memref<2560x128xi32, #tpu.memory_space<hbm>> -> memref<80x128xi32, #tpu.memory_space<hbm>>
      %dma_start3A_139 = arith.constant 0 : i32
      %dma_start3A_140 = tpu.memref_slice %arg4[%mul3A_4, %dma_start3A_139] : memref<2560x128xi32, #tpu.memory_space<hbm>> -> memref<80x128xi32, #tpu.memory_space<hbm>>
      tpu.enqueue_dma source(%dma_start3A_140 : memref<80x128xi32, #tpu.memory_space<hbm>>) target(%arg8 : memref<80x128xi32, #tpu.memory_space<vmem>>) target_semaphore(%run_scoped3A : memref<!tpu.dma_semaphore, #tpu.memory_space<semaphore_mem>>)
      %dma_wait3A_141 = arith.constant 0 : i32
      %dma_wait3A_142 = tpu.memref_slice %arg4[%mul3A_4, %dma_wait3A_141] : memref<2560x128xi32, #tpu.memory_space<hbm>> -> memref<80x128xi32, #tpu.memory_space<hbm>>
      %dma_wait3A_143 = arith.constant 0 : i32
      %dma_wait3A_144 = tpu.memref_slice %arg4[%mul3A_4, %dma_wait3A_143] : memref<2560x128xi32, #tpu.memory_space<hbm>> -> memref<80x128xi32, #tpu.memory_space<hbm>>
      tpu.wait_dma2 semaphore(%run_scoped3A : memref<!tpu.dma_semaphore, #tpu.memory_space<semaphore_mem>>) src(%dma_wait3A_144 : memref<80x128xi32, #tpu.memory_space<hbm>>) dst(%arg8 : memref<80x128xi32, #tpu.memory_space<vmem>>)
      tpu.yield
    }) : () -> ()
    %lt3A = arith.constant 15 : i32
    %lt3A_5 = arith.cmpi slt, %arg1, %lt3A : i32
    %convert_element_type3A = arith.extui %lt3A_5 : i1 to i32
    %cond3A = arith.constant 0 : i32
    %cond3A_6 = arith.cmpi ne, %convert_element_type3A, %cond3A : i32
    scf.if %cond3A_6 {
      %mul3A_137 = arith.constant 632 : i32
      %mul3A_138 = arith.muli %arg1, %mul3A_137 : i32
      "tpu.region"() ({
        %run_scoped3A = tpu.sem_alloc : memref<!tpu.dma_semaphore, #tpu.memory_space<semaphore_mem>>
        %dma_start3A_139 = arith.constant 0 : i32
        %dma_start3A_140 = tpu.memref_slice %arg13[%mul3A_138, %dma_start3A_139] : memref<10000x64xf32, #tpu.memory_space<vmem_shared>> -> memref<632x64xf32, #tpu.memory_space<vmem_shared>>
        tpu.enqueue_dma source(%arg5 : memref<632x64xf32, #tpu.memory_space<hbm>>) target(%dma_start3A_140 : memref<632x64xf32, #tpu.memory_space<vmem_shared>>) target_semaphore(%run_scoped3A : memref<!tpu.dma_semaphore, #tpu.memory_space<semaphore_mem>>)
        %dma_wait3A_141 = arith.constant 0 : i32
        %dma_wait3A_142 = tpu.memref_slice %arg13[%mul3A_138, %dma_wait3A_141] : memref<10000x64xf32, #tpu.memory_space<vmem_shared>> -> memref<632x64xf32, #tpu.memory_space<vmem_shared>>
        tpu.wait_dma2 semaphore(%run_scoped3A : memref<!tpu.dma_semaphore, #tpu.memory_space<semaphore_mem>>) src(%arg5 : memref<632x64xf32, #tpu.memory_space<hbm>>) dst(%dma_wait3A_142 : memref<632x64xf32, #tpu.memory_space<vmem_shared>>)
        tpu.yield
      }) : () -> ()
    } else {
    }
    %eq3A = arith.constant 15 : i32
    %eq3A_7 = arith.cmpi eq, %arg1, %eq3A : i32
    %convert_element_type3A_8 = arith.extui %eq3A_7 : i1 to i32
    %cond3A_9 = arith.constant 0 : i32
    %cond3A_10 = arith.cmpi ne, %convert_element_type3A_8, %cond3A_9 : i32
    scf.if %cond3A_10 {
      "tpu.region"() ({
        %run_scoped3A = tpu.sem_alloc : memref<!tpu.dma_semaphore, #tpu.memory_space<semaphore_mem>>
        %dma_start3A_137 = arith.constant 9480 : i32
        %dma_start3A_138 = arith.constant 0 : i32
        %dma_start3A_139 = tpu.memref_slice %arg13[%dma_start3A_137, %dma_start3A_138] : memref<10000x64xf32, #tpu.memory_space<vmem_shared>> -> memref<520x64xf32, #tpu.memory_space<vmem_shared>>
        %dma_start3A_140 = arith.constant 0 : i32
        %dma_start3A_141 = arith.constant 0 : i32
        %dma_start3A_142 = tpu.memref_slice %arg5[%dma_start3A_140, %dma_start3A_141] : memref<632x64xf32, #tpu.memory_space<hbm>> -> memref<520x64xf32, #tpu.memory_space<hbm>>
        tpu.enqueue_dma source(%dma_start3A_142 : memref<520x64xf32, #tpu.memory_space<hbm>>) target(%dma_start3A_139 : memref<520x64xf32, #tpu.memory_space<vmem_shared>>) target_semaphore(%run_scoped3A : memref<!tpu.dma_semaphore, #tpu.memory_space<semaphore_mem>>)
        %dma_wait3A_143 = arith.constant 9480 : i32
        %dma_wait3A_144 = arith.constant 0 : i32
        %dma_wait3A_145 = tpu.memref_slice %arg13[%dma_wait3A_143, %dma_wait3A_144] : memref<10000x64xf32, #tpu.memory_space<vmem_shared>> -> memref<520x64xf32, #tpu.memory_space<vmem_shared>>
        %dma_wait3A_146 = arith.constant 0 : i32
        %dma_wait3A_147 = arith.constant 0 : i32
        %dma_wait3A_148 = tpu.memref_slice %arg5[%dma_wait3A_146, %dma_wait3A_147] : memref<632x64xf32, #tpu.memory_space<hbm>> -> memref<520x64xf32, #tpu.memory_space<hbm>>
        tpu.wait_dma2 semaphore(%run_scoped3A : memref<!tpu.dma_semaphore, #tpu.memory_space<semaphore_mem>>) src(%dma_wait3A_148 : memref<520x64xf32, #tpu.memory_space<hbm>>) dst(%dma_wait3A_145 : memref<520x64xf32, #tpu.memory_space<vmem_shared>>)
        tpu.yield
      }) : () -> ()
    } else {
    }
    %barrier3A = arith.constant 0 : index
    tpu.barrier barrier_id(%barrier3A)
    %dma_start3A = arith.constant 0 : i32
    %dma_start3A_11 = arith.constant 0 : i32
    %dma_start3A_12 = tpu.memref_slice %arg7[%dma_start3A, %dma_start3A_11] : memref<80x128xi32, #tpu.memory_space<vmem>> -> memref<1x128xi32, #tpu.memory_space<vmem>>
    %dma_start3A_13 = tpu.memref_squeeze %dma_start3A_12 : memref<1x128xi32, #tpu.memory_space<vmem>> -> memref<128xi32, #tpu.memory_space<vmem>>
    %dma_start3A_14 = arith.constant 0 : i32
    %dma_start3A_15 = arith.constant 0 : i32
    %dma_start3A_16 = tpu.memref_slice %arg2[%dma_start3A_14, %dma_start3A_15] : memref<10016x64xf32, #tpu.memory_space<hbm>> -> memref<10016x64xf32, #tpu.memory_space<hbm>>
    tpu.enqueue_indirect_dma source(%dma_start3A_16 : memref<10016x64xf32, #tpu.memory_space<hbm>>) target(%arg9 : memref<128x64xf32, #tpu.memory_space<vmem>>) offsets(%dma_start3A_13 : memref<128xi32, #tpu.memory_space<vmem>>) semaphore(%arg14 : memref<!tpu.dma_semaphore, #tpu.memory_space<semaphore_mem>>)
    %dma_start3A_17 = arith.constant 1 : i32
    %dma_start3A_18 = arith.constant 0 : i32
    %dma_start3A_19 = tpu.memref_slice %arg7[%dma_start3A_17, %dma_start3A_18] : memref<80x128xi32, #tpu.memory_space<vmem>> -> memref<1x128xi32, #tpu.memory_space<vmem>>
    %dma_start3A_20 = tpu.memref_squeeze %dma_start3A_19 : memref<1x128xi32, #tpu.memory_space<vmem>> -> memref<128xi32, #tpu.memory_space<vmem>>
    %dma_start3A_21 = arith.constant 0 : i32
    %dma_start3A_22 = arith.constant 0 : i32
    %dma_start3A_23 = tpu.memref_slice %arg2[%dma_start3A_21, %dma_start3A_22] : memref<10016x64xf32, #tpu.memory_space<hbm>> -> memref<10016x64xf32, #tpu.memory_space<hbm>>
    tpu.enqueue_indirect_dma source(%dma_start3A_23 : memref<10016x64xf32, #tpu.memory_space<hbm>>) target(%arg10 : memref<128x64xf32, #tpu.memory_space<vmem>>) offsets(%dma_start3A_20 : memref<128xi32, #tpu.memory_space<vmem>>) semaphore(%arg15 : memref<!tpu.dma_semaphore, #tpu.memory_space<semaphore_mem>>)
    %dma_start3A_24 = arith.constant 2 : i32
    %dma_start3A_25 = arith.constant 0 : i32
    %dma_start3A_26 = tpu.memref_slice %arg7[%dma_start3A_24, %dma_start3A_25] : memref<80x128xi32, #tpu.memory_space<vmem>> -> memref<1x128xi32, #tpu.memory_space<vmem>>
    %dma_start3A_27 = tpu.memref_squeeze %dma_start3A_26 : memref<1x128xi32, #tpu.memory_space<vmem>> -> memref<128xi32, #tpu.memory_space<vmem>>
    %dma_start3A_28 = arith.constant 0 : i32
    %dma_start3A_29 = arith.constant 0 : i32
    %dma_start3A_30 = tpu.memref_slice %arg2[%dma_start3A_28, %dma_start3A_29] : memref<10016x64xf32, #tpu.memory_space<hbm>> -> memref<10016x64xf32, #tpu.memory_space<hbm>>
    tpu.enqueue_indirect_dma source(%dma_start3A_30 : memref<10016x64xf32, #tpu.memory_space<hbm>>) target(%arg11 : memref<128x64xf32, #tpu.memory_space<vmem>>) offsets(%dma_start3A_27 : memref<128xi32, #tpu.memory_space<vmem>>) semaphore(%arg16 : memref<!tpu.dma_semaphore, #tpu.memory_space<semaphore_mem>>)
    %dma_start3A_31 = arith.constant 3 : i32
    %dma_start3A_32 = arith.constant 0 : i32
    %dma_start3A_33 = tpu.memref_slice %arg7[%dma_start3A_31, %dma_start3A_32] : memref<80x128xi32, #tpu.memory_space<vmem>> -> memref<1x128xi32, #tpu.memory_space<vmem>>
    %dma_start3A_34 = tpu.memref_squeeze %dma_start3A_33 : memref<1x128xi32, #tpu.memory_space<vmem>> -> memref<128xi32, #tpu.memory_space<vmem>>
    %dma_start3A_35 = arith.constant 0 : i32
    %dma_start3A_36 = arith.constant 0 : i32
    %dma_start3A_37 = tpu.memref_slice %arg2[%dma_start3A_35, %dma_start3A_36] : memref<10016x64xf32, #tpu.memory_space<hbm>> -> memref<10016x64xf32, #tpu.memory_space<hbm>>
    tpu.enqueue_indirect_dma source(%dma_start3A_37 : memref<10016x64xf32, #tpu.memory_space<hbm>>) target(%arg12 : memref<128x64xf32, #tpu.memory_space<vmem>>) offsets(%dma_start3A_34 : memref<128xi32, #tpu.memory_space<vmem>>) semaphore(%arg17 : memref<!tpu.dma_semaphore, #tpu.memory_space<semaphore_mem>>)
    %scan3A = arith.constant 0 : i32
    %scan3A_38 = arith.constant 0 : i32
    %scan3A_39 = arith.constant 19 : i32
    %scan3A_40 = arith.addi %scan3A_38, %scan3A_39 : i32
    %scan3A_41 = arith.constant 1 : i32
    scf.for %scan3A_137 = %scan3A_38 to %scan3A_40 step %scan3A_41  : i32 {
      %mul3A_138 = arith.constant 4 : i32
      %mul3A_139 = arith.muli %mul3A_138, %scan3A_137 : i32
      %add3A_140 = arith.constant 0 : i32
      %add3A_141 = arith.addi %mul3A_139, %add3A_140 : i32
      %dma_wait3A_142 = arith.constant 0 : i32
      %dma_wait3A_143 = tpu.memref_slice %arg7[%add3A_141, %dma_wait3A_142] : memref<80x128xi32, #tpu.memory_space<vmem>> -> memref<1x128xi32, #tpu.memory_space<vmem>>
      %dma_wait3A_144 = tpu.memref_squeeze %dma_wait3A_143 : memref<1x128xi32, #tpu.memory_space<vmem>> -> memref<128xi32, #tpu.memory_space<vmem>>
      %dma_wait3A_145 = arith.constant 0 : i32
      %dma_wait3A_146 = arith.constant 0 : i32
      %dma_wait3A_147 = tpu.memref_slice %arg2[%dma_wait3A_145, %dma_wait3A_146] : memref<10016x64xf32, #tpu.memory_space<hbm>> -> memref<10016x64xf32, #tpu.memory_space<hbm>>
      tpu.wait_indirect_dma semaphore(%arg14 : memref<!tpu.dma_semaphore, #tpu.memory_space<semaphore_mem>>) src(%dma_wait3A_147 : memref<10016x64xf32, #tpu.memory_space<hbm>>) dst(%arg9 : memref<128x64xf32, #tpu.memory_space<vmem>>)
      %add3A_148 = arith.constant 0 : i32
      %add3A_149 = arith.addi %mul3A_139, %add3A_148 : i32
      %dma_start3A_150 = arith.constant 0 : i32
      %dma_start3A_151 = tpu.memref_slice %arg8[%add3A_149, %dma_start3A_150] : memref<80x128xi32, #tpu.memory_space<vmem>> -> memref<1x128xi32, #tpu.memory_space<vmem>>
      %dma_start3A_152 = tpu.memref_squeeze %dma_start3A_151 : memref<1x128xi32, #tpu.memory_space<vmem>> -> memref<128xi32, #tpu.memory_space<vmem>>
      %dma_start3A_153 = arith.constant 0 : i32
      %dma_start3A_154 = arith.constant 0 : i32
      %dma_start3A_155 = tpu.memref_slice %arg13[%dma_start3A_153, %dma_start3A_154] : memref<10000x64xf32, #tpu.memory_space<vmem_shared>> -> memref<10000x64xf32, #tpu.memory_space<vmem_shared>>
      tpu.enqueue_indirect_dma source(%arg9 : memref<128x64xf32, #tpu.memory_space<vmem>>) target(%dma_start3A_155 : memref<10000x64xf32, #tpu.memory_space<vmem_shared>>) offsets(%dma_start3A_152 : memref<128xi32, #tpu.memory_space<vmem>>) semaphore(%arg18 : memref<!tpu.dma_semaphore, #tpu.memory_space<semaphore_mem>>) {add = true}
      %add3A_156 = arith.constant 1 : i32
      %add3A_157 = arith.addi %mul3A_139, %add3A_156 : i32
      %dma_wait3A_158 = arith.constant 0 : i32
      %dma_wait3A_159 = tpu.memref_slice %arg7[%add3A_157, %dma_wait3A_158] : memref<80x128xi32, #tpu.memory_space<vmem>> -> memref<1x128xi32, #tpu.memory_space<vmem>>
      %dma_wait3A_160 = tpu.memref_squeeze %dma_wait3A_159 : memref<1x128xi32, #tpu.memory_space<vmem>> -> memref<128xi32, #tpu.memory_space<vmem>>
      %dma_wait3A_161 = arith.constant 0 : i32
      %dma_wait3A_162 = arith.constant 0 : i32
      %dma_wait3A_163 = tpu.memref_slice %arg2[%dma_wait3A_161, %dma_wait3A_162] : memref<10016x64xf32, #tpu.memory_space<hbm>> -> memref<10016x64xf32, #tpu.memory_space<hbm>>
      tpu.wait_indirect_dma semaphore(%arg15 : memref<!tpu.dma_semaphore, #tpu.memory_space<semaphore_mem>>) src(%dma_wait3A_163 : memref<10016x64xf32, #tpu.memory_space<hbm>>) dst(%arg10 : memref<128x64xf32, #tpu.memory_space<vmem>>)
      %add3A_164 = arith.constant 1 : i32
      %add3A_165 = arith.addi %mul3A_139, %add3A_164 : i32
      %dma_start3A_166 = arith.constant 0 : i32
      %dma_start3A_167 = tpu.memref_slice %arg8[%add3A_165, %dma_start3A_166] : memref<80x128xi32, #tpu.memory_space<vmem>> -> memref<1x128xi32, #tpu.memory_space<vmem>>
      %dma_start3A_168 = tpu.memref_squeeze %dma_start3A_167 : memref<1x128xi32, #tpu.memory_space<vmem>> -> memref<128xi32, #tpu.memory_space<vmem>>
      %dma_start3A_169 = arith.constant 0 : i32
      %dma_start3A_170 = arith.constant 0 : i32
      %dma_start3A_171 = tpu.memref_slice %arg13[%dma_start3A_169, %dma_start3A_170] : memref<10000x64xf32, #tpu.memory_space<vmem_shared>> -> memref<10000x64xf32, #tpu.memory_space<vmem_shared>>
      tpu.enqueue_indirect_dma source(%arg10 : memref<128x64xf32, #tpu.memory_space<vmem>>) target(%dma_start3A_171 : memref<10000x64xf32, #tpu.memory_space<vmem_shared>>) offsets(%dma_start3A_168 : memref<128xi32, #tpu.memory_space<vmem>>) semaphore(%arg19 : memref<!tpu.dma_semaphore, #tpu.memory_space<semaphore_mem>>) {add = true}
      %add3A_172 = arith.constant 2 : i32
      %add3A_173 = arith.addi %mul3A_139, %add3A_172 : i32
      %dma_wait3A_174 = arith.constant 0 : i32
      %dma_wait3A_175 = tpu.memref_slice %arg7[%add3A_173, %dma_wait3A_174] : memref<80x128xi32, #tpu.memory_space<vmem>> -> memref<1x128xi32, #tpu.memory_space<vmem>>
      %dma_wait3A_176 = tpu.memref_squeeze %dma_wait3A_175 : memref<1x128xi32, #tpu.memory_space<vmem>> -> memref<128xi32, #tpu.memory_space<vmem>>
      %dma_wait3A_177 = arith.constant 0 : i32
      %dma_wait3A_178 = arith.constant 0 : i32
      %dma_wait3A_179 = tpu.memref_slice %arg2[%dma_wait3A_177, %dma_wait3A_178] : memref<10016x64xf32, #tpu.memory_space<hbm>> -> memref<10016x64xf32, #tpu.memory_space<hbm>>
      tpu.wait_indirect_dma semaphore(%arg16 : memref<!tpu.dma_semaphore, #tpu.memory_space<semaphore_mem>>) src(%dma_wait3A_179 : memref<10016x64xf32, #tpu.memory_space<hbm>>) dst(%arg11 : memref<128x64xf32, #tpu.memory_space<vmem>>)
      %add3A_180 = arith.constant 2 : i32
      %add3A_181 = arith.addi %mul3A_139, %add3A_180 : i32
      %dma_start3A_182 = arith.constant 0 : i32
      %dma_start3A_183 = tpu.memref_slice %arg8[%add3A_181, %dma_start3A_182] : memref<80x128xi32, #tpu.memory_space<vmem>> -> memref<1x128xi32, #tpu.memory_space<vmem>>
      %dma_start3A_184 = tpu.memref_squeeze %dma_start3A_183 : memref<1x128xi32, #tpu.memory_space<vmem>> -> memref<128xi32, #tpu.memory_space<vmem>>
      %dma_start3A_185 = arith.constant 0 : i32
      %dma_start3A_186 = arith.constant 0 : i32
      %dma_start3A_187 = tpu.memref_slice %arg13[%dma_start3A_185, %dma_start3A_186] : memref<10000x64xf32, #tpu.memory_space<vmem_shared>> -> memref<10000x64xf32, #tpu.memory_space<vmem_shared>>
      tpu.enqueue_indirect_dma source(%arg11 : memref<128x64xf32, #tpu.memory_space<vmem>>) target(%dma_start3A_187 : memref<10000x64xf32, #tpu.memory_space<vmem_shared>>) offsets(%dma_start3A_184 : memref<128xi32, #tpu.memory_space<vmem>>) semaphore(%arg20 : memref<!tpu.dma_semaphore, #tpu.memory_space<semaphore_mem>>) {add = true}
      %add3A_188 = arith.constant 3 : i32
      %add3A_189 = arith.addi %mul3A_139, %add3A_188 : i32
      %dma_wait3A_190 = arith.constant 0 : i32
      %dma_wait3A_191 = tpu.memref_slice %arg7[%add3A_189, %dma_wait3A_190] : memref<80x128xi32, #tpu.memory_space<vmem>> -> memref<1x128xi32, #tpu.memory_space<vmem>>
      %dma_wait3A_192 = tpu.memref_squeeze %dma_wait3A_191 : memref<1x128xi32, #tpu.memory_space<vmem>> -> memref<128xi32, #tpu.memory_space<vmem>>
      %dma_wait3A_193 = arith.constant 0 : i32
      %dma_wait3A_194 = arith.constant 0 : i32
      %dma_wait3A_195 = tpu.memref_slice %arg2[%dma_wait3A_193, %dma_wait3A_194] : memref<10016x64xf32, #tpu.memory_space<hbm>> -> memref<10016x64xf32, #tpu.memory_space<hbm>>
      tpu.wait_indirect_dma semaphore(%arg17 : memref<!tpu.dma_semaphore, #tpu.memory_space<semaphore_mem>>) src(%dma_wait3A_195 : memref<10016x64xf32, #tpu.memory_space<hbm>>) dst(%arg12 : memref<128x64xf32, #tpu.memory_space<vmem>>)
      %add3A_196 = arith.constant 3 : i32
      %add3A_197 = arith.addi %mul3A_139, %add3A_196 : i32
      %dma_start3A_198 = arith.constant 0 : i32
      %dma_start3A_199 = tpu.memref_slice %arg8[%add3A_197, %dma_start3A_198] : memref<80x128xi32, #tpu.memory_space<vmem>> -> memref<1x128xi32, #tpu.memory_space<vmem>>
      %dma_start3A_200 = tpu.memref_squeeze %dma_start3A_199 : memref<1x128xi32, #tpu.memory_space<vmem>> -> memref<128xi32, #tpu.memory_space<vmem>>
      %dma_start3A_201 = arith.constant 0 : i32
      %dma_start3A_202 = arith.constant 0 : i32
      %dma_start3A_203 = tpu.memref_slice %arg13[%dma_start3A_201, %dma_start3A_202] : memref<10000x64xf32, #tpu.memory_space<vmem_shared>> -> memref<10000x64xf32, #tpu.memory_space<vmem_shared>>
      tpu.enqueue_indirect_dma source(%arg12 : memref<128x64xf32, #tpu.memory_space<vmem>>) target(%dma_start3A_203 : memref<10000x64xf32, #tpu.memory_space<vmem_shared>>) offsets(%dma_start3A_200 : memref<128xi32, #tpu.memory_space<vmem>>) semaphore(%arg21 : memref<!tpu.dma_semaphore, #tpu.memory_space<semaphore_mem>>) {add = true}
      %add3A_204 = arith.constant 0 : i32
      %add3A_205 = arith.addi %mul3A_139, %add3A_204 : i32
      %dma_wait3A_206 = arith.constant 0 : i32
      %dma_wait3A_207 = tpu.memref_slice %arg8[%add3A_205, %dma_wait3A_206] : memref<80x128xi32, #tpu.memory_space<vmem>> -> memref<1x128xi32, #tpu.memory_space<vmem>>
      %dma_wait3A_208 = tpu.memref_squeeze %dma_wait3A_207 : memref<1x128xi32, #tpu.memory_space<vmem>> -> memref<128xi32, #tpu.memory_space<vmem>>
      %dma_wait3A_209 = arith.constant 0 : i32
      %dma_wait3A_210 = arith.constant 0 : i32
      %dma_wait3A_211 = tpu.memref_slice %arg13[%dma_wait3A_209, %dma_wait3A_210] : memref<10000x64xf32, #tpu.memory_space<vmem_shared>> -> memref<10000x64xf32, #tpu.memory_space<vmem_shared>>
      tpu.wait_indirect_dma semaphore(%arg18 : memref<!tpu.dma_semaphore, #tpu.memory_space<semaphore_mem>>) src(%arg9 : memref<128x64xf32, #tpu.memory_space<vmem>>) dst(%dma_wait3A_211 : memref<10000x64xf32, #tpu.memory_space<vmem_shared>>)
      %add3A_212 = arith.constant 4 : i32
      %add3A_213 = arith.addi %mul3A_139, %add3A_212 : i32
      %add3A_214 = arith.constant 0 : i32
      %add3A_215 = arith.addi %add3A_213, %add3A_214 : i32
      %dma_start3A_216 = arith.constant 0 : i32
      %dma_start3A_217 = tpu.memref_slice %arg7[%add3A_215, %dma_start3A_216] : memref<80x128xi32, #tpu.memory_space<vmem>> -> memref<1x128xi32, #tpu.memory_space<vmem>>
      %dma_start3A_218 = tpu.memref_squeeze %dma_start3A_217 : memref<1x128xi32, #tpu.memory_space<vmem>> -> memref<128xi32, #tpu.memory_space<vmem>>
      %dma_start3A_219 = arith.constant 0 : i32
      %dma_start3A_220 = arith.constant 0 : i32
      %dma_start3A_221 = tpu.memref_slice %arg2[%dma_start3A_219, %dma_start3A_220] : memref<10016x64xf32, #tpu.memory_space<hbm>> -> memref<10016x64xf32, #tpu.memory_space<hbm>>
      tpu.enqueue_indirect_dma source(%dma_start3A_221 : memref<10016x64xf32, #tpu.memory_space<hbm>>) target(%arg9 : memref<128x64xf32, #tpu.memory_space<vmem>>) offsets(%dma_start3A_218 : memref<128xi32, #tpu.memory_space<vmem>>) semaphore(%arg14 : memref<!tpu.dma_semaphore, #tpu.memory_space<semaphore_mem>>)
      %add3A_222 = arith.constant 1 : i32
      %add3A_223 = arith.addi %mul3A_139, %add3A_222 : i32
      %dma_wait3A_224 = arith.constant 0 : i32
      %dma_wait3A_225 = tpu.memref_slice %arg8[%add3A_223, %dma_wait3A_224] : memref<80x128xi32, #tpu.memory_space<vmem>> -> memref<1x128xi32, #tpu.memory_space<vmem>>
      %dma_wait3A_226 = tpu.memref_squeeze %dma_wait3A_225 : memref<1x128xi32, #tpu.memory_space<vmem>> -> memref<128xi32, #tpu.memory_space<vmem>>
      %dma_wait3A_227 = arith.constant 0 : i32
      %dma_wait3A_228 = arith.constant 0 : i32
      %dma_wait3A_229 = tpu.memref_slice %arg13[%dma_wait3A_227, %dma_wait3A_228] : memref<10000x64xf32, #tpu.memory_space<vmem_shared>> -> memref<10000x64xf32, #tpu.memory_space<vmem_shared>>
      tpu.wait_indirect_dma semaphore(%arg19 : memref<!tpu.dma_semaphore, #tpu.memory_space<semaphore_mem>>) src(%arg10 : memref<128x64xf32, #tpu.memory_space<vmem>>) dst(%dma_wait3A_229 : memref<10000x64xf32, #tpu.memory_space<vmem_shared>>)
      %add3A_230 = arith.constant 4 : i32
      %add3A_231 = arith.addi %mul3A_139, %add3A_230 : i32
      %add3A_232 = arith.constant 1 : i32
      %add3A_233 = arith.addi %add3A_231, %add3A_232 : i32
      %dma_start3A_234 = arith.constant 0 : i32
      %dma_start3A_235 = tpu.memref_slice %arg7[%add3A_233, %dma_start3A_234] : memref<80x128xi32, #tpu.memory_space<vmem>> -> memref<1x128xi32, #tpu.memory_space<vmem>>
      %dma_start3A_236 = tpu.memref_squeeze %dma_start3A_235 : memref<1x128xi32, #tpu.memory_space<vmem>> -> memref<128xi32, #tpu.memory_space<vmem>>
      %dma_start3A_237 = arith.constant 0 : i32
      %dma_start3A_238 = arith.constant 0 : i32
      %dma_start3A_239 = tpu.memref_slice %arg2[%dma_start3A_237, %dma_start3A_238] : memref<10016x64xf32, #tpu.memory_space<hbm>> -> memref<10016x64xf32, #tpu.memory_space<hbm>>
      tpu.enqueue_indirect_dma source(%dma_start3A_239 : memref<10016x64xf32, #tpu.memory_space<hbm>>) target(%arg10 : memref<128x64xf32, #tpu.memory_space<vmem>>) offsets(%dma_start3A_236 : memref<128xi32, #tpu.memory_space<vmem>>) semaphore(%arg15 : memref<!tpu.dma_semaphore, #tpu.memory_space<semaphore_mem>>)
      %add3A_240 = arith.constant 2 : i32
      %add3A_241 = arith.addi %mul3A_139, %add3A_240 : i32
      %dma_wait3A_242 = arith.constant 0 : i32
      %dma_wait3A_243 = tpu.memref_slice %arg8[%add3A_241, %dma_wait3A_242] : memref<80x128xi32, #tpu.memory_space<vmem>> -> memref<1x128xi32, #tpu.memory_space<vmem>>
      %dma_wait3A_244 = tpu.memref_squeeze %dma_wait3A_243 : memref<1x128xi32, #tpu.memory_space<vmem>> -> memref<128xi32, #tpu.memory_space<vmem>>
      %dma_wait3A_245 = arith.constant 0 : i32
      %dma_wait3A_246 = arith.constant 0 : i32
      %dma_wait3A_247 = tpu.memref_slice %arg13[%dma_wait3A_245, %dma_wait3A_246] : memref<10000x64xf32, #tpu.memory_space<vmem_shared>> -> memref<10000x64xf32, #tpu.memory_space<vmem_shared>>
      tpu.wait_indirect_dma semaphore(%arg20 : memref<!tpu.dma_semaphore, #tpu.memory_space<semaphore_mem>>) src(%arg11 : memref<128x64xf32, #tpu.memory_space<vmem>>) dst(%dma_wait3A_247 : memref<10000x64xf32, #tpu.memory_space<vmem_shared>>)
      %add3A_248 = arith.constant 4 : i32
      %add3A_249 = arith.addi %mul3A_139, %add3A_248 : i32
      %add3A_250 = arith.constant 2 : i32
      %add3A_251 = arith.addi %add3A_249, %add3A_250 : i32
      %dma_start3A_252 = arith.constant 0 : i32
      %dma_start3A_253 = tpu.memref_slice %arg7[%add3A_251, %dma_start3A_252] : memref<80x128xi32, #tpu.memory_space<vmem>> -> memref<1x128xi32, #tpu.memory_space<vmem>>
      %dma_start3A_254 = tpu.memref_squeeze %dma_start3A_253 : memref<1x128xi32, #tpu.memory_space<vmem>> -> memref<128xi32, #tpu.memory_space<vmem>>
      %dma_start3A_255 = arith.constant 0 : i32
      %dma_start3A_256 = arith.constant 0 : i32
      %dma_start3A_257 = tpu.memref_slice %arg2[%dma_start3A_255, %dma_start3A_256] : memref<10016x64xf32, #tpu.memory_space<hbm>> -> memref<10016x64xf32, #tpu.memory_space<hbm>>
      tpu.enqueue_indirect_dma source(%dma_start3A_257 : memref<10016x64xf32, #tpu.memory_space<hbm>>) target(%arg11 : memref<128x64xf32, #tpu.memory_space<vmem>>) offsets(%dma_start3A_254 : memref<128xi32, #tpu.memory_space<vmem>>) semaphore(%arg16 : memref<!tpu.dma_semaphore, #tpu.memory_space<semaphore_mem>>)
      %add3A_258 = arith.constant 3 : i32
      %add3A_259 = arith.addi %mul3A_139, %add3A_258 : i32
      %dma_wait3A_260 = arith.constant 0 : i32
      %dma_wait3A_261 = tpu.memref_slice %arg8[%add3A_259, %dma_wait3A_260] : memref<80x128xi32, #tpu.memory_space<vmem>> -> memref<1x128xi32, #tpu.memory_space<vmem>>
      %dma_wait3A_262 = tpu.memref_squeeze %dma_wait3A_261 : memref<1x128xi32, #tpu.memory_space<vmem>> -> memref<128xi32, #tpu.memory_space<vmem>>
      %dma_wait3A_263 = arith.constant 0 : i32
      %dma_wait3A_264 = arith.constant 0 : i32
      %dma_wait3A_265 = tpu.memref_slice %arg13[%dma_wait3A_263, %dma_wait3A_264] : memref<10000x64xf32, #tpu.memory_space<vmem_shared>> -> memref<10000x64xf32, #tpu.memory_space<vmem_shared>>
      tpu.wait_indirect_dma semaphore(%arg21 : memref<!tpu.dma_semaphore, #tpu.memory_space<semaphore_mem>>) src(%arg12 : memref<128x64xf32, #tpu.memory_space<vmem>>) dst(%dma_wait3A_265 : memref<10000x64xf32, #tpu.memory_space<vmem_shared>>)
      %add3A_266 = arith.constant 4 : i32
      %add3A_267 = arith.addi %mul3A_139, %add3A_266 : i32
      %add3A_268 = arith.constant 3 : i32
      %add3A_269 = arith.addi %add3A_267, %add3A_268 : i32
      %dma_start3A_270 = arith.constant 0 : i32
      %dma_start3A_271 = tpu.memref_slice %arg7[%add3A_269, %dma_start3A_270] : memref<80x128xi32, #tpu.memory_space<vmem>> -> memref<1x128xi32, #tpu.memory_space<vmem>>
      %dma_start3A_272 = tpu.memref_squeeze %dma_start3A_271 : memref<1x128xi32, #tpu.memory_space<vmem>> -> memref<128xi32, #tpu.memory_space<vmem>>
      %dma_start3A_273 = arith.constant 0 : i32
      %dma_start3A_274 = arith.constant 0 : i32
      %dma_start3A_275 = tpu.memref_slice %arg2[%dma_start3A_273, %dma_start3A_274] : memref<10016x64xf32, #tpu.memory_space<hbm>> -> memref<10016x64xf32, #tpu.memory_space<hbm>>
      tpu.enqueue_indirect_dma source(%dma_start3A_275 : memref<10016x64xf32, #tpu.memory_space<hbm>>) target(%arg12 : memref<128x64xf32, #tpu.memory_space<vmem>>) offsets(%dma_start3A_272 : memref<128xi32, #tpu.memory_space<vmem>>) semaphore(%arg17 : memref<!tpu.dma_semaphore, #tpu.memory_space<semaphore_mem>>)
    }
    %scan3A_42 = arith.constant 19 : i32
    %dma_wait3A = arith.constant 76 : i32
    %dma_wait3A_43 = arith.constant 0 : i32
    %dma_wait3A_44 = tpu.memref_slice %arg7[%dma_wait3A, %dma_wait3A_43] : memref<80x128xi32, #tpu.memory_space<vmem>> -> memref<1x128xi32, #tpu.memory_space<vmem>>
    %dma_wait3A_45 = tpu.memref_squeeze %dma_wait3A_44 : memref<1x128xi32, #tpu.memory_space<vmem>> -> memref<128xi32, #tpu.memory_space<vmem>>
    %dma_wait3A_46 = arith.constant 0 : i32
    %dma_wait3A_47 = arith.constant 0 : i32
    %dma_wait3A_48 = tpu.memref_slice %arg2[%dma_wait3A_46, %dma_wait3A_47] : memref<10016x64xf32, #tpu.memory_space<hbm>> -> memref<10016x64xf32, #tpu.memory_space<hbm>>
    tpu.wait_indirect_dma semaphore(%arg14 : memref<!tpu.dma_semaphore, #tpu.memory_space<semaphore_mem>>) src(%dma_wait3A_48 : memref<10016x64xf32, #tpu.memory_space<hbm>>) dst(%arg9 : memref<128x64xf32, #tpu.memory_space<vmem>>)
    %dma_start3A_49 = arith.constant 76 : i32
    %dma_start3A_50 = arith.constant 0 : i32
    %dma_start3A_51 = tpu.memref_slice %arg8[%dma_start3A_49, %dma_start3A_50] : memref<80x128xi32, #tpu.memory_space<vmem>> -> memref<1x128xi32, #tpu.memory_space<vmem>>
    %dma_start3A_52 = tpu.memref_squeeze %dma_start3A_51 : memref<1x128xi32, #tpu.memory_space<vmem>> -> memref<128xi32, #tpu.memory_space<vmem>>
    %dma_start3A_53 = arith.constant 0 : i32
    %dma_start3A_54 = arith.constant 0 : i32
    %dma_start3A_55 = tpu.memref_slice %arg13[%dma_start3A_53, %dma_start3A_54] : memref<10000x64xf32, #tpu.memory_space<vmem_shared>> -> memref<10000x64xf32, #tpu.memory_space<vmem_shared>>
    tpu.enqueue_indirect_dma source(%arg9 : memref<128x64xf32, #tpu.memory_space<vmem>>) target(%dma_start3A_55 : memref<10000x64xf32, #tpu.memory_space<vmem_shared>>) offsets(%dma_start3A_52 : memref<128xi32, #tpu.memory_space<vmem>>) semaphore(%arg18 : memref<!tpu.dma_semaphore, #tpu.memory_space<semaphore_mem>>) {add = true}
    %dma_wait3A_56 = arith.constant 77 : i32
    %dma_wait3A_57 = arith.constant 0 : i32
    %dma_wait3A_58 = tpu.memref_slice %arg7[%dma_wait3A_56, %dma_wait3A_57] : memref<80x128xi32, #tpu.memory_space<vmem>> -> memref<1x128xi32, #tpu.memory_space<vmem>>
    %dma_wait3A_59 = tpu.memref_squeeze %dma_wait3A_58 : memref<1x128xi32, #tpu.memory_space<vmem>> -> memref<128xi32, #tpu.memory_space<vmem>>
    %dma_wait3A_60 = arith.constant 0 : i32
    %dma_wait3A_61 = arith.constant 0 : i32
    %dma_wait3A_62 = tpu.memref_slice %arg2[%dma_wait3A_60, %dma_wait3A_61] : memref<10016x64xf32, #tpu.memory_space<hbm>> -> memref<10016x64xf32, #tpu.memory_space<hbm>>
    tpu.wait_indirect_dma semaphore(%arg15 : memref<!tpu.dma_semaphore, #tpu.memory_space<semaphore_mem>>) src(%dma_wait3A_62 : memref<10016x64xf32, #tpu.memory_space<hbm>>) dst(%arg10 : memref<128x64xf32, #tpu.memory_space<vmem>>)
    %dma_start3A_63 = arith.constant 77 : i32
    %dma_start3A_64 = arith.constant 0 : i32
    %dma_start3A_65 = tpu.memref_slice %arg8[%dma_start3A_63, %dma_start3A_64] : memref<80x128xi32, #tpu.memory_space<vmem>> -> memref<1x128xi32, #tpu.memory_space<vmem>>
    %dma_start3A_66 = tpu.memref_squeeze %dma_start3A_65 : memref<1x128xi32, #tpu.memory_space<vmem>> -> memref<128xi32, #tpu.memory_space<vmem>>
    %dma_start3A_67 = arith.constant 0 : i32
    %dma_start3A_68 = arith.constant 0 : i32
    %dma_start3A_69 = tpu.memref_slice %arg13[%dma_start3A_67, %dma_start3A_68] : memref<10000x64xf32, #tpu.memory_space<vmem_shared>> -> memref<10000x64xf32, #tpu.memory_space<vmem_shared>>
    tpu.enqueue_indirect_dma source(%arg10 : memref<128x64xf32, #tpu.memory_space<vmem>>) target(%dma_start3A_69 : memref<10000x64xf32, #tpu.memory_space<vmem_shared>>) offsets(%dma_start3A_66 : memref<128xi32, #tpu.memory_space<vmem>>) semaphore(%arg19 : memref<!tpu.dma_semaphore, #tpu.memory_space<semaphore_mem>>) {add = true}
    %dma_wait3A_70 = arith.constant 78 : i32
    %dma_wait3A_71 = arith.constant 0 : i32
    %dma_wait3A_72 = tpu.memref_slice %arg7[%dma_wait3A_70, %dma_wait3A_71] : memref<80x128xi32, #tpu.memory_space<vmem>> -> memref<1x128xi32, #tpu.memory_space<vmem>>
    %dma_wait3A_73 = tpu.memref_squeeze %dma_wait3A_72 : memref<1x128xi32, #tpu.memory_space<vmem>> -> memref<128xi32, #tpu.memory_space<vmem>>
    %dma_wait3A_74 = arith.constant 0 : i32
    %dma_wait3A_75 = arith.constant 0 : i32
    %dma_wait3A_76 = tpu.memref_slice %arg2[%dma_wait3A_74, %dma_wait3A_75] : memref<10016x64xf32, #tpu.memory_space<hbm>> -> memref<10016x64xf32, #tpu.memory_space<hbm>>
    tpu.wait_indirect_dma semaphore(%arg16 : memref<!tpu.dma_semaphore, #tpu.memory_space<semaphore_mem>>) src(%dma_wait3A_76 : memref<10016x64xf32, #tpu.memory_space<hbm>>) dst(%arg11 : memref<128x64xf32, #tpu.memory_space<vmem>>)
    %dma_start3A_77 = arith.constant 78 : i32
    %dma_start3A_78 = arith.constant 0 : i32
    %dma_start3A_79 = tpu.memref_slice %arg8[%dma_start3A_77, %dma_start3A_78] : memref<80x128xi32, #tpu.memory_space<vmem>> -> memref<1x128xi32, #tpu.memory_space<vmem>>
    %dma_start3A_80 = tpu.memref_squeeze %dma_start3A_79 : memref<1x128xi32, #tpu.memory_space<vmem>> -> memref<128xi32, #tpu.memory_space<vmem>>
    %dma_start3A_81 = arith.constant 0 : i32
    %dma_start3A_82 = arith.constant 0 : i32
    %dma_start3A_83 = tpu.memref_slice %arg13[%dma_start3A_81, %dma_start3A_82] : memref<10000x64xf32, #tpu.memory_space<vmem_shared>> -> memref<10000x64xf32, #tpu.memory_space<vmem_shared>>
    tpu.enqueue_indirect_dma source(%arg11 : memref<128x64xf32, #tpu.memory_space<vmem>>) target(%dma_start3A_83 : memref<10000x64xf32, #tpu.memory_space<vmem_shared>>) offsets(%dma_start3A_80 : memref<128xi32, #tpu.memory_space<vmem>>) semaphore(%arg20 : memref<!tpu.dma_semaphore, #tpu.memory_space<semaphore_mem>>) {add = true}
    %dma_wait3A_84 = arith.constant 79 : i32
    %dma_wait3A_85 = arith.constant 0 : i32
    %dma_wait3A_86 = tpu.memref_slice %arg7[%dma_wait3A_84, %dma_wait3A_85] : memref<80x128xi32, #tpu.memory_space<vmem>> -> memref<1x128xi32, #tpu.memory_space<vmem>>
    %dma_wait3A_87 = tpu.memref_squeeze %dma_wait3A_86 : memref<1x128xi32, #tpu.memory_space<vmem>> -> memref<128xi32, #tpu.memory_space<vmem>>
    %dma_wait3A_88 = arith.constant 0 : i32
    %dma_wait3A_89 = arith.constant 0 : i32
    %dma_wait3A_90 = tpu.memref_slice %arg2[%dma_wait3A_88, %dma_wait3A_89] : memref<10016x64xf32, #tpu.memory_space<hbm>> -> memref<10016x64xf32, #tpu.memory_space<hbm>>
    tpu.wait_indirect_dma semaphore(%arg17 : memref<!tpu.dma_semaphore, #tpu.memory_space<semaphore_mem>>) src(%dma_wait3A_90 : memref<10016x64xf32, #tpu.memory_space<hbm>>) dst(%arg12 : memref<128x64xf32, #tpu.memory_space<vmem>>)
    %dma_start3A_91 = arith.constant 79 : i32
    %dma_start3A_92 = arith.constant 0 : i32
    %dma_start3A_93 = tpu.memref_slice %arg8[%dma_start3A_91, %dma_start3A_92] : memref<80x128xi32, #tpu.memory_space<vmem>> -> memref<1x128xi32, #tpu.memory_space<vmem>>
    %dma_start3A_94 = tpu.memref_squeeze %dma_start3A_93 : memref<1x128xi32, #tpu.memory_space<vmem>> -> memref<128xi32, #tpu.memory_space<vmem>>
    %dma_start3A_95 = arith.constant 0 : i32
    %dma_start3A_96 = arith.constant 0 : i32
    %dma_start3A_97 = tpu.memref_slice %arg13[%dma_start3A_95, %dma_start3A_96] : memref<10000x64xf32, #tpu.memory_space<vmem_shared>> -> memref<10000x64xf32, #tpu.memory_space<vmem_shared>>
    tpu.enqueue_indirect_dma source(%arg12 : memref<128x64xf32, #tpu.memory_space<vmem>>) target(%dma_start3A_97 : memref<10000x64xf32, #tpu.memory_space<vmem_shared>>) offsets(%dma_start3A_94 : memref<128xi32, #tpu.memory_space<vmem>>) semaphore(%arg21 : memref<!tpu.dma_semaphore, #tpu.memory_space<semaphore_mem>>) {add = true}
    %dma_wait3A_98 = arith.constant 76 : i32
    %dma_wait3A_99 = arith.constant 0 : i32
    %dma_wait3A_100 = tpu.memref_slice %arg8[%dma_wait3A_98, %dma_wait3A_99] : memref<80x128xi32, #tpu.memory_space<vmem>> -> memref<1x128xi32, #tpu.memory_space<vmem>>
    %dma_wait3A_101 = tpu.memref_squeeze %dma_wait3A_100 : memref<1x128xi32, #tpu.memory_space<vmem>> -> memref<128xi32, #tpu.memory_space<vmem>>
    %dma_wait3A_102 = arith.constant 0 : i32
    %dma_wait3A_103 = arith.constant 0 : i32
    %dma_wait3A_104 = tpu.memref_slice %arg13[%dma_wait3A_102, %dma_wait3A_103] : memref<10000x64xf32, #tpu.memory_space<vmem_shared>> -> memref<10000x64xf32, #tpu.memory_space<vmem_shared>>
    tpu.wait_indirect_dma semaphore(%arg18 : memref<!tpu.dma_semaphore, #tpu.memory_space<semaphore_mem>>) src(%arg9 : memref<128x64xf32, #tpu.memory_space<vmem>>) dst(%dma_wait3A_104 : memref<10000x64xf32, #tpu.memory_space<vmem_shared>>)
    %dma_wait3A_105 = arith.constant 77 : i32
    %dma_wait3A_106 = arith.constant 0 : i32
    %dma_wait3A_107 = tpu.memref_slice %arg8[%dma_wait3A_105, %dma_wait3A_106] : memref<80x128xi32, #tpu.memory_space<vmem>> -> memref<1x128xi32, #tpu.memory_space<vmem>>
    %dma_wait3A_108 = tpu.memref_squeeze %dma_wait3A_107 : memref<1x128xi32, #tpu.memory_space<vmem>> -> memref<128xi32, #tpu.memory_space<vmem>>
    %dma_wait3A_109 = arith.constant 0 : i32
    %dma_wait3A_110 = arith.constant 0 : i32
    %dma_wait3A_111 = tpu.memref_slice %arg13[%dma_wait3A_109, %dma_wait3A_110] : memref<10000x64xf32, #tpu.memory_space<vmem_shared>> -> memref<10000x64xf32, #tpu.memory_space<vmem_shared>>
    tpu.wait_indirect_dma semaphore(%arg19 : memref<!tpu.dma_semaphore, #tpu.memory_space<semaphore_mem>>) src(%arg10 : memref<128x64xf32, #tpu.memory_space<vmem>>) dst(%dma_wait3A_111 : memref<10000x64xf32, #tpu.memory_space<vmem_shared>>)
    %dma_wait3A_112 = arith.constant 78 : i32
    %dma_wait3A_113 = arith.constant 0 : i32
    %dma_wait3A_114 = tpu.memref_slice %arg8[%dma_wait3A_112, %dma_wait3A_113] : memref<80x128xi32, #tpu.memory_space<vmem>> -> memref<1x128xi32, #tpu.memory_space<vmem>>
    %dma_wait3A_115 = tpu.memref_squeeze %dma_wait3A_114 : memref<1x128xi32, #tpu.memory_space<vmem>> -> memref<128xi32, #tpu.memory_space<vmem>>
    %dma_wait3A_116 = arith.constant 0 : i32
    %dma_wait3A_117 = arith.constant 0 : i32
    %dma_wait3A_118 = tpu.memref_slice %arg13[%dma_wait3A_116, %dma_wait3A_117] : memref<10000x64xf32, #tpu.memory_space<vmem_shared>> -> memref<10000x64xf32, #tpu.memory_space<vmem_shared>>
    tpu.wait_indirect_dma semaphore(%arg20 : memref<!tpu.dma_semaphore, #tpu.memory_space<semaphore_mem>>) src(%arg11 : memref<128x64xf32, #tpu.memory_space<vmem>>) dst(%dma_wait3A_118 : memref<10000x64xf32, #tpu.memory_space<vmem_shared>>)
    %dma_wait3A_119 = arith.constant 79 : i32
    %dma_wait3A_120 = arith.constant 0 : i32
    %dma_wait3A_121 = tpu.memref_slice %arg8[%dma_wait3A_119, %dma_wait3A_120] : memref<80x128xi32, #tpu.memory_space<vmem>> -> memref<1x128xi32, #tpu.memory_space<vmem>>
    %dma_wait3A_122 = tpu.memref_squeeze %dma_wait3A_121 : memref<1x128xi32, #tpu.memory_space<vmem>> -> memref<128xi32, #tpu.memory_space<vmem>>
    %dma_wait3A_123 = arith.constant 0 : i32
    %dma_wait3A_124 = arith.constant 0 : i32
    %dma_wait3A_125 = tpu.memref_slice %arg13[%dma_wait3A_123, %dma_wait3A_124] : memref<10000x64xf32, #tpu.memory_space<vmem_shared>> -> memref<10000x64xf32, #tpu.memory_space<vmem_shared>>
    tpu.wait_indirect_dma semaphore(%arg21 : memref<!tpu.dma_semaphore, #tpu.memory_space<semaphore_mem>>) src(%arg12 : memref<128x64xf32, #tpu.memory_space<vmem>>) dst(%dma_wait3A_125 : memref<10000x64xf32, #tpu.memory_space<vmem_shared>>)
    %barrier3A_126 = arith.constant 0 : index
    tpu.barrier barrier_id(%barrier3A_126)
    %lt3A_127 = arith.constant 15 : i32
    %lt3A_128 = arith.cmpi slt, %arg1, %lt3A_127 : i32
    %convert_element_type3A_129 = arith.extui %lt3A_128 : i1 to i32
    %cond3A_130 = arith.constant 0 : i32
    %cond3A_131 = arith.cmpi ne, %convert_element_type3A_129, %cond3A_130 : i32
    scf.if %cond3A_131 {
      %mul3A_137 = arith.constant 632 : i32
      %mul3A_138 = arith.muli %arg1, %mul3A_137 : i32
      %mul3A_139 = arith.constant 632 : i32
      %mul3A_140 = arith.muli %arg1, %mul3A_139 : i32
      "tpu.region"() ({
        %run_scoped3A = tpu.sem_alloc : memref<!tpu.dma_semaphore, #tpu.memory_space<semaphore_mem>>
        %dma_start3A_141 = arith.constant 0 : i32
        %dma_start3A_142 = tpu.memref_slice %arg6[%arg0, %mul3A_140, %dma_start3A_141] : memref<2x10016x64xf32, #tpu.memory_space<hbm>> -> memref<1x632x64xf32, #tpu.memory_space<hbm>>
        %dma_start3A_143 = tpu.memref_squeeze %dma_start3A_142 : memref<1x632x64xf32, #tpu.memory_space<hbm>> -> memref<632x64xf32, #tpu.memory_space<hbm>>
        %dma_start3A_144 = arith.constant 0 : i32
        %dma_start3A_145 = tpu.memref_slice %arg13[%mul3A_138, %dma_start3A_144] : memref<10000x64xf32, #tpu.memory_space<vmem_shared>> -> memref<632x64xf32, #tpu.memory_space<vmem_shared>>
        tpu.enqueue_dma source(%dma_start3A_145 : memref<632x64xf32, #tpu.memory_space<vmem_shared>>) target(%dma_start3A_143 : memref<632x64xf32, #tpu.memory_space<hbm>>) target_semaphore(%run_scoped3A : memref<!tpu.dma_semaphore, #tpu.memory_space<semaphore_mem>>)
        %dma_wait3A_146 = arith.constant 0 : i32
        %dma_wait3A_147 = tpu.memref_slice %arg6[%arg0, %mul3A_140, %dma_wait3A_146] : memref<2x10016x64xf32, #tpu.memory_space<hbm>> -> memref<1x632x64xf32, #tpu.memory_space<hbm>>
        %dma_wait3A_148 = tpu.memref_squeeze %dma_wait3A_147 : memref<1x632x64xf32, #tpu.memory_space<hbm>> -> memref<632x64xf32, #tpu.memory_space<hbm>>
        %dma_wait3A_149 = arith.constant 0 : i32
        %dma_wait3A_150 = tpu.memref_slice %arg13[%mul3A_138, %dma_wait3A_149] : memref<10000x64xf32, #tpu.memory_space<vmem_shared>> -> memref<632x64xf32, #tpu.memory_space<vmem_shared>>
        tpu.wait_dma2 semaphore(%run_scoped3A : memref<!tpu.dma_semaphore, #tpu.memory_space<semaphore_mem>>) src(%dma_wait3A_150 : memref<632x64xf32, #tpu.memory_space<vmem_shared>>) dst(%dma_wait3A_148 : memref<632x64xf32, #tpu.memory_space<hbm>>)
        tpu.yield
      }) : () -> ()
    } else {
    }
    %eq3A_132 = arith.constant 15 : i32
    %eq3A_133 = arith.cmpi eq, %arg1, %eq3A_132 : i32
    %convert_element_type3A_134 = arith.extui %eq3A_133 : i1 to i32
    %cond3A_135 = arith.constant 0 : i32
    %cond3A_136 = arith.cmpi ne, %convert_element_type3A_134, %cond3A_135 : i32
    scf.if %cond3A_136 {
      "tpu.region"() ({
        %run_scoped3A = tpu.sem_alloc : memref<!tpu.dma_semaphore, #tpu.memory_space<semaphore_mem>>
        %dma_start3A_137 = arith.constant 9480 : i32
        %dma_start3A_138 = arith.constant 0 : i32
        %dma_start3A_139 = tpu.memref_slice %arg6[%arg0, %dma_start3A_137, %dma_start3A_138] : memref<2x10016x64xf32, #tpu.memory_space<hbm>> -> memref<1x520x64xf32, #tpu.memory_space<hbm>>
        %dma_start3A_140 = tpu.memref_squeeze %dma_start3A_139 : memref<1x520x64xf32, #tpu.memory_space<hbm>> -> memref<520x64xf32, #tpu.memory_space<hbm>>
        %dma_start3A_141 = arith.constant 9480 : i32
        %dma_start3A_142 = arith.constant 0 : i32
        %dma_start3A_143 = tpu.memref_slice %arg13[%dma_start3A_141, %dma_start3A_142] : memref<10000x64xf32, #tpu.memory_space<vmem_shared>> -> memref<520x64xf32, #tpu.memory_space<vmem_shared>>
        tpu.enqueue_dma source(%dma_start3A_143 : memref<520x64xf32, #tpu.memory_space<vmem_shared>>) target(%dma_start3A_140 : memref<520x64xf32, #tpu.memory_space<hbm>>) target_semaphore(%run_scoped3A : memref<!tpu.dma_semaphore, #tpu.memory_space<semaphore_mem>>)
        %dma_wait3A_144 = arith.constant 9480 : i32
        %dma_wait3A_145 = arith.constant 0 : i32
        %dma_wait3A_146 = tpu.memref_slice %arg6[%arg0, %dma_wait3A_144, %dma_wait3A_145] : memref<2x10016x64xf32, #tpu.memory_space<hbm>> -> memref<1x520x64xf32, #tpu.memory_space<hbm>>
        %dma_wait3A_147 = tpu.memref_squeeze %dma_wait3A_146 : memref<1x520x64xf32, #tpu.memory_space<hbm>> -> memref<520x64xf32, #tpu.memory_space<hbm>>
        %dma_wait3A_148 = arith.constant 9480 : i32
        %dma_wait3A_149 = arith.constant 0 : i32
        %dma_wait3A_150 = tpu.memref_slice %arg13[%dma_wait3A_148, %dma_wait3A_149] : memref<10000x64xf32, #tpu.memory_space<vmem_shared>> -> memref<520x64xf32, #tpu.memory_space<vmem_shared>>
        tpu.wait_dma2 semaphore(%run_scoped3A : memref<!tpu.dma_semaphore, #tpu.memory_space<semaphore_mem>>) src(%dma_wait3A_150 : memref<520x64xf32, #tpu.memory_space<vmem_shared>>) dst(%dma_wait3A_147 : memref<520x64xf32, #tpu.memory_space<hbm>>)
        tpu.yield
      }) : () -> ()
    } else {
    }
    return
  }
}

#map = affine_map<(d0, d1) -> (0, 0)>
#map1 = affine_map<(d0, d1) -> (0, 0, 0)>
module attributes {stable_mosaic.version = 14 : i64} {
  func.func @_sc_agg_body(%arg0: i32, %arg1: i32, %arg2: memref<10016x64xf32, #tpu.memory_space<hbm>>, %arg3: memref<2560x128xi32, #tpu.memory_space<hbm>>, %arg4: memref<2560x128xi32, #tpu.memory_space<hbm>>, %arg5: memref<632x64xf32, #tpu.memory_space<hbm>>, %arg6: memref<2x10016x64xf32, #tpu.memory_space<hbm>>, %arg7: memref<80x128xi32, #tpu.memory_space<vmem>>, %arg8: memref<80x128xi32, #tpu.memory_space<vmem>>, %arg9: memref<128x64xf32, #tpu.memory_space<vmem>>, %arg10: memref<128x64xf32, #tpu.memory_space<vmem>>, %arg11: memref<128x64xf32, #tpu.memory_space<vmem>>, %arg12: memref<128x64xf32, #tpu.memory_space<vmem>>, %arg13: memref<10000x64xf32, #tpu.memory_space<vmem_shared>>, %arg14: memref<!tpu.dma_semaphore, #tpu.memory_space<semaphore_mem>>, %arg15: memref<!tpu.dma_semaphore, #tpu.memory_space<semaphore_mem>>, %arg16: memref<!tpu.dma_semaphore, #tpu.memory_space<semaphore_mem>>, %arg17: memref<!tpu.dma_semaphore, #tpu.memory_space<semaphore_mem>>, %arg18: memref<!tpu.dma_semaphore, #tpu.memory_space<semaphore_mem>>, %arg19: memref<!tpu.dma_semaphore, #tpu.memory_space<semaphore_mem>>, %arg20: memref<!tpu.dma_semaphore, #tpu.memory_space<semaphore_mem>>, %arg21: memref<!tpu.dma_semaphore, #tpu.memory_space<semaphore_mem>>) attributes {dimension_semantics = [#tpu.dimension_semantics<core_parallel>, #tpu.dimension_semantics<subcore_parallel>], iteration_bounds = array<i64: 2, 16>, scalar_prefetch = 0 : i64, scratch_operands = 15 : i64, tpu.core_type = #tpu.core_type<sc_vector_subcore>, window_params = [{transform_indices = #map}, {transform_indices = #map}, {transform_indices = #map}, {transform_indices = #map}, {transform_indices = #map1}]} {
    %mul3A = arith.constant 16 : i32
    %mul3A_0 = arith.muli %arg0, %mul3A : i32
    %add3A = arith.addi %mul3A_0, %arg1 : i32
    %mul3A_1 = arith.constant 80 : i32
    %mul3A_2 = arith.muli %add3A, %mul3A_1 : i32
    "tpu.region"() ({
      %run_scoped3A = tpu.sem_alloc : memref<!tpu.dma_semaphore, #tpu.memory_space<semaphore_mem>>
      %dma_start3A_137 = arith.constant 0 : i32
      %dma_start3A_138 = tpu.memref_slice %arg3[%mul3A_2, %dma_start3A_137] : memref<2560x128xi32, #tpu.memory_space<hbm>> -> memref<80x128xi32, #tpu.memory_space<hbm>>
      %dma_start3A_139 = arith.constant 0 : i32
      %dma_start3A_140 = tpu.memref_slice %arg3[%mul3A_2, %dma_start3A_139] : memref<2560x128xi32, #tpu.memory_space<hbm>> -> memref<80x128xi32, #tpu.memory_space<hbm>>
      tpu.enqueue_dma source(%dma_start3A_140 : memref<80x128xi32, #tpu.memory_space<hbm>>) target(%arg7 : memref<80x128xi32, #tpu.memory_space<vmem>>) target_semaphore(%run_scoped3A : memref<!tpu.dma_semaphore, #tpu.memory_space<semaphore_mem>>)
      %dma_wait3A_141 = arith.constant 0 : i32
      %dma_wait3A_142 = tpu.memref_slice %arg3[%mul3A_2, %dma_wait3A_141] : memref<2560x128xi32, #tpu.memory_space<hbm>> -> memref<80x128xi32, #tpu.memory_space<hbm>>
      %dma_wait3A_143 = arith.constant 0 : i32
      %dma_wait3A_144 = tpu.memref_slice %arg3[%mul3A_2, %dma_wait3A_143] : memref<2560x128xi32, #tpu.memory_space<hbm>> -> memref<80x128xi32, #tpu.memory_space<hbm>>
      tpu.wait_dma2 semaphore(%run_scoped3A : memref<!tpu.dma_semaphore, #tpu.memory_space<semaphore_mem>>) src(%dma_wait3A_144 : memref<80x128xi32, #tpu.memory_space<hbm>>) dst(%arg7 : memref<80x128xi32, #tpu.memory_space<vmem>>)
      tpu.yield
    }) : () -> ()
    %mul3A_3 = arith.constant 80 : i32
    %mul3A_4 = arith.muli %add3A, %mul3A_3 : i32
    "tpu.region"() ({
      %run_scoped3A = tpu.sem_alloc : memref<!tpu.dma_semaphore, #tpu.memory_space<semaphore_mem>>
      %dma_start3A_137 = arith.constant 0 : i32
      %dma_start3A_138 = tpu.memref_slice %arg4[%mul3A_4, %dma_start3A_137] : memref<2560x128xi32, #tpu.memory_space<hbm>> -> memref<80x128xi32, #tpu.memory_space<hbm>>
      %dma_start3A_139 = arith.constant 0 : i32
      %dma_start3A_140 = tpu.memref_slice %arg4[%mul3A_4, %dma_start3A_139] : memref<2560x128xi32, #tpu.memory_space<hbm>> -> memref<80x128xi32, #tpu.memory_space<hbm>>
      tpu.enqueue_dma source(%dma_start3A_140 : memref<80x128xi32, #tpu.memory_space<hbm>>) target(%arg8 : memref<80x128xi32, #tpu.memory_space<vmem>>) target_semaphore(%run_scoped3A : memref<!tpu.dma_semaphore, #tpu.memory_space<semaphore_mem>>)
      %dma_wait3A_141 = arith.constant 0 : i32
      %dma_wait3A_142 = tpu.memref_slice %arg4[%mul3A_4, %dma_wait3A_141] : memref<2560x128xi32, #tpu.memory_space<hbm>> -> memref<80x128xi32, #tpu.memory_space<hbm>>
      %dma_wait3A_143 = arith.constant 0 : i32
      %dma_wait3A_144 = tpu.memref_slice %arg4[%mul3A_4, %dma_wait3A_143] : memref<2560x128xi32, #tpu.memory_space<hbm>> -> memref<80x128xi32, #tpu.memory_space<hbm>>
      tpu.wait_dma2 semaphore(%run_scoped3A : memref<!tpu.dma_semaphore, #tpu.memory_space<semaphore_mem>>) src(%dma_wait3A_144 : memref<80x128xi32, #tpu.memory_space<hbm>>) dst(%arg8 : memref<80x128xi32, #tpu.memory_space<vmem>>)
      tpu.yield
    }) : () -> ()
    %lt3A = arith.constant 15 : i32
    %lt3A_5 = arith.cmpi slt, %arg1, %lt3A : i32
    %convert_element_type3A = arith.extui %lt3A_5 : i1 to i32
    %cond3A = arith.constant 0 : i32
    %cond3A_6 = arith.cmpi ne, %convert_element_type3A, %cond3A : i32
    scf.if %cond3A_6 {
      %mul3A_137 = arith.constant 632 : i32
      %mul3A_138 = arith.muli %arg1, %mul3A_137 : i32
      "tpu.region"() ({
        %run_scoped3A = tpu.sem_alloc : memref<!tpu.dma_semaphore, #tpu.memory_space<semaphore_mem>>
        %dma_start3A_139 = arith.constant 0 : i32
        %dma_start3A_140 = tpu.memref_slice %arg13[%mul3A_138, %dma_start3A_139] : memref<10000x64xf32, #tpu.memory_space<vmem_shared>> -> memref<632x64xf32, #tpu.memory_space<vmem_shared>>
        tpu.enqueue_dma source(%arg5 : memref<632x64xf32, #tpu.memory_space<hbm>>) target(%dma_start3A_140 : memref<632x64xf32, #tpu.memory_space<vmem_shared>>) target_semaphore(%run_scoped3A : memref<!tpu.dma_semaphore, #tpu.memory_space<semaphore_mem>>)
        %dma_wait3A_141 = arith.constant 0 : i32
        %dma_wait3A_142 = tpu.memref_slice %arg13[%mul3A_138, %dma_wait3A_141] : memref<10000x64xf32, #tpu.memory_space<vmem_shared>> -> memref<632x64xf32, #tpu.memory_space<vmem_shared>>
        tpu.wait_dma2 semaphore(%run_scoped3A : memref<!tpu.dma_semaphore, #tpu.memory_space<semaphore_mem>>) src(%arg5 : memref<632x64xf32, #tpu.memory_space<hbm>>) dst(%dma_wait3A_142 : memref<632x64xf32, #tpu.memory_space<vmem_shared>>)
        tpu.yield
      }) : () -> ()
    } else {
    }
    %eq3A = arith.constant 15 : i32
    %eq3A_7 = arith.cmpi eq, %arg1, %eq3A : i32
    %convert_element_type3A_8 = arith.extui %eq3A_7 : i1 to i32
    %cond3A_9 = arith.constant 0 : i32
    %cond3A_10 = arith.cmpi ne, %convert_element_type3A_8, %cond3A_9 : i32
    scf.if %cond3A_10 {
      "tpu.region"() ({
        %run_scoped3A = tpu.sem_alloc : memref<!tpu.dma_semaphore, #tpu.memory_space<semaphore_mem>>
        %dma_start3A_137 = arith.constant 9480 : i32
        %dma_start3A_138 = arith.constant 0 : i32
        %dma_start3A_139 = tpu.memref_slice %arg13[%dma_start3A_137, %dma_start3A_138] : memref<10000x64xf32, #tpu.memory_space<vmem_shared>> -> memref<520x64xf32, #tpu.memory_space<vmem_shared>>
        %dma_start3A_140 = arith.constant 0 : i32
        %dma_start3A_141 = arith.constant 0 : i32
        %dma_start3A_142 = tpu.memref_slice %arg5[%dma_start3A_140, %dma_start3A_141] : memref<632x64xf32, #tpu.memory_space<hbm>> -> memref<520x64xf32, #tpu.memory_space<hbm>>
        tpu.enqueue_dma source(%dma_start3A_142 : memref<520x64xf32, #tpu.memory_space<hbm>>) target(%dma_start3A_139 : memref<520x64xf32, #tpu.memory_space<vmem_shared>>) target_semaphore(%run_scoped3A : memref<!tpu.dma_semaphore, #tpu.memory_space<semaphore_mem>>)
        %dma_wait3A_143 = arith.constant 9480 : i32
        %dma_wait3A_144 = arith.constant 0 : i32
        %dma_wait3A_145 = tpu.memref_slice %arg13[%dma_wait3A_143, %dma_wait3A_144] : memref<10000x64xf32, #tpu.memory_space<vmem_shared>> -> memref<520x64xf32, #tpu.memory_space<vmem_shared>>
        %dma_wait3A_146 = arith.constant 0 : i32
        %dma_wait3A_147 = arith.constant 0 : i32
        %dma_wait3A_148 = tpu.memref_slice %arg5[%dma_wait3A_146, %dma_wait3A_147] : memref<632x64xf32, #tpu.memory_space<hbm>> -> memref<520x64xf32, #tpu.memory_space<hbm>>
        tpu.wait_dma2 semaphore(%run_scoped3A : memref<!tpu.dma_semaphore, #tpu.memory_space<semaphore_mem>>) src(%dma_wait3A_148 : memref<520x64xf32, #tpu.memory_space<hbm>>) dst(%dma_wait3A_145 : memref<520x64xf32, #tpu.memory_space<vmem_shared>>)
        tpu.yield
      }) : () -> ()
    } else {
    }
    %barrier3A = arith.constant 0 : index
    tpu.barrier barrier_id(%barrier3A)
    %dma_start3A = arith.constant 0 : i32
    %dma_start3A_11 = arith.constant 0 : i32
    %dma_start3A_12 = tpu.memref_slice %arg7[%dma_start3A, %dma_start3A_11] : memref<80x128xi32, #tpu.memory_space<vmem>> -> memref<1x128xi32, #tpu.memory_space<vmem>>
    %dma_start3A_13 = tpu.memref_squeeze %dma_start3A_12 : memref<1x128xi32, #tpu.memory_space<vmem>> -> memref<128xi32, #tpu.memory_space<vmem>>
    %dma_start3A_14 = arith.constant 0 : i32
    %dma_start3A_15 = arith.constant 0 : i32
    %dma_start3A_16 = tpu.memref_slice %arg2[%dma_start3A_14, %dma_start3A_15] : memref<10016x64xf32, #tpu.memory_space<hbm>> -> memref<10016x64xf32, #tpu.memory_space<hbm>>
    tpu.enqueue_indirect_dma source(%dma_start3A_16 : memref<10016x64xf32, #tpu.memory_space<hbm>>) target(%arg9 : memref<128x64xf32, #tpu.memory_space<vmem>>) offsets(%dma_start3A_13 : memref<128xi32, #tpu.memory_space<vmem>>) semaphore(%arg14 : memref<!tpu.dma_semaphore, #tpu.memory_space<semaphore_mem>>)
    %dma_start3A_17 = arith.constant 1 : i32
    %dma_start3A_18 = arith.constant 0 : i32
    %dma_start3A_19 = tpu.memref_slice %arg7[%dma_start3A_17, %dma_start3A_18] : memref<80x128xi32, #tpu.memory_space<vmem>> -> memref<1x128xi32, #tpu.memory_space<vmem>>
    %dma_start3A_20 = tpu.memref_squeeze %dma_start3A_19 : memref<1x128xi32, #tpu.memory_space<vmem>> -> memref<128xi32, #tpu.memory_space<vmem>>
    %dma_start3A_21 = arith.constant 0 : i32
    %dma_start3A_22 = arith.constant 0 : i32
    %dma_start3A_23 = tpu.memref_slice %arg2[%dma_start3A_21, %dma_start3A_22] : memref<10016x64xf32, #tpu.memory_space<hbm>> -> memref<10016x64xf32, #tpu.memory_space<hbm>>
    tpu.enqueue_indirect_dma source(%dma_start3A_23 : memref<10016x64xf32, #tpu.memory_space<hbm>>) target(%arg10 : memref<128x64xf32, #tpu.memory_space<vmem>>) offsets(%dma_start3A_20 : memref<128xi32, #tpu.memory_space<vmem>>) semaphore(%arg15 : memref<!tpu.dma_semaphore, #tpu.memory_space<semaphore_mem>>)
    %dma_start3A_24 = arith.constant 2 : i32
    %dma_start3A_25 = arith.constant 0 : i32
    %dma_start3A_26 = tpu.memref_slice %arg7[%dma_start3A_24, %dma_start3A_25] : memref<80x128xi32, #tpu.memory_space<vmem>> -> memref<1x128xi32, #tpu.memory_space<vmem>>
    %dma_start3A_27 = tpu.memref_squeeze %dma_start3A_26 : memref<1x128xi32, #tpu.memory_space<vmem>> -> memref<128xi32, #tpu.memory_space<vmem>>
    %dma_start3A_28 = arith.constant 0 : i32
    %dma_start3A_29 = arith.constant 0 : i32
    %dma_start3A_30 = tpu.memref_slice %arg2[%dma_start3A_28, %dma_start3A_29] : memref<10016x64xf32, #tpu.memory_space<hbm>> -> memref<10016x64xf32, #tpu.memory_space<hbm>>
    tpu.enqueue_indirect_dma source(%dma_start3A_30 : memref<10016x64xf32, #tpu.memory_space<hbm>>) target(%arg11 : memref<128x64xf32, #tpu.memory_space<vmem>>) offsets(%dma_start3A_27 : memref<128xi32, #tpu.memory_space<vmem>>) semaphore(%arg16 : memref<!tpu.dma_semaphore, #tpu.memory_space<semaphore_mem>>)
    %dma_start3A_31 = arith.constant 3 : i32
    %dma_start3A_32 = arith.constant 0 : i32
    %dma_start3A_33 = tpu.memref_slice %arg7[%dma_start3A_31, %dma_start3A_32] : memref<80x128xi32, #tpu.memory_space<vmem>> -> memref<1x128xi32, #tpu.memory_space<vmem>>
    %dma_start3A_34 = tpu.memref_squeeze %dma_start3A_33 : memref<1x128xi32, #tpu.memory_space<vmem>> -> memref<128xi32, #tpu.memory_space<vmem>>
    %dma_start3A_35 = arith.constant 0 : i32
    %dma_start3A_36 = arith.constant 0 : i32
    %dma_start3A_37 = tpu.memref_slice %arg2[%dma_start3A_35, %dma_start3A_36] : memref<10016x64xf32, #tpu.memory_space<hbm>> -> memref<10016x64xf32, #tpu.memory_space<hbm>>
    tpu.enqueue_indirect_dma source(%dma_start3A_37 : memref<10016x64xf32, #tpu.memory_space<hbm>>) target(%arg12 : memref<128x64xf32, #tpu.memory_space<vmem>>) offsets(%dma_start3A_34 : memref<128xi32, #tpu.memory_space<vmem>>) semaphore(%arg17 : memref<!tpu.dma_semaphore, #tpu.memory_space<semaphore_mem>>)
    %scan3A = arith.constant 0 : i32
    %scan3A_38 = arith.constant 0 : i32
    %scan3A_39 = arith.constant 19 : i32
    %scan3A_40 = arith.addi %scan3A_38, %scan3A_39 : i32
    %scan3A_41 = arith.constant 1 : i32
    scf.for %scan3A_137 = %scan3A_38 to %scan3A_40 step %scan3A_41  : i32 {
      %mul3A_138 = arith.constant 4 : i32
      %mul3A_139 = arith.muli %mul3A_138, %scan3A_137 : i32
      %add3A_140 = arith.constant 0 : i32
      %add3A_141 = arith.addi %mul3A_139, %add3A_140 : i32
      %dma_wait3A_142 = arith.constant 0 : i32
      %dma_wait3A_143 = tpu.memref_slice %arg7[%add3A_141, %dma_wait3A_142] : memref<80x128xi32, #tpu.memory_space<vmem>> -> memref<1x128xi32, #tpu.memory_space<vmem>>
      %dma_wait3A_144 = tpu.memref_squeeze %dma_wait3A_143 : memref<1x128xi32, #tpu.memory_space<vmem>> -> memref<128xi32, #tpu.memory_space<vmem>>
      %dma_wait3A_145 = arith.constant 0 : i32
      %dma_wait3A_146 = arith.constant 0 : i32
      %dma_wait3A_147 = tpu.memref_slice %arg2[%dma_wait3A_145, %dma_wait3A_146] : memref<10016x64xf32, #tpu.memory_space<hbm>> -> memref<10016x64xf32, #tpu.memory_space<hbm>>
      tpu.wait_indirect_dma semaphore(%arg14 : memref<!tpu.dma_semaphore, #tpu.memory_space<semaphore_mem>>) src(%dma_wait3A_147 : memref<10016x64xf32, #tpu.memory_space<hbm>>) dst(%arg9 : memref<128x64xf32, #tpu.memory_space<vmem>>)
      %add3A_148 = arith.constant 0 : i32
      %add3A_149 = arith.addi %mul3A_139, %add3A_148 : i32
      %dma_start3A_150 = arith.constant 0 : i32
      %dma_start3A_151 = tpu.memref_slice %arg8[%add3A_149, %dma_start3A_150] : memref<80x128xi32, #tpu.memory_space<vmem>> -> memref<1x128xi32, #tpu.memory_space<vmem>>
      %dma_start3A_152 = tpu.memref_squeeze %dma_start3A_151 : memref<1x128xi32, #tpu.memory_space<vmem>> -> memref<128xi32, #tpu.memory_space<vmem>>
      %dma_start3A_153 = arith.constant 0 : i32
      %dma_start3A_154 = arith.constant 0 : i32
      %dma_start3A_155 = tpu.memref_slice %arg13[%dma_start3A_153, %dma_start3A_154] : memref<10000x64xf32, #tpu.memory_space<vmem_shared>> -> memref<10000x64xf32, #tpu.memory_space<vmem_shared>>
      tpu.enqueue_indirect_dma source(%arg9 : memref<128x64xf32, #tpu.memory_space<vmem>>) target(%dma_start3A_155 : memref<10000x64xf32, #tpu.memory_space<vmem_shared>>) offsets(%dma_start3A_152 : memref<128xi32, #tpu.memory_space<vmem>>) semaphore(%arg18 : memref<!tpu.dma_semaphore, #tpu.memory_space<semaphore_mem>>) {add = true}
      %add3A_156 = arith.constant 1 : i32
      %add3A_157 = arith.addi %mul3A_139, %add3A_156 : i32
      %dma_wait3A_158 = arith.constant 0 : i32
      %dma_wait3A_159 = tpu.memref_slice %arg7[%add3A_157, %dma_wait3A_158] : memref<80x128xi32, #tpu.memory_space<vmem>> -> memref<1x128xi32, #tpu.memory_space<vmem>>
      %dma_wait3A_160 = tpu.memref_squeeze %dma_wait3A_159 : memref<1x128xi32, #tpu.memory_space<vmem>> -> memref<128xi32, #tpu.memory_space<vmem>>
      %dma_wait3A_161 = arith.constant 0 : i32
      %dma_wait3A_162 = arith.constant 0 : i32
      %dma_wait3A_163 = tpu.memref_slice %arg2[%dma_wait3A_161, %dma_wait3A_162] : memref<10016x64xf32, #tpu.memory_space<hbm>> -> memref<10016x64xf32, #tpu.memory_space<hbm>>
      tpu.wait_indirect_dma semaphore(%arg15 : memref<!tpu.dma_semaphore, #tpu.memory_space<semaphore_mem>>) src(%dma_wait3A_163 : memref<10016x64xf32, #tpu.memory_space<hbm>>) dst(%arg10 : memref<128x64xf32, #tpu.memory_space<vmem>>)
      %add3A_164 = arith.constant 1 : i32
      %add3A_165 = arith.addi %mul3A_139, %add3A_164 : i32
      %dma_start3A_166 = arith.constant 0 : i32
      %dma_start3A_167 = tpu.memref_slice %arg8[%add3A_165, %dma_start3A_166] : memref<80x128xi32, #tpu.memory_space<vmem>> -> memref<1x128xi32, #tpu.memory_space<vmem>>
      %dma_start3A_168 = tpu.memref_squeeze %dma_start3A_167 : memref<1x128xi32, #tpu.memory_space<vmem>> -> memref<128xi32, #tpu.memory_space<vmem>>
      %dma_start3A_169 = arith.constant 0 : i32
      %dma_start3A_170 = arith.constant 0 : i32
      %dma_start3A_171 = tpu.memref_slice %arg13[%dma_start3A_169, %dma_start3A_170] : memref<10000x64xf32, #tpu.memory_space<vmem_shared>> -> memref<10000x64xf32, #tpu.memory_space<vmem_shared>>
      tpu.enqueue_indirect_dma source(%arg10 : memref<128x64xf32, #tpu.memory_space<vmem>>) target(%dma_start3A_171 : memref<10000x64xf32, #tpu.memory_space<vmem_shared>>) offsets(%dma_start3A_168 : memref<128xi32, #tpu.memory_space<vmem>>) semaphore(%arg19 : memref<!tpu.dma_semaphore, #tpu.memory_space<semaphore_mem>>) {add = true}
      %add3A_172 = arith.constant 2 : i32
      %add3A_173 = arith.addi %mul3A_139, %add3A_172 : i32
      %dma_wait3A_174 = arith.constant 0 : i32
      %dma_wait3A_175 = tpu.memref_slice %arg7[%add3A_173, %dma_wait3A_174] : memref<80x128xi32, #tpu.memory_space<vmem>> -> memref<1x128xi32, #tpu.memory_space<vmem>>
      %dma_wait3A_176 = tpu.memref_squeeze %dma_wait3A_175 : memref<1x128xi32, #tpu.memory_space<vmem>> -> memref<128xi32, #tpu.memory_space<vmem>>
      %dma_wait3A_177 = arith.constant 0 : i32
      %dma_wait3A_178 = arith.constant 0 : i32
      %dma_wait3A_179 = tpu.memref_slice %arg2[%dma_wait3A_177, %dma_wait3A_178] : memref<10016x64xf32, #tpu.memory_space<hbm>> -> memref<10016x64xf32, #tpu.memory_space<hbm>>
      tpu.wait_indirect_dma semaphore(%arg16 : memref<!tpu.dma_semaphore, #tpu.memory_space<semaphore_mem>>) src(%dma_wait3A_179 : memref<10016x64xf32, #tpu.memory_space<hbm>>) dst(%arg11 : memref<128x64xf32, #tpu.memory_space<vmem>>)
      %add3A_180 = arith.constant 2 : i32
      %add3A_181 = arith.addi %mul3A_139, %add3A_180 : i32
      %dma_start3A_182 = arith.constant 0 : i32
      %dma_start3A_183 = tpu.memref_slice %arg8[%add3A_181, %dma_start3A_182] : memref<80x128xi32, #tpu.memory_space<vmem>> -> memref<1x128xi32, #tpu.memory_space<vmem>>
      %dma_start3A_184 = tpu.memref_squeeze %dma_start3A_183 : memref<1x128xi32, #tpu.memory_space<vmem>> -> memref<128xi32, #tpu.memory_space<vmem>>
      %dma_start3A_185 = arith.constant 0 : i32
      %dma_start3A_186 = arith.constant 0 : i32
      %dma_start3A_187 = tpu.memref_slice %arg13[%dma_start3A_185, %dma_start3A_186] : memref<10000x64xf32, #tpu.memory_space<vmem_shared>> -> memref<10000x64xf32, #tpu.memory_space<vmem_shared>>
      tpu.enqueue_indirect_dma source(%arg11 : memref<128x64xf32, #tpu.memory_space<vmem>>) target(%dma_start3A_187 : memref<10000x64xf32, #tpu.memory_space<vmem_shared>>) offsets(%dma_start3A_184 : memref<128xi32, #tpu.memory_space<vmem>>) semaphore(%arg20 : memref<!tpu.dma_semaphore, #tpu.memory_space<semaphore_mem>>) {add = true}
      %add3A_188 = arith.constant 3 : i32
      %add3A_189 = arith.addi %mul3A_139, %add3A_188 : i32
      %dma_wait3A_190 = arith.constant 0 : i32
      %dma_wait3A_191 = tpu.memref_slice %arg7[%add3A_189, %dma_wait3A_190] : memref<80x128xi32, #tpu.memory_space<vmem>> -> memref<1x128xi32, #tpu.memory_space<vmem>>
      %dma_wait3A_192 = tpu.memref_squeeze %dma_wait3A_191 : memref<1x128xi32, #tpu.memory_space<vmem>> -> memref<128xi32, #tpu.memory_space<vmem>>
      %dma_wait3A_193 = arith.constant 0 : i32
      %dma_wait3A_194 = arith.constant 0 : i32
      %dma_wait3A_195 = tpu.memref_slice %arg2[%dma_wait3A_193, %dma_wait3A_194] : memref<10016x64xf32, #tpu.memory_space<hbm>> -> memref<10016x64xf32, #tpu.memory_space<hbm>>
      tpu.wait_indirect_dma semaphore(%arg17 : memref<!tpu.dma_semaphore, #tpu.memory_space<semaphore_mem>>) src(%dma_wait3A_195 : memref<10016x64xf32, #tpu.memory_space<hbm>>) dst(%arg12 : memref<128x64xf32, #tpu.memory_space<vmem>>)
      %add3A_196 = arith.constant 3 : i32
      %add3A_197 = arith.addi %mul3A_139, %add3A_196 : i32
      %dma_start3A_198 = arith.constant 0 : i32
      %dma_start3A_199 = tpu.memref_slice %arg8[%add3A_197, %dma_start3A_198] : memref<80x128xi32, #tpu.memory_space<vmem>> -> memref<1x128xi32, #tpu.memory_space<vmem>>
      %dma_start3A_200 = tpu.memref_squeeze %dma_start3A_199 : memref<1x128xi32, #tpu.memory_space<vmem>> -> memref<128xi32, #tpu.memory_space<vmem>>
      %dma_start3A_201 = arith.constant 0 : i32
      %dma_start3A_202 = arith.constant 0 : i32
      %dma_start3A_203 = tpu.memref_slice %arg13[%dma_start3A_201, %dma_start3A_202] : memref<10000x64xf32, #tpu.memory_space<vmem_shared>> -> memref<10000x64xf32, #tpu.memory_space<vmem_shared>>
      tpu.enqueue_indirect_dma source(%arg12 : memref<128x64xf32, #tpu.memory_space<vmem>>) target(%dma_start3A_203 : memref<10000x64xf32, #tpu.memory_space<vmem_shared>>) offsets(%dma_start3A_200 : memref<128xi32, #tpu.memory_space<vmem>>) semaphore(%arg21 : memref<!tpu.dma_semaphore, #tpu.memory_space<semaphore_mem>>) {add = true}
      %add3A_204 = arith.constant 0 : i32
      %add3A_205 = arith.addi %mul3A_139, %add3A_204 : i32
      %dma_wait3A_206 = arith.constant 0 : i32
      %dma_wait3A_207 = tpu.memref_slice %arg8[%add3A_205, %dma_wait3A_206] : memref<80x128xi32, #tpu.memory_space<vmem>> -> memref<1x128xi32, #tpu.memory_space<vmem>>
      %dma_wait3A_208 = tpu.memref_squeeze %dma_wait3A_207 : memref<1x128xi32, #tpu.memory_space<vmem>> -> memref<128xi32, #tpu.memory_space<vmem>>
      %dma_wait3A_209 = arith.constant 0 : i32
      %dma_wait3A_210 = arith.constant 0 : i32
      %dma_wait3A_211 = tpu.memref_slice %arg13[%dma_wait3A_209, %dma_wait3A_210] : memref<10000x64xf32, #tpu.memory_space<vmem_shared>> -> memref<10000x64xf32, #tpu.memory_space<vmem_shared>>
      tpu.wait_indirect_dma semaphore(%arg18 : memref<!tpu.dma_semaphore, #tpu.memory_space<semaphore_mem>>) src(%arg9 : memref<128x64xf32, #tpu.memory_space<vmem>>) dst(%dma_wait3A_211 : memref<10000x64xf32, #tpu.memory_space<vmem_shared>>)
      %add3A_212 = arith.constant 4 : i32
      %add3A_213 = arith.addi %mul3A_139, %add3A_212 : i32
      %add3A_214 = arith.constant 0 : i32
      %add3A_215 = arith.addi %add3A_213, %add3A_214 : i32
      %dma_start3A_216 = arith.constant 0 : i32
      %dma_start3A_217 = tpu.memref_slice %arg7[%add3A_215, %dma_start3A_216] : memref<80x128xi32, #tpu.memory_space<vmem>> -> memref<1x128xi32, #tpu.memory_space<vmem>>
      %dma_start3A_218 = tpu.memref_squeeze %dma_start3A_217 : memref<1x128xi32, #tpu.memory_space<vmem>> -> memref<128xi32, #tpu.memory_space<vmem>>
      %dma_start3A_219 = arith.constant 0 : i32
      %dma_start3A_220 = arith.constant 0 : i32
      %dma_start3A_221 = tpu.memref_slice %arg2[%dma_start3A_219, %dma_start3A_220] : memref<10016x64xf32, #tpu.memory_space<hbm>> -> memref<10016x64xf32, #tpu.memory_space<hbm>>
      tpu.enqueue_indirect_dma source(%dma_start3A_221 : memref<10016x64xf32, #tpu.memory_space<hbm>>) target(%arg9 : memref<128x64xf32, #tpu.memory_space<vmem>>) offsets(%dma_start3A_218 : memref<128xi32, #tpu.memory_space<vmem>>) semaphore(%arg14 : memref<!tpu.dma_semaphore, #tpu.memory_space<semaphore_mem>>)
      %add3A_222 = arith.constant 1 : i32
      %add3A_223 = arith.addi %mul3A_139, %add3A_222 : i32
      %dma_wait3A_224 = arith.constant 0 : i32
      %dma_wait3A_225 = tpu.memref_slice %arg8[%add3A_223, %dma_wait3A_224] : memref<80x128xi32, #tpu.memory_space<vmem>> -> memref<1x128xi32, #tpu.memory_space<vmem>>
      %dma_wait3A_226 = tpu.memref_squeeze %dma_wait3A_225 : memref<1x128xi32, #tpu.memory_space<vmem>> -> memref<128xi32, #tpu.memory_space<vmem>>
      %dma_wait3A_227 = arith.constant 0 : i32
      %dma_wait3A_228 = arith.constant 0 : i32
      %dma_wait3A_229 = tpu.memref_slice %arg13[%dma_wait3A_227, %dma_wait3A_228] : memref<10000x64xf32, #tpu.memory_space<vmem_shared>> -> memref<10000x64xf32, #tpu.memory_space<vmem_shared>>
      tpu.wait_indirect_dma semaphore(%arg19 : memref<!tpu.dma_semaphore, #tpu.memory_space<semaphore_mem>>) src(%arg10 : memref<128x64xf32, #tpu.memory_space<vmem>>) dst(%dma_wait3A_229 : memref<10000x64xf32, #tpu.memory_space<vmem_shared>>)
      %add3A_230 = arith.constant 4 : i32
      %add3A_231 = arith.addi %mul3A_139, %add3A_230 : i32
      %add3A_232 = arith.constant 1 : i32
      %add3A_233 = arith.addi %add3A_231, %add3A_232 : i32
      %dma_start3A_234 = arith.constant 0 : i32
      %dma_start3A_235 = tpu.memref_slice %arg7[%add3A_233, %dma_start3A_234] : memref<80x128xi32, #tpu.memory_space<vmem>> -> memref<1x128xi32, #tpu.memory_space<vmem>>
      %dma_start3A_236 = tpu.memref_squeeze %dma_start3A_235 : memref<1x128xi32, #tpu.memory_space<vmem>> -> memref<128xi32, #tpu.memory_space<vmem>>
      %dma_start3A_237 = arith.constant 0 : i32
      %dma_start3A_238 = arith.constant 0 : i32
      %dma_start3A_239 = tpu.memref_slice %arg2[%dma_start3A_237, %dma_start3A_238] : memref<10016x64xf32, #tpu.memory_space<hbm>> -> memref<10016x64xf32, #tpu.memory_space<hbm>>
      tpu.enqueue_indirect_dma source(%dma_start3A_239 : memref<10016x64xf32, #tpu.memory_space<hbm>>) target(%arg10 : memref<128x64xf32, #tpu.memory_space<vmem>>) offsets(%dma_start3A_236 : memref<128xi32, #tpu.memory_space<vmem>>) semaphore(%arg15 : memref<!tpu.dma_semaphore, #tpu.memory_space<semaphore_mem>>)
      %add3A_240 = arith.constant 2 : i32
      %add3A_241 = arith.addi %mul3A_139, %add3A_240 : i32
      %dma_wait3A_242 = arith.constant 0 : i32
      %dma_wait3A_243 = tpu.memref_slice %arg8[%add3A_241, %dma_wait3A_242] : memref<80x128xi32, #tpu.memory_space<vmem>> -> memref<1x128xi32, #tpu.memory_space<vmem>>
      %dma_wait3A_244 = tpu.memref_squeeze %dma_wait3A_243 : memref<1x128xi32, #tpu.memory_space<vmem>> -> memref<128xi32, #tpu.memory_space<vmem>>
      %dma_wait3A_245 = arith.constant 0 : i32
      %dma_wait3A_246 = arith.constant 0 : i32
      %dma_wait3A_247 = tpu.memref_slice %arg13[%dma_wait3A_245, %dma_wait3A_246] : memref<10000x64xf32, #tpu.memory_space<vmem_shared>> -> memref<10000x64xf32, #tpu.memory_space<vmem_shared>>
      tpu.wait_indirect_dma semaphore(%arg20 : memref<!tpu.dma_semaphore, #tpu.memory_space<semaphore_mem>>) src(%arg11 : memref<128x64xf32, #tpu.memory_space<vmem>>) dst(%dma_wait3A_247 : memref<10000x64xf32, #tpu.memory_space<vmem_shared>>)
      %add3A_248 = arith.constant 4 : i32
      %add3A_249 = arith.addi %mul3A_139, %add3A_248 : i32
      %add3A_250 = arith.constant 2 : i32
      %add3A_251 = arith.addi %add3A_249, %add3A_250 : i32
      %dma_start3A_252 = arith.constant 0 : i32
      %dma_start3A_253 = tpu.memref_slice %arg7[%add3A_251, %dma_start3A_252] : memref<80x128xi32, #tpu.memory_space<vmem>> -> memref<1x128xi32, #tpu.memory_space<vmem>>
      %dma_start3A_254 = tpu.memref_squeeze %dma_start3A_253 : memref<1x128xi32, #tpu.memory_space<vmem>> -> memref<128xi32, #tpu.memory_space<vmem>>
      %dma_start3A_255 = arith.constant 0 : i32
      %dma_start3A_256 = arith.constant 0 : i32
      %dma_start3A_257 = tpu.memref_slice %arg2[%dma_start3A_255, %dma_start3A_256] : memref<10016x64xf32, #tpu.memory_space<hbm>> -> memref<10016x64xf32, #tpu.memory_space<hbm>>
      tpu.enqueue_indirect_dma source(%dma_start3A_257 : memref<10016x64xf32, #tpu.memory_space<hbm>>) target(%arg11 : memref<128x64xf32, #tpu.memory_space<vmem>>) offsets(%dma_start3A_254 : memref<128xi32, #tpu.memory_space<vmem>>) semaphore(%arg16 : memref<!tpu.dma_semaphore, #tpu.memory_space<semaphore_mem>>)
      %add3A_258 = arith.constant 3 : i32
      %add3A_259 = arith.addi %mul3A_139, %add3A_258 : i32
      %dma_wait3A_260 = arith.constant 0 : i32
      %dma_wait3A_261 = tpu.memref_slice %arg8[%add3A_259, %dma_wait3A_260] : memref<80x128xi32, #tpu.memory_space<vmem>> -> memref<1x128xi32, #tpu.memory_space<vmem>>
      %dma_wait3A_262 = tpu.memref_squeeze %dma_wait3A_261 : memref<1x128xi32, #tpu.memory_space<vmem>> -> memref<128xi32, #tpu.memory_space<vmem>>
      %dma_wait3A_263 = arith.constant 0 : i32
      %dma_wait3A_264 = arith.constant 0 : i32
      %dma_wait3A_265 = tpu.memref_slice %arg13[%dma_wait3A_263, %dma_wait3A_264] : memref<10000x64xf32, #tpu.memory_space<vmem_shared>> -> memref<10000x64xf32, #tpu.memory_space<vmem_shared>>
      tpu.wait_indirect_dma semaphore(%arg21 : memref<!tpu.dma_semaphore, #tpu.memory_space<semaphore_mem>>) src(%arg12 : memref<128x64xf32, #tpu.memory_space<vmem>>) dst(%dma_wait3A_265 : memref<10000x64xf32, #tpu.memory_space<vmem_shared>>)
      %add3A_266 = arith.constant 4 : i32
      %add3A_267 = arith.addi %mul3A_139, %add3A_266 : i32
      %add3A_268 = arith.constant 3 : i32
      %add3A_269 = arith.addi %add3A_267, %add3A_268 : i32
      %dma_start3A_270 = arith.constant 0 : i32
      %dma_start3A_271 = tpu.memref_slice %arg7[%add3A_269, %dma_start3A_270] : memref<80x128xi32, #tpu.memory_space<vmem>> -> memref<1x128xi32, #tpu.memory_space<vmem>>
      %dma_start3A_272 = tpu.memref_squeeze %dma_start3A_271 : memref<1x128xi32, #tpu.memory_space<vmem>> -> memref<128xi32, #tpu.memory_space<vmem>>
      %dma_start3A_273 = arith.constant 0 : i32
      %dma_start3A_274 = arith.constant 0 : i32
      %dma_start3A_275 = tpu.memref_slice %arg2[%dma_start3A_273, %dma_start3A_274] : memref<10016x64xf32, #tpu.memory_space<hbm>> -> memref<10016x64xf32, #tpu.memory_space<hbm>>
      tpu.enqueue_indirect_dma source(%dma_start3A_275 : memref<10016x64xf32, #tpu.memory_space<hbm>>) target(%arg12 : memref<128x64xf32, #tpu.memory_space<vmem>>) offsets(%dma_start3A_272 : memref<128xi32, #tpu.memory_space<vmem>>) semaphore(%arg17 : memref<!tpu.dma_semaphore, #tpu.memory_space<semaphore_mem>>)
    }
    %scan3A_42 = arith.constant 19 : i32
    %dma_wait3A = arith.constant 76 : i32
    %dma_wait3A_43 = arith.constant 0 : i32
    %dma_wait3A_44 = tpu.memref_slice %arg7[%dma_wait3A, %dma_wait3A_43] : memref<80x128xi32, #tpu.memory_space<vmem>> -> memref<1x128xi32, #tpu.memory_space<vmem>>
    %dma_wait3A_45 = tpu.memref_squeeze %dma_wait3A_44 : memref<1x128xi32, #tpu.memory_space<vmem>> -> memref<128xi32, #tpu.memory_space<vmem>>
    %dma_wait3A_46 = arith.constant 0 : i32
    %dma_wait3A_47 = arith.constant 0 : i32
    %dma_wait3A_48 = tpu.memref_slice %arg2[%dma_wait3A_46, %dma_wait3A_47] : memref<10016x64xf32, #tpu.memory_space<hbm>> -> memref<10016x64xf32, #tpu.memory_space<hbm>>
    tpu.wait_indirect_dma semaphore(%arg14 : memref<!tpu.dma_semaphore, #tpu.memory_space<semaphore_mem>>) src(%dma_wait3A_48 : memref<10016x64xf32, #tpu.memory_space<hbm>>) dst(%arg9 : memref<128x64xf32, #tpu.memory_space<vmem>>)
    %dma_start3A_49 = arith.constant 76 : i32
    %dma_start3A_50 = arith.constant 0 : i32
    %dma_start3A_51 = tpu.memref_slice %arg8[%dma_start3A_49, %dma_start3A_50] : memref<80x128xi32, #tpu.memory_space<vmem>> -> memref<1x128xi32, #tpu.memory_space<vmem>>
    %dma_start3A_52 = tpu.memref_squeeze %dma_start3A_51 : memref<1x128xi32, #tpu.memory_space<vmem>> -> memref<128xi32, #tpu.memory_space<vmem>>
    %dma_start3A_53 = arith.constant 0 : i32
    %dma_start3A_54 = arith.constant 0 : i32
    %dma_start3A_55 = tpu.memref_slice %arg13[%dma_start3A_53, %dma_start3A_54] : memref<10000x64xf32, #tpu.memory_space<vmem_shared>> -> memref<10000x64xf32, #tpu.memory_space<vmem_shared>>
    tpu.enqueue_indirect_dma source(%arg9 : memref<128x64xf32, #tpu.memory_space<vmem>>) target(%dma_start3A_55 : memref<10000x64xf32, #tpu.memory_space<vmem_shared>>) offsets(%dma_start3A_52 : memref<128xi32, #tpu.memory_space<vmem>>) semaphore(%arg18 : memref<!tpu.dma_semaphore, #tpu.memory_space<semaphore_mem>>) {add = true}
    %dma_wait3A_56 = arith.constant 77 : i32
    %dma_wait3A_57 = arith.constant 0 : i32
    %dma_wait3A_58 = tpu.memref_slice %arg7[%dma_wait3A_56, %dma_wait3A_57] : memref<80x128xi32, #tpu.memory_space<vmem>> -> memref<1x128xi32, #tpu.memory_space<vmem>>
    %dma_wait3A_59 = tpu.memref_squeeze %dma_wait3A_58 : memref<1x128xi32, #tpu.memory_space<vmem>> -> memref<128xi32, #tpu.memory_space<vmem>>
    %dma_wait3A_60 = arith.constant 0 : i32
    %dma_wait3A_61 = arith.constant 0 : i32
    %dma_wait3A_62 = tpu.memref_slice %arg2[%dma_wait3A_60, %dma_wait3A_61] : memref<10016x64xf32, #tpu.memory_space<hbm>> -> memref<10016x64xf32, #tpu.memory_space<hbm>>
    tpu.wait_indirect_dma semaphore(%arg15 : memref<!tpu.dma_semaphore, #tpu.memory_space<semaphore_mem>>) src(%dma_wait3A_62 : memref<10016x64xf32, #tpu.memory_space<hbm>>) dst(%arg10 : memref<128x64xf32, #tpu.memory_space<vmem>>)
    %dma_start3A_63 = arith.constant 77 : i32
    %dma_start3A_64 = arith.constant 0 : i32
    %dma_start3A_65 = tpu.memref_slice %arg8[%dma_start3A_63, %dma_start3A_64] : memref<80x128xi32, #tpu.memory_space<vmem>> -> memref<1x128xi32, #tpu.memory_space<vmem>>
    %dma_start3A_66 = tpu.memref_squeeze %dma_start3A_65 : memref<1x128xi32, #tpu.memory_space<vmem>> -> memref<128xi32, #tpu.memory_space<vmem>>
    %dma_start3A_67 = arith.constant 0 : i32
    %dma_start3A_68 = arith.constant 0 : i32
    %dma_start3A_69 = tpu.memref_slice %arg13[%dma_start3A_67, %dma_start3A_68] : memref<10000x64xf32, #tpu.memory_space<vmem_shared>> -> memref<10000x64xf32, #tpu.memory_space<vmem_shared>>
    tpu.enqueue_indirect_dma source(%arg10 : memref<128x64xf32, #tpu.memory_space<vmem>>) target(%dma_start3A_69 : memref<10000x64xf32, #tpu.memory_space<vmem_shared>>) offsets(%dma_start3A_66 : memref<128xi32, #tpu.memory_space<vmem>>) semaphore(%arg19 : memref<!tpu.dma_semaphore, #tpu.memory_space<semaphore_mem>>) {add = true}
    %dma_wait3A_70 = arith.constant 78 : i32
    %dma_wait3A_71 = arith.constant 0 : i32
    %dma_wait3A_72 = tpu.memref_slice %arg7[%dma_wait3A_70, %dma_wait3A_71] : memref<80x128xi32, #tpu.memory_space<vmem>> -> memref<1x128xi32, #tpu.memory_space<vmem>>
    %dma_wait3A_73 = tpu.memref_squeeze %dma_wait3A_72 : memref<1x128xi32, #tpu.memory_space<vmem>> -> memref<128xi32, #tpu.memory_space<vmem>>
    %dma_wait3A_74 = arith.constant 0 : i32
    %dma_wait3A_75 = arith.constant 0 : i32
    %dma_wait3A_76 = tpu.memref_slice %arg2[%dma_wait3A_74, %dma_wait3A_75] : memref<10016x64xf32, #tpu.memory_space<hbm>> -> memref<10016x64xf32, #tpu.memory_space<hbm>>
    tpu.wait_indirect_dma semaphore(%arg16 : memref<!tpu.dma_semaphore, #tpu.memory_space<semaphore_mem>>) src(%dma_wait3A_76 : memref<10016x64xf32, #tpu.memory_space<hbm>>) dst(%arg11 : memref<128x64xf32, #tpu.memory_space<vmem>>)
    %dma_start3A_77 = arith.constant 78 : i32
    %dma_start3A_78 = arith.constant 0 : i32
    %dma_start3A_79 = tpu.memref_slice %arg8[%dma_start3A_77, %dma_start3A_78] : memref<80x128xi32, #tpu.memory_space<vmem>> -> memref<1x128xi32, #tpu.memory_space<vmem>>
    %dma_start3A_80 = tpu.memref_squeeze %dma_start3A_79 : memref<1x128xi32, #tpu.memory_space<vmem>> -> memref<128xi32, #tpu.memory_space<vmem>>
    %dma_start3A_81 = arith.constant 0 : i32
    %dma_start3A_82 = arith.constant 0 : i32
    %dma_start3A_83 = tpu.memref_slice %arg13[%dma_start3A_81, %dma_start3A_82] : memref<10000x64xf32, #tpu.memory_space<vmem_shared>> -> memref<10000x64xf32, #tpu.memory_space<vmem_shared>>
    tpu.enqueue_indirect_dma source(%arg11 : memref<128x64xf32, #tpu.memory_space<vmem>>) target(%dma_start3A_83 : memref<10000x64xf32, #tpu.memory_space<vmem_shared>>) offsets(%dma_start3A_80 : memref<128xi32, #tpu.memory_space<vmem>>) semaphore(%arg20 : memref<!tpu.dma_semaphore, #tpu.memory_space<semaphore_mem>>) {add = true}
    %dma_wait3A_84 = arith.constant 79 : i32
    %dma_wait3A_85 = arith.constant 0 : i32
    %dma_wait3A_86 = tpu.memref_slice %arg7[%dma_wait3A_84, %dma_wait3A_85] : memref<80x128xi32, #tpu.memory_space<vmem>> -> memref<1x128xi32, #tpu.memory_space<vmem>>
    %dma_wait3A_87 = tpu.memref_squeeze %dma_wait3A_86 : memref<1x128xi32, #tpu.memory_space<vmem>> -> memref<128xi32, #tpu.memory_space<vmem>>
    %dma_wait3A_88 = arith.constant 0 : i32
    %dma_wait3A_89 = arith.constant 0 : i32
    %dma_wait3A_90 = tpu.memref_slice %arg2[%dma_wait3A_88, %dma_wait3A_89] : memref<10016x64xf32, #tpu.memory_space<hbm>> -> memref<10016x64xf32, #tpu.memory_space<hbm>>
    tpu.wait_indirect_dma semaphore(%arg17 : memref<!tpu.dma_semaphore, #tpu.memory_space<semaphore_mem>>) src(%dma_wait3A_90 : memref<10016x64xf32, #tpu.memory_space<hbm>>) dst(%arg12 : memref<128x64xf32, #tpu.memory_space<vmem>>)
    %dma_start3A_91 = arith.constant 79 : i32
    %dma_start3A_92 = arith.constant 0 : i32
    %dma_start3A_93 = tpu.memref_slice %arg8[%dma_start3A_91, %dma_start3A_92] : memref<80x128xi32, #tpu.memory_space<vmem>> -> memref<1x128xi32, #tpu.memory_space<vmem>>
    %dma_start3A_94 = tpu.memref_squeeze %dma_start3A_93 : memref<1x128xi32, #tpu.memory_space<vmem>> -> memref<128xi32, #tpu.memory_space<vmem>>
    %dma_start3A_95 = arith.constant 0 : i32
    %dma_start3A_96 = arith.constant 0 : i32
    %dma_start3A_97 = tpu.memref_slice %arg13[%dma_start3A_95, %dma_start3A_96] : memref<10000x64xf32, #tpu.memory_space<vmem_shared>> -> memref<10000x64xf32, #tpu.memory_space<vmem_shared>>
    tpu.enqueue_indirect_dma source(%arg12 : memref<128x64xf32, #tpu.memory_space<vmem>>) target(%dma_start3A_97 : memref<10000x64xf32, #tpu.memory_space<vmem_shared>>) offsets(%dma_start3A_94 : memref<128xi32, #tpu.memory_space<vmem>>) semaphore(%arg21 : memref<!tpu.dma_semaphore, #tpu.memory_space<semaphore_mem>>) {add = true}
    %dma_wait3A_98 = arith.constant 76 : i32
    %dma_wait3A_99 = arith.constant 0 : i32
    %dma_wait3A_100 = tpu.memref_slice %arg8[%dma_wait3A_98, %dma_wait3A_99] : memref<80x128xi32, #tpu.memory_space<vmem>> -> memref<1x128xi32, #tpu.memory_space<vmem>>
    %dma_wait3A_101 = tpu.memref_squeeze %dma_wait3A_100 : memref<1x128xi32, #tpu.memory_space<vmem>> -> memref<128xi32, #tpu.memory_space<vmem>>
    %dma_wait3A_102 = arith.constant 0 : i32
    %dma_wait3A_103 = arith.constant 0 : i32
    %dma_wait3A_104 = tpu.memref_slice %arg13[%dma_wait3A_102, %dma_wait3A_103] : memref<10000x64xf32, #tpu.memory_space<vmem_shared>> -> memref<10000x64xf32, #tpu.memory_space<vmem_shared>>
    tpu.wait_indirect_dma semaphore(%arg18 : memref<!tpu.dma_semaphore, #tpu.memory_space<semaphore_mem>>) src(%arg9 : memref<128x64xf32, #tpu.memory_space<vmem>>) dst(%dma_wait3A_104 : memref<10000x64xf32, #tpu.memory_space<vmem_shared>>)
    %dma_wait3A_105 = arith.constant 77 : i32
    %dma_wait3A_106 = arith.constant 0 : i32
    %dma_wait3A_107 = tpu.memref_slice %arg8[%dma_wait3A_105, %dma_wait3A_106] : memref<80x128xi32, #tpu.memory_space<vmem>> -> memref<1x128xi32, #tpu.memory_space<vmem>>
    %dma_wait3A_108 = tpu.memref_squeeze %dma_wait3A_107 : memref<1x128xi32, #tpu.memory_space<vmem>> -> memref<128xi32, #tpu.memory_space<vmem>>
    %dma_wait3A_109 = arith.constant 0 : i32
    %dma_wait3A_110 = arith.constant 0 : i32
    %dma_wait3A_111 = tpu.memref_slice %arg13[%dma_wait3A_109, %dma_wait3A_110] : memref<10000x64xf32, #tpu.memory_space<vmem_shared>> -> memref<10000x64xf32, #tpu.memory_space<vmem_shared>>
    tpu.wait_indirect_dma semaphore(%arg19 : memref<!tpu.dma_semaphore, #tpu.memory_space<semaphore_mem>>) src(%arg10 : memref<128x64xf32, #tpu.memory_space<vmem>>) dst(%dma_wait3A_111 : memref<10000x64xf32, #tpu.memory_space<vmem_shared>>)
    %dma_wait3A_112 = arith.constant 78 : i32
    %dma_wait3A_113 = arith.constant 0 : i32
    %dma_wait3A_114 = tpu.memref_slice %arg8[%dma_wait3A_112, %dma_wait3A_113] : memref<80x128xi32, #tpu.memory_space<vmem>> -> memref<1x128xi32, #tpu.memory_space<vmem>>
    %dma_wait3A_115 = tpu.memref_squeeze %dma_wait3A_114 : memref<1x128xi32, #tpu.memory_space<vmem>> -> memref<128xi32, #tpu.memory_space<vmem>>
    %dma_wait3A_116 = arith.constant 0 : i32
    %dma_wait3A_117 = arith.constant 0 : i32
    %dma_wait3A_118 = tpu.memref_slice %arg13[%dma_wait3A_116, %dma_wait3A_117] : memref<10000x64xf32, #tpu.memory_space<vmem_shared>> -> memref<10000x64xf32, #tpu.memory_space<vmem_shared>>
    tpu.wait_indirect_dma semaphore(%arg20 : memref<!tpu.dma_semaphore, #tpu.memory_space<semaphore_mem>>) src(%arg11 : memref<128x64xf32, #tpu.memory_space<vmem>>) dst(%dma_wait3A_118 : memref<10000x64xf32, #tpu.memory_space<vmem_shared>>)
    %dma_wait3A_119 = arith.constant 79 : i32
    %dma_wait3A_120 = arith.constant 0 : i32
    %dma_wait3A_121 = tpu.memref_slice %arg8[%dma_wait3A_119, %dma_wait3A_120] : memref<80x128xi32, #tpu.memory_space<vmem>> -> memref<1x128xi32, #tpu.memory_space<vmem>>
    %dma_wait3A_122 = tpu.memref_squeeze %dma_wait3A_121 : memref<1x128xi32, #tpu.memory_space<vmem>> -> memref<128xi32, #tpu.memory_space<vmem>>
    %dma_wait3A_123 = arith.constant 0 : i32
    %dma_wait3A_124 = arith.constant 0 : i32
    %dma_wait3A_125 = tpu.memref_slice %arg13[%dma_wait3A_123, %dma_wait3A_124] : memref<10000x64xf32, #tpu.memory_space<vmem_shared>> -> memref<10000x64xf32, #tpu.memory_space<vmem_shared>>
    tpu.wait_indirect_dma semaphore(%arg21 : memref<!tpu.dma_semaphore, #tpu.memory_space<semaphore_mem>>) src(%arg12 : memref<128x64xf32, #tpu.memory_space<vmem>>) dst(%dma_wait3A_125 : memref<10000x64xf32, #tpu.memory_space<vmem_shared>>)
    %barrier3A_126 = arith.constant 0 : index
    tpu.barrier barrier_id(%barrier3A_126)
    %lt3A_127 = arith.constant 15 : i32
    %lt3A_128 = arith.cmpi slt, %arg1, %lt3A_127 : i32
    %convert_element_type3A_129 = arith.extui %lt3A_128 : i1 to i32
    %cond3A_130 = arith.constant 0 : i32
    %cond3A_131 = arith.cmpi ne, %convert_element_type3A_129, %cond3A_130 : i32
    scf.if %cond3A_131 {
      %mul3A_137 = arith.constant 632 : i32
      %mul3A_138 = arith.muli %arg1, %mul3A_137 : i32
      %mul3A_139 = arith.constant 632 : i32
      %mul3A_140 = arith.muli %arg1, %mul3A_139 : i32
      "tpu.region"() ({
        %run_scoped3A = tpu.sem_alloc : memref<!tpu.dma_semaphore, #tpu.memory_space<semaphore_mem>>
        %dma_start3A_141 = arith.constant 0 : i32
        %dma_start3A_142 = tpu.memref_slice %arg6[%arg0, %mul3A_140, %dma_start3A_141] : memref<2x10016x64xf32, #tpu.memory_space<hbm>> -> memref<1x632x64xf32, #tpu.memory_space<hbm>>
        %dma_start3A_143 = tpu.memref_squeeze %dma_start3A_142 : memref<1x632x64xf32, #tpu.memory_space<hbm>> -> memref<632x64xf32, #tpu.memory_space<hbm>>
        %dma_start3A_144 = arith.constant 0 : i32
        %dma_start3A_145 = tpu.memref_slice %arg13[%mul3A_138, %dma_start3A_144] : memref<10000x64xf32, #tpu.memory_space<vmem_shared>> -> memref<632x64xf32, #tpu.memory_space<vmem_shared>>
        tpu.enqueue_dma source(%dma_start3A_145 : memref<632x64xf32, #tpu.memory_space<vmem_shared>>) target(%dma_start3A_143 : memref<632x64xf32, #tpu.memory_space<hbm>>) target_semaphore(%run_scoped3A : memref<!tpu.dma_semaphore, #tpu.memory_space<semaphore_mem>>)
        %dma_wait3A_146 = arith.constant 0 : i32
        %dma_wait3A_147 = tpu.memref_slice %arg6[%arg0, %mul3A_140, %dma_wait3A_146] : memref<2x10016x64xf32, #tpu.memory_space<hbm>> -> memref<1x632x64xf32, #tpu.memory_space<hbm>>
        %dma_wait3A_148 = tpu.memref_squeeze %dma_wait3A_147 : memref<1x632x64xf32, #tpu.memory_space<hbm>> -> memref<632x64xf32, #tpu.memory_space<hbm>>
        %dma_wait3A_149 = arith.constant 0 : i32
        %dma_wait3A_150 = tpu.memref_slice %arg13[%mul3A_138, %dma_wait3A_149] : memref<10000x64xf32, #tpu.memory_space<vmem_shared>> -> memref<632x64xf32, #tpu.memory_space<vmem_shared>>
        tpu.wait_dma2 semaphore(%run_scoped3A : memref<!tpu.dma_semaphore, #tpu.memory_space<semaphore_mem>>) src(%dma_wait3A_150 : memref<632x64xf32, #tpu.memory_space<vmem_shared>>) dst(%dma_wait3A_148 : memref<632x64xf32, #tpu.memory_space<hbm>>)
        tpu.yield
      }) : () -> ()
    } else {
    }
    %eq3A_132 = arith.constant 15 : i32
    %eq3A_133 = arith.cmpi eq, %arg1, %eq3A_132 : i32
    %convert_element_type3A_134 = arith.extui %eq3A_133 : i1 to i32
    %cond3A_135 = arith.constant 0 : i32
    %cond3A_136 = arith.cmpi ne, %convert_element_type3A_134, %cond3A_135 : i32
    scf.if %cond3A_136 {
      "tpu.region"() ({
        %run_scoped3A = tpu.sem_alloc : memref<!tpu.dma_semaphore, #tpu.memory_space<semaphore_mem>>
        %dma_start3A_137 = arith.constant 9480 : i32
        %dma_start3A_138 = arith.constant 0 : i32
        %dma_start3A_139 = tpu.memref_slice %arg6[%arg0, %dma_start3A_137, %dma_start3A_138] : memref<2x10016x64xf32, #tpu.memory_space<hbm>> -> memref<1x520x64xf32, #tpu.memory_space<hbm>>
        %dma_start3A_140 = tpu.memref_squeeze %dma_start3A_139 : memref<1x520x64xf32, #tpu.memory_space<hbm>> -> memref<520x64xf32, #tpu.memory_space<hbm>>
        %dma_start3A_141 = arith.constant 9480 : i32
        %dma_start3A_142 = arith.constant 0 : i32
        %dma_start3A_143 = tpu.memref_slice %arg13[%dma_start3A_141, %dma_start3A_142] : memref<10000x64xf32, #tpu.memory_space<vmem_shared>> -> memref<520x64xf32, #tpu.memory_space<vmem_shared>>
        tpu.enqueue_dma source(%dma_start3A_143 : memref<520x64xf32, #tpu.memory_space<vmem_shared>>) target(%dma_start3A_140 : memref<520x64xf32, #tpu.memory_space<hbm>>) target_semaphore(%run_scoped3A : memref<!tpu.dma_semaphore, #tpu.memory_space<semaphore_mem>>)
        %dma_wait3A_144 = arith.constant 9480 : i32
        %dma_wait3A_145 = arith.constant 0 : i32
        %dma_wait3A_146 = tpu.memref_slice %arg6[%arg0, %dma_wait3A_144, %dma_wait3A_145] : memref<2x10016x64xf32, #tpu.memory_space<hbm>> -> memref<1x520x64xf32, #tpu.memory_space<hbm>>
        %dma_wait3A_147 = tpu.memref_squeeze %dma_wait3A_146 : memref<1x520x64xf32, #tpu.memory_space<hbm>> -> memref<520x64xf32, #tpu.memory_space<hbm>>
        %dma_wait3A_148 = arith.constant 9480 : i32
        %dma_wait3A_149 = arith.constant 0 : i32
        %dma_wait3A_150 = tpu.memref_slice %arg13[%dma_wait3A_148, %dma_wait3A_149] : memref<10000x64xf32, #tpu.memory_space<vmem_shared>> -> memref<520x64xf32, #tpu.memory_space<vmem_shared>>
        tpu.wait_dma2 semaphore(%run_scoped3A : memref<!tpu.dma_semaphore, #tpu.memory_space<semaphore_mem>>) src(%dma_wait3A_150 : memref<520x64xf32, #tpu.memory_space<vmem_shared>>) dst(%dma_wait3A_147 : memref<520x64xf32, #tpu.memory_space<hbm>>)
        tpu.yield
      }) : () -> ()
    } else {
    }
    return
  }
}

#map = affine_map<(d0, d1) -> (0, 0)>
#map1 = affine_map<(d0, d1) -> (0, 0, 0)>
module attributes {stable_mosaic.version = 14 : i64} {
  func.func @_sc_agg_body(%arg0: i32, %arg1: i32, %arg2: memref<10016x64xf32, #tpu.memory_space<hbm>>, %arg3: memref<2560x128xi32, #tpu.memory_space<hbm>>, %arg4: memref<2560x128xi32, #tpu.memory_space<hbm>>, %arg5: memref<632x64xf32, #tpu.memory_space<hbm>>, %arg6: memref<2x10016x64xf32, #tpu.memory_space<hbm>>, %arg7: memref<80x128xi32, #tpu.memory_space<vmem>>, %arg8: memref<80x128xi32, #tpu.memory_space<vmem>>, %arg9: memref<128x64xf32, #tpu.memory_space<vmem>>, %arg10: memref<128x64xf32, #tpu.memory_space<vmem>>, %arg11: memref<128x64xf32, #tpu.memory_space<vmem>>, %arg12: memref<128x64xf32, #tpu.memory_space<vmem>>, %arg13: memref<10000x64xf32, #tpu.memory_space<vmem_shared>>, %arg14: memref<!tpu.dma_semaphore, #tpu.memory_space<semaphore_mem>>, %arg15: memref<!tpu.dma_semaphore, #tpu.memory_space<semaphore_mem>>, %arg16: memref<!tpu.dma_semaphore, #tpu.memory_space<semaphore_mem>>, %arg17: memref<!tpu.dma_semaphore, #tpu.memory_space<semaphore_mem>>, %arg18: memref<!tpu.dma_semaphore, #tpu.memory_space<semaphore_mem>>, %arg19: memref<!tpu.dma_semaphore, #tpu.memory_space<semaphore_mem>>, %arg20: memref<!tpu.dma_semaphore, #tpu.memory_space<semaphore_mem>>, %arg21: memref<!tpu.dma_semaphore, #tpu.memory_space<semaphore_mem>>) attributes {dimension_semantics = [#tpu.dimension_semantics<core_parallel>, #tpu.dimension_semantics<subcore_parallel>], iteration_bounds = array<i64: 2, 16>, scalar_prefetch = 0 : i64, scratch_operands = 15 : i64, tpu.core_type = #tpu.core_type<sc_vector_subcore>, window_params = [{transform_indices = #map}, {transform_indices = #map}, {transform_indices = #map}, {transform_indices = #map}, {transform_indices = #map1}]} {
    %mul3A = arith.constant 16 : i32
    %mul3A_0 = arith.muli %arg0, %mul3A : i32
    %add3A = arith.addi %mul3A_0, %arg1 : i32
    %mul3A_1 = arith.constant 80 : i32
    %mul3A_2 = arith.muli %add3A, %mul3A_1 : i32
    "tpu.region"() ({
      %run_scoped3A = tpu.sem_alloc : memref<!tpu.dma_semaphore, #tpu.memory_space<semaphore_mem>>
      %dma_start3A_137 = arith.constant 0 : i32
      %dma_start3A_138 = tpu.memref_slice %arg3[%mul3A_2, %dma_start3A_137] : memref<2560x128xi32, #tpu.memory_space<hbm>> -> memref<80x128xi32, #tpu.memory_space<hbm>>
      %dma_start3A_139 = arith.constant 0 : i32
      %dma_start3A_140 = tpu.memref_slice %arg3[%mul3A_2, %dma_start3A_139] : memref<2560x128xi32, #tpu.memory_space<hbm>> -> memref<80x128xi32, #tpu.memory_space<hbm>>
      tpu.enqueue_dma source(%dma_start3A_140 : memref<80x128xi32, #tpu.memory_space<hbm>>) target(%arg7 : memref<80x128xi32, #tpu.memory_space<vmem>>) target_semaphore(%run_scoped3A : memref<!tpu.dma_semaphore, #tpu.memory_space<semaphore_mem>>)
      %dma_wait3A_141 = arith.constant 0 : i32
      %dma_wait3A_142 = tpu.memref_slice %arg3[%mul3A_2, %dma_wait3A_141] : memref<2560x128xi32, #tpu.memory_space<hbm>> -> memref<80x128xi32, #tpu.memory_space<hbm>>
      %dma_wait3A_143 = arith.constant 0 : i32
      %dma_wait3A_144 = tpu.memref_slice %arg3[%mul3A_2, %dma_wait3A_143] : memref<2560x128xi32, #tpu.memory_space<hbm>> -> memref<80x128xi32, #tpu.memory_space<hbm>>
      tpu.wait_dma2 semaphore(%run_scoped3A : memref<!tpu.dma_semaphore, #tpu.memory_space<semaphore_mem>>) src(%dma_wait3A_144 : memref<80x128xi32, #tpu.memory_space<hbm>>) dst(%arg7 : memref<80x128xi32, #tpu.memory_space<vmem>>)
      tpu.yield
    }) : () -> ()
    %mul3A_3 = arith.constant 80 : i32
    %mul3A_4 = arith.muli %add3A, %mul3A_3 : i32
    "tpu.region"() ({
      %run_scoped3A = tpu.sem_alloc : memref<!tpu.dma_semaphore, #tpu.memory_space<semaphore_mem>>
      %dma_start3A_137 = arith.constant 0 : i32
      %dma_start3A_138 = tpu.memref_slice %arg4[%mul3A_4, %dma_start3A_137] : memref<2560x128xi32, #tpu.memory_space<hbm>> -> memref<80x128xi32, #tpu.memory_space<hbm>>
      %dma_start3A_139 = arith.constant 0 : i32
      %dma_start3A_140 = tpu.memref_slice %arg4[%mul3A_4, %dma_start3A_139] : memref<2560x128xi32, #tpu.memory_space<hbm>> -> memref<80x128xi32, #tpu.memory_space<hbm>>
      tpu.enqueue_dma source(%dma_start3A_140 : memref<80x128xi32, #tpu.memory_space<hbm>>) target(%arg8 : memref<80x128xi32, #tpu.memory_space<vmem>>) target_semaphore(%run_scoped3A : memref<!tpu.dma_semaphore, #tpu.memory_space<semaphore_mem>>)
      %dma_wait3A_141 = arith.constant 0 : i32
      %dma_wait3A_142 = tpu.memref_slice %arg4[%mul3A_4, %dma_wait3A_141] : memref<2560x128xi32, #tpu.memory_space<hbm>> -> memref<80x128xi32, #tpu.memory_space<hbm>>
      %dma_wait3A_143 = arith.constant 0 : i32
      %dma_wait3A_144 = tpu.memref_slice %arg4[%mul3A_4, %dma_wait3A_143] : memref<2560x128xi32, #tpu.memory_space<hbm>> -> memref<80x128xi32, #tpu.memory_space<hbm>>
      tpu.wait_dma2 semaphore(%run_scoped3A : memref<!tpu.dma_semaphore, #tpu.memory_space<semaphore_mem>>) src(%dma_wait3A_144 : memref<80x128xi32, #tpu.memory_space<hbm>>) dst(%arg8 : memref<80x128xi32, #tpu.memory_space<vmem>>)
      tpu.yield
    }) : () -> ()
    %lt3A = arith.constant 15 : i32
    %lt3A_5 = arith.cmpi slt, %arg1, %lt3A : i32
    %convert_element_type3A = arith.extui %lt3A_5 : i1 to i32
    %cond3A = arith.constant 0 : i32
    %cond3A_6 = arith.cmpi ne, %convert_element_type3A, %cond3A : i32
    scf.if %cond3A_6 {
      %mul3A_137 = arith.constant 632 : i32
      %mul3A_138 = arith.muli %arg1, %mul3A_137 : i32
      "tpu.region"() ({
        %run_scoped3A = tpu.sem_alloc : memref<!tpu.dma_semaphore, #tpu.memory_space<semaphore_mem>>
        %dma_start3A_139 = arith.constant 0 : i32
        %dma_start3A_140 = tpu.memref_slice %arg13[%mul3A_138, %dma_start3A_139] : memref<10000x64xf32, #tpu.memory_space<vmem_shared>> -> memref<632x64xf32, #tpu.memory_space<vmem_shared>>
        tpu.enqueue_dma source(%arg5 : memref<632x64xf32, #tpu.memory_space<hbm>>) target(%dma_start3A_140 : memref<632x64xf32, #tpu.memory_space<vmem_shared>>) target_semaphore(%run_scoped3A : memref<!tpu.dma_semaphore, #tpu.memory_space<semaphore_mem>>)
        %dma_wait3A_141 = arith.constant 0 : i32
        %dma_wait3A_142 = tpu.memref_slice %arg13[%mul3A_138, %dma_wait3A_141] : memref<10000x64xf32, #tpu.memory_space<vmem_shared>> -> memref<632x64xf32, #tpu.memory_space<vmem_shared>>
        tpu.wait_dma2 semaphore(%run_scoped3A : memref<!tpu.dma_semaphore, #tpu.memory_space<semaphore_mem>>) src(%arg5 : memref<632x64xf32, #tpu.memory_space<hbm>>) dst(%dma_wait3A_142 : memref<632x64xf32, #tpu.memory_space<vmem_shared>>)
        tpu.yield
      }) : () -> ()
    } else {
    }
    %eq3A = arith.constant 15 : i32
    %eq3A_7 = arith.cmpi eq, %arg1, %eq3A : i32
    %convert_element_type3A_8 = arith.extui %eq3A_7 : i1 to i32
    %cond3A_9 = arith.constant 0 : i32
    %cond3A_10 = arith.cmpi ne, %convert_element_type3A_8, %cond3A_9 : i32
    scf.if %cond3A_10 {
      "tpu.region"() ({
        %run_scoped3A = tpu.sem_alloc : memref<!tpu.dma_semaphore, #tpu.memory_space<semaphore_mem>>
        %dma_start3A_137 = arith.constant 9480 : i32
        %dma_start3A_138 = arith.constant 0 : i32
        %dma_start3A_139 = tpu.memref_slice %arg13[%dma_start3A_137, %dma_start3A_138] : memref<10000x64xf32, #tpu.memory_space<vmem_shared>> -> memref<520x64xf32, #tpu.memory_space<vmem_shared>>
        %dma_start3A_140 = arith.constant 0 : i32
        %dma_start3A_141 = arith.constant 0 : i32
        %dma_start3A_142 = tpu.memref_slice %arg5[%dma_start3A_140, %dma_start3A_141] : memref<632x64xf32, #tpu.memory_space<hbm>> -> memref<520x64xf32, #tpu.memory_space<hbm>>
        tpu.enqueue_dma source(%dma_start3A_142 : memref<520x64xf32, #tpu.memory_space<hbm>>) target(%dma_start3A_139 : memref<520x64xf32, #tpu.memory_space<vmem_shared>>) target_semaphore(%run_scoped3A : memref<!tpu.dma_semaphore, #tpu.memory_space<semaphore_mem>>)
        %dma_wait3A_143 = arith.constant 9480 : i32
        %dma_wait3A_144 = arith.constant 0 : i32
        %dma_wait3A_145 = tpu.memref_slice %arg13[%dma_wait3A_143, %dma_wait3A_144] : memref<10000x64xf32, #tpu.memory_space<vmem_shared>> -> memref<520x64xf32, #tpu.memory_space<vmem_shared>>
        %dma_wait3A_146 = arith.constant 0 : i32
        %dma_wait3A_147 = arith.constant 0 : i32
        %dma_wait3A_148 = tpu.memref_slice %arg5[%dma_wait3A_146, %dma_wait3A_147] : memref<632x64xf32, #tpu.memory_space<hbm>> -> memref<520x64xf32, #tpu.memory_space<hbm>>
        tpu.wait_dma2 semaphore(%run_scoped3A : memref<!tpu.dma_semaphore, #tpu.memory_space<semaphore_mem>>) src(%dma_wait3A_148 : memref<520x64xf32, #tpu.memory_space<hbm>>) dst(%dma_wait3A_145 : memref<520x64xf32, #tpu.memory_space<vmem_shared>>)
        tpu.yield
      }) : () -> ()
    } else {
    }
    %barrier3A = arith.constant 0 : index
    tpu.barrier barrier_id(%barrier3A)
    %dma_start3A = arith.constant 0 : i32
    %dma_start3A_11 = arith.constant 0 : i32
    %dma_start3A_12 = tpu.memref_slice %arg7[%dma_start3A, %dma_start3A_11] : memref<80x128xi32, #tpu.memory_space<vmem>> -> memref<1x128xi32, #tpu.memory_space<vmem>>
    %dma_start3A_13 = tpu.memref_squeeze %dma_start3A_12 : memref<1x128xi32, #tpu.memory_space<vmem>> -> memref<128xi32, #tpu.memory_space<vmem>>
    %dma_start3A_14 = arith.constant 0 : i32
    %dma_start3A_15 = arith.constant 0 : i32
    %dma_start3A_16 = tpu.memref_slice %arg2[%dma_start3A_14, %dma_start3A_15] : memref<10016x64xf32, #tpu.memory_space<hbm>> -> memref<10016x64xf32, #tpu.memory_space<hbm>>
    tpu.enqueue_indirect_dma source(%dma_start3A_16 : memref<10016x64xf32, #tpu.memory_space<hbm>>) target(%arg9 : memref<128x64xf32, #tpu.memory_space<vmem>>) offsets(%dma_start3A_13 : memref<128xi32, #tpu.memory_space<vmem>>) semaphore(%arg14 : memref<!tpu.dma_semaphore, #tpu.memory_space<semaphore_mem>>)
    %dma_start3A_17 = arith.constant 1 : i32
    %dma_start3A_18 = arith.constant 0 : i32
    %dma_start3A_19 = tpu.memref_slice %arg7[%dma_start3A_17, %dma_start3A_18] : memref<80x128xi32, #tpu.memory_space<vmem>> -> memref<1x128xi32, #tpu.memory_space<vmem>>
    %dma_start3A_20 = tpu.memref_squeeze %dma_start3A_19 : memref<1x128xi32, #tpu.memory_space<vmem>> -> memref<128xi32, #tpu.memory_space<vmem>>
    %dma_start3A_21 = arith.constant 0 : i32
    %dma_start3A_22 = arith.constant 0 : i32
    %dma_start3A_23 = tpu.memref_slice %arg2[%dma_start3A_21, %dma_start3A_22] : memref<10016x64xf32, #tpu.memory_space<hbm>> -> memref<10016x64xf32, #tpu.memory_space<hbm>>
    tpu.enqueue_indirect_dma source(%dma_start3A_23 : memref<10016x64xf32, #tpu.memory_space<hbm>>) target(%arg10 : memref<128x64xf32, #tpu.memory_space<vmem>>) offsets(%dma_start3A_20 : memref<128xi32, #tpu.memory_space<vmem>>) semaphore(%arg15 : memref<!tpu.dma_semaphore, #tpu.memory_space<semaphore_mem>>)
    %dma_start3A_24 = arith.constant 2 : i32
    %dma_start3A_25 = arith.constant 0 : i32
    %dma_start3A_26 = tpu.memref_slice %arg7[%dma_start3A_24, %dma_start3A_25] : memref<80x128xi32, #tpu.memory_space<vmem>> -> memref<1x128xi32, #tpu.memory_space<vmem>>
    %dma_start3A_27 = tpu.memref_squeeze %dma_start3A_26 : memref<1x128xi32, #tpu.memory_space<vmem>> -> memref<128xi32, #tpu.memory_space<vmem>>
    %dma_start3A_28 = arith.constant 0 : i32
    %dma_start3A_29 = arith.constant 0 : i32
    %dma_start3A_30 = tpu.memref_slice %arg2[%dma_start3A_28, %dma_start3A_29] : memref<10016x64xf32, #tpu.memory_space<hbm>> -> memref<10016x64xf32, #tpu.memory_space<hbm>>
    tpu.enqueue_indirect_dma source(%dma_start3A_30 : memref<10016x64xf32, #tpu.memory_space<hbm>>) target(%arg11 : memref<128x64xf32, #tpu.memory_space<vmem>>) offsets(%dma_start3A_27 : memref<128xi32, #tpu.memory_space<vmem>>) semaphore(%arg16 : memref<!tpu.dma_semaphore, #tpu.memory_space<semaphore_mem>>)
    %dma_start3A_31 = arith.constant 3 : i32
    %dma_start3A_32 = arith.constant 0 : i32
    %dma_start3A_33 = tpu.memref_slice %arg7[%dma_start3A_31, %dma_start3A_32] : memref<80x128xi32, #tpu.memory_space<vmem>> -> memref<1x128xi32, #tpu.memory_space<vmem>>
    %dma_start3A_34 = tpu.memref_squeeze %dma_start3A_33 : memref<1x128xi32, #tpu.memory_space<vmem>> -> memref<128xi32, #tpu.memory_space<vmem>>
    %dma_start3A_35 = arith.constant 0 : i32
    %dma_start3A_36 = arith.constant 0 : i32
    %dma_start3A_37 = tpu.memref_slice %arg2[%dma_start3A_35, %dma_start3A_36] : memref<10016x64xf32, #tpu.memory_space<hbm>> -> memref<10016x64xf32, #tpu.memory_space<hbm>>
    tpu.enqueue_indirect_dma source(%dma_start3A_37 : memref<10016x64xf32, #tpu.memory_space<hbm>>) target(%arg12 : memref<128x64xf32, #tpu.memory_space<vmem>>) offsets(%dma_start3A_34 : memref<128xi32, #tpu.memory_space<vmem>>) semaphore(%arg17 : memref<!tpu.dma_semaphore, #tpu.memory_space<semaphore_mem>>)
    %scan3A = arith.constant 0 : i32
    %scan3A_38 = arith.constant 0 : i32
    %scan3A_39 = arith.constant 19 : i32
    %scan3A_40 = arith.addi %scan3A_38, %scan3A_39 : i32
    %scan3A_41 = arith.constant 1 : i32
    scf.for %scan3A_137 = %scan3A_38 to %scan3A_40 step %scan3A_41  : i32 {
      %mul3A_138 = arith.constant 4 : i32
      %mul3A_139 = arith.muli %mul3A_138, %scan3A_137 : i32
      %add3A_140 = arith.constant 0 : i32
      %add3A_141 = arith.addi %mul3A_139, %add3A_140 : i32
      %dma_wait3A_142 = arith.constant 0 : i32
      %dma_wait3A_143 = tpu.memref_slice %arg7[%add3A_141, %dma_wait3A_142] : memref<80x128xi32, #tpu.memory_space<vmem>> -> memref<1x128xi32, #tpu.memory_space<vmem>>
      %dma_wait3A_144 = tpu.memref_squeeze %dma_wait3A_143 : memref<1x128xi32, #tpu.memory_space<vmem>> -> memref<128xi32, #tpu.memory_space<vmem>>
      %dma_wait3A_145 = arith.constant 0 : i32
      %dma_wait3A_146 = arith.constant 0 : i32
      %dma_wait3A_147 = tpu.memref_slice %arg2[%dma_wait3A_145, %dma_wait3A_146] : memref<10016x64xf32, #tpu.memory_space<hbm>> -> memref<10016x64xf32, #tpu.memory_space<hbm>>
      tpu.wait_indirect_dma semaphore(%arg14 : memref<!tpu.dma_semaphore, #tpu.memory_space<semaphore_mem>>) src(%dma_wait3A_147 : memref<10016x64xf32, #tpu.memory_space<hbm>>) dst(%arg9 : memref<128x64xf32, #tpu.memory_space<vmem>>)
      %add3A_148 = arith.constant 0 : i32
      %add3A_149 = arith.addi %mul3A_139, %add3A_148 : i32
      %dma_start3A_150 = arith.constant 0 : i32
      %dma_start3A_151 = tpu.memref_slice %arg8[%add3A_149, %dma_start3A_150] : memref<80x128xi32, #tpu.memory_space<vmem>> -> memref<1x128xi32, #tpu.memory_space<vmem>>
      %dma_start3A_152 = tpu.memref_squeeze %dma_start3A_151 : memref<1x128xi32, #tpu.memory_space<vmem>> -> memref<128xi32, #tpu.memory_space<vmem>>
      %dma_start3A_153 = arith.constant 0 : i32
      %dma_start3A_154 = arith.constant 0 : i32
      %dma_start3A_155 = tpu.memref_slice %arg13[%dma_start3A_153, %dma_start3A_154] : memref<10000x64xf32, #tpu.memory_space<vmem_shared>> -> memref<10000x64xf32, #tpu.memory_space<vmem_shared>>
      tpu.enqueue_indirect_dma source(%arg9 : memref<128x64xf32, #tpu.memory_space<vmem>>) target(%dma_start3A_155 : memref<10000x64xf32, #tpu.memory_space<vmem_shared>>) offsets(%dma_start3A_152 : memref<128xi32, #tpu.memory_space<vmem>>) semaphore(%arg18 : memref<!tpu.dma_semaphore, #tpu.memory_space<semaphore_mem>>) {add = true}
      %add3A_156 = arith.constant 1 : i32
      %add3A_157 = arith.addi %mul3A_139, %add3A_156 : i32
      %dma_wait3A_158 = arith.constant 0 : i32
      %dma_wait3A_159 = tpu.memref_slice %arg7[%add3A_157, %dma_wait3A_158] : memref<80x128xi32, #tpu.memory_space<vmem>> -> memref<1x128xi32, #tpu.memory_space<vmem>>
      %dma_wait3A_160 = tpu.memref_squeeze %dma_wait3A_159 : memref<1x128xi32, #tpu.memory_space<vmem>> -> memref<128xi32, #tpu.memory_space<vmem>>
      %dma_wait3A_161 = arith.constant 0 : i32
      %dma_wait3A_162 = arith.constant 0 : i32
      %dma_wait3A_163 = tpu.memref_slice %arg2[%dma_wait3A_161, %dma_wait3A_162] : memref<10016x64xf32, #tpu.memory_space<hbm>> -> memref<10016x64xf32, #tpu.memory_space<hbm>>
      tpu.wait_indirect_dma semaphore(%arg15 : memref<!tpu.dma_semaphore, #tpu.memory_space<semaphore_mem>>) src(%dma_wait3A_163 : memref<10016x64xf32, #tpu.memory_space<hbm>>) dst(%arg10 : memref<128x64xf32, #tpu.memory_space<vmem>>)
      %add3A_164 = arith.constant 1 : i32
      %add3A_165 = arith.addi %mul3A_139, %add3A_164 : i32
      %dma_start3A_166 = arith.constant 0 : i32
      %dma_start3A_167 = tpu.memref_slice %arg8[%add3A_165, %dma_start3A_166] : memref<80x128xi32, #tpu.memory_space<vmem>> -> memref<1x128xi32, #tpu.memory_space<vmem>>
      %dma_start3A_168 = tpu.memref_squeeze %dma_start3A_167 : memref<1x128xi32, #tpu.memory_space<vmem>> -> memref<128xi32, #tpu.memory_space<vmem>>
      %dma_start3A_169 = arith.constant 0 : i32
      %dma_start3A_170 = arith.constant 0 : i32
      %dma_start3A_171 = tpu.memref_slice %arg13[%dma_start3A_169, %dma_start3A_170] : memref<10000x64xf32, #tpu.memory_space<vmem_shared>> -> memref<10000x64xf32, #tpu.memory_space<vmem_shared>>
      tpu.enqueue_indirect_dma source(%arg10 : memref<128x64xf32, #tpu.memory_space<vmem>>) target(%dma_start3A_171 : memref<10000x64xf32, #tpu.memory_space<vmem_shared>>) offsets(%dma_start3A_168 : memref<128xi32, #tpu.memory_space<vmem>>) semaphore(%arg19 : memref<!tpu.dma_semaphore, #tpu.memory_space<semaphore_mem>>) {add = true}
      %add3A_172 = arith.constant 2 : i32
      %add3A_173 = arith.addi %mul3A_139, %add3A_172 : i32
      %dma_wait3A_174 = arith.constant 0 : i32
      %dma_wait3A_175 = tpu.memref_slice %arg7[%add3A_173, %dma_wait3A_174] : memref<80x128xi32, #tpu.memory_space<vmem>> -> memref<1x128xi32, #tpu.memory_space<vmem>>
      %dma_wait3A_176 = tpu.memref_squeeze %dma_wait3A_175 : memref<1x128xi32, #tpu.memory_space<vmem>> -> memref<128xi32, #tpu.memory_space<vmem>>
      %dma_wait3A_177 = arith.constant 0 : i32
      %dma_wait3A_178 = arith.constant 0 : i32
      %dma_wait3A_179 = tpu.memref_slice %arg2[%dma_wait3A_177, %dma_wait3A_178] : memref<10016x64xf32, #tpu.memory_space<hbm>> -> memref<10016x64xf32, #tpu.memory_space<hbm>>
      tpu.wait_indirect_dma semaphore(%arg16 : memref<!tpu.dma_semaphore, #tpu.memory_space<semaphore_mem>>) src(%dma_wait3A_179 : memref<10016x64xf32, #tpu.memory_space<hbm>>) dst(%arg11 : memref<128x64xf32, #tpu.memory_space<vmem>>)
      %add3A_180 = arith.constant 2 : i32
      %add3A_181 = arith.addi %mul3A_139, %add3A_180 : i32
      %dma_start3A_182 = arith.constant 0 : i32
      %dma_start3A_183 = tpu.memref_slice %arg8[%add3A_181, %dma_start3A_182] : memref<80x128xi32, #tpu.memory_space<vmem>> -> memref<1x128xi32, #tpu.memory_space<vmem>>
      %dma_start3A_184 = tpu.memref_squeeze %dma_start3A_183 : memref<1x128xi32, #tpu.memory_space<vmem>> -> memref<128xi32, #tpu.memory_space<vmem>>
      %dma_start3A_185 = arith.constant 0 : i32
      %dma_start3A_186 = arith.constant 0 : i32
      %dma_start3A_187 = tpu.memref_slice %arg13[%dma_start3A_185, %dma_start3A_186] : memref<10000x64xf32, #tpu.memory_space<vmem_shared>> -> memref<10000x64xf32, #tpu.memory_space<vmem_shared>>
      tpu.enqueue_indirect_dma source(%arg11 : memref<128x64xf32, #tpu.memory_space<vmem>>) target(%dma_start3A_187 : memref<10000x64xf32, #tpu.memory_space<vmem_shared>>) offsets(%dma_start3A_184 : memref<128xi32, #tpu.memory_space<vmem>>) semaphore(%arg20 : memref<!tpu.dma_semaphore, #tpu.memory_space<semaphore_mem>>) {add = true}
      %add3A_188 = arith.constant 3 : i32
      %add3A_189 = arith.addi %mul3A_139, %add3A_188 : i32
      %dma_wait3A_190 = arith.constant 0 : i32
      %dma_wait3A_191 = tpu.memref_slice %arg7[%add3A_189, %dma_wait3A_190] : memref<80x128xi32, #tpu.memory_space<vmem>> -> memref<1x128xi32, #tpu.memory_space<vmem>>
      %dma_wait3A_192 = tpu.memref_squeeze %dma_wait3A_191 : memref<1x128xi32, #tpu.memory_space<vmem>> -> memref<128xi32, #tpu.memory_space<vmem>>
      %dma_wait3A_193 = arith.constant 0 : i32
      %dma_wait3A_194 = arith.constant 0 : i32
      %dma_wait3A_195 = tpu.memref_slice %arg2[%dma_wait3A_193, %dma_wait3A_194] : memref<10016x64xf32, #tpu.memory_space<hbm>> -> memref<10016x64xf32, #tpu.memory_space<hbm>>
      tpu.wait_indirect_dma semaphore(%arg17 : memref<!tpu.dma_semaphore, #tpu.memory_space<semaphore_mem>>) src(%dma_wait3A_195 : memref<10016x64xf32, #tpu.memory_space<hbm>>) dst(%arg12 : memref<128x64xf32, #tpu.memory_space<vmem>>)
      %add3A_196 = arith.constant 3 : i32
      %add3A_197 = arith.addi %mul3A_139, %add3A_196 : i32
      %dma_start3A_198 = arith.constant 0 : i32
      %dma_start3A_199 = tpu.memref_slice %arg8[%add3A_197, %dma_start3A_198] : memref<80x128xi32, #tpu.memory_space<vmem>> -> memref<1x128xi32, #tpu.memory_space<vmem>>
      %dma_start3A_200 = tpu.memref_squeeze %dma_start3A_199 : memref<1x128xi32, #tpu.memory_space<vmem>> -> memref<128xi32, #tpu.memory_space<vmem>>
      %dma_start3A_201 = arith.constant 0 : i32
      %dma_start3A_202 = arith.constant 0 : i32
      %dma_start3A_203 = tpu.memref_slice %arg13[%dma_start3A_201, %dma_start3A_202] : memref<10000x64xf32, #tpu.memory_space<vmem_shared>> -> memref<10000x64xf32, #tpu.memory_space<vmem_shared>>
      tpu.enqueue_indirect_dma source(%arg12 : memref<128x64xf32, #tpu.memory_space<vmem>>) target(%dma_start3A_203 : memref<10000x64xf32, #tpu.memory_space<vmem_shared>>) offsets(%dma_start3A_200 : memref<128xi32, #tpu.memory_space<vmem>>) semaphore(%arg21 : memref<!tpu.dma_semaphore, #tpu.memory_space<semaphore_mem>>) {add = true}
      %add3A_204 = arith.constant 0 : i32
      %add3A_205 = arith.addi %mul3A_139, %add3A_204 : i32
      %dma_wait3A_206 = arith.constant 0 : i32
      %dma_wait3A_207 = tpu.memref_slice %arg8[%add3A_205, %dma_wait3A_206] : memref<80x128xi32, #tpu.memory_space<vmem>> -> memref<1x128xi32, #tpu.memory_space<vmem>>
      %dma_wait3A_208 = tpu.memref_squeeze %dma_wait3A_207 : memref<1x128xi32, #tpu.memory_space<vmem>> -> memref<128xi32, #tpu.memory_space<vmem>>
      %dma_wait3A_209 = arith.constant 0 : i32
      %dma_wait3A_210 = arith.constant 0 : i32
      %dma_wait3A_211 = tpu.memref_slice %arg13[%dma_wait3A_209, %dma_wait3A_210] : memref<10000x64xf32, #tpu.memory_space<vmem_shared>> -> memref<10000x64xf32, #tpu.memory_space<vmem_shared>>
      tpu.wait_indirect_dma semaphore(%arg18 : memref<!tpu.dma_semaphore, #tpu.memory_space<semaphore_mem>>) src(%arg9 : memref<128x64xf32, #tpu.memory_space<vmem>>) dst(%dma_wait3A_211 : memref<10000x64xf32, #tpu.memory_space<vmem_shared>>)
      %add3A_212 = arith.constant 4 : i32
      %add3A_213 = arith.addi %mul3A_139, %add3A_212 : i32
      %add3A_214 = arith.constant 0 : i32
      %add3A_215 = arith.addi %add3A_213, %add3A_214 : i32
      %dma_start3A_216 = arith.constant 0 : i32
      %dma_start3A_217 = tpu.memref_slice %arg7[%add3A_215, %dma_start3A_216] : memref<80x128xi32, #tpu.memory_space<vmem>> -> memref<1x128xi32, #tpu.memory_space<vmem>>
      %dma_start3A_218 = tpu.memref_squeeze %dma_start3A_217 : memref<1x128xi32, #tpu.memory_space<vmem>> -> memref<128xi32, #tpu.memory_space<vmem>>
      %dma_start3A_219 = arith.constant 0 : i32
      %dma_start3A_220 = arith.constant 0 : i32
      %dma_start3A_221 = tpu.memref_slice %arg2[%dma_start3A_219, %dma_start3A_220] : memref<10016x64xf32, #tpu.memory_space<hbm>> -> memref<10016x64xf32, #tpu.memory_space<hbm>>
      tpu.enqueue_indirect_dma source(%dma_start3A_221 : memref<10016x64xf32, #tpu.memory_space<hbm>>) target(%arg9 : memref<128x64xf32, #tpu.memory_space<vmem>>) offsets(%dma_start3A_218 : memref<128xi32, #tpu.memory_space<vmem>>) semaphore(%arg14 : memref<!tpu.dma_semaphore, #tpu.memory_space<semaphore_mem>>)
      %add3A_222 = arith.constant 1 : i32
      %add3A_223 = arith.addi %mul3A_139, %add3A_222 : i32
      %dma_wait3A_224 = arith.constant 0 : i32
      %dma_wait3A_225 = tpu.memref_slice %arg8[%add3A_223, %dma_wait3A_224] : memref<80x128xi32, #tpu.memory_space<vmem>> -> memref<1x128xi32, #tpu.memory_space<vmem>>
      %dma_wait3A_226 = tpu.memref_squeeze %dma_wait3A_225 : memref<1x128xi32, #tpu.memory_space<vmem>> -> memref<128xi32, #tpu.memory_space<vmem>>
      %dma_wait3A_227 = arith.constant 0 : i32
      %dma_wait3A_228 = arith.constant 0 : i32
      %dma_wait3A_229 = tpu.memref_slice %arg13[%dma_wait3A_227, %dma_wait3A_228] : memref<10000x64xf32, #tpu.memory_space<vmem_shared>> -> memref<10000x64xf32, #tpu.memory_space<vmem_shared>>
      tpu.wait_indirect_dma semaphore(%arg19 : memref<!tpu.dma_semaphore, #tpu.memory_space<semaphore_mem>>) src(%arg10 : memref<128x64xf32, #tpu.memory_space<vmem>>) dst(%dma_wait3A_229 : memref<10000x64xf32, #tpu.memory_space<vmem_shared>>)
      %add3A_230 = arith.constant 4 : i32
      %add3A_231 = arith.addi %mul3A_139, %add3A_230 : i32
      %add3A_232 = arith.constant 1 : i32
      %add3A_233 = arith.addi %add3A_231, %add3A_232 : i32
      %dma_start3A_234 = arith.constant 0 : i32
      %dma_start3A_235 = tpu.memref_slice %arg7[%add3A_233, %dma_start3A_234] : memref<80x128xi32, #tpu.memory_space<vmem>> -> memref<1x128xi32, #tpu.memory_space<vmem>>
      %dma_start3A_236 = tpu.memref_squeeze %dma_start3A_235 : memref<1x128xi32, #tpu.memory_space<vmem>> -> memref<128xi32, #tpu.memory_space<vmem>>
      %dma_start3A_237 = arith.constant 0 : i32
      %dma_start3A_238 = arith.constant 0 : i32
      %dma_start3A_239 = tpu.memref_slice %arg2[%dma_start3A_237, %dma_start3A_238] : memref<10016x64xf32, #tpu.memory_space<hbm>> -> memref<10016x64xf32, #tpu.memory_space<hbm>>
      tpu.enqueue_indirect_dma source(%dma_start3A_239 : memref<10016x64xf32, #tpu.memory_space<hbm>>) target(%arg10 : memref<128x64xf32, #tpu.memory_space<vmem>>) offsets(%dma_start3A_236 : memref<128xi32, #tpu.memory_space<vmem>>) semaphore(%arg15 : memref<!tpu.dma_semaphore, #tpu.memory_space<semaphore_mem>>)
      %add3A_240 = arith.constant 2 : i32
      %add3A_241 = arith.addi %mul3A_139, %add3A_240 : i32
      %dma_wait3A_242 = arith.constant 0 : i32
      %dma_wait3A_243 = tpu.memref_slice %arg8[%add3A_241, %dma_wait3A_242] : memref<80x128xi32, #tpu.memory_space<vmem>> -> memref<1x128xi32, #tpu.memory_space<vmem>>
      %dma_wait3A_244 = tpu.memref_squeeze %dma_wait3A_243 : memref<1x128xi32, #tpu.memory_space<vmem>> -> memref<128xi32, #tpu.memory_space<vmem>>
      %dma_wait3A_245 = arith.constant 0 : i32
      %dma_wait3A_246 = arith.constant 0 : i32
      %dma_wait3A_247 = tpu.memref_slice %arg13[%dma_wait3A_245, %dma_wait3A_246] : memref<10000x64xf32, #tpu.memory_space<vmem_shared>> -> memref<10000x64xf32, #tpu.memory_space<vmem_shared>>
      tpu.wait_indirect_dma semaphore(%arg20 : memref<!tpu.dma_semaphore, #tpu.memory_space<semaphore_mem>>) src(%arg11 : memref<128x64xf32, #tpu.memory_space<vmem>>) dst(%dma_wait3A_247 : memref<10000x64xf32, #tpu.memory_space<vmem_shared>>)
      %add3A_248 = arith.constant 4 : i32
      %add3A_249 = arith.addi %mul3A_139, %add3A_248 : i32
      %add3A_250 = arith.constant 2 : i32
      %add3A_251 = arith.addi %add3A_249, %add3A_250 : i32
      %dma_start3A_252 = arith.constant 0 : i32
      %dma_start3A_253 = tpu.memref_slice %arg7[%add3A_251, %dma_start3A_252] : memref<80x128xi32, #tpu.memory_space<vmem>> -> memref<1x128xi32, #tpu.memory_space<vmem>>
      %dma_start3A_254 = tpu.memref_squeeze %dma_start3A_253 : memref<1x128xi32, #tpu.memory_space<vmem>> -> memref<128xi32, #tpu.memory_space<vmem>>
      %dma_start3A_255 = arith.constant 0 : i32
      %dma_start3A_256 = arith.constant 0 : i32
      %dma_start3A_257 = tpu.memref_slice %arg2[%dma_start3A_255, %dma_start3A_256] : memref<10016x64xf32, #tpu.memory_space<hbm>> -> memref<10016x64xf32, #tpu.memory_space<hbm>>
      tpu.enqueue_indirect_dma source(%dma_start3A_257 : memref<10016x64xf32, #tpu.memory_space<hbm>>) target(%arg11 : memref<128x64xf32, #tpu.memory_space<vmem>>) offsets(%dma_start3A_254 : memref<128xi32, #tpu.memory_space<vmem>>) semaphore(%arg16 : memref<!tpu.dma_semaphore, #tpu.memory_space<semaphore_mem>>)
      %add3A_258 = arith.constant 3 : i32
      %add3A_259 = arith.addi %mul3A_139, %add3A_258 : i32
      %dma_wait3A_260 = arith.constant 0 : i32
      %dma_wait3A_261 = tpu.memref_slice %arg8[%add3A_259, %dma_wait3A_260] : memref<80x128xi32, #tpu.memory_space<vmem>> -> memref<1x128xi32, #tpu.memory_space<vmem>>
      %dma_wait3A_262 = tpu.memref_squeeze %dma_wait3A_261 : memref<1x128xi32, #tpu.memory_space<vmem>> -> memref<128xi32, #tpu.memory_space<vmem>>
      %dma_wait3A_263 = arith.constant 0 : i32
      %dma_wait3A_264 = arith.constant 0 : i32
      %dma_wait3A_265 = tpu.memref_slice %arg13[%dma_wait3A_263, %dma_wait3A_264] : memref<10000x64xf32, #tpu.memory_space<vmem_shared>> -> memref<10000x64xf32, #tpu.memory_space<vmem_shared>>
      tpu.wait_indirect_dma semaphore(%arg21 : memref<!tpu.dma_semaphore, #tpu.memory_space<semaphore_mem>>) src(%arg12 : memref<128x64xf32, #tpu.memory_space<vmem>>) dst(%dma_wait3A_265 : memref<10000x64xf32, #tpu.memory_space<vmem_shared>>)
      %add3A_266 = arith.constant 4 : i32
      %add3A_267 = arith.addi %mul3A_139, %add3A_266 : i32
      %add3A_268 = arith.constant 3 : i32
      %add3A_269 = arith.addi %add3A_267, %add3A_268 : i32
      %dma_start3A_270 = arith.constant 0 : i32
      %dma_start3A_271 = tpu.memref_slice %arg7[%add3A_269, %dma_start3A_270] : memref<80x128xi32, #tpu.memory_space<vmem>> -> memref<1x128xi32, #tpu.memory_space<vmem>>
      %dma_start3A_272 = tpu.memref_squeeze %dma_start3A_271 : memref<1x128xi32, #tpu.memory_space<vmem>> -> memref<128xi32, #tpu.memory_space<vmem>>
      %dma_start3A_273 = arith.constant 0 : i32
      %dma_start3A_274 = arith.constant 0 : i32
      %dma_start3A_275 = tpu.memref_slice %arg2[%dma_start3A_273, %dma_start3A_274] : memref<10016x64xf32, #tpu.memory_space<hbm>> -> memref<10016x64xf32, #tpu.memory_space<hbm>>
      tpu.enqueue_indirect_dma source(%dma_start3A_275 : memref<10016x64xf32, #tpu.memory_space<hbm>>) target(%arg12 : memref<128x64xf32, #tpu.memory_space<vmem>>) offsets(%dma_start3A_272 : memref<128xi32, #tpu.memory_space<vmem>>) semaphore(%arg17 : memref<!tpu.dma_semaphore, #tpu.memory_space<semaphore_mem>>)
    }
    %scan3A_42 = arith.constant 19 : i32
    %dma_wait3A = arith.constant 76 : i32
    %dma_wait3A_43 = arith.constant 0 : i32
    %dma_wait3A_44 = tpu.memref_slice %arg7[%dma_wait3A, %dma_wait3A_43] : memref<80x128xi32, #tpu.memory_space<vmem>> -> memref<1x128xi32, #tpu.memory_space<vmem>>
    %dma_wait3A_45 = tpu.memref_squeeze %dma_wait3A_44 : memref<1x128xi32, #tpu.memory_space<vmem>> -> memref<128xi32, #tpu.memory_space<vmem>>
    %dma_wait3A_46 = arith.constant 0 : i32
    %dma_wait3A_47 = arith.constant 0 : i32
    %dma_wait3A_48 = tpu.memref_slice %arg2[%dma_wait3A_46, %dma_wait3A_47] : memref<10016x64xf32, #tpu.memory_space<hbm>> -> memref<10016x64xf32, #tpu.memory_space<hbm>>
    tpu.wait_indirect_dma semaphore(%arg14 : memref<!tpu.dma_semaphore, #tpu.memory_space<semaphore_mem>>) src(%dma_wait3A_48 : memref<10016x64xf32, #tpu.memory_space<hbm>>) dst(%arg9 : memref<128x64xf32, #tpu.memory_space<vmem>>)
    %dma_start3A_49 = arith.constant 76 : i32
    %dma_start3A_50 = arith.constant 0 : i32
    %dma_start3A_51 = tpu.memref_slice %arg8[%dma_start3A_49, %dma_start3A_50] : memref<80x128xi32, #tpu.memory_space<vmem>> -> memref<1x128xi32, #tpu.memory_space<vmem>>
    %dma_start3A_52 = tpu.memref_squeeze %dma_start3A_51 : memref<1x128xi32, #tpu.memory_space<vmem>> -> memref<128xi32, #tpu.memory_space<vmem>>
    %dma_start3A_53 = arith.constant 0 : i32
    %dma_start3A_54 = arith.constant 0 : i32
    %dma_start3A_55 = tpu.memref_slice %arg13[%dma_start3A_53, %dma_start3A_54] : memref<10000x64xf32, #tpu.memory_space<vmem_shared>> -> memref<10000x64xf32, #tpu.memory_space<vmem_shared>>
    tpu.enqueue_indirect_dma source(%arg9 : memref<128x64xf32, #tpu.memory_space<vmem>>) target(%dma_start3A_55 : memref<10000x64xf32, #tpu.memory_space<vmem_shared>>) offsets(%dma_start3A_52 : memref<128xi32, #tpu.memory_space<vmem>>) semaphore(%arg18 : memref<!tpu.dma_semaphore, #tpu.memory_space<semaphore_mem>>) {add = true}
    %dma_wait3A_56 = arith.constant 77 : i32
    %dma_wait3A_57 = arith.constant 0 : i32
    %dma_wait3A_58 = tpu.memref_slice %arg7[%dma_wait3A_56, %dma_wait3A_57] : memref<80x128xi32, #tpu.memory_space<vmem>> -> memref<1x128xi32, #tpu.memory_space<vmem>>
    %dma_wait3A_59 = tpu.memref_squeeze %dma_wait3A_58 : memref<1x128xi32, #tpu.memory_space<vmem>> -> memref<128xi32, #tpu.memory_space<vmem>>
    %dma_wait3A_60 = arith.constant 0 : i32
    %dma_wait3A_61 = arith.constant 0 : i32
    %dma_wait3A_62 = tpu.memref_slice %arg2[%dma_wait3A_60, %dma_wait3A_61] : memref<10016x64xf32, #tpu.memory_space<hbm>> -> memref<10016x64xf32, #tpu.memory_space<hbm>>
    tpu.wait_indirect_dma semaphore(%arg15 : memref<!tpu.dma_semaphore, #tpu.memory_space<semaphore_mem>>) src(%dma_wait3A_62 : memref<10016x64xf32, #tpu.memory_space<hbm>>) dst(%arg10 : memref<128x64xf32, #tpu.memory_space<vmem>>)
    %dma_start3A_63 = arith.constant 77 : i32
    %dma_start3A_64 = arith.constant 0 : i32
    %dma_start3A_65 = tpu.memref_slice %arg8[%dma_start3A_63, %dma_start3A_64] : memref<80x128xi32, #tpu.memory_space<vmem>> -> memref<1x128xi32, #tpu.memory_space<vmem>>
    %dma_start3A_66 = tpu.memref_squeeze %dma_start3A_65 : memref<1x128xi32, #tpu.memory_space<vmem>> -> memref<128xi32, #tpu.memory_space<vmem>>
    %dma_start3A_67 = arith.constant 0 : i32
    %dma_start3A_68 = arith.constant 0 : i32
    %dma_start3A_69 = tpu.memref_slice %arg13[%dma_start3A_67, %dma_start3A_68] : memref<10000x64xf32, #tpu.memory_space<vmem_shared>> -> memref<10000x64xf32, #tpu.memory_space<vmem_shared>>
    tpu.enqueue_indirect_dma source(%arg10 : memref<128x64xf32, #tpu.memory_space<vmem>>) target(%dma_start3A_69 : memref<10000x64xf32, #tpu.memory_space<vmem_shared>>) offsets(%dma_start3A_66 : memref<128xi32, #tpu.memory_space<vmem>>) semaphore(%arg19 : memref<!tpu.dma_semaphore, #tpu.memory_space<semaphore_mem>>) {add = true}
    %dma_wait3A_70 = arith.constant 78 : i32
    %dma_wait3A_71 = arith.constant 0 : i32
    %dma_wait3A_72 = tpu.memref_slice %arg7[%dma_wait3A_70, %dma_wait3A_71] : memref<80x128xi32, #tpu.memory_space<vmem>> -> memref<1x128xi32, #tpu.memory_space<vmem>>
    %dma_wait3A_73 = tpu.memref_squeeze %dma_wait3A_72 : memref<1x128xi32, #tpu.memory_space<vmem>> -> memref<128xi32, #tpu.memory_space<vmem>>
    %dma_wait3A_74 = arith.constant 0 : i32
    %dma_wait3A_75 = arith.constant 0 : i32
    %dma_wait3A_76 = tpu.memref_slice %arg2[%dma_wait3A_74, %dma_wait3A_75] : memref<10016x64xf32, #tpu.memory_space<hbm>> -> memref<10016x64xf32, #tpu.memory_space<hbm>>
    tpu.wait_indirect_dma semaphore(%arg16 : memref<!tpu.dma_semaphore, #tpu.memory_space<semaphore_mem>>) src(%dma_wait3A_76 : memref<10016x64xf32, #tpu.memory_space<hbm>>) dst(%arg11 : memref<128x64xf32, #tpu.memory_space<vmem>>)
    %dma_start3A_77 = arith.constant 78 : i32
    %dma_start3A_78 = arith.constant 0 : i32
    %dma_start3A_79 = tpu.memref_slice %arg8[%dma_start3A_77, %dma_start3A_78] : memref<80x128xi32, #tpu.memory_space<vmem>> -> memref<1x128xi32, #tpu.memory_space<vmem>>
    %dma_start3A_80 = tpu.memref_squeeze %dma_start3A_79 : memref<1x128xi32, #tpu.memory_space<vmem>> -> memref<128xi32, #tpu.memory_space<vmem>>
    %dma_start3A_81 = arith.constant 0 : i32
    %dma_start3A_82 = arith.constant 0 : i32
    %dma_start3A_83 = tpu.memref_slice %arg13[%dma_start3A_81, %dma_start3A_82] : memref<10000x64xf32, #tpu.memory_space<vmem_shared>> -> memref<10000x64xf32, #tpu.memory_space<vmem_shared>>
    tpu.enqueue_indirect_dma source(%arg11 : memref<128x64xf32, #tpu.memory_space<vmem>>) target(%dma_start3A_83 : memref<10000x64xf32, #tpu.memory_space<vmem_shared>>) offsets(%dma_start3A_80 : memref<128xi32, #tpu.memory_space<vmem>>) semaphore(%arg20 : memref<!tpu.dma_semaphore, #tpu.memory_space<semaphore_mem>>) {add = true}
    %dma_wait3A_84 = arith.constant 79 : i32
    %dma_wait3A_85 = arith.constant 0 : i32
    %dma_wait3A_86 = tpu.memref_slice %arg7[%dma_wait3A_84, %dma_wait3A_85] : memref<80x128xi32, #tpu.memory_space<vmem>> -> memref<1x128xi32, #tpu.memory_space<vmem>>
    %dma_wait3A_87 = tpu.memref_squeeze %dma_wait3A_86 : memref<1x128xi32, #tpu.memory_space<vmem>> -> memref<128xi32, #tpu.memory_space<vmem>>
    %dma_wait3A_88 = arith.constant 0 : i32
    %dma_wait3A_89 = arith.constant 0 : i32
    %dma_wait3A_90 = tpu.memref_slice %arg2[%dma_wait3A_88, %dma_wait3A_89] : memref<10016x64xf32, #tpu.memory_space<hbm>> -> memref<10016x64xf32, #tpu.memory_space<hbm>>
    tpu.wait_indirect_dma semaphore(%arg17 : memref<!tpu.dma_semaphore, #tpu.memory_space<semaphore_mem>>) src(%dma_wait3A_90 : memref<10016x64xf32, #tpu.memory_space<hbm>>) dst(%arg12 : memref<128x64xf32, #tpu.memory_space<vmem>>)
    %dma_start3A_91 = arith.constant 79 : i32
    %dma_start3A_92 = arith.constant 0 : i32
    %dma_start3A_93 = tpu.memref_slice %arg8[%dma_start3A_91, %dma_start3A_92] : memref<80x128xi32, #tpu.memory_space<vmem>> -> memref<1x128xi32, #tpu.memory_space<vmem>>
    %dma_start3A_94 = tpu.memref_squeeze %dma_start3A_93 : memref<1x128xi32, #tpu.memory_space<vmem>> -> memref<128xi32, #tpu.memory_space<vmem>>
    %dma_start3A_95 = arith.constant 0 : i32
    %dma_start3A_96 = arith.constant 0 : i32
    %dma_start3A_97 = tpu.memref_slice %arg13[%dma_start3A_95, %dma_start3A_96] : memref<10000x64xf32, #tpu.memory_space<vmem_shared>> -> memref<10000x64xf32, #tpu.memory_space<vmem_shared>>
    tpu.enqueue_indirect_dma source(%arg12 : memref<128x64xf32, #tpu.memory_space<vmem>>) target(%dma_start3A_97 : memref<10000x64xf32, #tpu.memory_space<vmem_shared>>) offsets(%dma_start3A_94 : memref<128xi32, #tpu.memory_space<vmem>>) semaphore(%arg21 : memref<!tpu.dma_semaphore, #tpu.memory_space<semaphore_mem>>) {add = true}
    %dma_wait3A_98 = arith.constant 76 : i32
    %dma_wait3A_99 = arith.constant 0 : i32
    %dma_wait3A_100 = tpu.memref_slice %arg8[%dma_wait3A_98, %dma_wait3A_99] : memref<80x128xi32, #tpu.memory_space<vmem>> -> memref<1x128xi32, #tpu.memory_space<vmem>>
    %dma_wait3A_101 = tpu.memref_squeeze %dma_wait3A_100 : memref<1x128xi32, #tpu.memory_space<vmem>> -> memref<128xi32, #tpu.memory_space<vmem>>
    %dma_wait3A_102 = arith.constant 0 : i32
    %dma_wait3A_103 = arith.constant 0 : i32
    %dma_wait3A_104 = tpu.memref_slice %arg13[%dma_wait3A_102, %dma_wait3A_103] : memref<10000x64xf32, #tpu.memory_space<vmem_shared>> -> memref<10000x64xf32, #tpu.memory_space<vmem_shared>>
    tpu.wait_indirect_dma semaphore(%arg18 : memref<!tpu.dma_semaphore, #tpu.memory_space<semaphore_mem>>) src(%arg9 : memref<128x64xf32, #tpu.memory_space<vmem>>) dst(%dma_wait3A_104 : memref<10000x64xf32, #tpu.memory_space<vmem_shared>>)
    %dma_wait3A_105 = arith.constant 77 : i32
    %dma_wait3A_106 = arith.constant 0 : i32
    %dma_wait3A_107 = tpu.memref_slice %arg8[%dma_wait3A_105, %dma_wait3A_106] : memref<80x128xi32, #tpu.memory_space<vmem>> -> memref<1x128xi32, #tpu.memory_space<vmem>>
    %dma_wait3A_108 = tpu.memref_squeeze %dma_wait3A_107 : memref<1x128xi32, #tpu.memory_space<vmem>> -> memref<128xi32, #tpu.memory_space<vmem>>
    %dma_wait3A_109 = arith.constant 0 : i32
    %dma_wait3A_110 = arith.constant 0 : i32
    %dma_wait3A_111 = tpu.memref_slice %arg13[%dma_wait3A_109, %dma_wait3A_110] : memref<10000x64xf32, #tpu.memory_space<vmem_shared>> -> memref<10000x64xf32, #tpu.memory_space<vmem_shared>>
    tpu.wait_indirect_dma semaphore(%arg19 : memref<!tpu.dma_semaphore, #tpu.memory_space<semaphore_mem>>) src(%arg10 : memref<128x64xf32, #tpu.memory_space<vmem>>) dst(%dma_wait3A_111 : memref<10000x64xf32, #tpu.memory_space<vmem_shared>>)
    %dma_wait3A_112 = arith.constant 78 : i32
    %dma_wait3A_113 = arith.constant 0 : i32
    %dma_wait3A_114 = tpu.memref_slice %arg8[%dma_wait3A_112, %dma_wait3A_113] : memref<80x128xi32, #tpu.memory_space<vmem>> -> memref<1x128xi32, #tpu.memory_space<vmem>>
    %dma_wait3A_115 = tpu.memref_squeeze %dma_wait3A_114 : memref<1x128xi32, #tpu.memory_space<vmem>> -> memref<128xi32, #tpu.memory_space<vmem>>
    %dma_wait3A_116 = arith.constant 0 : i32
    %dma_wait3A_117 = arith.constant 0 : i32
    %dma_wait3A_118 = tpu.memref_slice %arg13[%dma_wait3A_116, %dma_wait3A_117] : memref<10000x64xf32, #tpu.memory_space<vmem_shared>> -> memref<10000x64xf32, #tpu.memory_space<vmem_shared>>
    tpu.wait_indirect_dma semaphore(%arg20 : memref<!tpu.dma_semaphore, #tpu.memory_space<semaphore_mem>>) src(%arg11 : memref<128x64xf32, #tpu.memory_space<vmem>>) dst(%dma_wait3A_118 : memref<10000x64xf32, #tpu.memory_space<vmem_shared>>)
    %dma_wait3A_119 = arith.constant 79 : i32
    %dma_wait3A_120 = arith.constant 0 : i32
    %dma_wait3A_121 = tpu.memref_slice %arg8[%dma_wait3A_119, %dma_wait3A_120] : memref<80x128xi32, #tpu.memory_space<vmem>> -> memref<1x128xi32, #tpu.memory_space<vmem>>
    %dma_wait3A_122 = tpu.memref_squeeze %dma_wait3A_121 : memref<1x128xi32, #tpu.memory_space<vmem>> -> memref<128xi32, #tpu.memory_space<vmem>>
    %dma_wait3A_123 = arith.constant 0 : i32
    %dma_wait3A_124 = arith.constant 0 : i32
    %dma_wait3A_125 = tpu.memref_slice %arg13[%dma_wait3A_123, %dma_wait3A_124] : memref<10000x64xf32, #tpu.memory_space<vmem_shared>> -> memref<10000x64xf32, #tpu.memory_space<vmem_shared>>
    tpu.wait_indirect_dma semaphore(%arg21 : memref<!tpu.dma_semaphore, #tpu.memory_space<semaphore_mem>>) src(%arg12 : memref<128x64xf32, #tpu.memory_space<vmem>>) dst(%dma_wait3A_125 : memref<10000x64xf32, #tpu.memory_space<vmem_shared>>)
    %barrier3A_126 = arith.constant 0 : index
    tpu.barrier barrier_id(%barrier3A_126)
    %lt3A_127 = arith.constant 15 : i32
    %lt3A_128 = arith.cmpi slt, %arg1, %lt3A_127 : i32
    %convert_element_type3A_129 = arith.extui %lt3A_128 : i1 to i32
    %cond3A_130 = arith.constant 0 : i32
    %cond3A_131 = arith.cmpi ne, %convert_element_type3A_129, %cond3A_130 : i32
    scf.if %cond3A_131 {
      %mul3A_137 = arith.constant 632 : i32
      %mul3A_138 = arith.muli %arg1, %mul3A_137 : i32
      %mul3A_139 = arith.constant 632 : i32
      %mul3A_140 = arith.muli %arg1, %mul3A_139 : i32
      "tpu.region"() ({
        %run_scoped3A = tpu.sem_alloc : memref<!tpu.dma_semaphore, #tpu.memory_space<semaphore_mem>>
        %dma_start3A_141 = arith.constant 0 : i32
        %dma_start3A_142 = tpu.memref_slice %arg6[%arg0, %mul3A_140, %dma_start3A_141] : memref<2x10016x64xf32, #tpu.memory_space<hbm>> -> memref<1x632x64xf32, #tpu.memory_space<hbm>>
        %dma_start3A_143 = tpu.memref_squeeze %dma_start3A_142 : memref<1x632x64xf32, #tpu.memory_space<hbm>> -> memref<632x64xf32, #tpu.memory_space<hbm>>
        %dma_start3A_144 = arith.constant 0 : i32
        %dma_start3A_145 = tpu.memref_slice %arg13[%mul3A_138, %dma_start3A_144] : memref<10000x64xf32, #tpu.memory_space<vmem_shared>> -> memref<632x64xf32, #tpu.memory_space<vmem_shared>>
        tpu.enqueue_dma source(%dma_start3A_145 : memref<632x64xf32, #tpu.memory_space<vmem_shared>>) target(%dma_start3A_143 : memref<632x64xf32, #tpu.memory_space<hbm>>) target_semaphore(%run_scoped3A : memref<!tpu.dma_semaphore, #tpu.memory_space<semaphore_mem>>)
        %dma_wait3A_146 = arith.constant 0 : i32
        %dma_wait3A_147 = tpu.memref_slice %arg6[%arg0, %mul3A_140, %dma_wait3A_146] : memref<2x10016x64xf32, #tpu.memory_space<hbm>> -> memref<1x632x64xf32, #tpu.memory_space<hbm>>
        %dma_wait3A_148 = tpu.memref_squeeze %dma_wait3A_147 : memref<1x632x64xf32, #tpu.memory_space<hbm>> -> memref<632x64xf32, #tpu.memory_space<hbm>>
        %dma_wait3A_149 = arith.constant 0 : i32
        %dma_wait3A_150 = tpu.memref_slice %arg13[%mul3A_138, %dma_wait3A_149] : memref<10000x64xf32, #tpu.memory_space<vmem_shared>> -> memref<632x64xf32, #tpu.memory_space<vmem_shared>>
        tpu.wait_dma2 semaphore(%run_scoped3A : memref<!tpu.dma_semaphore, #tpu.memory_space<semaphore_mem>>) src(%dma_wait3A_150 : memref<632x64xf32, #tpu.memory_space<vmem_shared>>) dst(%dma_wait3A_148 : memref<632x64xf32, #tpu.memory_space<hbm>>)
        tpu.yield
      }) : () -> ()
    } else {
    }
    %eq3A_132 = arith.constant 15 : i32
    %eq3A_133 = arith.cmpi eq, %arg1, %eq3A_132 : i32
    %convert_element_type3A_134 = arith.extui %eq3A_133 : i1 to i32
    %cond3A_135 = arith.constant 0 : i32
    %cond3A_136 = arith.cmpi ne, %convert_element_type3A_134, %cond3A_135 : i32
    scf.if %cond3A_136 {
      "tpu.region"() ({
        %run_scoped3A = tpu.sem_alloc : memref<!tpu.dma_semaphore, #tpu.memory_space<semaphore_mem>>
        %dma_start3A_137 = arith.constant 9480 : i32
        %dma_start3A_138 = arith.constant 0 : i32
        %dma_start3A_139 = tpu.memref_slice %arg6[%arg0, %dma_start3A_137, %dma_start3A_138] : memref<2x10016x64xf32, #tpu.memory_space<hbm>> -> memref<1x520x64xf32, #tpu.memory_space<hbm>>
        %dma_start3A_140 = tpu.memref_squeeze %dma_start3A_139 : memref<1x520x64xf32, #tpu.memory_space<hbm>> -> memref<520x64xf32, #tpu.memory_space<hbm>>
        %dma_start3A_141 = arith.constant 9480 : i32
        %dma_start3A_142 = arith.constant 0 : i32
        %dma_start3A_143 = tpu.memref_slice %arg13[%dma_start3A_141, %dma_start3A_142] : memref<10000x64xf32, #tpu.memory_space<vmem_shared>> -> memref<520x64xf32, #tpu.memory_space<vmem_shared>>
        tpu.enqueue_dma source(%dma_start3A_143 : memref<520x64xf32, #tpu.memory_space<vmem_shared>>) target(%dma_start3A_140 : memref<520x64xf32, #tpu.memory_space<hbm>>) target_semaphore(%run_scoped3A : memref<!tpu.dma_semaphore, #tpu.memory_space<semaphore_mem>>)
        %dma_wait3A_144 = arith.constant 9480 : i32
        %dma_wait3A_145 = arith.constant 0 : i32
        %dma_wait3A_146 = tpu.memref_slice %arg6[%arg0, %dma_wait3A_144, %dma_wait3A_145] : memref<2x10016x64xf32, #tpu.memory_space<hbm>> -> memref<1x520x64xf32, #tpu.memory_space<hbm>>
        %dma_wait3A_147 = tpu.memref_squeeze %dma_wait3A_146 : memref<1x520x64xf32, #tpu.memory_space<hbm>> -> memref<520x64xf32, #tpu.memory_space<hbm>>
        %dma_wait3A_148 = arith.constant 9480 : i32
        %dma_wait3A_149 = arith.constant 0 : i32
        %dma_wait3A_150 = tpu.memref_slice %arg13[%dma_wait3A_148, %dma_wait3A_149] : memref<10000x64xf32, #tpu.memory_space<vmem_shared>> -> memref<520x64xf32, #tpu.memory_space<vmem_shared>>
        tpu.wait_dma2 semaphore(%run_scoped3A : memref<!tpu.dma_semaphore, #tpu.memory_space<semaphore_mem>>) src(%dma_wait3A_150 : memref<520x64xf32, #tpu.memory_space<vmem_shared>>) dst(%dma_wait3A_147 : memref<520x64xf32, #tpu.memory_space<hbm>>)
        tpu.yield
      }) : () -> ()
    } else {
    }
    return
  }
}

#map = affine_map<(d0, d1) -> (0, 0)>
#map1 = affine_map<(d0, d1) -> (0, 0, 0)>
module attributes {stable_mosaic.version = 14 : i64} {
  func.func @_sc_agg_body(%arg0: i32, %arg1: i32, %arg2: memref<10016x64xf32, #tpu.memory_space<hbm>>, %arg3: memref<2560x128xi32, #tpu.memory_space<hbm>>, %arg4: memref<2560x128xi32, #tpu.memory_space<hbm>>, %arg5: memref<632x64xf32, #tpu.memory_space<hbm>>, %arg6: memref<2x10016x64xf32, #tpu.memory_space<hbm>>, %arg7: memref<80x128xi32, #tpu.memory_space<vmem>>, %arg8: memref<80x128xi32, #tpu.memory_space<vmem>>, %arg9: memref<128x64xf32, #tpu.memory_space<vmem>>, %arg10: memref<128x64xf32, #tpu.memory_space<vmem>>, %arg11: memref<128x64xf32, #tpu.memory_space<vmem>>, %arg12: memref<128x64xf32, #tpu.memory_space<vmem>>, %arg13: memref<10000x64xf32, #tpu.memory_space<vmem_shared>>, %arg14: memref<!tpu.dma_semaphore, #tpu.memory_space<semaphore_mem>>, %arg15: memref<!tpu.dma_semaphore, #tpu.memory_space<semaphore_mem>>, %arg16: memref<!tpu.dma_semaphore, #tpu.memory_space<semaphore_mem>>, %arg17: memref<!tpu.dma_semaphore, #tpu.memory_space<semaphore_mem>>, %arg18: memref<!tpu.dma_semaphore, #tpu.memory_space<semaphore_mem>>, %arg19: memref<!tpu.dma_semaphore, #tpu.memory_space<semaphore_mem>>, %arg20: memref<!tpu.dma_semaphore, #tpu.memory_space<semaphore_mem>>, %arg21: memref<!tpu.dma_semaphore, #tpu.memory_space<semaphore_mem>>) attributes {dimension_semantics = [#tpu.dimension_semantics<core_parallel>, #tpu.dimension_semantics<subcore_parallel>], iteration_bounds = array<i64: 2, 16>, scalar_prefetch = 0 : i64, scratch_operands = 15 : i64, tpu.core_type = #tpu.core_type<sc_vector_subcore>, window_params = [{transform_indices = #map}, {transform_indices = #map}, {transform_indices = #map}, {transform_indices = #map}, {transform_indices = #map1}]} {
    %mul3A = arith.constant 16 : i32
    %mul3A_0 = arith.muli %arg0, %mul3A : i32
    %add3A = arith.addi %mul3A_0, %arg1 : i32
    %mul3A_1 = arith.constant 80 : i32
    %mul3A_2 = arith.muli %add3A, %mul3A_1 : i32
    "tpu.region"() ({
      %run_scoped3A = tpu.sem_alloc : memref<!tpu.dma_semaphore, #tpu.memory_space<semaphore_mem>>
      %dma_start3A_137 = arith.constant 0 : i32
      %dma_start3A_138 = tpu.memref_slice %arg3[%mul3A_2, %dma_start3A_137] : memref<2560x128xi32, #tpu.memory_space<hbm>> -> memref<80x128xi32, #tpu.memory_space<hbm>>
      %dma_start3A_139 = arith.constant 0 : i32
      %dma_start3A_140 = tpu.memref_slice %arg3[%mul3A_2, %dma_start3A_139] : memref<2560x128xi32, #tpu.memory_space<hbm>> -> memref<80x128xi32, #tpu.memory_space<hbm>>
      tpu.enqueue_dma source(%dma_start3A_140 : memref<80x128xi32, #tpu.memory_space<hbm>>) target(%arg7 : memref<80x128xi32, #tpu.memory_space<vmem>>) target_semaphore(%run_scoped3A : memref<!tpu.dma_semaphore, #tpu.memory_space<semaphore_mem>>)
      %dma_wait3A_141 = arith.constant 0 : i32
      %dma_wait3A_142 = tpu.memref_slice %arg3[%mul3A_2, %dma_wait3A_141] : memref<2560x128xi32, #tpu.memory_space<hbm>> -> memref<80x128xi32, #tpu.memory_space<hbm>>
      %dma_wait3A_143 = arith.constant 0 : i32
      %dma_wait3A_144 = tpu.memref_slice %arg3[%mul3A_2, %dma_wait3A_143] : memref<2560x128xi32, #tpu.memory_space<hbm>> -> memref<80x128xi32, #tpu.memory_space<hbm>>
      tpu.wait_dma2 semaphore(%run_scoped3A : memref<!tpu.dma_semaphore, #tpu.memory_space<semaphore_mem>>) src(%dma_wait3A_144 : memref<80x128xi32, #tpu.memory_space<hbm>>) dst(%arg7 : memref<80x128xi32, #tpu.memory_space<vmem>>)
      tpu.yield
    }) : () -> ()
    %mul3A_3 = arith.constant 80 : i32
    %mul3A_4 = arith.muli %add3A, %mul3A_3 : i32
    "tpu.region"() ({
      %run_scoped3A = tpu.sem_alloc : memref<!tpu.dma_semaphore, #tpu.memory_space<semaphore_mem>>
      %dma_start3A_137 = arith.constant 0 : i32
      %dma_start3A_138 = tpu.memref_slice %arg4[%mul3A_4, %dma_start3A_137] : memref<2560x128xi32, #tpu.memory_space<hbm>> -> memref<80x128xi32, #tpu.memory_space<hbm>>
      %dma_start3A_139 = arith.constant 0 : i32
      %dma_start3A_140 = tpu.memref_slice %arg4[%mul3A_4, %dma_start3A_139] : memref<2560x128xi32, #tpu.memory_space<hbm>> -> memref<80x128xi32, #tpu.memory_space<hbm>>
      tpu.enqueue_dma source(%dma_start3A_140 : memref<80x128xi32, #tpu.memory_space<hbm>>) target(%arg8 : memref<80x128xi32, #tpu.memory_space<vmem>>) target_semaphore(%run_scoped3A : memref<!tpu.dma_semaphore, #tpu.memory_space<semaphore_mem>>)
      %dma_wait3A_141 = arith.constant 0 : i32
      %dma_wait3A_142 = tpu.memref_slice %arg4[%mul3A_4, %dma_wait3A_141] : memref<2560x128xi32, #tpu.memory_space<hbm>> -> memref<80x128xi32, #tpu.memory_space<hbm>>
      %dma_wait3A_143 = arith.constant 0 : i32
      %dma_wait3A_144 = tpu.memref_slice %arg4[%mul3A_4, %dma_wait3A_143] : memref<2560x128xi32, #tpu.memory_space<hbm>> -> memref<80x128xi32, #tpu.memory_space<hbm>>
      tpu.wait_dma2 semaphore(%run_scoped3A : memref<!tpu.dma_semaphore, #tpu.memory_space<semaphore_mem>>) src(%dma_wait3A_144 : memref<80x128xi32, #tpu.memory_space<hbm>>) dst(%arg8 : memref<80x128xi32, #tpu.memory_space<vmem>>)
      tpu.yield
    }) : () -> ()
    %lt3A = arith.constant 15 : i32
    %lt3A_5 = arith.cmpi slt, %arg1, %lt3A : i32
    %convert_element_type3A = arith.extui %lt3A_5 : i1 to i32
    %cond3A = arith.constant 0 : i32
    %cond3A_6 = arith.cmpi ne, %convert_element_type3A, %cond3A : i32
    scf.if %cond3A_6 {
      %mul3A_137 = arith.constant 632 : i32
      %mul3A_138 = arith.muli %arg1, %mul3A_137 : i32
      "tpu.region"() ({
        %run_scoped3A = tpu.sem_alloc : memref<!tpu.dma_semaphore, #tpu.memory_space<semaphore_mem>>
        %dma_start3A_139 = arith.constant 0 : i32
        %dma_start3A_140 = tpu.memref_slice %arg13[%mul3A_138, %dma_start3A_139] : memref<10000x64xf32, #tpu.memory_space<vmem_shared>> -> memref<632x64xf32, #tpu.memory_space<vmem_shared>>
        tpu.enqueue_dma source(%arg5 : memref<632x64xf32, #tpu.memory_space<hbm>>) target(%dma_start3A_140 : memref<632x64xf32, #tpu.memory_space<vmem_shared>>) target_semaphore(%run_scoped3A : memref<!tpu.dma_semaphore, #tpu.memory_space<semaphore_mem>>)
        %dma_wait3A_141 = arith.constant 0 : i32
        %dma_wait3A_142 = tpu.memref_slice %arg13[%mul3A_138, %dma_wait3A_141] : memref<10000x64xf32, #tpu.memory_space<vmem_shared>> -> memref<632x64xf32, #tpu.memory_space<vmem_shared>>
        tpu.wait_dma2 semaphore(%run_scoped3A : memref<!tpu.dma_semaphore, #tpu.memory_space<semaphore_mem>>) src(%arg5 : memref<632x64xf32, #tpu.memory_space<hbm>>) dst(%dma_wait3A_142 : memref<632x64xf32, #tpu.memory_space<vmem_shared>>)
        tpu.yield
      }) : () -> ()
    } else {
    }
    %eq3A = arith.constant 15 : i32
    %eq3A_7 = arith.cmpi eq, %arg1, %eq3A : i32
    %convert_element_type3A_8 = arith.extui %eq3A_7 : i1 to i32
    %cond3A_9 = arith.constant 0 : i32
    %cond3A_10 = arith.cmpi ne, %convert_element_type3A_8, %cond3A_9 : i32
    scf.if %cond3A_10 {
      "tpu.region"() ({
        %run_scoped3A = tpu.sem_alloc : memref<!tpu.dma_semaphore, #tpu.memory_space<semaphore_mem>>
        %dma_start3A_137 = arith.constant 9480 : i32
        %dma_start3A_138 = arith.constant 0 : i32
        %dma_start3A_139 = tpu.memref_slice %arg13[%dma_start3A_137, %dma_start3A_138] : memref<10000x64xf32, #tpu.memory_space<vmem_shared>> -> memref<520x64xf32, #tpu.memory_space<vmem_shared>>
        %dma_start3A_140 = arith.constant 0 : i32
        %dma_start3A_141 = arith.constant 0 : i32
        %dma_start3A_142 = tpu.memref_slice %arg5[%dma_start3A_140, %dma_start3A_141] : memref<632x64xf32, #tpu.memory_space<hbm>> -> memref<520x64xf32, #tpu.memory_space<hbm>>
        tpu.enqueue_dma source(%dma_start3A_142 : memref<520x64xf32, #tpu.memory_space<hbm>>) target(%dma_start3A_139 : memref<520x64xf32, #tpu.memory_space<vmem_shared>>) target_semaphore(%run_scoped3A : memref<!tpu.dma_semaphore, #tpu.memory_space<semaphore_mem>>)
        %dma_wait3A_143 = arith.constant 9480 : i32
        %dma_wait3A_144 = arith.constant 0 : i32
        %dma_wait3A_145 = tpu.memref_slice %arg13[%dma_wait3A_143, %dma_wait3A_144] : memref<10000x64xf32, #tpu.memory_space<vmem_shared>> -> memref<520x64xf32, #tpu.memory_space<vmem_shared>>
        %dma_wait3A_146 = arith.constant 0 : i32
        %dma_wait3A_147 = arith.constant 0 : i32
        %dma_wait3A_148 = tpu.memref_slice %arg5[%dma_wait3A_146, %dma_wait3A_147] : memref<632x64xf32, #tpu.memory_space<hbm>> -> memref<520x64xf32, #tpu.memory_space<hbm>>
        tpu.wait_dma2 semaphore(%run_scoped3A : memref<!tpu.dma_semaphore, #tpu.memory_space<semaphore_mem>>) src(%dma_wait3A_148 : memref<520x64xf32, #tpu.memory_space<hbm>>) dst(%dma_wait3A_145 : memref<520x64xf32, #tpu.memory_space<vmem_shared>>)
        tpu.yield
      }) : () -> ()
    } else {
    }
    %barrier3A = arith.constant 0 : index
    tpu.barrier barrier_id(%barrier3A)
    %dma_start3A = arith.constant 0 : i32
    %dma_start3A_11 = arith.constant 0 : i32
    %dma_start3A_12 = tpu.memref_slice %arg7[%dma_start3A, %dma_start3A_11] : memref<80x128xi32, #tpu.memory_space<vmem>> -> memref<1x128xi32, #tpu.memory_space<vmem>>
    %dma_start3A_13 = tpu.memref_squeeze %dma_start3A_12 : memref<1x128xi32, #tpu.memory_space<vmem>> -> memref<128xi32, #tpu.memory_space<vmem>>
    %dma_start3A_14 = arith.constant 0 : i32
    %dma_start3A_15 = arith.constant 0 : i32
    %dma_start3A_16 = tpu.memref_slice %arg2[%dma_start3A_14, %dma_start3A_15] : memref<10016x64xf32, #tpu.memory_space<hbm>> -> memref<10016x64xf32, #tpu.memory_space<hbm>>
    tpu.enqueue_indirect_dma source(%dma_start3A_16 : memref<10016x64xf32, #tpu.memory_space<hbm>>) target(%arg9 : memref<128x64xf32, #tpu.memory_space<vmem>>) offsets(%dma_start3A_13 : memref<128xi32, #tpu.memory_space<vmem>>) semaphore(%arg14 : memref<!tpu.dma_semaphore, #tpu.memory_space<semaphore_mem>>)
    %dma_start3A_17 = arith.constant 1 : i32
    %dma_start3A_18 = arith.constant 0 : i32
    %dma_start3A_19 = tpu.memref_slice %arg7[%dma_start3A_17, %dma_start3A_18] : memref<80x128xi32, #tpu.memory_space<vmem>> -> memref<1x128xi32, #tpu.memory_space<vmem>>
    %dma_start3A_20 = tpu.memref_squeeze %dma_start3A_19 : memref<1x128xi32, #tpu.memory_space<vmem>> -> memref<128xi32, #tpu.memory_space<vmem>>
    %dma_start3A_21 = arith.constant 0 : i32
    %dma_start3A_22 = arith.constant 0 : i32
    %dma_start3A_23 = tpu.memref_slice %arg2[%dma_start3A_21, %dma_start3A_22] : memref<10016x64xf32, #tpu.memory_space<hbm>> -> memref<10016x64xf32, #tpu.memory_space<hbm>>
    tpu.enqueue_indirect_dma source(%dma_start3A_23 : memref<10016x64xf32, #tpu.memory_space<hbm>>) target(%arg10 : memref<128x64xf32, #tpu.memory_space<vmem>>) offsets(%dma_start3A_20 : memref<128xi32, #tpu.memory_space<vmem>>) semaphore(%arg15 : memref<!tpu.dma_semaphore, #tpu.memory_space<semaphore_mem>>)
    %dma_start3A_24 = arith.constant 2 : i32
    %dma_start3A_25 = arith.constant 0 : i32
    %dma_start3A_26 = tpu.memref_slice %arg7[%dma_start3A_24, %dma_start3A_25] : memref<80x128xi32, #tpu.memory_space<vmem>> -> memref<1x128xi32, #tpu.memory_space<vmem>>
    %dma_start3A_27 = tpu.memref_squeeze %dma_start3A_26 : memref<1x128xi32, #tpu.memory_space<vmem>> -> memref<128xi32, #tpu.memory_space<vmem>>
    %dma_start3A_28 = arith.constant 0 : i32
    %dma_start3A_29 = arith.constant 0 : i32
    %dma_start3A_30 = tpu.memref_slice %arg2[%dma_start3A_28, %dma_start3A_29] : memref<10016x64xf32, #tpu.memory_space<hbm>> -> memref<10016x64xf32, #tpu.memory_space<hbm>>
    tpu.enqueue_indirect_dma source(%dma_start3A_30 : memref<10016x64xf32, #tpu.memory_space<hbm>>) target(%arg11 : memref<128x64xf32, #tpu.memory_space<vmem>>) offsets(%dma_start3A_27 : memref<128xi32, #tpu.memory_space<vmem>>) semaphore(%arg16 : memref<!tpu.dma_semaphore, #tpu.memory_space<semaphore_mem>>)
    %dma_start3A_31 = arith.constant 3 : i32
    %dma_start3A_32 = arith.constant 0 : i32
    %dma_start3A_33 = tpu.memref_slice %arg7[%dma_start3A_31, %dma_start3A_32] : memref<80x128xi32, #tpu.memory_space<vmem>> -> memref<1x128xi32, #tpu.memory_space<vmem>>
    %dma_start3A_34 = tpu.memref_squeeze %dma_start3A_33 : memref<1x128xi32, #tpu.memory_space<vmem>> -> memref<128xi32, #tpu.memory_space<vmem>>
    %dma_start3A_35 = arith.constant 0 : i32
    %dma_start3A_36 = arith.constant 0 : i32
    %dma_start3A_37 = tpu.memref_slice %arg2[%dma_start3A_35, %dma_start3A_36] : memref<10016x64xf32, #tpu.memory_space<hbm>> -> memref<10016x64xf32, #tpu.memory_space<hbm>>
    tpu.enqueue_indirect_dma source(%dma_start3A_37 : memref<10016x64xf32, #tpu.memory_space<hbm>>) target(%arg12 : memref<128x64xf32, #tpu.memory_space<vmem>>) offsets(%dma_start3A_34 : memref<128xi32, #tpu.memory_space<vmem>>) semaphore(%arg17 : memref<!tpu.dma_semaphore, #tpu.memory_space<semaphore_mem>>)
    %scan3A = arith.constant 0 : i32
    %scan3A_38 = arith.constant 0 : i32
    %scan3A_39 = arith.constant 19 : i32
    %scan3A_40 = arith.addi %scan3A_38, %scan3A_39 : i32
    %scan3A_41 = arith.constant 1 : i32
    scf.for %scan3A_137 = %scan3A_38 to %scan3A_40 step %scan3A_41  : i32 {
      %mul3A_138 = arith.constant 4 : i32
      %mul3A_139 = arith.muli %mul3A_138, %scan3A_137 : i32
      %add3A_140 = arith.constant 0 : i32
      %add3A_141 = arith.addi %mul3A_139, %add3A_140 : i32
      %dma_wait3A_142 = arith.constant 0 : i32
      %dma_wait3A_143 = tpu.memref_slice %arg7[%add3A_141, %dma_wait3A_142] : memref<80x128xi32, #tpu.memory_space<vmem>> -> memref<1x128xi32, #tpu.memory_space<vmem>>
      %dma_wait3A_144 = tpu.memref_squeeze %dma_wait3A_143 : memref<1x128xi32, #tpu.memory_space<vmem>> -> memref<128xi32, #tpu.memory_space<vmem>>
      %dma_wait3A_145 = arith.constant 0 : i32
      %dma_wait3A_146 = arith.constant 0 : i32
      %dma_wait3A_147 = tpu.memref_slice %arg2[%dma_wait3A_145, %dma_wait3A_146] : memref<10016x64xf32, #tpu.memory_space<hbm>> -> memref<10016x64xf32, #tpu.memory_space<hbm>>
      tpu.wait_indirect_dma semaphore(%arg14 : memref<!tpu.dma_semaphore, #tpu.memory_space<semaphore_mem>>) src(%dma_wait3A_147 : memref<10016x64xf32, #tpu.memory_space<hbm>>) dst(%arg9 : memref<128x64xf32, #tpu.memory_space<vmem>>)
      %add3A_148 = arith.constant 0 : i32
      %add3A_149 = arith.addi %mul3A_139, %add3A_148 : i32
      %dma_start3A_150 = arith.constant 0 : i32
      %dma_start3A_151 = tpu.memref_slice %arg8[%add3A_149, %dma_start3A_150] : memref<80x128xi32, #tpu.memory_space<vmem>> -> memref<1x128xi32, #tpu.memory_space<vmem>>
      %dma_start3A_152 = tpu.memref_squeeze %dma_start3A_151 : memref<1x128xi32, #tpu.memory_space<vmem>> -> memref<128xi32, #tpu.memory_space<vmem>>
      %dma_start3A_153 = arith.constant 0 : i32
      %dma_start3A_154 = arith.constant 0 : i32
      %dma_start3A_155 = tpu.memref_slice %arg13[%dma_start3A_153, %dma_start3A_154] : memref<10000x64xf32, #tpu.memory_space<vmem_shared>> -> memref<10000x64xf32, #tpu.memory_space<vmem_shared>>
      tpu.enqueue_indirect_dma source(%arg9 : memref<128x64xf32, #tpu.memory_space<vmem>>) target(%dma_start3A_155 : memref<10000x64xf32, #tpu.memory_space<vmem_shared>>) offsets(%dma_start3A_152 : memref<128xi32, #tpu.memory_space<vmem>>) semaphore(%arg18 : memref<!tpu.dma_semaphore, #tpu.memory_space<semaphore_mem>>) {add = true}
      %add3A_156 = arith.constant 1 : i32
      %add3A_157 = arith.addi %mul3A_139, %add3A_156 : i32
      %dma_wait3A_158 = arith.constant 0 : i32
      %dma_wait3A_159 = tpu.memref_slice %arg7[%add3A_157, %dma_wait3A_158] : memref<80x128xi32, #tpu.memory_space<vmem>> -> memref<1x128xi32, #tpu.memory_space<vmem>>
      %dma_wait3A_160 = tpu.memref_squeeze %dma_wait3A_159 : memref<1x128xi32, #tpu.memory_space<vmem>> -> memref<128xi32, #tpu.memory_space<vmem>>
      %dma_wait3A_161 = arith.constant 0 : i32
      %dma_wait3A_162 = arith.constant 0 : i32
      %dma_wait3A_163 = tpu.memref_slice %arg2[%dma_wait3A_161, %dma_wait3A_162] : memref<10016x64xf32, #tpu.memory_space<hbm>> -> memref<10016x64xf32, #tpu.memory_space<hbm>>
      tpu.wait_indirect_dma semaphore(%arg15 : memref<!tpu.dma_semaphore, #tpu.memory_space<semaphore_mem>>) src(%dma_wait3A_163 : memref<10016x64xf32, #tpu.memory_space<hbm>>) dst(%arg10 : memref<128x64xf32, #tpu.memory_space<vmem>>)
      %add3A_164 = arith.constant 1 : i32
      %add3A_165 = arith.addi %mul3A_139, %add3A_164 : i32
      %dma_start3A_166 = arith.constant 0 : i32
      %dma_start3A_167 = tpu.memref_slice %arg8[%add3A_165, %dma_start3A_166] : memref<80x128xi32, #tpu.memory_space<vmem>> -> memref<1x128xi32, #tpu.memory_space<vmem>>
      %dma_start3A_168 = tpu.memref_squeeze %dma_start3A_167 : memref<1x128xi32, #tpu.memory_space<vmem>> -> memref<128xi32, #tpu.memory_space<vmem>>
      %dma_start3A_169 = arith.constant 0 : i32
      %dma_start3A_170 = arith.constant 0 : i32
      %dma_start3A_171 = tpu.memref_slice %arg13[%dma_start3A_169, %dma_start3A_170] : memref<10000x64xf32, #tpu.memory_space<vmem_shared>> -> memref<10000x64xf32, #tpu.memory_space<vmem_shared>>
      tpu.enqueue_indirect_dma source(%arg10 : memref<128x64xf32, #tpu.memory_space<vmem>>) target(%dma_start3A_171 : memref<10000x64xf32, #tpu.memory_space<vmem_shared>>) offsets(%dma_start3A_168 : memref<128xi32, #tpu.memory_space<vmem>>) semaphore(%arg19 : memref<!tpu.dma_semaphore, #tpu.memory_space<semaphore_mem>>) {add = true}
      %add3A_172 = arith.constant 2 : i32
      %add3A_173 = arith.addi %mul3A_139, %add3A_172 : i32
      %dma_wait3A_174 = arith.constant 0 : i32
      %dma_wait3A_175 = tpu.memref_slice %arg7[%add3A_173, %dma_wait3A_174] : memref<80x128xi32, #tpu.memory_space<vmem>> -> memref<1x128xi32, #tpu.memory_space<vmem>>
      %dma_wait3A_176 = tpu.memref_squeeze %dma_wait3A_175 : memref<1x128xi32, #tpu.memory_space<vmem>> -> memref<128xi32, #tpu.memory_space<vmem>>
      %dma_wait3A_177 = arith.constant 0 : i32
      %dma_wait3A_178 = arith.constant 0 : i32
      %dma_wait3A_179 = tpu.memref_slice %arg2[%dma_wait3A_177, %dma_wait3A_178] : memref<10016x64xf32, #tpu.memory_space<hbm>> -> memref<10016x64xf32, #tpu.memory_space<hbm>>
      tpu.wait_indirect_dma semaphore(%arg16 : memref<!tpu.dma_semaphore, #tpu.memory_space<semaphore_mem>>) src(%dma_wait3A_179 : memref<10016x64xf32, #tpu.memory_space<hbm>>) dst(%arg11 : memref<128x64xf32, #tpu.memory_space<vmem>>)
      %add3A_180 = arith.constant 2 : i32
      %add3A_181 = arith.addi %mul3A_139, %add3A_180 : i32
      %dma_start3A_182 = arith.constant 0 : i32
      %dma_start3A_183 = tpu.memref_slice %arg8[%add3A_181, %dma_start3A_182] : memref<80x128xi32, #tpu.memory_space<vmem>> -> memref<1x128xi32, #tpu.memory_space<vmem>>
      %dma_start3A_184 = tpu.memref_squeeze %dma_start3A_183 : memref<1x128xi32, #tpu.memory_space<vmem>> -> memref<128xi32, #tpu.memory_space<vmem>>
      %dma_start3A_185 = arith.constant 0 : i32
      %dma_start3A_186 = arith.constant 0 : i32
      %dma_start3A_187 = tpu.memref_slice %arg13[%dma_start3A_185, %dma_start3A_186] : memref<10000x64xf32, #tpu.memory_space<vmem_shared>> -> memref<10000x64xf32, #tpu.memory_space<vmem_shared>>
      tpu.enqueue_indirect_dma source(%arg11 : memref<128x64xf32, #tpu.memory_space<vmem>>) target(%dma_start3A_187 : memref<10000x64xf32, #tpu.memory_space<vmem_shared>>) offsets(%dma_start3A_184 : memref<128xi32, #tpu.memory_space<vmem>>) semaphore(%arg20 : memref<!tpu.dma_semaphore, #tpu.memory_space<semaphore_mem>>) {add = true}
      %add3A_188 = arith.constant 3 : i32
      %add3A_189 = arith.addi %mul3A_139, %add3A_188 : i32
      %dma_wait3A_190 = arith.constant 0 : i32
      %dma_wait3A_191 = tpu.memref_slice %arg7[%add3A_189, %dma_wait3A_190] : memref<80x128xi32, #tpu.memory_space<vmem>> -> memref<1x128xi32, #tpu.memory_space<vmem>>
      %dma_wait3A_192 = tpu.memref_squeeze %dma_wait3A_191 : memref<1x128xi32, #tpu.memory_space<vmem>> -> memref<128xi32, #tpu.memory_space<vmem>>
      %dma_wait3A_193 = arith.constant 0 : i32
      %dma_wait3A_194 = arith.constant 0 : i32
      %dma_wait3A_195 = tpu.memref_slice %arg2[%dma_wait3A_193, %dma_wait3A_194] : memref<10016x64xf32, #tpu.memory_space<hbm>> -> memref<10016x64xf32, #tpu.memory_space<hbm>>
      tpu.wait_indirect_dma semaphore(%arg17 : memref<!tpu.dma_semaphore, #tpu.memory_space<semaphore_mem>>) src(%dma_wait3A_195 : memref<10016x64xf32, #tpu.memory_space<hbm>>) dst(%arg12 : memref<128x64xf32, #tpu.memory_space<vmem>>)
      %add3A_196 = arith.constant 3 : i32
      %add3A_197 = arith.addi %mul3A_139, %add3A_196 : i32
      %dma_start3A_198 = arith.constant 0 : i32
      %dma_start3A_199 = tpu.memref_slice %arg8[%add3A_197, %dma_start3A_198] : memref<80x128xi32, #tpu.memory_space<vmem>> -> memref<1x128xi32, #tpu.memory_space<vmem>>
      %dma_start3A_200 = tpu.memref_squeeze %dma_start3A_199 : memref<1x128xi32, #tpu.memory_space<vmem>> -> memref<128xi32, #tpu.memory_space<vmem>>
      %dma_start3A_201 = arith.constant 0 : i32
      %dma_start3A_202 = arith.constant 0 : i32
      %dma_start3A_203 = tpu.memref_slice %arg13[%dma_start3A_201, %dma_start3A_202] : memref<10000x64xf32, #tpu.memory_space<vmem_shared>> -> memref<10000x64xf32, #tpu.memory_space<vmem_shared>>
      tpu.enqueue_indirect_dma source(%arg12 : memref<128x64xf32, #tpu.memory_space<vmem>>) target(%dma_start3A_203 : memref<10000x64xf32, #tpu.memory_space<vmem_shared>>) offsets(%dma_start3A_200 : memref<128xi32, #tpu.memory_space<vmem>>) semaphore(%arg21 : memref<!tpu.dma_semaphore, #tpu.memory_space<semaphore_mem>>) {add = true}
      %add3A_204 = arith.constant 0 : i32
      %add3A_205 = arith.addi %mul3A_139, %add3A_204 : i32
      %dma_wait3A_206 = arith.constant 0 : i32
      %dma_wait3A_207 = tpu.memref_slice %arg8[%add3A_205, %dma_wait3A_206] : memref<80x128xi32, #tpu.memory_space<vmem>> -> memref<1x128xi32, #tpu.memory_space<vmem>>
      %dma_wait3A_208 = tpu.memref_squeeze %dma_wait3A_207 : memref<1x128xi32, #tpu.memory_space<vmem>> -> memref<128xi32, #tpu.memory_space<vmem>>
      %dma_wait3A_209 = arith.constant 0 : i32
      %dma_wait3A_210 = arith.constant 0 : i32
      %dma_wait3A_211 = tpu.memref_slice %arg13[%dma_wait3A_209, %dma_wait3A_210] : memref<10000x64xf32, #tpu.memory_space<vmem_shared>> -> memref<10000x64xf32, #tpu.memory_space<vmem_shared>>
      tpu.wait_indirect_dma semaphore(%arg18 : memref<!tpu.dma_semaphore, #tpu.memory_space<semaphore_mem>>) src(%arg9 : memref<128x64xf32, #tpu.memory_space<vmem>>) dst(%dma_wait3A_211 : memref<10000x64xf32, #tpu.memory_space<vmem_shared>>)
      %add3A_212 = arith.constant 4 : i32
      %add3A_213 = arith.addi %mul3A_139, %add3A_212 : i32
      %add3A_214 = arith.constant 0 : i32
      %add3A_215 = arith.addi %add3A_213, %add3A_214 : i32
      %dma_start3A_216 = arith.constant 0 : i32
      %dma_start3A_217 = tpu.memref_slice %arg7[%add3A_215, %dma_start3A_216] : memref<80x128xi32, #tpu.memory_space<vmem>> -> memref<1x128xi32, #tpu.memory_space<vmem>>
      %dma_start3A_218 = tpu.memref_squeeze %dma_start3A_217 : memref<1x128xi32, #tpu.memory_space<vmem>> -> memref<128xi32, #tpu.memory_space<vmem>>
      %dma_start3A_219 = arith.constant 0 : i32
      %dma_start3A_220 = arith.constant 0 : i32
      %dma_start3A_221 = tpu.memref_slice %arg2[%dma_start3A_219, %dma_start3A_220] : memref<10016x64xf32, #tpu.memory_space<hbm>> -> memref<10016x64xf32, #tpu.memory_space<hbm>>
      tpu.enqueue_indirect_dma source(%dma_start3A_221 : memref<10016x64xf32, #tpu.memory_space<hbm>>) target(%arg9 : memref<128x64xf32, #tpu.memory_space<vmem>>) offsets(%dma_start3A_218 : memref<128xi32, #tpu.memory_space<vmem>>) semaphore(%arg14 : memref<!tpu.dma_semaphore, #tpu.memory_space<semaphore_mem>>)
      %add3A_222 = arith.constant 1 : i32
      %add3A_223 = arith.addi %mul3A_139, %add3A_222 : i32
      %dma_wait3A_224 = arith.constant 0 : i32
      %dma_wait3A_225 = tpu.memref_slice %arg8[%add3A_223, %dma_wait3A_224] : memref<80x128xi32, #tpu.memory_space<vmem>> -> memref<1x128xi32, #tpu.memory_space<vmem>>
      %dma_wait3A_226 = tpu.memref_squeeze %dma_wait3A_225 : memref<1x128xi32, #tpu.memory_space<vmem>> -> memref<128xi32, #tpu.memory_space<vmem>>
      %dma_wait3A_227 = arith.constant 0 : i32
      %dma_wait3A_228 = arith.constant 0 : i32
      %dma_wait3A_229 = tpu.memref_slice %arg13[%dma_wait3A_227, %dma_wait3A_228] : memref<10000x64xf32, #tpu.memory_space<vmem_shared>> -> memref<10000x64xf32, #tpu.memory_space<vmem_shared>>
      tpu.wait_indirect_dma semaphore(%arg19 : memref<!tpu.dma_semaphore, #tpu.memory_space<semaphore_mem>>) src(%arg10 : memref<128x64xf32, #tpu.memory_space<vmem>>) dst(%dma_wait3A_229 : memref<10000x64xf32, #tpu.memory_space<vmem_shared>>)
      %add3A_230 = arith.constant 4 : i32
      %add3A_231 = arith.addi %mul3A_139, %add3A_230 : i32
      %add3A_232 = arith.constant 1 : i32
      %add3A_233 = arith.addi %add3A_231, %add3A_232 : i32
      %dma_start3A_234 = arith.constant 0 : i32
      %dma_start3A_235 = tpu.memref_slice %arg7[%add3A_233, %dma_start3A_234] : memref<80x128xi32, #tpu.memory_space<vmem>> -> memref<1x128xi32, #tpu.memory_space<vmem>>
      %dma_start3A_236 = tpu.memref_squeeze %dma_start3A_235 : memref<1x128xi32, #tpu.memory_space<vmem>> -> memref<128xi32, #tpu.memory_space<vmem>>
      %dma_start3A_237 = arith.constant 0 : i32
      %dma_start3A_238 = arith.constant 0 : i32
      %dma_start3A_239 = tpu.memref_slice %arg2[%dma_start3A_237, %dma_start3A_238] : memref<10016x64xf32, #tpu.memory_space<hbm>> -> memref<10016x64xf32, #tpu.memory_space<hbm>>
      tpu.enqueue_indirect_dma source(%dma_start3A_239 : memref<10016x64xf32, #tpu.memory_space<hbm>>) target(%arg10 : memref<128x64xf32, #tpu.memory_space<vmem>>) offsets(%dma_start3A_236 : memref<128xi32, #tpu.memory_space<vmem>>) semaphore(%arg15 : memref<!tpu.dma_semaphore, #tpu.memory_space<semaphore_mem>>)
      %add3A_240 = arith.constant 2 : i32
      %add3A_241 = arith.addi %mul3A_139, %add3A_240 : i32
      %dma_wait3A_242 = arith.constant 0 : i32
      %dma_wait3A_243 = tpu.memref_slice %arg8[%add3A_241, %dma_wait3A_242] : memref<80x128xi32, #tpu.memory_space<vmem>> -> memref<1x128xi32, #tpu.memory_space<vmem>>
      %dma_wait3A_244 = tpu.memref_squeeze %dma_wait3A_243 : memref<1x128xi32, #tpu.memory_space<vmem>> -> memref<128xi32, #tpu.memory_space<vmem>>
      %dma_wait3A_245 = arith.constant 0 : i32
      %dma_wait3A_246 = arith.constant 0 : i32
      %dma_wait3A_247 = tpu.memref_slice %arg13[%dma_wait3A_245, %dma_wait3A_246] : memref<10000x64xf32, #tpu.memory_space<vmem_shared>> -> memref<10000x64xf32, #tpu.memory_space<vmem_shared>>
      tpu.wait_indirect_dma semaphore(%arg20 : memref<!tpu.dma_semaphore, #tpu.memory_space<semaphore_mem>>) src(%arg11 : memref<128x64xf32, #tpu.memory_space<vmem>>) dst(%dma_wait3A_247 : memref<10000x64xf32, #tpu.memory_space<vmem_shared>>)
      %add3A_248 = arith.constant 4 : i32
      %add3A_249 = arith.addi %mul3A_139, %add3A_248 : i32
      %add3A_250 = arith.constant 2 : i32
      %add3A_251 = arith.addi %add3A_249, %add3A_250 : i32
      %dma_start3A_252 = arith.constant 0 : i32
      %dma_start3A_253 = tpu.memref_slice %arg7[%add3A_251, %dma_start3A_252] : memref<80x128xi32, #tpu.memory_space<vmem>> -> memref<1x128xi32, #tpu.memory_space<vmem>>
      %dma_start3A_254 = tpu.memref_squeeze %dma_start3A_253 : memref<1x128xi32, #tpu.memory_space<vmem>> -> memref<128xi32, #tpu.memory_space<vmem>>
      %dma_start3A_255 = arith.constant 0 : i32
      %dma_start3A_256 = arith.constant 0 : i32
      %dma_start3A_257 = tpu.memref_slice %arg2[%dma_start3A_255, %dma_start3A_256] : memref<10016x64xf32, #tpu.memory_space<hbm>> -> memref<10016x64xf32, #tpu.memory_space<hbm>>
      tpu.enqueue_indirect_dma source(%dma_start3A_257 : memref<10016x64xf32, #tpu.memory_space<hbm>>) target(%arg11 : memref<128x64xf32, #tpu.memory_space<vmem>>) offsets(%dma_start3A_254 : memref<128xi32, #tpu.memory_space<vmem>>) semaphore(%arg16 : memref<!tpu.dma_semaphore, #tpu.memory_space<semaphore_mem>>)
      %add3A_258 = arith.constant 3 : i32
      %add3A_259 = arith.addi %mul3A_139, %add3A_258 : i32
      %dma_wait3A_260 = arith.constant 0 : i32
      %dma_wait3A_261 = tpu.memref_slice %arg8[%add3A_259, %dma_wait3A_260] : memref<80x128xi32, #tpu.memory_space<vmem>> -> memref<1x128xi32, #tpu.memory_space<vmem>>
      %dma_wait3A_262 = tpu.memref_squeeze %dma_wait3A_261 : memref<1x128xi32, #tpu.memory_space<vmem>> -> memref<128xi32, #tpu.memory_space<vmem>>
      %dma_wait3A_263 = arith.constant 0 : i32
      %dma_wait3A_264 = arith.constant 0 : i32
      %dma_wait3A_265 = tpu.memref_slice %arg13[%dma_wait3A_263, %dma_wait3A_264] : memref<10000x64xf32, #tpu.memory_space<vmem_shared>> -> memref<10000x64xf32, #tpu.memory_space<vmem_shared>>
      tpu.wait_indirect_dma semaphore(%arg21 : memref<!tpu.dma_semaphore, #tpu.memory_space<semaphore_mem>>) src(%arg12 : memref<128x64xf32, #tpu.memory_space<vmem>>) dst(%dma_wait3A_265 : memref<10000x64xf32, #tpu.memory_space<vmem_shared>>)
      %add3A_266 = arith.constant 4 : i32
      %add3A_267 = arith.addi %mul3A_139, %add3A_266 : i32
      %add3A_268 = arith.constant 3 : i32
      %add3A_269 = arith.addi %add3A_267, %add3A_268 : i32
      %dma_start3A_270 = arith.constant 0 : i32
      %dma_start3A_271 = tpu.memref_slice %arg7[%add3A_269, %dma_start3A_270] : memref<80x128xi32, #tpu.memory_space<vmem>> -> memref<1x128xi32, #tpu.memory_space<vmem>>
      %dma_start3A_272 = tpu.memref_squeeze %dma_start3A_271 : memref<1x128xi32, #tpu.memory_space<vmem>> -> memref<128xi32, #tpu.memory_space<vmem>>
      %dma_start3A_273 = arith.constant 0 : i32
      %dma_start3A_274 = arith.constant 0 : i32
      %dma_start3A_275 = tpu.memref_slice %arg2[%dma_start3A_273, %dma_start3A_274] : memref<10016x64xf32, #tpu.memory_space<hbm>> -> memref<10016x64xf32, #tpu.memory_space<hbm>>
      tpu.enqueue_indirect_dma source(%dma_start3A_275 : memref<10016x64xf32, #tpu.memory_space<hbm>>) target(%arg12 : memref<128x64xf32, #tpu.memory_space<vmem>>) offsets(%dma_start3A_272 : memref<128xi32, #tpu.memory_space<vmem>>) semaphore(%arg17 : memref<!tpu.dma_semaphore, #tpu.memory_space<semaphore_mem>>)
    }
    %scan3A_42 = arith.constant 19 : i32
    %dma_wait3A = arith.constant 76 : i32
    %dma_wait3A_43 = arith.constant 0 : i32
    %dma_wait3A_44 = tpu.memref_slice %arg7[%dma_wait3A, %dma_wait3A_43] : memref<80x128xi32, #tpu.memory_space<vmem>> -> memref<1x128xi32, #tpu.memory_space<vmem>>
    %dma_wait3A_45 = tpu.memref_squeeze %dma_wait3A_44 : memref<1x128xi32, #tpu.memory_space<vmem>> -> memref<128xi32, #tpu.memory_space<vmem>>
    %dma_wait3A_46 = arith.constant 0 : i32
    %dma_wait3A_47 = arith.constant 0 : i32
    %dma_wait3A_48 = tpu.memref_slice %arg2[%dma_wait3A_46, %dma_wait3A_47] : memref<10016x64xf32, #tpu.memory_space<hbm>> -> memref<10016x64xf32, #tpu.memory_space<hbm>>
    tpu.wait_indirect_dma semaphore(%arg14 : memref<!tpu.dma_semaphore, #tpu.memory_space<semaphore_mem>>) src(%dma_wait3A_48 : memref<10016x64xf32, #tpu.memory_space<hbm>>) dst(%arg9 : memref<128x64xf32, #tpu.memory_space<vmem>>)
    %dma_start3A_49 = arith.constant 76 : i32
    %dma_start3A_50 = arith.constant 0 : i32
    %dma_start3A_51 = tpu.memref_slice %arg8[%dma_start3A_49, %dma_start3A_50] : memref<80x128xi32, #tpu.memory_space<vmem>> -> memref<1x128xi32, #tpu.memory_space<vmem>>
    %dma_start3A_52 = tpu.memref_squeeze %dma_start3A_51 : memref<1x128xi32, #tpu.memory_space<vmem>> -> memref<128xi32, #tpu.memory_space<vmem>>
    %dma_start3A_53 = arith.constant 0 : i32
    %dma_start3A_54 = arith.constant 0 : i32
    %dma_start3A_55 = tpu.memref_slice %arg13[%dma_start3A_53, %dma_start3A_54] : memref<10000x64xf32, #tpu.memory_space<vmem_shared>> -> memref<10000x64xf32, #tpu.memory_space<vmem_shared>>
    tpu.enqueue_indirect_dma source(%arg9 : memref<128x64xf32, #tpu.memory_space<vmem>>) target(%dma_start3A_55 : memref<10000x64xf32, #tpu.memory_space<vmem_shared>>) offsets(%dma_start3A_52 : memref<128xi32, #tpu.memory_space<vmem>>) semaphore(%arg18 : memref<!tpu.dma_semaphore, #tpu.memory_space<semaphore_mem>>) {add = true}
    %dma_wait3A_56 = arith.constant 77 : i32
    %dma_wait3A_57 = arith.constant 0 : i32
    %dma_wait3A_58 = tpu.memref_slice %arg7[%dma_wait3A_56, %dma_wait3A_57] : memref<80x128xi32, #tpu.memory_space<vmem>> -> memref<1x128xi32, #tpu.memory_space<vmem>>
    %dma_wait3A_59 = tpu.memref_squeeze %dma_wait3A_58 : memref<1x128xi32, #tpu.memory_space<vmem>> -> memref<128xi32, #tpu.memory_space<vmem>>
    %dma_wait3A_60 = arith.constant 0 : i32
    %dma_wait3A_61 = arith.constant 0 : i32
    %dma_wait3A_62 = tpu.memref_slice %arg2[%dma_wait3A_60, %dma_wait3A_61] : memref<10016x64xf32, #tpu.memory_space<hbm>> -> memref<10016x64xf32, #tpu.memory_space<hbm>>
    tpu.wait_indirect_dma semaphore(%arg15 : memref<!tpu.dma_semaphore, #tpu.memory_space<semaphore_mem>>) src(%dma_wait3A_62 : memref<10016x64xf32, #tpu.memory_space<hbm>>) dst(%arg10 : memref<128x64xf32, #tpu.memory_space<vmem>>)
    %dma_start3A_63 = arith.constant 77 : i32
    %dma_start3A_64 = arith.constant 0 : i32
    %dma_start3A_65 = tpu.memref_slice %arg8[%dma_start3A_63, %dma_start3A_64] : memref<80x128xi32, #tpu.memory_space<vmem>> -> memref<1x128xi32, #tpu.memory_space<vmem>>
    %dma_start3A_66 = tpu.memref_squeeze %dma_start3A_65 : memref<1x128xi32, #tpu.memory_space<vmem>> -> memref<128xi32, #tpu.memory_space<vmem>>
    %dma_start3A_67 = arith.constant 0 : i32
    %dma_start3A_68 = arith.constant 0 : i32
    %dma_start3A_69 = tpu.memref_slice %arg13[%dma_start3A_67, %dma_start3A_68] : memref<10000x64xf32, #tpu.memory_space<vmem_shared>> -> memref<10000x64xf32, #tpu.memory_space<vmem_shared>>
    tpu.enqueue_indirect_dma source(%arg10 : memref<128x64xf32, #tpu.memory_space<vmem>>) target(%dma_start3A_69 : memref<10000x64xf32, #tpu.memory_space<vmem_shared>>) offsets(%dma_start3A_66 : memref<128xi32, #tpu.memory_space<vmem>>) semaphore(%arg19 : memref<!tpu.dma_semaphore, #tpu.memory_space<semaphore_mem>>) {add = true}
    %dma_wait3A_70 = arith.constant 78 : i32
    %dma_wait3A_71 = arith.constant 0 : i32
    %dma_wait3A_72 = tpu.memref_slice %arg7[%dma_wait3A_70, %dma_wait3A_71] : memref<80x128xi32, #tpu.memory_space<vmem>> -> memref<1x128xi32, #tpu.memory_space<vmem>>
    %dma_wait3A_73 = tpu.memref_squeeze %dma_wait3A_72 : memref<1x128xi32, #tpu.memory_space<vmem>> -> memref<128xi32, #tpu.memory_space<vmem>>
    %dma_wait3A_74 = arith.constant 0 : i32
    %dma_wait3A_75 = arith.constant 0 : i32
    %dma_wait3A_76 = tpu.memref_slice %arg2[%dma_wait3A_74, %dma_wait3A_75] : memref<10016x64xf32, #tpu.memory_space<hbm>> -> memref<10016x64xf32, #tpu.memory_space<hbm>>
    tpu.wait_indirect_dma semaphore(%arg16 : memref<!tpu.dma_semaphore, #tpu.memory_space<semaphore_mem>>) src(%dma_wait3A_76 : memref<10016x64xf32, #tpu.memory_space<hbm>>) dst(%arg11 : memref<128x64xf32, #tpu.memory_space<vmem>>)
    %dma_start3A_77 = arith.constant 78 : i32
    %dma_start3A_78 = arith.constant 0 : i32
    %dma_start3A_79 = tpu.memref_slice %arg8[%dma_start3A_77, %dma_start3A_78] : memref<80x128xi32, #tpu.memory_space<vmem>> -> memref<1x128xi32, #tpu.memory_space<vmem>>
    %dma_start3A_80 = tpu.memref_squeeze %dma_start3A_79 : memref<1x128xi32, #tpu.memory_space<vmem>> -> memref<128xi32, #tpu.memory_space<vmem>>
    %dma_start3A_81 = arith.constant 0 : i32
    %dma_start3A_82 = arith.constant 0 : i32
    %dma_start3A_83 = tpu.memref_slice %arg13[%dma_start3A_81, %dma_start3A_82] : memref<10000x64xf32, #tpu.memory_space<vmem_shared>> -> memref<10000x64xf32, #tpu.memory_space<vmem_shared>>
    tpu.enqueue_indirect_dma source(%arg11 : memref<128x64xf32, #tpu.memory_space<vmem>>) target(%dma_start3A_83 : memref<10000x64xf32, #tpu.memory_space<vmem_shared>>) offsets(%dma_start3A_80 : memref<128xi32, #tpu.memory_space<vmem>>) semaphore(%arg20 : memref<!tpu.dma_semaphore, #tpu.memory_space<semaphore_mem>>) {add = true}
    %dma_wait3A_84 = arith.constant 79 : i32
    %dma_wait3A_85 = arith.constant 0 : i32
    %dma_wait3A_86 = tpu.memref_slice %arg7[%dma_wait3A_84, %dma_wait3A_85] : memref<80x128xi32, #tpu.memory_space<vmem>> -> memref<1x128xi32, #tpu.memory_space<vmem>>
    %dma_wait3A_87 = tpu.memref_squeeze %dma_wait3A_86 : memref<1x128xi32, #tpu.memory_space<vmem>> -> memref<128xi32, #tpu.memory_space<vmem>>
    %dma_wait3A_88 = arith.constant 0 : i32
    %dma_wait3A_89 = arith.constant 0 : i32
    %dma_wait3A_90 = tpu.memref_slice %arg2[%dma_wait3A_88, %dma_wait3A_89] : memref<10016x64xf32, #tpu.memory_space<hbm>> -> memref<10016x64xf32, #tpu.memory_space<hbm>>
    tpu.wait_indirect_dma semaphore(%arg17 : memref<!tpu.dma_semaphore, #tpu.memory_space<semaphore_mem>>) src(%dma_wait3A_90 : memref<10016x64xf32, #tpu.memory_space<hbm>>) dst(%arg12 : memref<128x64xf32, #tpu.memory_space<vmem>>)
    %dma_start3A_91 = arith.constant 79 : i32
    %dma_start3A_92 = arith.constant 0 : i32
    %dma_start3A_93 = tpu.memref_slice %arg8[%dma_start3A_91, %dma_start3A_92] : memref<80x128xi32, #tpu.memory_space<vmem>> -> memref<1x128xi32, #tpu.memory_space<vmem>>
    %dma_start3A_94 = tpu.memref_squeeze %dma_start3A_93 : memref<1x128xi32, #tpu.memory_space<vmem>> -> memref<128xi32, #tpu.memory_space<vmem>>
    %dma_start3A_95 = arith.constant 0 : i32
    %dma_start3A_96 = arith.constant 0 : i32
    %dma_start3A_97 = tpu.memref_slice %arg13[%dma_start3A_95, %dma_start3A_96] : memref<10000x64xf32, #tpu.memory_space<vmem_shared>> -> memref<10000x64xf32, #tpu.memory_space<vmem_shared>>
    tpu.enqueue_indirect_dma source(%arg12 : memref<128x64xf32, #tpu.memory_space<vmem>>) target(%dma_start3A_97 : memref<10000x64xf32, #tpu.memory_space<vmem_shared>>) offsets(%dma_start3A_94 : memref<128xi32, #tpu.memory_space<vmem>>) semaphore(%arg21 : memref<!tpu.dma_semaphore, #tpu.memory_space<semaphore_mem>>) {add = true}
    %dma_wait3A_98 = arith.constant 76 : i32
    %dma_wait3A_99 = arith.constant 0 : i32
    %dma_wait3A_100 = tpu.memref_slice %arg8[%dma_wait3A_98, %dma_wait3A_99] : memref<80x128xi32, #tpu.memory_space<vmem>> -> memref<1x128xi32, #tpu.memory_space<vmem>>
    %dma_wait3A_101 = tpu.memref_squeeze %dma_wait3A_100 : memref<1x128xi32, #tpu.memory_space<vmem>> -> memref<128xi32, #tpu.memory_space<vmem>>
    %dma_wait3A_102 = arith.constant 0 : i32
    %dma_wait3A_103 = arith.constant 0 : i32
    %dma_wait3A_104 = tpu.memref_slice %arg13[%dma_wait3A_102, %dma_wait3A_103] : memref<10000x64xf32, #tpu.memory_space<vmem_shared>> -> memref<10000x64xf32, #tpu.memory_space<vmem_shared>>
    tpu.wait_indirect_dma semaphore(%arg18 : memref<!tpu.dma_semaphore, #tpu.memory_space<semaphore_mem>>) src(%arg9 : memref<128x64xf32, #tpu.memory_space<vmem>>) dst(%dma_wait3A_104 : memref<10000x64xf32, #tpu.memory_space<vmem_shared>>)
    %dma_wait3A_105 = arith.constant 77 : i32
    %dma_wait3A_106 = arith.constant 0 : i32
    %dma_wait3A_107 = tpu.memref_slice %arg8[%dma_wait3A_105, %dma_wait3A_106] : memref<80x128xi32, #tpu.memory_space<vmem>> -> memref<1x128xi32, #tpu.memory_space<vmem>>
    %dma_wait3A_108 = tpu.memref_squeeze %dma_wait3A_107 : memref<1x128xi32, #tpu.memory_space<vmem>> -> memref<128xi32, #tpu.memory_space<vmem>>
    %dma_wait3A_109 = arith.constant 0 : i32
    %dma_wait3A_110 = arith.constant 0 : i32
    %dma_wait3A_111 = tpu.memref_slice %arg13[%dma_wait3A_109, %dma_wait3A_110] : memref<10000x64xf32, #tpu.memory_space<vmem_shared>> -> memref<10000x64xf32, #tpu.memory_space<vmem_shared>>
    tpu.wait_indirect_dma semaphore(%arg19 : memref<!tpu.dma_semaphore, #tpu.memory_space<semaphore_mem>>) src(%arg10 : memref<128x64xf32, #tpu.memory_space<vmem>>) dst(%dma_wait3A_111 : memref<10000x64xf32, #tpu.memory_space<vmem_shared>>)
    %dma_wait3A_112 = arith.constant 78 : i32
    %dma_wait3A_113 = arith.constant 0 : i32
    %dma_wait3A_114 = tpu.memref_slice %arg8[%dma_wait3A_112, %dma_wait3A_113] : memref<80x128xi32, #tpu.memory_space<vmem>> -> memref<1x128xi32, #tpu.memory_space<vmem>>
    %dma_wait3A_115 = tpu.memref_squeeze %dma_wait3A_114 : memref<1x128xi32, #tpu.memory_space<vmem>> -> memref<128xi32, #tpu.memory_space<vmem>>
    %dma_wait3A_116 = arith.constant 0 : i32
    %dma_wait3A_117 = arith.constant 0 : i32
    %dma_wait3A_118 = tpu.memref_slice %arg13[%dma_wait3A_116, %dma_wait3A_117] : memref<10000x64xf32, #tpu.memory_space<vmem_shared>> -> memref<10000x64xf32, #tpu.memory_space<vmem_shared>>
    tpu.wait_indirect_dma semaphore(%arg20 : memref<!tpu.dma_semaphore, #tpu.memory_space<semaphore_mem>>) src(%arg11 : memref<128x64xf32, #tpu.memory_space<vmem>>) dst(%dma_wait3A_118 : memref<10000x64xf32, #tpu.memory_space<vmem_shared>>)
    %dma_wait3A_119 = arith.constant 79 : i32
    %dma_wait3A_120 = arith.constant 0 : i32
    %dma_wait3A_121 = tpu.memref_slice %arg8[%dma_wait3A_119, %dma_wait3A_120] : memref<80x128xi32, #tpu.memory_space<vmem>> -> memref<1x128xi32, #tpu.memory_space<vmem>>
    %dma_wait3A_122 = tpu.memref_squeeze %dma_wait3A_121 : memref<1x128xi32, #tpu.memory_space<vmem>> -> memref<128xi32, #tpu.memory_space<vmem>>
    %dma_wait3A_123 = arith.constant 0 : i32
    %dma_wait3A_124 = arith.constant 0 : i32
    %dma_wait3A_125 = tpu.memref_slice %arg13[%dma_wait3A_123, %dma_wait3A_124] : memref<10000x64xf32, #tpu.memory_space<vmem_shared>> -> memref<10000x64xf32, #tpu.memory_space<vmem_shared>>
    tpu.wait_indirect_dma semaphore(%arg21 : memref<!tpu.dma_semaphore, #tpu.memory_space<semaphore_mem>>) src(%arg12 : memref<128x64xf32, #tpu.memory_space<vmem>>) dst(%dma_wait3A_125 : memref<10000x64xf32, #tpu.memory_space<vmem_shared>>)
    %barrier3A_126 = arith.constant 0 : index
    tpu.barrier barrier_id(%barrier3A_126)
    %lt3A_127 = arith.constant 15 : i32
    %lt3A_128 = arith.cmpi slt, %arg1, %lt3A_127 : i32
    %convert_element_type3A_129 = arith.extui %lt3A_128 : i1 to i32
    %cond3A_130 = arith.constant 0 : i32
    %cond3A_131 = arith.cmpi ne, %convert_element_type3A_129, %cond3A_130 : i32
    scf.if %cond3A_131 {
      %mul3A_137 = arith.constant 632 : i32
      %mul3A_138 = arith.muli %arg1, %mul3A_137 : i32
      %mul3A_139 = arith.constant 632 : i32
      %mul3A_140 = arith.muli %arg1, %mul3A_139 : i32
      "tpu.region"() ({
        %run_scoped3A = tpu.sem_alloc : memref<!tpu.dma_semaphore, #tpu.memory_space<semaphore_mem>>
        %dma_start3A_141 = arith.constant 0 : i32
        %dma_start3A_142 = tpu.memref_slice %arg6[%arg0, %mul3A_140, %dma_start3A_141] : memref<2x10016x64xf32, #tpu.memory_space<hbm>> -> memref<1x632x64xf32, #tpu.memory_space<hbm>>
        %dma_start3A_143 = tpu.memref_squeeze %dma_start3A_142 : memref<1x632x64xf32, #tpu.memory_space<hbm>> -> memref<632x64xf32, #tpu.memory_space<hbm>>
        %dma_start3A_144 = arith.constant 0 : i32
        %dma_start3A_145 = tpu.memref_slice %arg13[%mul3A_138, %dma_start3A_144] : memref<10000x64xf32, #tpu.memory_space<vmem_shared>> -> memref<632x64xf32, #tpu.memory_space<vmem_shared>>
        tpu.enqueue_dma source(%dma_start3A_145 : memref<632x64xf32, #tpu.memory_space<vmem_shared>>) target(%dma_start3A_143 : memref<632x64xf32, #tpu.memory_space<hbm>>) target_semaphore(%run_scoped3A : memref<!tpu.dma_semaphore, #tpu.memory_space<semaphore_mem>>)
        %dma_wait3A_146 = arith.constant 0 : i32
        %dma_wait3A_147 = tpu.memref_slice %arg6[%arg0, %mul3A_140, %dma_wait3A_146] : memref<2x10016x64xf32, #tpu.memory_space<hbm>> -> memref<1x632x64xf32, #tpu.memory_space<hbm>>
        %dma_wait3A_148 = tpu.memref_squeeze %dma_wait3A_147 : memref<1x632x64xf32, #tpu.memory_space<hbm>> -> memref<632x64xf32, #tpu.memory_space<hbm>>
        %dma_wait3A_149 = arith.constant 0 : i32
        %dma_wait3A_150 = tpu.memref_slice %arg13[%mul3A_138, %dma_wait3A_149] : memref<10000x64xf32, #tpu.memory_space<vmem_shared>> -> memref<632x64xf32, #tpu.memory_space<vmem_shared>>
        tpu.wait_dma2 semaphore(%run_scoped3A : memref<!tpu.dma_semaphore, #tpu.memory_space<semaphore_mem>>) src(%dma_wait3A_150 : memref<632x64xf32, #tpu.memory_space<vmem_shared>>) dst(%dma_wait3A_148 : memref<632x64xf32, #tpu.memory_space<hbm>>)
        tpu.yield
      }) : () -> ()
    } else {
    }
    %eq3A_132 = arith.constant 15 : i32
    %eq3A_133 = arith.cmpi eq, %arg1, %eq3A_132 : i32
    %convert_element_type3A_134 = arith.extui %eq3A_133 : i1 to i32
    %cond3A_135 = arith.constant 0 : i32
    %cond3A_136 = arith.cmpi ne, %convert_element_type3A_134, %cond3A_135 : i32
    scf.if %cond3A_136 {
      "tpu.region"() ({
        %run_scoped3A = tpu.sem_alloc : memref<!tpu.dma_semaphore, #tpu.memory_space<semaphore_mem>>
        %dma_start3A_137 = arith.constant 9480 : i32
        %dma_start3A_138 = arith.constant 0 : i32
        %dma_start3A_139 = tpu.memref_slice %arg6[%arg0, %dma_start3A_137, %dma_start3A_138] : memref<2x10016x64xf32, #tpu.memory_space<hbm>> -> memref<1x520x64xf32, #tpu.memory_space<hbm>>
        %dma_start3A_140 = tpu.memref_squeeze %dma_start3A_139 : memref<1x520x64xf32, #tpu.memory_space<hbm>> -> memref<520x64xf32, #tpu.memory_space<hbm>>
        %dma_start3A_141 = arith.constant 9480 : i32
        %dma_start3A_142 = arith.constant 0 : i32
        %dma_start3A_143 = tpu.memref_slice %arg13[%dma_start3A_141, %dma_start3A_142] : memref<10000x64xf32, #tpu.memory_space<vmem_shared>> -> memref<520x64xf32, #tpu.memory_space<vmem_shared>>
        tpu.enqueue_dma source(%dma_start3A_143 : memref<520x64xf32, #tpu.memory_space<vmem_shared>>) target(%dma_start3A_140 : memref<520x64xf32, #tpu.memory_space<hbm>>) target_semaphore(%run_scoped3A : memref<!tpu.dma_semaphore, #tpu.memory_space<semaphore_mem>>)
        %dma_wait3A_144 = arith.constant 9480 : i32
        %dma_wait3A_145 = arith.constant 0 : i32
        %dma_wait3A_146 = tpu.memref_slice %arg6[%arg0, %dma_wait3A_144, %dma_wait3A_145] : memref<2x10016x64xf32, #tpu.memory_space<hbm>> -> memref<1x520x64xf32, #tpu.memory_space<hbm>>
        %dma_wait3A_147 = tpu.memref_squeeze %dma_wait3A_146 : memref<1x520x64xf32, #tpu.memory_space<hbm>> -> memref<520x64xf32, #tpu.memory_space<hbm>>
        %dma_wait3A_148 = arith.constant 9480 : i32
        %dma_wait3A_149 = arith.constant 0 : i32
        %dma_wait3A_150 = tpu.memref_slice %arg13[%dma_wait3A_148, %dma_wait3A_149] : memref<10000x64xf32, #tpu.memory_space<vmem_shared>> -> memref<520x64xf32, #tpu.memory_space<vmem_shared>>
        tpu.wait_dma2 semaphore(%run_scoped3A : memref<!tpu.dma_semaphore, #tpu.memory_space<semaphore_mem>>) src(%dma_wait3A_150 : memref<520x64xf32, #tpu.memory_space<vmem_shared>>) dst(%dma_wait3A_147 : memref<520x64xf32, #tpu.memory_space<hbm>>)
        tpu.yield
      }) : () -> ()
    } else {
    }
    return
  }
}

#map = affine_map<(d0, d1) -> (0, 0)>
#map1 = affine_map<(d0, d1) -> (0, 0, 0)>
module attributes {stable_mosaic.version = 14 : i64} {
  func.func @_sc_agg_body(%arg0: i32, %arg1: i32, %arg2: memref<10016x64xf32, #tpu.memory_space<hbm>>, %arg3: memref<2560x128xi32, #tpu.memory_space<hbm>>, %arg4: memref<2560x128xi32, #tpu.memory_space<hbm>>, %arg5: memref<632x64xf32, #tpu.memory_space<hbm>>, %arg6: memref<2x10016x64xf32, #tpu.memory_space<hbm>>, %arg7: memref<80x128xi32, #tpu.memory_space<vmem>>, %arg8: memref<80x128xi32, #tpu.memory_space<vmem>>, %arg9: memref<128x64xf32, #tpu.memory_space<vmem>>, %arg10: memref<128x64xf32, #tpu.memory_space<vmem>>, %arg11: memref<128x64xf32, #tpu.memory_space<vmem>>, %arg12: memref<128x64xf32, #tpu.memory_space<vmem>>, %arg13: memref<10000x64xf32, #tpu.memory_space<vmem_shared>>, %arg14: memref<!tpu.dma_semaphore, #tpu.memory_space<semaphore_mem>>, %arg15: memref<!tpu.dma_semaphore, #tpu.memory_space<semaphore_mem>>, %arg16: memref<!tpu.dma_semaphore, #tpu.memory_space<semaphore_mem>>, %arg17: memref<!tpu.dma_semaphore, #tpu.memory_space<semaphore_mem>>, %arg18: memref<!tpu.dma_semaphore, #tpu.memory_space<semaphore_mem>>, %arg19: memref<!tpu.dma_semaphore, #tpu.memory_space<semaphore_mem>>, %arg20: memref<!tpu.dma_semaphore, #tpu.memory_space<semaphore_mem>>, %arg21: memref<!tpu.dma_semaphore, #tpu.memory_space<semaphore_mem>>) attributes {dimension_semantics = [#tpu.dimension_semantics<core_parallel>, #tpu.dimension_semantics<subcore_parallel>], iteration_bounds = array<i64: 2, 16>, scalar_prefetch = 0 : i64, scratch_operands = 15 : i64, tpu.core_type = #tpu.core_type<sc_vector_subcore>, window_params = [{transform_indices = #map}, {transform_indices = #map}, {transform_indices = #map}, {transform_indices = #map}, {transform_indices = #map1}]} {
    %mul3A = arith.constant 16 : i32
    %mul3A_0 = arith.muli %arg0, %mul3A : i32
    %add3A = arith.addi %mul3A_0, %arg1 : i32
    %mul3A_1 = arith.constant 80 : i32
    %mul3A_2 = arith.muli %add3A, %mul3A_1 : i32
    "tpu.region"() ({
      %run_scoped3A = tpu.sem_alloc : memref<!tpu.dma_semaphore, #tpu.memory_space<semaphore_mem>>
      %dma_start3A_137 = arith.constant 0 : i32
      %dma_start3A_138 = tpu.memref_slice %arg3[%mul3A_2, %dma_start3A_137] : memref<2560x128xi32, #tpu.memory_space<hbm>> -> memref<80x128xi32, #tpu.memory_space<hbm>>
      %dma_start3A_139 = arith.constant 0 : i32
      %dma_start3A_140 = tpu.memref_slice %arg3[%mul3A_2, %dma_start3A_139] : memref<2560x128xi32, #tpu.memory_space<hbm>> -> memref<80x128xi32, #tpu.memory_space<hbm>>
      tpu.enqueue_dma source(%dma_start3A_140 : memref<80x128xi32, #tpu.memory_space<hbm>>) target(%arg7 : memref<80x128xi32, #tpu.memory_space<vmem>>) target_semaphore(%run_scoped3A : memref<!tpu.dma_semaphore, #tpu.memory_space<semaphore_mem>>)
      %dma_wait3A_141 = arith.constant 0 : i32
      %dma_wait3A_142 = tpu.memref_slice %arg3[%mul3A_2, %dma_wait3A_141] : memref<2560x128xi32, #tpu.memory_space<hbm>> -> memref<80x128xi32, #tpu.memory_space<hbm>>
      %dma_wait3A_143 = arith.constant 0 : i32
      %dma_wait3A_144 = tpu.memref_slice %arg3[%mul3A_2, %dma_wait3A_143] : memref<2560x128xi32, #tpu.memory_space<hbm>> -> memref<80x128xi32, #tpu.memory_space<hbm>>
      tpu.wait_dma2 semaphore(%run_scoped3A : memref<!tpu.dma_semaphore, #tpu.memory_space<semaphore_mem>>) src(%dma_wait3A_144 : memref<80x128xi32, #tpu.memory_space<hbm>>) dst(%arg7 : memref<80x128xi32, #tpu.memory_space<vmem>>)
      tpu.yield
    }) : () -> ()
    %mul3A_3 = arith.constant 80 : i32
    %mul3A_4 = arith.muli %add3A, %mul3A_3 : i32
    "tpu.region"() ({
      %run_scoped3A = tpu.sem_alloc : memref<!tpu.dma_semaphore, #tpu.memory_space<semaphore_mem>>
      %dma_start3A_137 = arith.constant 0 : i32
      %dma_start3A_138 = tpu.memref_slice %arg4[%mul3A_4, %dma_start3A_137] : memref<2560x128xi32, #tpu.memory_space<hbm>> -> memref<80x128xi32, #tpu.memory_space<hbm>>
      %dma_start3A_139 = arith.constant 0 : i32
      %dma_start3A_140 = tpu.memref_slice %arg4[%mul3A_4, %dma_start3A_139] : memref<2560x128xi32, #tpu.memory_space<hbm>> -> memref<80x128xi32, #tpu.memory_space<hbm>>
      tpu.enqueue_dma source(%dma_start3A_140 : memref<80x128xi32, #tpu.memory_space<hbm>>) target(%arg8 : memref<80x128xi32, #tpu.memory_space<vmem>>) target_semaphore(%run_scoped3A : memref<!tpu.dma_semaphore, #tpu.memory_space<semaphore_mem>>)
      %dma_wait3A_141 = arith.constant 0 : i32
      %dma_wait3A_142 = tpu.memref_slice %arg4[%mul3A_4, %dma_wait3A_141] : memref<2560x128xi32, #tpu.memory_space<hbm>> -> memref<80x128xi32, #tpu.memory_space<hbm>>
      %dma_wait3A_143 = arith.constant 0 : i32
      %dma_wait3A_144 = tpu.memref_slice %arg4[%mul3A_4, %dma_wait3A_143] : memref<2560x128xi32, #tpu.memory_space<hbm>> -> memref<80x128xi32, #tpu.memory_space<hbm>>
      tpu.wait_dma2 semaphore(%run_scoped3A : memref<!tpu.dma_semaphore, #tpu.memory_space<semaphore_mem>>) src(%dma_wait3A_144 : memref<80x128xi32, #tpu.memory_space<hbm>>) dst(%arg8 : memref<80x128xi32, #tpu.memory_space<vmem>>)
      tpu.yield
    }) : () -> ()
    %lt3A = arith.constant 15 : i32
    %lt3A_5 = arith.cmpi slt, %arg1, %lt3A : i32
    %convert_element_type3A = arith.extui %lt3A_5 : i1 to i32
    %cond3A = arith.constant 0 : i32
    %cond3A_6 = arith.cmpi ne, %convert_element_type3A, %cond3A : i32
    scf.if %cond3A_6 {
      %mul3A_137 = arith.constant 632 : i32
      %mul3A_138 = arith.muli %arg1, %mul3A_137 : i32
      "tpu.region"() ({
        %run_scoped3A = tpu.sem_alloc : memref<!tpu.dma_semaphore, #tpu.memory_space<semaphore_mem>>
        %dma_start3A_139 = arith.constant 0 : i32
        %dma_start3A_140 = tpu.memref_slice %arg13[%mul3A_138, %dma_start3A_139] : memref<10000x64xf32, #tpu.memory_space<vmem_shared>> -> memref<632x64xf32, #tpu.memory_space<vmem_shared>>
        tpu.enqueue_dma source(%arg5 : memref<632x64xf32, #tpu.memory_space<hbm>>) target(%dma_start3A_140 : memref<632x64xf32, #tpu.memory_space<vmem_shared>>) target_semaphore(%run_scoped3A : memref<!tpu.dma_semaphore, #tpu.memory_space<semaphore_mem>>)
        %dma_wait3A_141 = arith.constant 0 : i32
        %dma_wait3A_142 = tpu.memref_slice %arg13[%mul3A_138, %dma_wait3A_141] : memref<10000x64xf32, #tpu.memory_space<vmem_shared>> -> memref<632x64xf32, #tpu.memory_space<vmem_shared>>
        tpu.wait_dma2 semaphore(%run_scoped3A : memref<!tpu.dma_semaphore, #tpu.memory_space<semaphore_mem>>) src(%arg5 : memref<632x64xf32, #tpu.memory_space<hbm>>) dst(%dma_wait3A_142 : memref<632x64xf32, #tpu.memory_space<vmem_shared>>)
        tpu.yield
      }) : () -> ()
    } else {
    }
    %eq3A = arith.constant 15 : i32
    %eq3A_7 = arith.cmpi eq, %arg1, %eq3A : i32
    %convert_element_type3A_8 = arith.extui %eq3A_7 : i1 to i32
    %cond3A_9 = arith.constant 0 : i32
    %cond3A_10 = arith.cmpi ne, %convert_element_type3A_8, %cond3A_9 : i32
    scf.if %cond3A_10 {
      "tpu.region"() ({
        %run_scoped3A = tpu.sem_alloc : memref<!tpu.dma_semaphore, #tpu.memory_space<semaphore_mem>>
        %dma_start3A_137 = arith.constant 9480 : i32
        %dma_start3A_138 = arith.constant 0 : i32
        %dma_start3A_139 = tpu.memref_slice %arg13[%dma_start3A_137, %dma_start3A_138] : memref<10000x64xf32, #tpu.memory_space<vmem_shared>> -> memref<520x64xf32, #tpu.memory_space<vmem_shared>>
        %dma_start3A_140 = arith.constant 0 : i32
        %dma_start3A_141 = arith.constant 0 : i32
        %dma_start3A_142 = tpu.memref_slice %arg5[%dma_start3A_140, %dma_start3A_141] : memref<632x64xf32, #tpu.memory_space<hbm>> -> memref<520x64xf32, #tpu.memory_space<hbm>>
        tpu.enqueue_dma source(%dma_start3A_142 : memref<520x64xf32, #tpu.memory_space<hbm>>) target(%dma_start3A_139 : memref<520x64xf32, #tpu.memory_space<vmem_shared>>) target_semaphore(%run_scoped3A : memref<!tpu.dma_semaphore, #tpu.memory_space<semaphore_mem>>)
        %dma_wait3A_143 = arith.constant 9480 : i32
        %dma_wait3A_144 = arith.constant 0 : i32
        %dma_wait3A_145 = tpu.memref_slice %arg13[%dma_wait3A_143, %dma_wait3A_144] : memref<10000x64xf32, #tpu.memory_space<vmem_shared>> -> memref<520x64xf32, #tpu.memory_space<vmem_shared>>
        %dma_wait3A_146 = arith.constant 0 : i32
        %dma_wait3A_147 = arith.constant 0 : i32
        %dma_wait3A_148 = tpu.memref_slice %arg5[%dma_wait3A_146, %dma_wait3A_147] : memref<632x64xf32, #tpu.memory_space<hbm>> -> memref<520x64xf32, #tpu.memory_space<hbm>>
        tpu.wait_dma2 semaphore(%run_scoped3A : memref<!tpu.dma_semaphore, #tpu.memory_space<semaphore_mem>>) src(%dma_wait3A_148 : memref<520x64xf32, #tpu.memory_space<hbm>>) dst(%dma_wait3A_145 : memref<520x64xf32, #tpu.memory_space<vmem_shared>>)
        tpu.yield
      }) : () -> ()
    } else {
    }
    %barrier3A = arith.constant 0 : index
    tpu.barrier barrier_id(%barrier3A)
    %dma_start3A = arith.constant 0 : i32
    %dma_start3A_11 = arith.constant 0 : i32
    %dma_start3A_12 = tpu.memref_slice %arg7[%dma_start3A, %dma_start3A_11] : memref<80x128xi32, #tpu.memory_space<vmem>> -> memref<1x128xi32, #tpu.memory_space<vmem>>
    %dma_start3A_13 = tpu.memref_squeeze %dma_start3A_12 : memref<1x128xi32, #tpu.memory_space<vmem>> -> memref<128xi32, #tpu.memory_space<vmem>>
    %dma_start3A_14 = arith.constant 0 : i32
    %dma_start3A_15 = arith.constant 0 : i32
    %dma_start3A_16 = tpu.memref_slice %arg2[%dma_start3A_14, %dma_start3A_15] : memref<10016x64xf32, #tpu.memory_space<hbm>> -> memref<10016x64xf32, #tpu.memory_space<hbm>>
    tpu.enqueue_indirect_dma source(%dma_start3A_16 : memref<10016x64xf32, #tpu.memory_space<hbm>>) target(%arg9 : memref<128x64xf32, #tpu.memory_space<vmem>>) offsets(%dma_start3A_13 : memref<128xi32, #tpu.memory_space<vmem>>) semaphore(%arg14 : memref<!tpu.dma_semaphore, #tpu.memory_space<semaphore_mem>>)
    %dma_start3A_17 = arith.constant 1 : i32
    %dma_start3A_18 = arith.constant 0 : i32
    %dma_start3A_19 = tpu.memref_slice %arg7[%dma_start3A_17, %dma_start3A_18] : memref<80x128xi32, #tpu.memory_space<vmem>> -> memref<1x128xi32, #tpu.memory_space<vmem>>
    %dma_start3A_20 = tpu.memref_squeeze %dma_start3A_19 : memref<1x128xi32, #tpu.memory_space<vmem>> -> memref<128xi32, #tpu.memory_space<vmem>>
    %dma_start3A_21 = arith.constant 0 : i32
    %dma_start3A_22 = arith.constant 0 : i32
    %dma_start3A_23 = tpu.memref_slice %arg2[%dma_start3A_21, %dma_start3A_22] : memref<10016x64xf32, #tpu.memory_space<hbm>> -> memref<10016x64xf32, #tpu.memory_space<hbm>>
    tpu.enqueue_indirect_dma source(%dma_start3A_23 : memref<10016x64xf32, #tpu.memory_space<hbm>>) target(%arg10 : memref<128x64xf32, #tpu.memory_space<vmem>>) offsets(%dma_start3A_20 : memref<128xi32, #tpu.memory_space<vmem>>) semaphore(%arg15 : memref<!tpu.dma_semaphore, #tpu.memory_space<semaphore_mem>>)
    %dma_start3A_24 = arith.constant 2 : i32
    %dma_start3A_25 = arith.constant 0 : i32
    %dma_start3A_26 = tpu.memref_slice %arg7[%dma_start3A_24, %dma_start3A_25] : memref<80x128xi32, #tpu.memory_space<vmem>> -> memref<1x128xi32, #tpu.memory_space<vmem>>
    %dma_start3A_27 = tpu.memref_squeeze %dma_start3A_26 : memref<1x128xi32, #tpu.memory_space<vmem>> -> memref<128xi32, #tpu.memory_space<vmem>>
    %dma_start3A_28 = arith.constant 0 : i32
    %dma_start3A_29 = arith.constant 0 : i32
    %dma_start3A_30 = tpu.memref_slice %arg2[%dma_start3A_28, %dma_start3A_29] : memref<10016x64xf32, #tpu.memory_space<hbm>> -> memref<10016x64xf32, #tpu.memory_space<hbm>>
    tpu.enqueue_indirect_dma source(%dma_start3A_30 : memref<10016x64xf32, #tpu.memory_space<hbm>>) target(%arg11 : memref<128x64xf32, #tpu.memory_space<vmem>>) offsets(%dma_start3A_27 : memref<128xi32, #tpu.memory_space<vmem>>) semaphore(%arg16 : memref<!tpu.dma_semaphore, #tpu.memory_space<semaphore_mem>>)
    %dma_start3A_31 = arith.constant 3 : i32
    %dma_start3A_32 = arith.constant 0 : i32
    %dma_start3A_33 = tpu.memref_slice %arg7[%dma_start3A_31, %dma_start3A_32] : memref<80x128xi32, #tpu.memory_space<vmem>> -> memref<1x128xi32, #tpu.memory_space<vmem>>
    %dma_start3A_34 = tpu.memref_squeeze %dma_start3A_33 : memref<1x128xi32, #tpu.memory_space<vmem>> -> memref<128xi32, #tpu.memory_space<vmem>>
    %dma_start3A_35 = arith.constant 0 : i32
    %dma_start3A_36 = arith.constant 0 : i32
    %dma_start3A_37 = tpu.memref_slice %arg2[%dma_start3A_35, %dma_start3A_36] : memref<10016x64xf32, #tpu.memory_space<hbm>> -> memref<10016x64xf32, #tpu.memory_space<hbm>>
    tpu.enqueue_indirect_dma source(%dma_start3A_37 : memref<10016x64xf32, #tpu.memory_space<hbm>>) target(%arg12 : memref<128x64xf32, #tpu.memory_space<vmem>>) offsets(%dma_start3A_34 : memref<128xi32, #tpu.memory_space<vmem>>) semaphore(%arg17 : memref<!tpu.dma_semaphore, #tpu.memory_space<semaphore_mem>>)
    %scan3A = arith.constant 0 : i32
    %scan3A_38 = arith.constant 0 : i32
    %scan3A_39 = arith.constant 19 : i32
    %scan3A_40 = arith.addi %scan3A_38, %scan3A_39 : i32
    %scan3A_41 = arith.constant 1 : i32
    scf.for %scan3A_137 = %scan3A_38 to %scan3A_40 step %scan3A_41  : i32 {
      %mul3A_138 = arith.constant 4 : i32
      %mul3A_139 = arith.muli %mul3A_138, %scan3A_137 : i32
      %add3A_140 = arith.constant 0 : i32
      %add3A_141 = arith.addi %mul3A_139, %add3A_140 : i32
      %dma_wait3A_142 = arith.constant 0 : i32
      %dma_wait3A_143 = tpu.memref_slice %arg7[%add3A_141, %dma_wait3A_142] : memref<80x128xi32, #tpu.memory_space<vmem>> -> memref<1x128xi32, #tpu.memory_space<vmem>>
      %dma_wait3A_144 = tpu.memref_squeeze %dma_wait3A_143 : memref<1x128xi32, #tpu.memory_space<vmem>> -> memref<128xi32, #tpu.memory_space<vmem>>
      %dma_wait3A_145 = arith.constant 0 : i32
      %dma_wait3A_146 = arith.constant 0 : i32
      %dma_wait3A_147 = tpu.memref_slice %arg2[%dma_wait3A_145, %dma_wait3A_146] : memref<10016x64xf32, #tpu.memory_space<hbm>> -> memref<10016x64xf32, #tpu.memory_space<hbm>>
      tpu.wait_indirect_dma semaphore(%arg14 : memref<!tpu.dma_semaphore, #tpu.memory_space<semaphore_mem>>) src(%dma_wait3A_147 : memref<10016x64xf32, #tpu.memory_space<hbm>>) dst(%arg9 : memref<128x64xf32, #tpu.memory_space<vmem>>)
      %add3A_148 = arith.constant 0 : i32
      %add3A_149 = arith.addi %mul3A_139, %add3A_148 : i32
      %dma_start3A_150 = arith.constant 0 : i32
      %dma_start3A_151 = tpu.memref_slice %arg8[%add3A_149, %dma_start3A_150] : memref<80x128xi32, #tpu.memory_space<vmem>> -> memref<1x128xi32, #tpu.memory_space<vmem>>
      %dma_start3A_152 = tpu.memref_squeeze %dma_start3A_151 : memref<1x128xi32, #tpu.memory_space<vmem>> -> memref<128xi32, #tpu.memory_space<vmem>>
      %dma_start3A_153 = arith.constant 0 : i32
      %dma_start3A_154 = arith.constant 0 : i32
      %dma_start3A_155 = tpu.memref_slice %arg13[%dma_start3A_153, %dma_start3A_154] : memref<10000x64xf32, #tpu.memory_space<vmem_shared>> -> memref<10000x64xf32, #tpu.memory_space<vmem_shared>>
      tpu.enqueue_indirect_dma source(%arg9 : memref<128x64xf32, #tpu.memory_space<vmem>>) target(%dma_start3A_155 : memref<10000x64xf32, #tpu.memory_space<vmem_shared>>) offsets(%dma_start3A_152 : memref<128xi32, #tpu.memory_space<vmem>>) semaphore(%arg18 : memref<!tpu.dma_semaphore, #tpu.memory_space<semaphore_mem>>) {add = true}
      %add3A_156 = arith.constant 1 : i32
      %add3A_157 = arith.addi %mul3A_139, %add3A_156 : i32
      %dma_wait3A_158 = arith.constant 0 : i32
      %dma_wait3A_159 = tpu.memref_slice %arg7[%add3A_157, %dma_wait3A_158] : memref<80x128xi32, #tpu.memory_space<vmem>> -> memref<1x128xi32, #tpu.memory_space<vmem>>
      %dma_wait3A_160 = tpu.memref_squeeze %dma_wait3A_159 : memref<1x128xi32, #tpu.memory_space<vmem>> -> memref<128xi32, #tpu.memory_space<vmem>>
      %dma_wait3A_161 = arith.constant 0 : i32
      %dma_wait3A_162 = arith.constant 0 : i32
      %dma_wait3A_163 = tpu.memref_slice %arg2[%dma_wait3A_161, %dma_wait3A_162] : memref<10016x64xf32, #tpu.memory_space<hbm>> -> memref<10016x64xf32, #tpu.memory_space<hbm>>
      tpu.wait_indirect_dma semaphore(%arg15 : memref<!tpu.dma_semaphore, #tpu.memory_space<semaphore_mem>>) src(%dma_wait3A_163 : memref<10016x64xf32, #tpu.memory_space<hbm>>) dst(%arg10 : memref<128x64xf32, #tpu.memory_space<vmem>>)
      %add3A_164 = arith.constant 1 : i32
      %add3A_165 = arith.addi %mul3A_139, %add3A_164 : i32
      %dma_start3A_166 = arith.constant 0 : i32
      %dma_start3A_167 = tpu.memref_slice %arg8[%add3A_165, %dma_start3A_166] : memref<80x128xi32, #tpu.memory_space<vmem>> -> memref<1x128xi32, #tpu.memory_space<vmem>>
      %dma_start3A_168 = tpu.memref_squeeze %dma_start3A_167 : memref<1x128xi32, #tpu.memory_space<vmem>> -> memref<128xi32, #tpu.memory_space<vmem>>
      %dma_start3A_169 = arith.constant 0 : i32
      %dma_start3A_170 = arith.constant 0 : i32
      %dma_start3A_171 = tpu.memref_slice %arg13[%dma_start3A_169, %dma_start3A_170] : memref<10000x64xf32, #tpu.memory_space<vmem_shared>> -> memref<10000x64xf32, #tpu.memory_space<vmem_shared>>
      tpu.enqueue_indirect_dma source(%arg10 : memref<128x64xf32, #tpu.memory_space<vmem>>) target(%dma_start3A_171 : memref<10000x64xf32, #tpu.memory_space<vmem_shared>>) offsets(%dma_start3A_168 : memref<128xi32, #tpu.memory_space<vmem>>) semaphore(%arg19 : memref<!tpu.dma_semaphore, #tpu.memory_space<semaphore_mem>>) {add = true}
      %add3A_172 = arith.constant 2 : i32
      %add3A_173 = arith.addi %mul3A_139, %add3A_172 : i32
      %dma_wait3A_174 = arith.constant 0 : i32
      %dma_wait3A_175 = tpu.memref_slice %arg7[%add3A_173, %dma_wait3A_174] : memref<80x128xi32, #tpu.memory_space<vmem>> -> memref<1x128xi32, #tpu.memory_space<vmem>>
      %dma_wait3A_176 = tpu.memref_squeeze %dma_wait3A_175 : memref<1x128xi32, #tpu.memory_space<vmem>> -> memref<128xi32, #tpu.memory_space<vmem>>
      %dma_wait3A_177 = arith.constant 0 : i32
      %dma_wait3A_178 = arith.constant 0 : i32
      %dma_wait3A_179 = tpu.memref_slice %arg2[%dma_wait3A_177, %dma_wait3A_178] : memref<10016x64xf32, #tpu.memory_space<hbm>> -> memref<10016x64xf32, #tpu.memory_space<hbm>>
      tpu.wait_indirect_dma semaphore(%arg16 : memref<!tpu.dma_semaphore, #tpu.memory_space<semaphore_mem>>) src(%dma_wait3A_179 : memref<10016x64xf32, #tpu.memory_space<hbm>>) dst(%arg11 : memref<128x64xf32, #tpu.memory_space<vmem>>)
      %add3A_180 = arith.constant 2 : i32
      %add3A_181 = arith.addi %mul3A_139, %add3A_180 : i32
      %dma_start3A_182 = arith.constant 0 : i32
      %dma_start3A_183 = tpu.memref_slice %arg8[%add3A_181, %dma_start3A_182] : memref<80x128xi32, #tpu.memory_space<vmem>> -> memref<1x128xi32, #tpu.memory_space<vmem>>
      %dma_start3A_184 = tpu.memref_squeeze %dma_start3A_183 : memref<1x128xi32, #tpu.memory_space<vmem>> -> memref<128xi32, #tpu.memory_space<vmem>>
      %dma_start3A_185 = arith.constant 0 : i32
      %dma_start3A_186 = arith.constant 0 : i32
      %dma_start3A_187 = tpu.memref_slice %arg13[%dma_start3A_185, %dma_start3A_186] : memref<10000x64xf32, #tpu.memory_space<vmem_shared>> -> memref<10000x64xf32, #tpu.memory_space<vmem_shared>>
      tpu.enqueue_indirect_dma source(%arg11 : memref<128x64xf32, #tpu.memory_space<vmem>>) target(%dma_start3A_187 : memref<10000x64xf32, #tpu.memory_space<vmem_shared>>) offsets(%dma_start3A_184 : memref<128xi32, #tpu.memory_space<vmem>>) semaphore(%arg20 : memref<!tpu.dma_semaphore, #tpu.memory_space<semaphore_mem>>) {add = true}
      %add3A_188 = arith.constant 3 : i32
      %add3A_189 = arith.addi %mul3A_139, %add3A_188 : i32
      %dma_wait3A_190 = arith.constant 0 : i32
      %dma_wait3A_191 = tpu.memref_slice %arg7[%add3A_189, %dma_wait3A_190] : memref<80x128xi32, #tpu.memory_space<vmem>> -> memref<1x128xi32, #tpu.memory_space<vmem>>
      %dma_wait3A_192 = tpu.memref_squeeze %dma_wait3A_191 : memref<1x128xi32, #tpu.memory_space<vmem>> -> memref<128xi32, #tpu.memory_space<vmem>>
      %dma_wait3A_193 = arith.constant 0 : i32
      %dma_wait3A_194 = arith.constant 0 : i32
      %dma_wait3A_195 = tpu.memref_slice %arg2[%dma_wait3A_193, %dma_wait3A_194] : memref<10016x64xf32, #tpu.memory_space<hbm>> -> memref<10016x64xf32, #tpu.memory_space<hbm>>
      tpu.wait_indirect_dma semaphore(%arg17 : memref<!tpu.dma_semaphore, #tpu.memory_space<semaphore_mem>>) src(%dma_wait3A_195 : memref<10016x64xf32, #tpu.memory_space<hbm>>) dst(%arg12 : memref<128x64xf32, #tpu.memory_space<vmem>>)
      %add3A_196 = arith.constant 3 : i32
      %add3A_197 = arith.addi %mul3A_139, %add3A_196 : i32
      %dma_start3A_198 = arith.constant 0 : i32
      %dma_start3A_199 = tpu.memref_slice %arg8[%add3A_197, %dma_start3A_198] : memref<80x128xi32, #tpu.memory_space<vmem>> -> memref<1x128xi32, #tpu.memory_space<vmem>>
      %dma_start3A_200 = tpu.memref_squeeze %dma_start3A_199 : memref<1x128xi32, #tpu.memory_space<vmem>> -> memref<128xi32, #tpu.memory_space<vmem>>
      %dma_start3A_201 = arith.constant 0 : i32
      %dma_start3A_202 = arith.constant 0 : i32
      %dma_start3A_203 = tpu.memref_slice %arg13[%dma_start3A_201, %dma_start3A_202] : memref<10000x64xf32, #tpu.memory_space<vmem_shared>> -> memref<10000x64xf32, #tpu.memory_space<vmem_shared>>
      tpu.enqueue_indirect_dma source(%arg12 : memref<128x64xf32, #tpu.memory_space<vmem>>) target(%dma_start3A_203 : memref<10000x64xf32, #tpu.memory_space<vmem_shared>>) offsets(%dma_start3A_200 : memref<128xi32, #tpu.memory_space<vmem>>) semaphore(%arg21 : memref<!tpu.dma_semaphore, #tpu.memory_space<semaphore_mem>>) {add = true}
      %add3A_204 = arith.constant 0 : i32
      %add3A_205 = arith.addi %mul3A_139, %add3A_204 : i32
      %dma_wait3A_206 = arith.constant 0 : i32
      %dma_wait3A_207 = tpu.memref_slice %arg8[%add3A_205, %dma_wait3A_206] : memref<80x128xi32, #tpu.memory_space<vmem>> -> memref<1x128xi32, #tpu.memory_space<vmem>>
      %dma_wait3A_208 = tpu.memref_squeeze %dma_wait3A_207 : memref<1x128xi32, #tpu.memory_space<vmem>> -> memref<128xi32, #tpu.memory_space<vmem>>
      %dma_wait3A_209 = arith.constant 0 : i32
      %dma_wait3A_210 = arith.constant 0 : i32
      %dma_wait3A_211 = tpu.memref_slice %arg13[%dma_wait3A_209, %dma_wait3A_210] : memref<10000x64xf32, #tpu.memory_space<vmem_shared>> -> memref<10000x64xf32, #tpu.memory_space<vmem_shared>>
      tpu.wait_indirect_dma semaphore(%arg18 : memref<!tpu.dma_semaphore, #tpu.memory_space<semaphore_mem>>) src(%arg9 : memref<128x64xf32, #tpu.memory_space<vmem>>) dst(%dma_wait3A_211 : memref<10000x64xf32, #tpu.memory_space<vmem_shared>>)
      %add3A_212 = arith.constant 4 : i32
      %add3A_213 = arith.addi %mul3A_139, %add3A_212 : i32
      %add3A_214 = arith.constant 0 : i32
      %add3A_215 = arith.addi %add3A_213, %add3A_214 : i32
      %dma_start3A_216 = arith.constant 0 : i32
      %dma_start3A_217 = tpu.memref_slice %arg7[%add3A_215, %dma_start3A_216] : memref<80x128xi32, #tpu.memory_space<vmem>> -> memref<1x128xi32, #tpu.memory_space<vmem>>
      %dma_start3A_218 = tpu.memref_squeeze %dma_start3A_217 : memref<1x128xi32, #tpu.memory_space<vmem>> -> memref<128xi32, #tpu.memory_space<vmem>>
      %dma_start3A_219 = arith.constant 0 : i32
      %dma_start3A_220 = arith.constant 0 : i32
      %dma_start3A_221 = tpu.memref_slice %arg2[%dma_start3A_219, %dma_start3A_220] : memref<10016x64xf32, #tpu.memory_space<hbm>> -> memref<10016x64xf32, #tpu.memory_space<hbm>>
      tpu.enqueue_indirect_dma source(%dma_start3A_221 : memref<10016x64xf32, #tpu.memory_space<hbm>>) target(%arg9 : memref<128x64xf32, #tpu.memory_space<vmem>>) offsets(%dma_start3A_218 : memref<128xi32, #tpu.memory_space<vmem>>) semaphore(%arg14 : memref<!tpu.dma_semaphore, #tpu.memory_space<semaphore_mem>>)
      %add3A_222 = arith.constant 1 : i32
      %add3A_223 = arith.addi %mul3A_139, %add3A_222 : i32
      %dma_wait3A_224 = arith.constant 0 : i32
      %dma_wait3A_225 = tpu.memref_slice %arg8[%add3A_223, %dma_wait3A_224] : memref<80x128xi32, #tpu.memory_space<vmem>> -> memref<1x128xi32, #tpu.memory_space<vmem>>
      %dma_wait3A_226 = tpu.memref_squeeze %dma_wait3A_225 : memref<1x128xi32, #tpu.memory_space<vmem>> -> memref<128xi32, #tpu.memory_space<vmem>>
      %dma_wait3A_227 = arith.constant 0 : i32
      %dma_wait3A_228 = arith.constant 0 : i32
      %dma_wait3A_229 = tpu.memref_slice %arg13[%dma_wait3A_227, %dma_wait3A_228] : memref<10000x64xf32, #tpu.memory_space<vmem_shared>> -> memref<10000x64xf32, #tpu.memory_space<vmem_shared>>
      tpu.wait_indirect_dma semaphore(%arg19 : memref<!tpu.dma_semaphore, #tpu.memory_space<semaphore_mem>>) src(%arg10 : memref<128x64xf32, #tpu.memory_space<vmem>>) dst(%dma_wait3A_229 : memref<10000x64xf32, #tpu.memory_space<vmem_shared>>)
      %add3A_230 = arith.constant 4 : i32
      %add3A_231 = arith.addi %mul3A_139, %add3A_230 : i32
      %add3A_232 = arith.constant 1 : i32
      %add3A_233 = arith.addi %add3A_231, %add3A_232 : i32
      %dma_start3A_234 = arith.constant 0 : i32
      %dma_start3A_235 = tpu.memref_slice %arg7[%add3A_233, %dma_start3A_234] : memref<80x128xi32, #tpu.memory_space<vmem>> -> memref<1x128xi32, #tpu.memory_space<vmem>>
      %dma_start3A_236 = tpu.memref_squeeze %dma_start3A_235 : memref<1x128xi32, #tpu.memory_space<vmem>> -> memref<128xi32, #tpu.memory_space<vmem>>
      %dma_start3A_237 = arith.constant 0 : i32
      %dma_start3A_238 = arith.constant 0 : i32
      %dma_start3A_239 = tpu.memref_slice %arg2[%dma_start3A_237, %dma_start3A_238] : memref<10016x64xf32, #tpu.memory_space<hbm>> -> memref<10016x64xf32, #tpu.memory_space<hbm>>
      tpu.enqueue_indirect_dma source(%dma_start3A_239 : memref<10016x64xf32, #tpu.memory_space<hbm>>) target(%arg10 : memref<128x64xf32, #tpu.memory_space<vmem>>) offsets(%dma_start3A_236 : memref<128xi32, #tpu.memory_space<vmem>>) semaphore(%arg15 : memref<!tpu.dma_semaphore, #tpu.memory_space<semaphore_mem>>)
      %add3A_240 = arith.constant 2 : i32
      %add3A_241 = arith.addi %mul3A_139, %add3A_240 : i32
      %dma_wait3A_242 = arith.constant 0 : i32
      %dma_wait3A_243 = tpu.memref_slice %arg8[%add3A_241, %dma_wait3A_242] : memref<80x128xi32, #tpu.memory_space<vmem>> -> memref<1x128xi32, #tpu.memory_space<vmem>>
      %dma_wait3A_244 = tpu.memref_squeeze %dma_wait3A_243 : memref<1x128xi32, #tpu.memory_space<vmem>> -> memref<128xi32, #tpu.memory_space<vmem>>
      %dma_wait3A_245 = arith.constant 0 : i32
      %dma_wait3A_246 = arith.constant 0 : i32
      %dma_wait3A_247 = tpu.memref_slice %arg13[%dma_wait3A_245, %dma_wait3A_246] : memref<10000x64xf32, #tpu.memory_space<vmem_shared>> -> memref<10000x64xf32, #tpu.memory_space<vmem_shared>>
      tpu.wait_indirect_dma semaphore(%arg20 : memref<!tpu.dma_semaphore, #tpu.memory_space<semaphore_mem>>) src(%arg11 : memref<128x64xf32, #tpu.memory_space<vmem>>) dst(%dma_wait3A_247 : memref<10000x64xf32, #tpu.memory_space<vmem_shared>>)
      %add3A_248 = arith.constant 4 : i32
      %add3A_249 = arith.addi %mul3A_139, %add3A_248 : i32
      %add3A_250 = arith.constant 2 : i32
      %add3A_251 = arith.addi %add3A_249, %add3A_250 : i32
      %dma_start3A_252 = arith.constant 0 : i32
      %dma_start3A_253 = tpu.memref_slice %arg7[%add3A_251, %dma_start3A_252] : memref<80x128xi32, #tpu.memory_space<vmem>> -> memref<1x128xi32, #tpu.memory_space<vmem>>
      %dma_start3A_254 = tpu.memref_squeeze %dma_start3A_253 : memref<1x128xi32, #tpu.memory_space<vmem>> -> memref<128xi32, #tpu.memory_space<vmem>>
      %dma_start3A_255 = arith.constant 0 : i32
      %dma_start3A_256 = arith.constant 0 : i32
      %dma_start3A_257 = tpu.memref_slice %arg2[%dma_start3A_255, %dma_start3A_256] : memref<10016x64xf32, #tpu.memory_space<hbm>> -> memref<10016x64xf32, #tpu.memory_space<hbm>>
      tpu.enqueue_indirect_dma source(%dma_start3A_257 : memref<10016x64xf32, #tpu.memory_space<hbm>>) target(%arg11 : memref<128x64xf32, #tpu.memory_space<vmem>>) offsets(%dma_start3A_254 : memref<128xi32, #tpu.memory_space<vmem>>) semaphore(%arg16 : memref<!tpu.dma_semaphore, #tpu.memory_space<semaphore_mem>>)
      %add3A_258 = arith.constant 3 : i32
      %add3A_259 = arith.addi %mul3A_139, %add3A_258 : i32
      %dma_wait3A_260 = arith.constant 0 : i32
      %dma_wait3A_261 = tpu.memref_slice %arg8[%add3A_259, %dma_wait3A_260] : memref<80x128xi32, #tpu.memory_space<vmem>> -> memref<1x128xi32, #tpu.memory_space<vmem>>
      %dma_wait3A_262 = tpu.memref_squeeze %dma_wait3A_261 : memref<1x128xi32, #tpu.memory_space<vmem>> -> memref<128xi32, #tpu.memory_space<vmem>>
      %dma_wait3A_263 = arith.constant 0 : i32
      %dma_wait3A_264 = arith.constant 0 : i32
      %dma_wait3A_265 = tpu.memref_slice %arg13[%dma_wait3A_263, %dma_wait3A_264] : memref<10000x64xf32, #tpu.memory_space<vmem_shared>> -> memref<10000x64xf32, #tpu.memory_space<vmem_shared>>
      tpu.wait_indirect_dma semaphore(%arg21 : memref<!tpu.dma_semaphore, #tpu.memory_space<semaphore_mem>>) src(%arg12 : memref<128x64xf32, #tpu.memory_space<vmem>>) dst(%dma_wait3A_265 : memref<10000x64xf32, #tpu.memory_space<vmem_shared>>)
      %add3A_266 = arith.constant 4 : i32
      %add3A_267 = arith.addi %mul3A_139, %add3A_266 : i32
      %add3A_268 = arith.constant 3 : i32
      %add3A_269 = arith.addi %add3A_267, %add3A_268 : i32
      %dma_start3A_270 = arith.constant 0 : i32
      %dma_start3A_271 = tpu.memref_slice %arg7[%add3A_269, %dma_start3A_270] : memref<80x128xi32, #tpu.memory_space<vmem>> -> memref<1x128xi32, #tpu.memory_space<vmem>>
      %dma_start3A_272 = tpu.memref_squeeze %dma_start3A_271 : memref<1x128xi32, #tpu.memory_space<vmem>> -> memref<128xi32, #tpu.memory_space<vmem>>
      %dma_start3A_273 = arith.constant 0 : i32
      %dma_start3A_274 = arith.constant 0 : i32
      %dma_start3A_275 = tpu.memref_slice %arg2[%dma_start3A_273, %dma_start3A_274] : memref<10016x64xf32, #tpu.memory_space<hbm>> -> memref<10016x64xf32, #tpu.memory_space<hbm>>
      tpu.enqueue_indirect_dma source(%dma_start3A_275 : memref<10016x64xf32, #tpu.memory_space<hbm>>) target(%arg12 : memref<128x64xf32, #tpu.memory_space<vmem>>) offsets(%dma_start3A_272 : memref<128xi32, #tpu.memory_space<vmem>>) semaphore(%arg17 : memref<!tpu.dma_semaphore, #tpu.memory_space<semaphore_mem>>)
    }
    %scan3A_42 = arith.constant 19 : i32
    %dma_wait3A = arith.constant 76 : i32
    %dma_wait3A_43 = arith.constant 0 : i32
    %dma_wait3A_44 = tpu.memref_slice %arg7[%dma_wait3A, %dma_wait3A_43] : memref<80x128xi32, #tpu.memory_space<vmem>> -> memref<1x128xi32, #tpu.memory_space<vmem>>
    %dma_wait3A_45 = tpu.memref_squeeze %dma_wait3A_44 : memref<1x128xi32, #tpu.memory_space<vmem>> -> memref<128xi32, #tpu.memory_space<vmem>>
    %dma_wait3A_46 = arith.constant 0 : i32
    %dma_wait3A_47 = arith.constant 0 : i32
    %dma_wait3A_48 = tpu.memref_slice %arg2[%dma_wait3A_46, %dma_wait3A_47] : memref<10016x64xf32, #tpu.memory_space<hbm>> -> memref<10016x64xf32, #tpu.memory_space<hbm>>
    tpu.wait_indirect_dma semaphore(%arg14 : memref<!tpu.dma_semaphore, #tpu.memory_space<semaphore_mem>>) src(%dma_wait3A_48 : memref<10016x64xf32, #tpu.memory_space<hbm>>) dst(%arg9 : memref<128x64xf32, #tpu.memory_space<vmem>>)
    %dma_start3A_49 = arith.constant 76 : i32
    %dma_start3A_50 = arith.constant 0 : i32
    %dma_start3A_51 = tpu.memref_slice %arg8[%dma_start3A_49, %dma_start3A_50] : memref<80x128xi32, #tpu.memory_space<vmem>> -> memref<1x128xi32, #tpu.memory_space<vmem>>
    %dma_start3A_52 = tpu.memref_squeeze %dma_start3A_51 : memref<1x128xi32, #tpu.memory_space<vmem>> -> memref<128xi32, #tpu.memory_space<vmem>>
    %dma_start3A_53 = arith.constant 0 : i32
    %dma_start3A_54 = arith.constant 0 : i32
    %dma_start3A_55 = tpu.memref_slice %arg13[%dma_start3A_53, %dma_start3A_54] : memref<10000x64xf32, #tpu.memory_space<vmem_shared>> -> memref<10000x64xf32, #tpu.memory_space<vmem_shared>>
    tpu.enqueue_indirect_dma source(%arg9 : memref<128x64xf32, #tpu.memory_space<vmem>>) target(%dma_start3A_55 : memref<10000x64xf32, #tpu.memory_space<vmem_shared>>) offsets(%dma_start3A_52 : memref<128xi32, #tpu.memory_space<vmem>>) semaphore(%arg18 : memref<!tpu.dma_semaphore, #tpu.memory_space<semaphore_mem>>) {add = true}
    %dma_wait3A_56 = arith.constant 77 : i32
    %dma_wait3A_57 = arith.constant 0 : i32
    %dma_wait3A_58 = tpu.memref_slice %arg7[%dma_wait3A_56, %dma_wait3A_57] : memref<80x128xi32, #tpu.memory_space<vmem>> -> memref<1x128xi32, #tpu.memory_space<vmem>>
    %dma_wait3A_59 = tpu.memref_squeeze %dma_wait3A_58 : memref<1x128xi32, #tpu.memory_space<vmem>> -> memref<128xi32, #tpu.memory_space<vmem>>
    %dma_wait3A_60 = arith.constant 0 : i32
    %dma_wait3A_61 = arith.constant 0 : i32
    %dma_wait3A_62 = tpu.memref_slice %arg2[%dma_wait3A_60, %dma_wait3A_61] : memref<10016x64xf32, #tpu.memory_space<hbm>> -> memref<10016x64xf32, #tpu.memory_space<hbm>>
    tpu.wait_indirect_dma semaphore(%arg15 : memref<!tpu.dma_semaphore, #tpu.memory_space<semaphore_mem>>) src(%dma_wait3A_62 : memref<10016x64xf32, #tpu.memory_space<hbm>>) dst(%arg10 : memref<128x64xf32, #tpu.memory_space<vmem>>)
    %dma_start3A_63 = arith.constant 77 : i32
    %dma_start3A_64 = arith.constant 0 : i32
    %dma_start3A_65 = tpu.memref_slice %arg8[%dma_start3A_63, %dma_start3A_64] : memref<80x128xi32, #tpu.memory_space<vmem>> -> memref<1x128xi32, #tpu.memory_space<vmem>>
    %dma_start3A_66 = tpu.memref_squeeze %dma_start3A_65 : memref<1x128xi32, #tpu.memory_space<vmem>> -> memref<128xi32, #tpu.memory_space<vmem>>
    %dma_start3A_67 = arith.constant 0 : i32
    %dma_start3A_68 = arith.constant 0 : i32
    %dma_start3A_69 = tpu.memref_slice %arg13[%dma_start3A_67, %dma_start3A_68] : memref<10000x64xf32, #tpu.memory_space<vmem_shared>> -> memref<10000x64xf32, #tpu.memory_space<vmem_shared>>
    tpu.enqueue_indirect_dma source(%arg10 : memref<128x64xf32, #tpu.memory_space<vmem>>) target(%dma_start3A_69 : memref<10000x64xf32, #tpu.memory_space<vmem_shared>>) offsets(%dma_start3A_66 : memref<128xi32, #tpu.memory_space<vmem>>) semaphore(%arg19 : memref<!tpu.dma_semaphore, #tpu.memory_space<semaphore_mem>>) {add = true}
    %dma_wait3A_70 = arith.constant 78 : i32
    %dma_wait3A_71 = arith.constant 0 : i32
    %dma_wait3A_72 = tpu.memref_slice %arg7[%dma_wait3A_70, %dma_wait3A_71] : memref<80x128xi32, #tpu.memory_space<vmem>> -> memref<1x128xi32, #tpu.memory_space<vmem>>
    %dma_wait3A_73 = tpu.memref_squeeze %dma_wait3A_72 : memref<1x128xi32, #tpu.memory_space<vmem>> -> memref<128xi32, #tpu.memory_space<vmem>>
    %dma_wait3A_74 = arith.constant 0 : i32
    %dma_wait3A_75 = arith.constant 0 : i32
    %dma_wait3A_76 = tpu.memref_slice %arg2[%dma_wait3A_74, %dma_wait3A_75] : memref<10016x64xf32, #tpu.memory_space<hbm>> -> memref<10016x64xf32, #tpu.memory_space<hbm>>
    tpu.wait_indirect_dma semaphore(%arg16 : memref<!tpu.dma_semaphore, #tpu.memory_space<semaphore_mem>>) src(%dma_wait3A_76 : memref<10016x64xf32, #tpu.memory_space<hbm>>) dst(%arg11 : memref<128x64xf32, #tpu.memory_space<vmem>>)
    %dma_start3A_77 = arith.constant 78 : i32
    %dma_start3A_78 = arith.constant 0 : i32
    %dma_start3A_79 = tpu.memref_slice %arg8[%dma_start3A_77, %dma_start3A_78] : memref<80x128xi32, #tpu.memory_space<vmem>> -> memref<1x128xi32, #tpu.memory_space<vmem>>
    %dma_start3A_80 = tpu.memref_squeeze %dma_start3A_79 : memref<1x128xi32, #tpu.memory_space<vmem>> -> memref<128xi32, #tpu.memory_space<vmem>>
    %dma_start3A_81 = arith.constant 0 : i32
    %dma_start3A_82 = arith.constant 0 : i32
    %dma_start3A_83 = tpu.memref_slice %arg13[%dma_start3A_81, %dma_start3A_82] : memref<10000x64xf32, #tpu.memory_space<vmem_shared>> -> memref<10000x64xf32, #tpu.memory_space<vmem_shared>>
    tpu.enqueue_indirect_dma source(%arg11 : memref<128x64xf32, #tpu.memory_space<vmem>>) target(%dma_start3A_83 : memref<10000x64xf32, #tpu.memory_space<vmem_shared>>) offsets(%dma_start3A_80 : memref<128xi32, #tpu.memory_space<vmem>>) semaphore(%arg20 : memref<!tpu.dma_semaphore, #tpu.memory_space<semaphore_mem>>) {add = true}
    %dma_wait3A_84 = arith.constant 79 : i32
    %dma_wait3A_85 = arith.constant 0 : i32
    %dma_wait3A_86 = tpu.memref_slice %arg7[%dma_wait3A_84, %dma_wait3A_85] : memref<80x128xi32, #tpu.memory_space<vmem>> -> memref<1x128xi32, #tpu.memory_space<vmem>>
    %dma_wait3A_87 = tpu.memref_squeeze %dma_wait3A_86 : memref<1x128xi32, #tpu.memory_space<vmem>> -> memref<128xi32, #tpu.memory_space<vmem>>
    %dma_wait3A_88 = arith.constant 0 : i32
    %dma_wait3A_89 = arith.constant 0 : i32
    %dma_wait3A_90 = tpu.memref_slice %arg2[%dma_wait3A_88, %dma_wait3A_89] : memref<10016x64xf32, #tpu.memory_space<hbm>> -> memref<10016x64xf32, #tpu.memory_space<hbm>>
    tpu.wait_indirect_dma semaphore(%arg17 : memref<!tpu.dma_semaphore, #tpu.memory_space<semaphore_mem>>) src(%dma_wait3A_90 : memref<10016x64xf32, #tpu.memory_space<hbm>>) dst(%arg12 : memref<128x64xf32, #tpu.memory_space<vmem>>)
    %dma_start3A_91 = arith.constant 79 : i32
    %dma_start3A_92 = arith.constant 0 : i32
    %dma_start3A_93 = tpu.memref_slice %arg8[%dma_start3A_91, %dma_start3A_92] : memref<80x128xi32, #tpu.memory_space<vmem>> -> memref<1x128xi32, #tpu.memory_space<vmem>>
    %dma_start3A_94 = tpu.memref_squeeze %dma_start3A_93 : memref<1x128xi32, #tpu.memory_space<vmem>> -> memref<128xi32, #tpu.memory_space<vmem>>
    %dma_start3A_95 = arith.constant 0 : i32
    %dma_start3A_96 = arith.constant 0 : i32
    %dma_start3A_97 = tpu.memref_slice %arg13[%dma_start3A_95, %dma_start3A_96] : memref<10000x64xf32, #tpu.memory_space<vmem_shared>> -> memref<10000x64xf32, #tpu.memory_space<vmem_shared>>
    tpu.enqueue_indirect_dma source(%arg12 : memref<128x64xf32, #tpu.memory_space<vmem>>) target(%dma_start3A_97 : memref<10000x64xf32, #tpu.memory_space<vmem_shared>>) offsets(%dma_start3A_94 : memref<128xi32, #tpu.memory_space<vmem>>) semaphore(%arg21 : memref<!tpu.dma_semaphore, #tpu.memory_space<semaphore_mem>>) {add = true}
    %dma_wait3A_98 = arith.constant 76 : i32
    %dma_wait3A_99 = arith.constant 0 : i32
    %dma_wait3A_100 = tpu.memref_slice %arg8[%dma_wait3A_98, %dma_wait3A_99] : memref<80x128xi32, #tpu.memory_space<vmem>> -> memref<1x128xi32, #tpu.memory_space<vmem>>
    %dma_wait3A_101 = tpu.memref_squeeze %dma_wait3A_100 : memref<1x128xi32, #tpu.memory_space<vmem>> -> memref<128xi32, #tpu.memory_space<vmem>>
    %dma_wait3A_102 = arith.constant 0 : i32
    %dma_wait3A_103 = arith.constant 0 : i32
    %dma_wait3A_104 = tpu.memref_slice %arg13[%dma_wait3A_102, %dma_wait3A_103] : memref<10000x64xf32, #tpu.memory_space<vmem_shared>> -> memref<10000x64xf32, #tpu.memory_space<vmem_shared>>
    tpu.wait_indirect_dma semaphore(%arg18 : memref<!tpu.dma_semaphore, #tpu.memory_space<semaphore_mem>>) src(%arg9 : memref<128x64xf32, #tpu.memory_space<vmem>>) dst(%dma_wait3A_104 : memref<10000x64xf32, #tpu.memory_space<vmem_shared>>)
    %dma_wait3A_105 = arith.constant 77 : i32
    %dma_wait3A_106 = arith.constant 0 : i32
    %dma_wait3A_107 = tpu.memref_slice %arg8[%dma_wait3A_105, %dma_wait3A_106] : memref<80x128xi32, #tpu.memory_space<vmem>> -> memref<1x128xi32, #tpu.memory_space<vmem>>
    %dma_wait3A_108 = tpu.memref_squeeze %dma_wait3A_107 : memref<1x128xi32, #tpu.memory_space<vmem>> -> memref<128xi32, #tpu.memory_space<vmem>>
    %dma_wait3A_109 = arith.constant 0 : i32
    %dma_wait3A_110 = arith.constant 0 : i32
    %dma_wait3A_111 = tpu.memref_slice %arg13[%dma_wait3A_109, %dma_wait3A_110] : memref<10000x64xf32, #tpu.memory_space<vmem_shared>> -> memref<10000x64xf32, #tpu.memory_space<vmem_shared>>
    tpu.wait_indirect_dma semaphore(%arg19 : memref<!tpu.dma_semaphore, #tpu.memory_space<semaphore_mem>>) src(%arg10 : memref<128x64xf32, #tpu.memory_space<vmem>>) dst(%dma_wait3A_111 : memref<10000x64xf32, #tpu.memory_space<vmem_shared>>)
    %dma_wait3A_112 = arith.constant 78 : i32
    %dma_wait3A_113 = arith.constant 0 : i32
    %dma_wait3A_114 = tpu.memref_slice %arg8[%dma_wait3A_112, %dma_wait3A_113] : memref<80x128xi32, #tpu.memory_space<vmem>> -> memref<1x128xi32, #tpu.memory_space<vmem>>
    %dma_wait3A_115 = tpu.memref_squeeze %dma_wait3A_114 : memref<1x128xi32, #tpu.memory_space<vmem>> -> memref<128xi32, #tpu.memory_space<vmem>>
    %dma_wait3A_116 = arith.constant 0 : i32
    %dma_wait3A_117 = arith.constant 0 : i32
    %dma_wait3A_118 = tpu.memref_slice %arg13[%dma_wait3A_116, %dma_wait3A_117] : memref<10000x64xf32, #tpu.memory_space<vmem_shared>> -> memref<10000x64xf32, #tpu.memory_space<vmem_shared>>
    tpu.wait_indirect_dma semaphore(%arg20 : memref<!tpu.dma_semaphore, #tpu.memory_space<semaphore_mem>>) src(%arg11 : memref<128x64xf32, #tpu.memory_space<vmem>>) dst(%dma_wait3A_118 : memref<10000x64xf32, #tpu.memory_space<vmem_shared>>)
    %dma_wait3A_119 = arith.constant 79 : i32
    %dma_wait3A_120 = arith.constant 0 : i32
    %dma_wait3A_121 = tpu.memref_slice %arg8[%dma_wait3A_119, %dma_wait3A_120] : memref<80x128xi32, #tpu.memory_space<vmem>> -> memref<1x128xi32, #tpu.memory_space<vmem>>
    %dma_wait3A_122 = tpu.memref_squeeze %dma_wait3A_121 : memref<1x128xi32, #tpu.memory_space<vmem>> -> memref<128xi32, #tpu.memory_space<vmem>>
    %dma_wait3A_123 = arith.constant 0 : i32
    %dma_wait3A_124 = arith.constant 0 : i32
    %dma_wait3A_125 = tpu.memref_slice %arg13[%dma_wait3A_123, %dma_wait3A_124] : memref<10000x64xf32, #tpu.memory_space<vmem_shared>> -> memref<10000x64xf32, #tpu.memory_space<vmem_shared>>
    tpu.wait_indirect_dma semaphore(%arg21 : memref<!tpu.dma_semaphore, #tpu.memory_space<semaphore_mem>>) src(%arg12 : memref<128x64xf32, #tpu.memory_space<vmem>>) dst(%dma_wait3A_125 : memref<10000x64xf32, #tpu.memory_space<vmem_shared>>)
    %barrier3A_126 = arith.constant 0 : index
    tpu.barrier barrier_id(%barrier3A_126)
    %lt3A_127 = arith.constant 15 : i32
    %lt3A_128 = arith.cmpi slt, %arg1, %lt3A_127 : i32
    %convert_element_type3A_129 = arith.extui %lt3A_128 : i1 to i32
    %cond3A_130 = arith.constant 0 : i32
    %cond3A_131 = arith.cmpi ne, %convert_element_type3A_129, %cond3A_130 : i32
    scf.if %cond3A_131 {
      %mul3A_137 = arith.constant 632 : i32
      %mul3A_138 = arith.muli %arg1, %mul3A_137 : i32
      %mul3A_139 = arith.constant 632 : i32
      %mul3A_140 = arith.muli %arg1, %mul3A_139 : i32
      "tpu.region"() ({
        %run_scoped3A = tpu.sem_alloc : memref<!tpu.dma_semaphore, #tpu.memory_space<semaphore_mem>>
        %dma_start3A_141 = arith.constant 0 : i32
        %dma_start3A_142 = tpu.memref_slice %arg6[%arg0, %mul3A_140, %dma_start3A_141] : memref<2x10016x64xf32, #tpu.memory_space<hbm>> -> memref<1x632x64xf32, #tpu.memory_space<hbm>>
        %dma_start3A_143 = tpu.memref_squeeze %dma_start3A_142 : memref<1x632x64xf32, #tpu.memory_space<hbm>> -> memref<632x64xf32, #tpu.memory_space<hbm>>
        %dma_start3A_144 = arith.constant 0 : i32
        %dma_start3A_145 = tpu.memref_slice %arg13[%mul3A_138, %dma_start3A_144] : memref<10000x64xf32, #tpu.memory_space<vmem_shared>> -> memref<632x64xf32, #tpu.memory_space<vmem_shared>>
        tpu.enqueue_dma source(%dma_start3A_145 : memref<632x64xf32, #tpu.memory_space<vmem_shared>>) target(%dma_start3A_143 : memref<632x64xf32, #tpu.memory_space<hbm>>) target_semaphore(%run_scoped3A : memref<!tpu.dma_semaphore, #tpu.memory_space<semaphore_mem>>)
        %dma_wait3A_146 = arith.constant 0 : i32
        %dma_wait3A_147 = tpu.memref_slice %arg6[%arg0, %mul3A_140, %dma_wait3A_146] : memref<2x10016x64xf32, #tpu.memory_space<hbm>> -> memref<1x632x64xf32, #tpu.memory_space<hbm>>
        %dma_wait3A_148 = tpu.memref_squeeze %dma_wait3A_147 : memref<1x632x64xf32, #tpu.memory_space<hbm>> -> memref<632x64xf32, #tpu.memory_space<hbm>>
        %dma_wait3A_149 = arith.constant 0 : i32
        %dma_wait3A_150 = tpu.memref_slice %arg13[%mul3A_138, %dma_wait3A_149] : memref<10000x64xf32, #tpu.memory_space<vmem_shared>> -> memref<632x64xf32, #tpu.memory_space<vmem_shared>>
        tpu.wait_dma2 semaphore(%run_scoped3A : memref<!tpu.dma_semaphore, #tpu.memory_space<semaphore_mem>>) src(%dma_wait3A_150 : memref<632x64xf32, #tpu.memory_space<vmem_shared>>) dst(%dma_wait3A_148 : memref<632x64xf32, #tpu.memory_space<hbm>>)
        tpu.yield
      }) : () -> ()
    } else {
    }
    %eq3A_132 = arith.constant 15 : i32
    %eq3A_133 = arith.cmpi eq, %arg1, %eq3A_132 : i32
    %convert_element_type3A_134 = arith.extui %eq3A_133 : i1 to i32
    %cond3A_135 = arith.constant 0 : i32
    %cond3A_136 = arith.cmpi ne, %convert_element_type3A_134, %cond3A_135 : i32
    scf.if %cond3A_136 {
      "tpu.region"() ({
        %run_scoped3A = tpu.sem_alloc : memref<!tpu.dma_semaphore, #tpu.memory_space<semaphore_mem>>
        %dma_start3A_137 = arith.constant 9480 : i32
        %dma_start3A_138 = arith.constant 0 : i32
        %dma_start3A_139 = tpu.memref_slice %arg6[%arg0, %dma_start3A_137, %dma_start3A_138] : memref<2x10016x64xf32, #tpu.memory_space<hbm>> -> memref<1x520x64xf32, #tpu.memory_space<hbm>>
        %dma_start3A_140 = tpu.memref_squeeze %dma_start3A_139 : memref<1x520x64xf32, #tpu.memory_space<hbm>> -> memref<520x64xf32, #tpu.memory_space<hbm>>
        %dma_start3A_141 = arith.constant 9480 : i32
        %dma_start3A_142 = arith.constant 0 : i32
        %dma_start3A_143 = tpu.memref_slice %arg13[%dma_start3A_141, %dma_start3A_142] : memref<10000x64xf32, #tpu.memory_space<vmem_shared>> -> memref<520x64xf32, #tpu.memory_space<vmem_shared>>
        tpu.enqueue_dma source(%dma_start3A_143 : memref<520x64xf32, #tpu.memory_space<vmem_shared>>) target(%dma_start3A_140 : memref<520x64xf32, #tpu.memory_space<hbm>>) target_semaphore(%run_scoped3A : memref<!tpu.dma_semaphore, #tpu.memory_space<semaphore_mem>>)
        %dma_wait3A_144 = arith.constant 9480 : i32
        %dma_wait3A_145 = arith.constant 0 : i32
        %dma_wait3A_146 = tpu.memref_slice %arg6[%arg0, %dma_wait3A_144, %dma_wait3A_145] : memref<2x10016x64xf32, #tpu.memory_space<hbm>> -> memref<1x520x64xf32, #tpu.memory_space<hbm>>
        %dma_wait3A_147 = tpu.memref_squeeze %dma_wait3A_146 : memref<1x520x64xf32, #tpu.memory_space<hbm>> -> memref<520x64xf32, #tpu.memory_space<hbm>>
        %dma_wait3A_148 = arith.constant 9480 : i32
        %dma_wait3A_149 = arith.constant 0 : i32
        %dma_wait3A_150 = tpu.memref_slice %arg13[%dma_wait3A_148, %dma_wait3A_149] : memref<10000x64xf32, #tpu.memory_space<vmem_shared>> -> memref<520x64xf32, #tpu.memory_space<vmem_shared>>
        tpu.wait_dma2 semaphore(%run_scoped3A : memref<!tpu.dma_semaphore, #tpu.memory_space<semaphore_mem>>) src(%dma_wait3A_150 : memref<520x64xf32, #tpu.memory_space<vmem_shared>>) dst(%dma_wait3A_147 : memref<520x64xf32, #tpu.memory_space<hbm>>)
        tpu.yield
      }) : () -> ()
    } else {
    }
    return
  }
}

module attributes {stable_mosaic.version = 14 : i64} {
  func.func @_pre_body(%arg0: i32, %arg1: memref<2504x128xf32, #tpu.memory_space<vmem>>, %arg2: memref<128x64xf32, #tpu.memory_space<vmem>>, %arg3: memref<2504x64xf32, #tpu.memory_space<vmem>>) attributes {dimension_semantics = [#tpu.dimension_semantics<arbitrary>], iteration_bounds = array<i64: 4>, scalar_prefetch = 0 : i64, scratch_operands = 0 : i64, tpu.core_type = #tpu.core_type<tc>, window_params = [{transform_indices = @transform_0, window_bounds = array<i64: 2504, 128>}, {pipeline_mode = #tpu.pipeline_mode<synchronous>, transform_indices = @transform_1, window_bounds = array<i64: 128, 64>}, {transform_indices = @transform_2, window_bounds = array<i64: 2504, 64>}]} {
    %get3A = arith.constant 0 : index
    %get3A_0 = arith.constant 0 : index
    %get3A_1 = vector.load %arg1[%get3A, %get3A_0] : memref<2504x128xf32, #tpu.memory_space<vmem>>, vector<2504x128xf32>
    %get3A_2 = arith.constant 0 : index
    %get3A_3 = arith.constant 0 : index
    %get3A_4 = vector.load %arg2[%get3A_2, %get3A_3] : memref<128x64xf32, #tpu.memory_space<vmem>>, vector<128x64xf32>
    %dot_general3A = arith.constant dense<0.000000e+00> : vector<2504x64xf32>
    %dot_general3A_5 = tpu.matmul %get3A_1, %get3A_4, %dot_general3A {dimension_numbers = #tpu.dot_dimension_numbers<[1], [0], [0], [1], [0, 0, 1, 1], [], []>, transpose_lhs_hint = false} : vector<2504x128xf32>, vector<128x64xf32>, vector<2504x64xf32> -> vector<2504x64xf32>
    %swap3A = arith.constant 0 : index
    %swap3A_6 = arith.constant 0 : index
    %swap3A_7 = vector.load %arg3[%swap3A, %swap3A_6] : memref<2504x64xf32, #tpu.memory_space<vmem>>, vector<2504x64xf32>
    tpu.vector_store %arg3[%swap3A, %swap3A_6], %dot_general3A_5 {strides = array<i32>} : memref<2504x64xf32, #tpu.memory_space<vmem>>, vector<2504x64xf32>,
    return
  }
  func.func @transform_0(%arg0: i32) -> (i32, i32) {
    %c0_i32 = arith.constant 0 : i32
    %c0_i32_0 = arith.constant 0 : i32
    return %arg0, %c0_i32 : i32, i32
  }
  func.func @transform_1(%arg0: i32) -> (i32, i32) {
    %c0_i32 = arith.constant 0 : i32
    %c0_i32_0 = arith.constant 0 : i32
    %c0_i32_1 = arith.constant 0 : i32
    return %c0_i32, %c0_i32_0 : i32, i32
  }
  func.func @transform_2(%arg0: i32) -> (i32, i32) {
    %c0_i32 = arith.constant 0 : i32
    %c0_i32_0 = arith.constant 0 : i32
    return %arg0, %c0_i32 : i32, i32
  }
}

module attributes {stable_mosaic.version = 14 : i64} {
  func.func @body(%arg0: i32, %arg1: memref<2504x64xf32, #tpu.memory_space<vmem>>, %arg2: memref<2x2504x64xf32, #tpu.memory_space<vmem>>, %arg3: memref<2504x32xf32, #tpu.memory_space<vmem>>, %arg4: memref<1x64xf32, #tpu.memory_space<vmem>>, %arg5: memref<64x64xf32, #tpu.memory_space<vmem>>, %arg6: memref<1x64xf32, #tpu.memory_space<vmem>>, %arg7: memref<64x32xf32, #tpu.memory_space<vmem>>, %arg8: memref<64x64xf32, #tpu.memory_space<vmem>>, %arg9: memref<2504x32xf32, #tpu.memory_space<vmem>>) attributes {dimension_semantics = [#tpu.dimension_semantics<arbitrary>], iteration_bounds = array<i64: 4>, scalar_prefetch = 0 : i64, scratch_operands = 0 : i64, tpu.core_type = #tpu.core_type<tc>, window_params = [{transform_indices = @transform_0, window_bounds = array<i64: 2504, 64>}, {transform_indices = @transform_1, window_bounds = array<i64: 2, 2504, 64>}, {transform_indices = @transform_2, window_bounds = array<i64: 2504, 32>}, {pipeline_mode = #tpu.pipeline_mode<synchronous>, transform_indices = @transform_3, window_bounds = array<i64: 1, 64>}, {pipeline_mode = #tpu.pipeline_mode<synchronous>, transform_indices = @transform_4, window_bounds = array<i64: 64, 64>}, {pipeline_mode = #tpu.pipeline_mode<synchronous>, transform_indices = @transform_5, window_bounds = array<i64: 1, 64>}, {pipeline_mode = #tpu.pipeline_mode<synchronous>, transform_indices = @transform_6, window_bounds = array<i64: 64, 32>}, {pipeline_mode = #tpu.pipeline_mode<synchronous>, transform_indices = @transform_7, window_bounds = array<i64: 64, 64>}, {transform_indices = @transform_8, window_bounds = array<i64: 2504, 32>}]} {
    %get3A = arith.constant 0 : index
    %get3A_0 = arith.constant 0 : index
    %get3A_1 = arith.constant 0 : index
    %get3A_2 = vector.load %arg2[%get3A, %get3A_0, %get3A_1] : memref<2x2504x64xf32, #tpu.memory_space<vmem>>, vector<2x2504x64xf32>
    %get3A_3 = arith.constant 0 : index
    %get3A_4 = arith.constant 0 : index
    %get3A_5 = vector.load %arg1[%get3A_3, %get3A_4] : memref<2504x64xf32, #tpu.memory_space<vmem>>, vector<2504x64xf32>
    %mul3A = arith.constant 2504 : i32
    %mul3A_6 = arith.muli %arg0, %mul3A : i32
    %iota3A = tpu.iota {dimensions = array<i32: 0>} : vector<2504x1xi32>
    %add3A = vector.broadcast %mul3A_6 : i32 to vector<2504x1xi32>
    %add3A_7 = arith.addi %add3A, %iota3A : vector<2504x1xi32>
    %lt3A = arith.constant 10000 : i32
    %lt3A_8 = vector.broadcast %lt3A : i32 to vector<2504x1xi32>
    %lt3A_9 = arith.cmpi slt, %add3A_7, %lt3A_8 : vector<2504x1xi32>
    %broadcast_in_dim3A = vector.shape_cast %lt3A_9 : vector<2504x1xi1> to vector<2504x1xi1>
    %broadcast_in_dim3A_10 = vector.broadcast %broadcast_in_dim3A : vector<2504x1xi1> to vector<2504x64xi1>
    %slice3A = vector.extract_strided_slice %get3A_2 {offsets = [0, 0, 0], sizes = [1, 2504, 64], strides = [1, 1, 1]} : vector<2x2504x64xf32> to vector<1x2504x64xf32>
    %squeeze3A = vector.shape_cast %slice3A : vector<1x2504x64xf32> to vector<2504x64xf32>
    %add3A_11 = arith.addf %get3A_5, %squeeze3A : vector<2504x64xf32>
    %slice3A_12 = vector.extract_strided_slice %get3A_2 {offsets = [1, 0, 0], sizes = [1, 2504, 64], strides = [1, 1, 1]} : vector<2x2504x64xf32> to vector<1x2504x64xf32>
    %squeeze3A_13 = vector.shape_cast %slice3A_12 : vector<1x2504x64xf32> to vector<2504x64xf32>
    %add3A_14 = arith.addf %add3A_11, %squeeze3A_13 : vector<2504x64xf32>
    %get3A_15 = arith.constant 0 : index
    %get3A_16 = arith.constant 0 : index
    %get3A_17 = vector.load %arg4[%get3A_15, %get3A_16] : memref<1x64xf32, #tpu.memory_space<vmem>>, vector<1x64xf32>
    %add3A_18 = vector.broadcast %get3A_17 : vector<1x64xf32> to vector<2504x64xf32>
    %add3A_19 = arith.addf %add3A_14, %add3A_18 : vector<2504x64xf32>
    %max3A = arith.constant 0.000000e+00 : f32
    %max3A_20 = vector.broadcast %max3A : f32 to vector<2504x64xf32>
    %max3A_21 = arith.maximumf %add3A_19, %max3A_20 : vector<2504x64xf32>
    %jit3A = arith.constant 0.000000e+00 : f32
    %broadcast_in_dim3A_22 = vector.broadcast %jit3A : f32 to vector<2504x64xf32>
    %select_n3A = arith.select %broadcast_in_dim3A_10, %max3A_21, %broadcast_in_dim3A_22 : vector<2504x64xi1>, vector<2504x64xf32>
    %get3A_23 = arith.constant 0 : index
    %get3A_24 = arith.constant 0 : index
    %get3A_25 = vector.load %arg5[%get3A_23, %get3A_24] : memref<64x64xf32, #tpu.memory_space<vmem>>, vector<64x64xf32>
    %dot_general3A = arith.constant dense<0.000000e+00> : vector<2504x64xf32>
    %dot_general3A_26 = tpu.matmul %select_n3A, %get3A_25, %dot_general3A {dimension_numbers = #tpu.dot_dimension_numbers<[1], [0], [0], [1], [0, 0, 1, 1], [], []>, transpose_lhs_hint = false} : vector<2504x64xf32>, vector<64x64xf32>, vector<2504x64xf32> -> vector<2504x64xf32>
    %get3A_27 = arith.constant 0 : index
    %get3A_28 = arith.constant 0 : index
    %get3A_29 = vector.load %arg6[%get3A_27, %get3A_28] : memref<1x64xf32, #tpu.memory_space<vmem>>, vector<1x64xf32>
    %add3A_30 = vector.broadcast %get3A_29 : vector<1x64xf32> to vector<2504x64xf32>
    %add3A_31 = arith.addf %dot_general3A_26, %add3A_30 : vector<2504x64xf32>
    %max3A_32 = arith.constant 0.000000e+00 : f32
    %max3A_33 = vector.broadcast %max3A_32 : f32 to vector<2504x64xf32>
    %max3A_34 = arith.maximumf %add3A_31, %max3A_33 : vector<2504x64xf32>
    %jit3A_35 = arith.constant 0.000000e+00 : f32
    %broadcast_in_dim3A_36 = vector.broadcast %jit3A_35 : f32 to vector<2504x64xf32>
    %select_n3A_37 = arith.select %broadcast_in_dim3A_10, %max3A_34, %broadcast_in_dim3A_36 : vector<2504x64xi1>, vector<2504x64xf32>
    %get3A_38 = arith.constant 0 : index
    %get3A_39 = arith.constant 0 : index
    %get3A_40 = vector.load %arg3[%get3A_38, %get3A_39] : memref<2504x32xf32, #tpu.memory_space<vmem>>, vector<2504x32xf32>
    %get3A_41 = arith.constant 0 : index
    %get3A_42 = arith.constant 0 : index
    %get3A_43 = vector.load %arg7[%get3A_41, %get3A_42] : memref<64x32xf32, #tpu.memory_space<vmem>>, vector<64x32xf32>
    %dot_general3A_44 = arith.constant dense<0.000000e+00> : vector<2504x32xf32>
    %dot_general3A_45 = tpu.matmul %select_n3A_37, %get3A_43, %dot_general3A_44 {dimension_numbers = #tpu.dot_dimension_numbers<[1], [0], [0], [1], [0, 0, 1, 1], [], []>, transpose_lhs_hint = false} : vector<2504x64xf32>, vector<64x32xf32>, vector<2504x32xf32> -> vector<2504x32xf32>
    %add3A_46 = arith.addf %get3A_40, %dot_general3A_45 : vector<2504x32xf32>
    %swap3A = arith.constant 0 : index
    %swap3A_47 = arith.constant 0 : index
    %swap3A_48 = vector.load %arg9[%swap3A, %swap3A_47] : memref<2504x32xf32, #tpu.memory_space<vmem>>, vector<2504x32xf32>
    tpu.vector_store %arg9[%swap3A, %swap3A_47], %add3A_46 {strides = array<i32>} : memref<2504x32xf32, #tpu.memory_space<vmem>>, vector<2504x32xf32>,
    return
  }
  func.func @transform_0(%arg0: i32) -> (i32, i32) {
    %c0_i32 = arith.constant 0 : i32
    %c0_i32_0 = arith.constant 0 : i32
    return %arg0, %c0_i32 : i32, i32
  }
  func.func @transform_1(%arg0: i32) -> (i32, i32, i32) {
    %c0_i32 = arith.constant 0 : i32
    %c0_i32_0 = arith.constant 0 : i32
    %c0_i32_1 = arith.constant 0 : i32
    return %c0_i32, %arg0, %c0_i32_0 : i32, i32, i32
  }
  func.func @transform_2(%arg0: i32) -> (i32, i32) {
    %c0_i32 = arith.constant 0 : i32
    %c0_i32_0 = arith.constant 0 : i32
    return %arg0, %c0_i32 : i32, i32
  }
  func.func @transform_3(%arg0: i32) -> (i32, i32) {
    %c0_i32 = arith.constant 0 : i32
    %c0_i32_0 = arith.constant 0 : i32
    %c0_i32_1 = arith.constant 0 : i32
    return %c0_i32, %c0_i32_0 : i32, i32
  }
  func.func @transform_4(%arg0: i32) -> (i32, i32) {
    %c0_i32 = arith.constant 0 : i32
    %c0_i32_0 = arith.constant 0 : i32
    %c0_i32_1 = arith.constant 0 : i32
    return %c0_i32, %c0_i32_0 : i32, i32
  }
  func.func @transform_5(%arg0: i32) -> (i32, i32) {
    %c0_i32 = arith.constant 0 : i32
    %c0_i32_0 = arith.constant 0 : i32
    %c0_i32_1 = arith.constant 0 : i32
    return %c0_i32, %c0_i32_0 : i32, i32
  }
  func.func @transform_6(%arg0: i32) -> (i32, i32) {
    %c0_i32 = arith.constant 0 : i32
    %c0_i32_0 = arith.constant 0 : i32
    %c0_i32_1 = arith.constant 0 : i32
    return %c0_i32, %c0_i32_0 : i32, i32
  }
  func.func @transform_7(%arg0: i32) -> (i32, i32) {
    %c0_i32 = arith.constant 0 : i32
    %c0_i32_0 = arith.constant 0 : i32
    %c0_i32_1 = arith.constant 0 : i32
    return %c0_i32, %c0_i32_0 : i32, i32
  }
  func.func @transform_8(%arg0: i32) -> (i32, i32) {
    %c0_i32 = arith.constant 0 : i32
    %c0_i32_0 = arith.constant 0 : i32
    return %arg0, %c0_i32 : i32, i32
  }
}

module attributes {stable_mosaic.version = 14 : i64} {
  func.func @body(%arg0: i32, %arg1: memref<2504x64xf32, #tpu.memory_space<vmem>>, %arg2: memref<2x2504x64xf32, #tpu.memory_space<vmem>>, %arg3: memref<2504x32xf32, #tpu.memory_space<vmem>>, %arg4: memref<1x64xf32, #tpu.memory_space<vmem>>, %arg5: memref<64x64xf32, #tpu.memory_space<vmem>>, %arg6: memref<1x64xf32, #tpu.memory_space<vmem>>, %arg7: memref<64x32xf32, #tpu.memory_space<vmem>>, %arg8: memref<64x64xf32, #tpu.memory_space<vmem>>, %arg9: memref<2504x64xf32, #tpu.memory_space<vmem>>, %arg10: memref<2504x32xf32, #tpu.memory_space<vmem>>) attributes {dimension_semantics = [#tpu.dimension_semantics<arbitrary>], iteration_bounds = array<i64: 4>, scalar_prefetch = 0 : i64, scratch_operands = 0 : i64, tpu.core_type = #tpu.core_type<tc>, window_params = [{transform_indices = @transform_0, window_bounds = array<i64: 2504, 64>}, {transform_indices = @transform_1, window_bounds = array<i64: 2, 2504, 64>}, {transform_indices = @transform_2, window_bounds = array<i64: 2504, 32>}, {pipeline_mode = #tpu.pipeline_mode<synchronous>, transform_indices = @transform_3, window_bounds = array<i64: 1, 64>}, {pipeline_mode = #tpu.pipeline_mode<synchronous>, transform_indices = @transform_4, window_bounds = array<i64: 64, 64>}, {pipeline_mode = #tpu.pipeline_mode<synchronous>, transform_indices = @transform_5, window_bounds = array<i64: 1, 64>}, {pipeline_mode = #tpu.pipeline_mode<synchronous>, transform_indices = @transform_6, window_bounds = array<i64: 64, 32>}, {pipeline_mode = #tpu.pipeline_mode<synchronous>, transform_indices = @transform_7, window_bounds = array<i64: 64, 64>}, {transform_indices = @transform_8, window_bounds = array<i64: 2504, 64>}, {transform_indices = @transform_9, window_bounds = array<i64: 2504, 32>}]} {
    %get3A = arith.constant 0 : index
    %get3A_0 = arith.constant 0 : index
    %get3A_1 = arith.constant 0 : index
    %get3A_2 = vector.load %arg2[%get3A, %get3A_0, %get3A_1] : memref<2x2504x64xf32, #tpu.memory_space<vmem>>, vector<2x2504x64xf32>
    %get3A_3 = arith.constant 0 : index
    %get3A_4 = arith.constant 0 : index
    %get3A_5 = vector.load %arg1[%get3A_3, %get3A_4] : memref<2504x64xf32, #tpu.memory_space<vmem>>, vector<2504x64xf32>
    %mul3A = arith.constant 2504 : i32
    %mul3A_6 = arith.muli %arg0, %mul3A : i32
    %iota3A = tpu.iota {dimensions = array<i32: 0>} : vector<2504x1xi32>
    %add3A = vector.broadcast %mul3A_6 : i32 to vector<2504x1xi32>
    %add3A_7 = arith.addi %add3A, %iota3A : vector<2504x1xi32>
    %lt3A = arith.constant 10000 : i32
    %lt3A_8 = vector.broadcast %lt3A : i32 to vector<2504x1xi32>
    %lt3A_9 = arith.cmpi slt, %add3A_7, %lt3A_8 : vector<2504x1xi32>
    %broadcast_in_dim3A = vector.shape_cast %lt3A_9 : vector<2504x1xi1> to vector<2504x1xi1>
    %broadcast_in_dim3A_10 = vector.broadcast %broadcast_in_dim3A : vector<2504x1xi1> to vector<2504x64xi1>
    %slice3A = vector.extract_strided_slice %get3A_2 {offsets = [0, 0, 0], sizes = [1, 2504, 64], strides = [1, 1, 1]} : vector<2x2504x64xf32> to vector<1x2504x64xf32>
    %squeeze3A = vector.shape_cast %slice3A : vector<1x2504x64xf32> to vector<2504x64xf32>
    %add3A_11 = arith.addf %get3A_5, %squeeze3A : vector<2504x64xf32>
    %slice3A_12 = vector.extract_strided_slice %get3A_2 {offsets = [1, 0, 0], sizes = [1, 2504, 64], strides = [1, 1, 1]} : vector<2x2504x64xf32> to vector<1x2504x64xf32>
    %squeeze3A_13 = vector.shape_cast %slice3A_12 : vector<1x2504x64xf32> to vector<2504x64xf32>
    %add3A_14 = arith.addf %add3A_11, %squeeze3A_13 : vector<2504x64xf32>
    %get3A_15 = arith.constant 0 : index
    %get3A_16 = arith.constant 0 : index
    %get3A_17 = vector.load %arg4[%get3A_15, %get3A_16] : memref<1x64xf32, #tpu.memory_space<vmem>>, vector<1x64xf32>
    %add3A_18 = vector.broadcast %get3A_17 : vector<1x64xf32> to vector<2504x64xf32>
    %add3A_19 = arith.addf %add3A_14, %add3A_18 : vector<2504x64xf32>
    %max3A = arith.constant 0.000000e+00 : f32
    %max3A_20 = vector.broadcast %max3A : f32 to vector<2504x64xf32>
    %max3A_21 = arith.maximumf %add3A_19, %max3A_20 : vector<2504x64xf32>
    %jit3A = arith.constant 0.000000e+00 : f32
    %broadcast_in_dim3A_22 = vector.broadcast %jit3A : f32 to vector<2504x64xf32>
    %select_n3A = arith.select %broadcast_in_dim3A_10, %max3A_21, %broadcast_in_dim3A_22 : vector<2504x64xi1>, vector<2504x64xf32>
    %get3A_23 = arith.constant 0 : index
    %get3A_24 = arith.constant 0 : index
    %get3A_25 = vector.load %arg5[%get3A_23, %get3A_24] : memref<64x64xf32, #tpu.memory_space<vmem>>, vector<64x64xf32>
    %dot_general3A = arith.constant dense<0.000000e+00> : vector<2504x64xf32>
    %dot_general3A_26 = tpu.matmul %select_n3A, %get3A_25, %dot_general3A {dimension_numbers = #tpu.dot_dimension_numbers<[1], [0], [0], [1], [0, 0, 1, 1], [], []>, transpose_lhs_hint = false} : vector<2504x64xf32>, vector<64x64xf32>, vector<2504x64xf32> -> vector<2504x64xf32>
    %get3A_27 = arith.constant 0 : index
    %get3A_28 = arith.constant 0 : index
    %get3A_29 = vector.load %arg6[%get3A_27, %get3A_28] : memref<1x64xf32, #tpu.memory_space<vmem>>, vector<1x64xf32>
    %add3A_30 = vector.broadcast %get3A_29 : vector<1x64xf32> to vector<2504x64xf32>
    %add3A_31 = arith.addf %dot_general3A_26, %add3A_30 : vector<2504x64xf32>
    %max3A_32 = arith.constant 0.000000e+00 : f32
    %max3A_33 = vector.broadcast %max3A_32 : f32 to vector<2504x64xf32>
    %max3A_34 = arith.maximumf %add3A_31, %max3A_33 : vector<2504x64xf32>
    %jit3A_35 = arith.constant 0.000000e+00 : f32
    %broadcast_in_dim3A_36 = vector.broadcast %jit3A_35 : f32 to vector<2504x64xf32>
    %select_n3A_37 = arith.select %broadcast_in_dim3A_10, %max3A_34, %broadcast_in_dim3A_36 : vector<2504x64xi1>, vector<2504x64xf32>
    %get3A_38 = arith.constant 0 : index
    %get3A_39 = arith.constant 0 : index
    %get3A_40 = vector.load %arg3[%get3A_38, %get3A_39] : memref<2504x32xf32, #tpu.memory_space<vmem>>, vector<2504x32xf32>
    %get3A_41 = arith.constant 0 : index
    %get3A_42 = arith.constant 0 : index
    %get3A_43 = vector.load %arg7[%get3A_41, %get3A_42] : memref<64x32xf32, #tpu.memory_space<vmem>>, vector<64x32xf32>
    %dot_general3A_44 = arith.constant dense<0.000000e+00> : vector<2504x32xf32>
    %dot_general3A_45 = tpu.matmul %select_n3A_37, %get3A_43, %dot_general3A_44 {dimension_numbers = #tpu.dot_dimension_numbers<[1], [0], [0], [1], [0, 0, 1, 1], [], []>, transpose_lhs_hint = false} : vector<2504x64xf32>, vector<64x32xf32>, vector<2504x32xf32> -> vector<2504x32xf32>
    %add3A_46 = arith.addf %get3A_40, %dot_general3A_45 : vector<2504x32xf32>
    %swap3A = arith.constant 0 : index
    %swap3A_47 = arith.constant 0 : index
    %swap3A_48 = vector.load %arg10[%swap3A, %swap3A_47] : memref<2504x32xf32, #tpu.memory_space<vmem>>, vector<2504x32xf32>
    tpu.vector_store %arg10[%swap3A, %swap3A_47], %add3A_46 {strides = array<i32>} : memref<2504x32xf32, #tpu.memory_space<vmem>>, vector<2504x32xf32>,
    %get3A_49 = arith.constant 0 : index
    %get3A_50 = arith.constant 0 : index
    %get3A_51 = vector.load %arg8[%get3A_49, %get3A_50] : memref<64x64xf32, #tpu.memory_space<vmem>>, vector<64x64xf32>
    %dot_general3A_52 = arith.constant dense<0.000000e+00> : vector<2504x64xf32>
    %dot_general3A_53 = tpu.matmul %select_n3A_37, %get3A_51, %dot_general3A_52 {dimension_numbers = #tpu.dot_dimension_numbers<[1], [0], [0], [1], [0, 0, 1, 1], [], []>, transpose_lhs_hint = false} : vector<2504x64xf32>, vector<64x64xf32>, vector<2504x64xf32> -> vector<2504x64xf32>
    %swap3A_54 = arith.constant 0 : index
    %swap3A_55 = arith.constant 0 : index
    %swap3A_56 = vector.load %arg9[%swap3A_54, %swap3A_55] : memref<2504x64xf32, #tpu.memory_space<vmem>>, vector<2504x64xf32>
    tpu.vector_store %arg9[%swap3A_54, %swap3A_55], %dot_general3A_53 {strides = array<i32>} : memref<2504x64xf32, #tpu.memory_space<vmem>>, vector<2504x64xf32>,
    return
  }
  func.func @transform_0(%arg0: i32) -> (i32, i32) {
    %c0_i32 = arith.constant 0 : i32
    %c0_i32_0 = arith.constant 0 : i32
    return %arg0, %c0_i32 : i32, i32
  }
  func.func @transform_1(%arg0: i32) -> (i32, i32, i32) {
    %c0_i32 = arith.constant 0 : i32
    %c0_i32_0 = arith.constant 0 : i32
    %c0_i32_1 = arith.constant 0 : i32
    return %c0_i32, %arg0, %c0_i32_0 : i32, i32, i32
  }
  func.func @transform_2(%arg0: i32) -> (i32, i32) {
    %c0_i32 = arith.constant 0 : i32
    %c0_i32_0 = arith.constant 0 : i32
    return %arg0, %c0_i32 : i32, i32
  }
  func.func @transform_3(%arg0: i32) -> (i32, i32) {
    %c0_i32 = arith.constant 0 : i32
    %c0_i32_0 = arith.constant 0 : i32
    %c0_i32_1 = arith.constant 0 : i32
    return %c0_i32, %c0_i32_0 : i32, i32
  }
  func.func @transform_4(%arg0: i32) -> (i32, i32) {
    %c0_i32 = arith.constant 0 : i32
    %c0_i32_0 = arith.constant 0 : i32
    %c0_i32_1 = arith.constant 0 : i32
    return %c0_i32, %c0_i32_0 : i32, i32
  }
  func.func @transform_5(%arg0: i32) -> (i32, i32) {
    %c0_i32 = arith.constant 0 : i32
    %c0_i32_0 = arith.constant 0 : i32
    %c0_i32_1 = arith.constant 0 : i32
    return %c0_i32, %c0_i32_0 : i32, i32
  }
  func.func @transform_6(%arg0: i32) -> (i32, i32) {
    %c0_i32 = arith.constant 0 : i32
    %c0_i32_0 = arith.constant 0 : i32
    %c0_i32_1 = arith.constant 0 : i32
    return %c0_i32, %c0_i32_0 : i32, i32
  }
  func.func @transform_7(%arg0: i32) -> (i32, i32) {
    %c0_i32 = arith.constant 0 : i32
    %c0_i32_0 = arith.constant 0 : i32
    %c0_i32_1 = arith.constant 0 : i32
    return %c0_i32, %c0_i32_0 : i32, i32
  }
  func.func @transform_8(%arg0: i32) -> (i32, i32) {
    %c0_i32 = arith.constant 0 : i32
    %c0_i32_0 = arith.constant 0 : i32
    return %arg0, %c0_i32 : i32, i32
  }
  func.func @transform_9(%arg0: i32) -> (i32, i32) {
    %c0_i32 = arith.constant 0 : i32
    %c0_i32_0 = arith.constant 0 : i32
    return %arg0, %c0_i32 : i32, i32
  }
}

module attributes {stable_mosaic.version = 14 : i64} {
  func.func @_pool_body(%arg0: i32, %arg1: memref<10000x32xf32, #tpu.memory_space<vmem>>, %arg2: memref<10x1000xi32, #tpu.memory_space<vmem>>, %arg3: memref<128x32xf32, #tpu.memory_space<vmem>>) attributes {dimension_semantics = [#tpu.dimension_semantics<arbitrary>], iteration_bounds = array<i64: 1>, scalar_prefetch = 0 : i64, scratch_operands = 0 : i64, tpu.core_type = #tpu.core_type<tc>, window_params = [{pipeline_mode = #tpu.pipeline_mode<synchronous>, transform_indices = @transform_0, window_bounds = array<i64: 10000, 32>}, {pipeline_mode = #tpu.pipeline_mode<synchronous>, transform_indices = @transform_1, window_bounds = array<i64: 10, 1000>}, {pipeline_mode = #tpu.pipeline_mode<synchronous>, transform_indices = @transform_2, window_bounds = array<i64: 128, 32>}]} {
    %broadcast_in_dim3A = arith.constant 0.000000e+00 : f32
    %broadcast_in_dim3A_0 = vector.broadcast %broadcast_in_dim3A : f32 to vector<128x32xf32>
    %broadcast_in_dim3A_1 = arith.constant 0.000000e+00 : f32
    %broadcast_in_dim3A_2 = vector.broadcast %broadcast_in_dim3A_1 : f32 to vector<128x1xf32>
    %scan3A = arith.constant 0 : i32
    %scan3A_3 = arith.constant 10 : i32
    %scan3A_4 = arith.addi %scan3A, %scan3A_3 : i32
    %scan3A_5 = arith.constant 1 : i32
    %scan3A_6:2 = scf.for %scan3A_13 = %scan3A to %scan3A_4 step %scan3A_5 iter_args(%scan3A_14 = %broadcast_in_dim3A_0, %scan3A_15 = %broadcast_in_dim3A_2) -> (vector<128x32xf32>, vector<128x1xf32>)  : i32 {
      %get3A = arith.index_cast %scan3A_13 : i32 to index
      %get3A_16 = arith.constant 0 : index
      %get3A_17 = vector.load %arg2[%get3A, %get3A_16] : memref<10x1000xi32, #tpu.memory_space<vmem>>, vector<1x1000xi32>
      %iota3A = tpu.iota {dimensions = array<i32: 0>} : vector<128x1000xi32>
      %broadcast_in_dim3A_18 = vector.shape_cast %get3A_17 : vector<1x1000xi32> to vector<1x1000xi32>
      %broadcast_in_dim3A_19 = vector.broadcast %broadcast_in_dim3A_18 : vector<1x1000xi32> to vector<128x1000xi32>
      %eq3A = arith.cmpi eq, %broadcast_in_dim3A_19, %iota3A : vector<128x1000xi32>
      %convert_element_type3A = arith.extui %eq3A : vector<128x1000xi1> to vector<128x1000xi32>
      %convert_element_type3A_20 = arith.sitofp %convert_element_type3A : vector<128x1000xi32> to vector<128x1000xf32>
      %mul3A = arith.constant 1000 : i32
      %mul3A_21 = arith.muli %scan3A_13, %mul3A : i32
      %get3A_22 = arith.index_cast %mul3A_21 : i32 to index
      %get3A_23 = arith.constant 0 : index
      %get3A_24 = vector.load %arg1[%get3A_22, %get3A_23] : memref<10000x32xf32, #tpu.memory_space<vmem>>, vector<1000x32xf32>
      %dot_general3A = arith.constant dense<0.000000e+00> : vector<128x32xf32>
      %dot_general3A_25 = tpu.matmul %convert_element_type3A_20, %get3A_24, %dot_general3A {dimension_numbers = #tpu.dot_dimension_numbers<[1], [0], [0], [1], [0, 0, 1, 1], [], []>, transpose_lhs_hint = false} : vector<128x1000xf32>, vector<1000x32xf32>, vector<128x32xf32> -> vector<128x32xf32>
      %add3A = arith.addf %scan3A_14, %dot_general3A_25 : vector<128x32xf32>
      %reduce_sum3A = arith.constant dense<0.000000e+00> : vector<128xf32>
      %reduce_sum3A_26 = vector.multi_reduction <add>, %convert_element_type3A_20, %reduce_sum3A [1] : vector<128x1000xf32> to vector<128xf32>
      %broadcast_in_dim3A_27 = vector.shape_cast %reduce_sum3A_26 : vector<128xf32> to vector<128x1xf32>
      %add3A_28 = arith.addf %scan3A_15, %broadcast_in_dim3A_27 : vector<128x1xf32>
      scf.yield %add3A, %add3A_28 : vector<128x32xf32>, vector<128x1xf32>
    }
    %scan3A_7 = arith.constant 10 : i32
    %max3A = arith.constant 1.000000e+00 : f32
    %max3A_8 = vector.broadcast %max3A : f32 to vector<128x1xf32>
    %max3A_9 = arith.maximumf %scan3A_6#1, %max3A_8 : vector<128x1xf32>
    %div3A = vector.broadcast %max3A_9 : vector<128x1xf32> to vector<128x32xf32>
    %div3A_10 = arith.divf %scan3A_6#0, %div3A : vector<128x32xf32>
    %tanh3A = math.tanh %div3A_10 : vector<128x32xf32>
    %swap3A = arith.constant 0 : index
    %swap3A_11 = arith.constant 0 : index
    %swap3A_12 = vector.load %arg3[%swap3A, %swap3A_11] : memref<128x32xf32, #tpu.memory_space<vmem>>, vector<128x32xf32>
    tpu.vector_store %arg3[%swap3A, %swap3A_11], %tanh3A {strides = array<i32>} : memref<128x32xf32, #tpu.memory_space<vmem>>, vector<128x32xf32>,
    return
  }
  func.func @transform_0(%arg0: i32) -> (i32, i32) {
    %c0_i32 = arith.constant 0 : i32
    %c0_i32_0 = arith.constant 0 : i32
    %c0_i32_1 = arith.constant 0 : i32
    return %c0_i32, %c0_i32_0 : i32, i32
  }
  func.func @transform_1(%arg0: i32) -> (i32, i32) {
    %c0_i32 = arith.constant 0 : i32
    %c0_i32_0 = arith.constant 0 : i32
    %c0_i32_1 = arith.constant 0 : i32
    return %c0_i32, %c0_i32_0 : i32, i32
  }
  func.func @transform_2(%arg0: i32) -> (i32, i32) {
    %c0_i32 = arith.constant 0 : i32
    %c0_i32_0 = arith.constant 0 : i32
    %c0_i32_1 = arith.constant 0 : i32
    return %c0_i32, %c0_i32_0 : i32, i32
  }
}

</mosaic_0001>

<sc_bundles>
// kernel: kernel.14.cloned.1.call-start
scs
__scs_entry_jumppad:
0x0: {  	(pc) =	sbr.rel $0x88, $3  }
0x1: {  	(tag) =	ssettag $0x0;
	lr =	simm.s32 $0x1  }
0x2: {  	[smem:$0x3F85] =	sst lr;
	_ =	strace $0xD0000000  }
0x3: {  	_ = 	snop  }
0x4: {  	_ = 	snop  }
0x5: {  	_ = 	snop  }
0x6: {  	_ = 	snop  }
0x7: {  	_ = 	snop  }
__scs_overlays_trampoline_lowered:
0x8: {  	[smem:$0x3F94] =	sst s0  }
0x9: {  	[smem:$0x3F95] =	sst s1  }
0xa: {  	[smem:$0x3F96] =	sst s2  }
0xb: {  	[smem:$0x3F97] =	sst s3  }
0xc: {  	[smem:$0x3F98] =	sst s4  }
0xd: {  	[smem:$0x3F99] =	sst s5  }
0xe: {  	[smem:$0x3F9A] =	sst s6  }
0xf: {  	[smem:$0x3F9B] =	sst s7  }
0x10: {  	[smem:$0x3F9C] =	sst s8  }
0x11: {  	[smem:$0x3F9D] =	sst s9;
	s0 =	simm.s32 @!p0 $0x0  }
0x12: {  	s1 =	sld [smem:$0x3F83];
	s0 =	simm.s32 @p0 $0x1  }
0x13: {  	[smem:$0x3F9E] =	sst s0;
	s0 =	simm.s32 @!p1 $0x0  }
0x14: {  	s2 =	sld [smem:$0x3F82];
	s0 =	simm.s32 @p1 $0x1  }
0x15: {  	[smem:$0x3F9F] =	sst s0;
	s0 =	simm.s32 @!p2 $0x0  }
0x16: {  	s3 =	sld [smem:$0x3FDB];
	s0 =	simm.s32 @p2 $0x1  }
0x17: {  	s4 =	simm.s32 $0x1BF5;
	[smem:$0x3FA1] =	sst s0  }
0x18: {  	s0 =	sld [smem:$0x3F84];
	_ =	swait.ge [sflag:s4], $0x0  }
0x19: {  	s7 =	sld [smem:$0x3F85]  }
0x1a: {  	s8 =	sadd.s32 $0xFFFFE003, lr  }
0x1b: {  	s9 =	sadd.s32 $0xFFFFFEF7, lr;
	s5 =	simm.s32 $0xFFFFFFFF;
	p2 =	slt.u32 s8, $0xFFFFF086  }
0x1c: {  	p1 =	slt.u32 s9, $0xF7A;
	s5 =	simm.s32 @!p2 $0x0  }
0x1d: {  	s5 =	simm.s32 @p1 $0x1;
	p0 =	seq.s32 s7, s2  }
0x1e: {  	s7 =	smul.u32 @!p0 $0xF7A, s2;
	p2 =	seq.s32 @!p0 s5, $0x0  }
0x1f: {  	s9 =	smul.u32 $0xF7A, s1;
	s8 =	simm.s32 @!p0 $0x1BF5;
	p2 =	por !p2, p0  }
0x20: {  	[sflag:s8] =	ssyncset.s32 @!p0 $0xFFFFF086;
	s6 =	sadd.s32 @!p0 s3, s7;
	s7 =	simm.s32 @!p0 $0x108  }
0x21: {  	s3 =	sadd.s32 s3, s9;
	s6 =	sadd.s32 @!p0 $0x88, s6;
	s7 =	simm.s32 @p2 $0x1082  }
0x22: {  	[simem:s7], [sflag:s8] =	dma.local @!p0 [hbm:s6], $0xF7A  }
0x23: {  	s9 =	sor.u32 $0xD0000000, s2;
	s6 =	simm.s32 $0x108;
	_ =	swait.ge @!p0 [sflag:s8], $0x0  }
0x24: {  	s3 =	sadd.s32 $0x88, s3;
	s6 =	simm.s32 @!p1 $0x1082;
	[sflag:s4] =	ssyncset.s32 $0xFFFFF086  }
0x25: {  	[simem:s6], [sflag:s4] =	dma.local [hbm:s3], $0xF7A  }
0x26: {  	[smem:$0x3F85] =	sst s1;
	(tag) =	ssettag s2;
	_ =	strace s9  }
0x27: {  	s1 =	sld [smem:$0x3F95]  }
0x28: {  	s2 =	sld [smem:$0x3F96]  }
0x29: {  	s4 =	sld [smem:$0x3F98]  }
0x2a: {  	p0 =	seq.s32 s5, $0x0;
	s5 =	sld [smem:$0x3F99]  }
0x2b: {  	s6 =	sld [smem:$0x3F9A]  }
0x2c: {  	s7 =	sld [smem:$0x3F9B]  }
0x2d: {  	s3 =	simm.s32 $0x108;
	s8 =	sld [smem:$0x3F9C]  }
0x2e: {  	s3 =	simm.s32 @!p0 $0x1082;
	s9 =	sld [smem:$0x3F9D]  }
0x2f: {  	lr =	sadd.s32 s0, s3;
	s0 =	sld [smem:$0x3F94]  }
0x30: {  	s3 =	sld [smem:$0x3F97]  }
0x31: {  	[smem:$0x3FA0] =	sst s10  }
0x32: {  	s10 =	sld [smem:$0x3F9E];
	_ =	sdelay $0x3  }
0x33: {  	p0 =	seq.s32 s10, $0x1;
	s10 =	sld [smem:$0x3FA0];
	_ =	sdelay $0x3  }
0x34: {  	[smem:$0x3FA0] =	sst s10  }
0x35: {  	s10 =	sld [smem:$0x3F9F];
	_ =	sdelay $0x3  }
0x36: {  	p1 =	seq.s32 s10, $0x1;
	s10 =	sld [smem:$0x3FA0];
	_ =	sdelay $0x3  }
0x37: {  	[smem:$0x3FA0] =	sst s10  }
0x38: {  	s10 =	sld [smem:$0x3FA1]  }
0x39: {  	_ = 	snop;
	(pc) =	sbr.ind lr, $3  }
0x3a: {  	_ = 	snop  }
0x3b: {  	_ = 	snop  }
0x3c: {  	p2 =	seq.s32 s10, $0x1;
	s10 =	sld [smem:$0x3FA0]  }
0x3d: {  	_ =	shalt  }
0x3e: {  	_ =	shalt  }
0x3f: {  	_ =	shalt  }
0x40: {  	_ =	shalt  }
0x41: {  	_ =	shalt  }
0x42: {  	_ =	shalt  }
0x43: {  	_ =	shalt  }
0x44: {  	_ =	shalt  }
0x45: {  	_ =	shalt  }
0x46: {  	_ =	shalt  }
0x47: {  	_ =	shalt  }
0x48: {  	_ =	shalt  }
0x49: {  	_ =	shalt  }
0x4a: {  	_ =	shalt  }
0x4b: {  	_ =	shalt  }
0x4c: {  	_ =	shalt  }
0x4d: {  	_ =	shalt  }
0x4e: {  	_ =	shalt  }
0x4f: {  	_ =	shalt  }
0x50: {  	_ =	shalt  }
0x51: {  	_ =	shalt  }
0x52: {  	_ =	shalt  }
0x53: {  	_ =	shalt  }
0x54: {  	_ =	shalt  }
0x55: {  	_ =	shalt  }
0x56: {  	_ =	shalt  }
0x57: {  	_ =	shalt  }
0x58: {  	_ =	shalt  }
0x59: {  	_ =	shalt  }
0x5a: {  	_ =	shalt  }
0x5b: {  	_ =	shalt  }
0x5c: {  	_ =	shalt  }
0x5d: {  	_ =	shalt  }
0x5e: {  	_ =	shalt  }
0x5f: {  	_ =	shalt  }
0x60: {  	_ =	shalt  }
0x61: {  	_ =	shalt  }
0x62: {  	_ =	shalt  }
0x63: {  	_ =	shalt  }
0x64: {  	_ =	shalt  }
0x65: {  	_ =	shalt  }
0x66: {  	_ =	shalt  }
0x67: {  	_ =	shalt  }
0x68: {  	_ =	shalt  }
0x69: {  	_ =	shalt  }
0x6a: {  	_ =	shalt  }
0x6b: {  	_ =	shalt  }
0x6c: {  	_ =	shalt  }
0x6d: {  	_ =	shalt  }
0x6e: {  	_ =	shalt  }
0x6f: {  	_ =	shalt  }
0x70: {  	_ =	shalt  }
0x71: {  	_ =	shalt  }
0x72: {  	_ =	shalt  }
0x73: {  	_ =	shalt  }
0x74: {  	_ =	shalt  }
0x75: {  	_ =	shalt  }
0x76: {  	_ =	shalt  }
0x77: {  	_ =	shalt  }
0x78: {  	_ =	shalt  }
0x79: {  	_ =	shalt  }
0x7a: {  	_ =	shalt  }
0x7b: {  	_ =	shalt  }
0x7c: {  	_ =	shalt  }
0x7d: {  	_ =	shalt  }
0x7e: {  	_ =	shalt  }
0x7f: {  	_ =	shalt  }
0x80: {  	_ =	shalt  }
0x81: {  	_ =	shalt  }
0x82: {  	_ =	shalt  }
0x83: {  	_ =	shalt  }
0x84: {  	_ =	shalt  }
0x85: {  	_ =	shalt  }
0x86: {  	_ =	shalt  }
0x87: {  	_ =	shalt  }
.Lfunc_end0:
.L_simem_size_0:
called_computation_lowered:
.L_overlay_start_0:
0x88: {  	s2 =	sld [smem:$0x3FD9]  }
0x89: {  	s3 =	sld [smem:$0x3FFE];
	_ =	sdelay $0x1  }
0x8a: {  	s1 =	srdreg.scid  }
0x8b: {  	s0 =	sand.u32 $0x1, s1  }
0x8c: {  	s16 =	sshll.u32 s0, $0xA;
	s2 =	sadd.s32 s3, s2  }
0x8d: {  	s2 =	sadd.s32 s2, s16  }
0x8e: {  	[smem:$0x3FAC] =	sst s2  }
0x8f: {  	_ = 	snop  }
0x90: {  	(tm) =	ssettm $0x1  }
0x91: {  	s17 =	sld [smem:$0x3FFB];
	_ =	sdelay $0x3  }
0x92: {  	_ =	strace s17  }
0x93: {  	s2 =	sld [smem:$0x3FFC];
	_ =	sdelay $0x3  }
0x94: {  	_ =	strace s2  }
0x95: {  	s2 =	sld [smem:$0x3FFD];
	_ =	sdelay $0x3  }
0x96: {  	_ =	strace s2  }
0x97: {  	_ =	strace $0x8FFFFFFF  }
0x98: {  	s18 =	sld [smem:$0x3FDB];
	_ =	sdelay $0x1  }
0x99: {  	s19 =	simm.s32 $_scs_section_size  }
0x9a: {  	s4 =	simm.s32 $_size__tile_overlayer_lowered;
	s5 =	simm.s32 $_tile_overlayer_lowered  }
0x9b: {  	s22 =	simm.s32 $0x1BFF;
	s21 =	sshll.u32 s5, $0x1;
	s2 =	sadd.s32 s19, s18  }
0x9c: {  	s6 =	simm.s32 $0x0;
	s20 =	sshll.u32 s4, $0x1;
	s4 =	sadd.s32 s21, s2  }
0x9d: {  	[timem:s6], [sflag:s22] =	dma.local [hbm:s4], s20  }
0x9e: {  	_ =	swait.ge [sflag:s22], s20  }
0x9f: {  	s3 =	ssub.s32 $0x0, s20;
	[sflag:s22] =	ssyncset.done $0x0  }
0xa0: {  	[sflag:s22] =	ssyncadd.s32 s3;
	_ =	sdelay $0x1  }
0xa1: {  	s23 =	simm.s32 $0x1B8B  }
0xa2: {  	_ =	swait.ge [sflag:s23], $0x1  }
0xa3: {  	[sflag:s23] =	ssyncset.done $0x0  }
0xa4: {  	s25 =	simm.s32 $0x1B8E;
	s24 =	sld [smem:$0x3FFE];
	[sflag:s23] =	ssyncadd.s32 $0xFFFFFFFF  }
0xa5: {  	s26 =	simm.s32 $execute0_lowered;
	[smem:$0x3FD2] =	sst s25  }
0xa6: {  	s4 =	sshll.u32 s26, $0x1;
	_ =	strace $0x80000046;
	[dreg:$0x1] =	wrdreg $0xFFFFFFFF  }
0xa7: {  	s28 =	simm.s32 $_size_execute0_lowered;
	s2 =	sadd.s32 s2, s4;
	[dreg:$0x0] =	wrdreg $0x0  }
0xa8: {  	s4 =	sshll.u32 s28, $0x1;
	[dreg:$0x2] =	wrdreg s2  }
0xa9: {  	[dreg:$0x3] =	wrdreg s4  }
0xaa: {  	[dreg:$0x4] =	wrdreg $0xC0  }
0xab: {  	_ =	task [dreg:s6], $0x5FFFF  }
0xac: {  	[dreg:$0x1] =	wrdreg $0xFFFFFFFF  }
0xad: {  	[dreg:$0x0] =	wrdreg $0x60  }
0xae: {  	[dreg:$0x2] =	wrdreg s24  }
0xaf: {  	[dreg:$0x3] =	wrdreg $0xD0000  }
0xb0: {  	[dreg:$0x4] =	wrdreg $0x9  }
0xb1: {  	_ =	task.clear_ibuf [dreg:s6], $0x5FFFF;
	_ =	strace $0x90000046  }
0xb2: {  	s29 =	simm.s32 $0x9;
	_ =	strace $0x80000048  }
0xb3: {  	_ =	swait.ge [sflag:s29], $0x1  }
0xb4: {  	[sflag:s29] =	ssyncadd.s32 $0xFFFFFFFF  }
0xb5: {  	_ =	strace $0x90000048  }
0xb6: {  	_ =	sfence  }
0xb7: {  	s30 =	sld [smem:$0x0];
	_ =	sdelay $0x2  }
0xb8: {  	s31 =	sshll.u32 s1, $0xD;
	s1 =	sshrl.u32 s1, $0x2  }
0xb9: {  	s3 =	sand.u32 $0x4000, s31;
	s1 =	sadd.s32 s1, s30  }
0xba: {  	s0 =	sor.u32 s3, s0;
	s1 =	sshll.u32 s1, $0x11  }
0xbb: {  	s0 =	sor.u32 s1, s0  }
0xbc: {  	s0 =	sadd.s32 $0x8F2B, s0  }
0xbd: {  	[sflag:s0] =	ssyncadd.remote.s32 $0x1  }
0xbe: {  	_ =	sfence.sel $0xFFFF  }
0xbf: {  	[dreg:$0x0] =	wrdreg $0xFFFFFFFF;
	(pc) =	sbr.abs _section_cstart, $3  }
0xc0: {  	[dreg:$0x1] =	wrdreg $0xFFFFFFFF  }
0xc1: {  	_ =	task.clear_ibuf [dreg:s6], $0x2FFFF;
	_ =	strace $0x9FFFFFFF  }
0xc2: {  	(tm) =	ssettm $0x7FFFFFFF  }
0xc3: {  	_ =	shalt  }
tec
execute0_lowered:
.L_overlay_start_1:
0x0: {  	(tag) =	ssettag $0x1  }
0x1: {  	s0 =	srdreg.scid;
	s1 =	rddreg [dreg:$0x0]  }
0x2: {  	s2 =	rddreg [dreg:$0x1];
	s14 =	stileid.u32  }
0x3: {  	s3 =	simm.s32 $0x0;
	s16 =	simm.s32 $0x80;
	s17 =	simm.s32 $0x5000  }
0x4: {  	s18 =	simm.s32 $0x7000;
	s20 =	simm.s32 $0x9000;
	s22 =	simm.s32 $0xB000  }
0x5: {  	s23 =	simm.s32 $0x1;
	s24 =	simm.s32 $0x2;
	s28 =	simm.s32 $0x4  }
0x6: {  	s29 =	simm.s32 $0x5;
	s30 =	simm.s32 $0x6;
	s31 =	simm.s32 $0x7  }
0x7: {  	s0 =	sand.u32 $0x1, s0;
	[smem:$0x7FF] =	sst s3;
	s8 =	smul.u32 $0x27800, s14  }
0x8: {  	s10 =	smul.u32 $0x9E00, s14;
	s13 =	sadd.s32 $0x94200, s2;
	p0 =	seq.s32 s14, $0xF  }
0x9: {  	s4 =	sshll.u32 s0, $0x4;
	_ =	strace $0x80000047;
	s6 =	ssub.s32 $0x2, s0  }
0xa: {  	s0 =	smul.u32 $0x9C800, s0;
	s13 =	sshrl.u32 @p0 s13, $0x3;
	s4 =	sor.u32 s14, s4  }
0xb: {  	s9 =	sshrl.u32 s6, $0x1;
	s8 =	sshrl.u32 s8, $0x2;
	s19 =	sadd.s32 s10, s2  }
0xc: {  	s5 =	smul.u32 $0x500, s4;
	s4 =	sadd.s32 $0x4C00, s1;
	s11 =	ssub.s32 s6, s9  }
0xd: {  	s12 =	sadd.s32 s8, s2;
	s26 =	sadd.s32 s10, s0;
	s0 =	sshrl.u32 s0, $0x3  }
0xe: {  	s25 =	sshrl.u32 @!p0 s19, $0x3;
	s8 =	sshrl.u32 s26, $0x3;
	s10 =	smax.u32 s11, $0x1  }
0xf: {  	s11 =	simm.s32 $0x9;
	s15 =	sshrl.u32 @!p0 s12, $0x3;
	s26 =	simm.s32 $0x3  }
0x10: {  	s7 =	sadd.s32 s5, s1;
	s5 =	sadd.s32 $0x2C600, s1;
	s1 =	sadd.s32 $0x2DA00, s1  }
0x11: {  	s6 =	sadd.s32 $0x18600, s7;
	s7 =	sadd.s32 $0x22600, s7;
	s0 =	sadd.s32 s1, s0  }
0x12: {  	s8 =	sadd.s32 s1, s8;
	s9 =	sadd.s32 $0x12840, s0;
	s0 =	sshll.u32 @!p0 s14, $0x6  }
0x13: {  	s1 =	simm.s32 $0x0;
	s14 =	sor.u32 @!p0 $0x1C09, s0;
	s0 =	simm.s32 $0x8  }
.LBB2_1:
0x14: {  	[tilespmem:s3], [sflag:$0x9] =	stream.linear.gather [hbm4b:s6+s3], $0x2800, $0x38;
	[tilespmem:$0x16C40] =	vst v63  }
0x15: {  	_ =	swait.ge [sflag:s11], $0x2800  }
0x16: {  	[sflag:s11] =	ssyncset.done $0x0  }
0x17: {  	s12 =	simm.s32 $0x2800;
	[sflag:s11] =	ssyncadd.s32 $0xFFFFD800  }
0x18: {  	[tilespmem:s12], [sflag:$0x9] =	stream.linear.gather [hbm4b:s7+s3], $0x2800, $0x38;
	[tilespmem:$0x16C40] =	vst v63  }
0x19: {  	_ =	swait.ge [sflag:s11], $0x2800  }
0x1a: {  	[sflag:s11] =	ssyncset.done $0x0  }
0x1b: {  	s12 =	simm.s32 @p0 $0x1FC9;
	[sflag:s11] =	ssyncadd.s32 $0xFFFFD800  }
0x1c: {  	[spmem:s13], [sflag:s12] =	dma.local @p0 [hbm:s5], $0x1040  }
0x1d: {  	s12 =	simm.s32 @p0 $0x9  }
0x1e: {  	_ =	swait.ge @p0 [sflag:s12], $0x1040  }
0x1f: {  	[sflag:s12] =	ssyncset.done @p0 $0x0  }
0x20: {  	[sflag:s12] =	ssyncadd.s32 @p0 $0xFFFFEFC0;
	s12 =	simm.s32 @!p0 $0x9  }
0x21: {  	[spmem:s15], [sflag:s14] =	dma.local @!p0 [hbm:s5], $0x13C0  }
0x22: {  	_ =	swait.ge @!p0 [sflag:s12], $0x13C0  }
0x23: {  	[sflag:s12] =	ssyncset.done @!p0 $0x0  }
0x24: {  	[sflag:s12] =	ssyncadd.s32 @!p0 $0xFFFFEC40  }
0x25: {  	[bflag:$0x0] =	sbarrier.arrive $0xFFFF  }
0x26: {  	[tilespmem:s17], [sflag:$0x1] =	stream.indirect.gather [hbm4b:s4+s16], $0x40, s3, s16, $0xb8;
	[tilespmem:$0x16C40] =	vst v63  }
0x27: {  	_ = 	snop  }
0x28: {  	[tilespmem:s18], [sflag:$0x2] =	stream.indirect.gather [hbm4b:s4+s16], $0x40, s16, s16, $0xb8;
	[tilespmem:$0x16C40] =	vst v63  }
0x29: {  	s21 =	simm.s32 $0x100  }
0x2a: {  	[tilespmem:s20], [sflag:$0x3] =	stream.indirect.gather [hbm4b:s4+s16], $0x40, s21, s16, $0xb8;
	[tilespmem:$0x16C40] =	vst v63  }
0x2b: {  	s19 =	simm.s32 $0x180  }
0x2c: {  	[tilespmem:s22], [sflag:$0x4] =	stream.indirect.gather [hbm4b:s4+s16], $0x40, s19, s16, $0xb8;
	[tilespmem:$0x16C40] =	vst v63  }
0x2d: {  	_ =	swait.ge [sflag:s23], $0x2000  }
0x2e: {  	[sflag:s23] =	ssyncset.done $0x0  }
0x2f: {  	s21 =	simm.s32 $0x2800;
	[sflag:s23] =	ssyncadd.s32 $0xFFFFE000  }
0x30: {  	[spmem:s2] =	stream.indirect.scatter.add.f32 [tilespmem:s17], [sflag:$0x5], $0x40, s21, s16, $0xb8;
	[tilespmem:$0x16C40] =	vst v63  }
0x31: {  	_ =	swait.ge [sflag:s24], $0x2000  }
0x32: {  	[sflag:s24] =	ssyncset.done $0x0  }
0x33: {  	s19 =	simm.s32 $0x2880;
	[sflag:s24] =	ssyncadd.s32 $0xFFFFE000  }
0x34: {  	[spmem:s2] =	stream.indirect.scatter.add.f32 [tilespmem:s18], [sflag:$0x6], $0x40, s19, s16, $0xb8;
	[tilespmem:$0x16C40] =	vst v63  }
0x35: {  	_ =	swait.ge [sflag:s26], $0x2000  }
0x36: {  	[sflag:s26] =	ssyncset.done $0x0  }
0x37: {  	s21 =	simm.s32 $0x2900;
	[sflag:s26] =	ssyncadd.s32 $0xFFFFE000  }
0x38: {  	[spmem:s2] =	stream.indirect.scatter.add.f32 [tilespmem:s20], [sflag:$0x7], $0x40, s21, s16, $0xb8;
	[tilespmem:$0x16C40] =	vst v63  }
0x39: {  	_ =	swait.ge [sflag:s28], $0x2000  }
0x3a: {  	[sflag:s28] =	ssyncset.done $0x0  }
0x3b: {  	s19 =	simm.s32 $0x2980;
	[sflag:s28] =	ssyncadd.s32 $0xFFFFE000  }
0x3c: {  	[spmem:s2] =	stream.indirect.scatter.add.f32 [tilespmem:s22], [sflag:$0x8], $0x40, s19, s16, $0xb8;
	[tilespmem:$0x16C40] =	vst v63  }
0x3d: {  	_ =	swait.ge [sflag:s29], $0x2000  }
0x3e: {  	[sflag:s29] =	ssyncset.done $0x0  }
0x3f: {  	s21 =	simm.s32 $0x200;
	[sflag:s29] =	ssyncadd.s32 $0xFFFFE000  }
0x40: {  	[tilespmem:s17], [sflag:$0x1] =	stream.indirect.gather [hbm4b:s4+s16], $0x40, s21, s16, $0xb8;
	[tilespmem:$0x16C40] =	vst v63  }
0x41: {  	_ =	swait.ge [sflag:s30], $0x2000  }
0x42: {  	[sflag:s30] =	ssyncset.done $0x0  }
0x43: {  	s19 =	simm.s32 $0x280;
	[sflag:s30] =	ssyncadd.s32 $0xFFFFE000  }
0x44: {  	[tilespmem:s18], [sflag:$0x2] =	stream.indirect.gather [hbm4b:s4+s16], $0x40, s19, s16, $0xb8;
	[tilespmem:$0x16C40] =	vst v63  }
0x45: {  	_ =	swait.ge [sflag:s31], $0x2000  }
0x46: {  	[sflag:s31] =	ssyncset.done $0x0  }
0x47: {  	s21 =	simm.s32 $0x300;
	[sflag:s31] =	ssyncadd.s32 $0xFFFFE000  }
0x48: {  	[tilespmem:s20], [sflag:$0x3] =	stream.indirect.gather [hbm4b:s4+s16], $0x40, s21, s16, $0xb8;
	[tilespmem:$0x16C40] =	vst v63  }
0x49: {  	_ =	swait.ge [sflag:s0], $0x2000  }
0x4a: {  	[sflag:s0] =	ssyncset.done $0x0  }
0x4b: {  	s12 =	simm.s32 $0x800;
	s19 =	simm.s32 $0x380;
	[sflag:s0] =	ssyncadd.s32 $0xFFFFE000  }
.LBB2_2:
0x4c: {  	[tilespmem:s22], [sflag:$0x4] =	stream.indirect.gather [hbm4b:s4+s16], $0x40, s19, s16, $0xb8;
	[tilespmem:$0x16C40] =	vst v63  }
0x4d: {  	s19 =	smov.u32 s12  }
0x4e: {  	p1 =	sne.s32 s12, $0x9000;
	s12 =	sadd.s32 $0x800, s12;
	_ =	swait.ge [sflag:s23], $0x2000  }
0x4f: {  	s19 =	sshra.s32 s19, $0x2;
	[sflag:s23] =	ssyncset.done $0x0  }
0x50: {  	s21 =	sadd.s32 $0x2800, s19;
	[sflag:s23] =	ssyncadd.s32 $0xFFFFE000  }
0x51: {  	[spmem:s2] =	stream.indirect.scatter.add.f32 [tilespmem:s17], [sflag:$0x5], $0x40, s21, s16, $0xb8;
	[tilespmem:$0x16C40] =	vst v63  }
0x52: {  	_ =	swait.ge [sflag:s24], $0x2000  }
0x53: {  	[sflag:s24] =	ssyncset.done $0x0  }
0x54: {  	s21 =	sadd.s32 $0x2880, s19;
	[sflag:s24] =	ssyncadd.s32 $0xFFFFE000  }
0x55: {  	[spmem:s2] =	stream.indirect.scatter.add.f32 [tilespmem:s18], [sflag:$0x6], $0x40, s21, s16, $0xb8;
	[tilespmem:$0x16C40] =	vst v63  }
0x56: {  	_ =	swait.ge [sflag:s26], $0x2000  }
0x57: {  	[sflag:s26] =	ssyncset.done $0x0  }
0x58: {  	s21 =	sadd.s32 $0x2900, s19;
	[sflag:s26] =	ssyncadd.s32 $0xFFFFE000  }
0x59: {  	[spmem:s2] =	stream.indirect.scatter.add.f32 [tilespmem:s20], [sflag:$0x7], $0x40, s21, s16, $0xb8;
	[tilespmem:$0x16C40] =	vst v63  }
0x5a: {  	_ =	swait.ge [sflag:s28], $0x2000  }
0x5b: {  	[sflag:s28] =	ssyncset.done $0x0  }
0x5c: {  	s21 =	sadd.s32 $0x2980, s19;
	[sflag:s28] =	ssyncadd.s32 $0xFFFFE000  }
0x5d: {  	[spmem:s2] =	stream.indirect.scatter.add.f32 [tilespmem:s22], [sflag:$0x8], $0x40, s21, s16, $0xb8;
	[tilespmem:$0x16C40] =	vst v63  }
0x5e: {  	_ =	swait.ge [sflag:s29], $0x2000  }
0x5f: {  	[sflag:s29] =	ssyncset.done $0x0  }
0x60: {  	s21 =	sadd.s32 $0x200, s19;
	[sflag:s29] =	ssyncadd.s32 $0xFFFFE000  }
0x61: {  	[tilespmem:s17], [sflag:$0x1] =	stream.indirect.gather [hbm4b:s4+s16], $0x40, s21, s16, $0xb8;
	[tilespmem:$0x16C40] =	vst v63  }
0x62: {  	_ =	swait.ge [sflag:s30], $0x2000  }
0x63: {  	[sflag:s30] =	ssyncset.done $0x0  }
0x64: {  	s21 =	sadd.s32 $0x280, s19;
	[sflag:s30] =	ssyncadd.s32 $0xFFFFE000  }
0x65: {  	[tilespmem:s18], [sflag:$0x2] =	stream.indirect.gather [hbm4b:s4+s16], $0x40, s21, s16, $0xb8;
	[tilespmem:$0x16C40] =	vst v63  }
0x66: {  	_ =	swait.ge [sflag:s31], $0x2000  }
0x67: {  	[sflag:s31] =	ssyncset.done $0x0  }
.Ltmp0:
0x68: {  	s21 =	sadd.s32 $0x300, s19;
	[sflag:s31] =	ssyncadd.s32 $0xFFFFE000;
	(pc) =	sbr.rel @p1 .LBB2_2-.Ltmp0, $4  }
0x69: {  	[tilespmem:s20], [sflag:$0x3] =	stream.indirect.gather [hbm4b:s4+s16], $0x40, s21, s16, $0xb8;
	[tilespmem:$0x16C40] =	vst v63  }
0x6a: {  	_ =	swait.ge [sflag:s0], $0x2000  }
0x6b: {  	[sflag:s0] =	ssyncset.done $0x0  }
0x6c: {  	s19 =	sadd.s32 $0x380, s19;
	[sflag:s0] =	ssyncadd.s32 $0xFFFFE000  }
0x6d: {  	[tilespmem:s22], [sflag:$0x4] =	stream.indirect.gather [hbm4b:s4+s16], $0x40, s19, s16, $0xb8;
	[tilespmem:$0x16C40] =	vst v63  }
0x6e: {  	_ =	swait.ge [sflag:s23], $0x2000  }
0x6f: {  	[sflag:s23] =	ssyncset.done $0x0  }
0x70: {  	s12 =	simm.s32 $0x4E00;
	[sflag:s23] =	ssyncadd.s32 $0xFFFFE000  }
0x71: {  	[spmem:s2] =	stream.indirect.scatter.add.f32 [tilespmem:s17], [sflag:$0x5], $0x40, s12, s16, $0xb8;
	[tilespmem:$0x16C40] =	vst v63  }
0x72: {  	_ =	swait.ge [sflag:s24], $0x2000  }
0x73: {  	[sflag:s24] =	ssyncset.done $0x0  }
0x74: {  	s21 =	simm.s32 $0x4E80;
	[sflag:s24] =	ssyncadd.s32 $0xFFFFE000  }
0x75: {  	[spmem:s2] =	stream.indirect.scatter.add.f32 [tilespmem:s18], [sflag:$0x6], $0x40, s21, s16, $0xb8;
	[tilespmem:$0x16C40] =	vst v63  }
0x76: {  	_ =	swait.ge [sflag:s26], $0x2000  }
0x77: {  	[sflag:s26] =	ssyncset.done $0x0  }
0x78: {  	s19 =	simm.s32 $0x4F00;
	[sflag:s26] =	ssyncadd.s32 $0xFFFFE000  }
0x79: {  	[spmem:s2] =	stream.indirect.scatter.add.f32 [tilespmem:s20], [sflag:$0x7], $0x40, s19, s16, $0xb8;
	[tilespmem:$0x16C40] =	vst v63  }
0x7a: {  	_ =	swait.ge [sflag:s28], $0x2000  }
0x7b: {  	[sflag:s28] =	ssyncset.done $0x0  }
0x7c: {  	s21 =	simm.s32 $0x4F80;
	[sflag:s28] =	ssyncadd.s32 $0xFFFFE000  }
0x7d: {  	[spmem:s2] =	stream.indirect.scatter.add.f32 [tilespmem:s22], [sflag:$0x8], $0x40, s21, s16, $0xb8;
	[tilespmem:$0x16C40] =	vst v63  }
0x7e: {  	_ =	swait.ge [sflag:s29], $0x2000  }
0x7f: {  	[sflag:s29] =	ssyncset.done $0x0  }
0x80: {  	[sflag:s29] =	ssyncadd.s32 $0xFFFFE000  }
0x81: {  	_ =	swait.ge [sflag:s30], $0x2000  }
0x82: {  	[sflag:s30] =	ssyncset.done $0x0  }
0x83: {  	[sflag:s30] =	ssyncadd.s32 $0xFFFFE000  }
0x84: {  	_ =	swait.ge [sflag:s31], $0x2000  }
0x85: {  	[sflag:s31] =	ssyncset.done $0x0  }
0x86: {  	[sflag:s31] =	ssyncadd.s32 $0xFFFFE000  }
0x87: {  	_ =	swait.ge [sflag:s0], $0x2000  }
0x88: {  	[sflag:s0] =	ssyncset.done $0x0  }
0x89: {  	[sflag:s0] =	ssyncadd.s32 $0xFFFFE000  }
0x8a: {  	s12 =	simm.s32 @p0 $0x1FC9;
	[bflag:$0x0] =	sbarrier.arrive $0xFFFF  }
0x8b: {  	[hbm:s9], [sflag:s12] =	dma.local @p0 [spmem:s13], $0x1040  }
0x8c: {  	s12 =	simm.s32 @p0 $0x9  }
0x8d: {  	s1 =	sadd.s32 $0x1, s1;
	_ =	swait.ge @p0 [sflag:s12], $0x1040  }
0x8e: {  	p1 =	sne.s32 s1, s10;
	[sflag:s12] =	ssyncset.done @p0 $0x0  }
.Ltmp1:
0x8f: {  	[sflag:s12] =	ssyncadd.s32 @p0 $0xFFFFEFC0;
	s12 =	simm.s32 @!p0 $0x9;
	(pc) =	sbr.rel @p1 .LBB2_1-.Ltmp1, $4  }
0x90: {  	[hbm:s8], [sflag:s14] =	dma.local @!p0 [spmem:s25], $0x13C0  }
0x91: {  	_ =	swait.ge @!p0 [sflag:s12], $0x13C0  }
0x92: {  	[sflag:s12] =	ssyncset.done @!p0 $0x0  }
0x93: {  	[sflag:s12] =	ssyncadd.s32 @!p0 $0xFFFFEC40  }
0x94: {  	_ =	sfence.sel $0x180000  }
0x95: {  	[bflag:$0x0] =	sbarrier.arrive $0xFFFF  }
0x96: {  	_ =	strace $0x90000047  }
0x97: {  	s0 =	stileid.u32;
	[bflag:$0x2] =	sbarrier.arrive $0xFFFF  }
0x98: {  	p0 =	sne.s32 s0, $0x0;
	s0 =	rddreg [dreg:$0x2]  }
0x99: {  	s0 =	sadd.s32 @!p0 $0x100000, s0  }
0x9a: {  	[sflag:s0] =	ssyncadd.tile.s32 @!p0 $0x1;
	_ =	shalt  }
.Lfunc_end2:
_tile_overlayer_lowered:
.L_overlay_start_2:
0x9b: {  	(tag) =	ssettag $0x2  }
0x9c: {  	s0 =	rddreg [dreg:$0x0];
	s2 =	stileid.u32  }
0x9d: {  	s1 =	rddreg [dreg:$0x1];
	p0 =	sne.s32 s2, $0x0  }
0x9e: {  	s3 =	rddreg [dreg:$0x2];
	[bflag:$0x3] =	sbarrier.arrive $0xFFFF;
	s2 =	simm.s32 @!p0 $0x1C09  }
0x9f: {  	[timem:s3], [sflag:s2] =	dma.local @!p0 [hbm:s0], s1  }
0xa0: {  	s0 =	simm.s32 @!p0 $0x9  }
0xa1: {  	_ =	swait.ge @!p0 [sflag:s0], s1  }
0xa2: {  	s1 =	ssub.s32 @!p0 $0x0, s1;
	[sflag:s0] =	ssyncset.done @!p0 $0x0  }
0xa3: {  	[sflag:s0] =	ssyncadd.s32 @!p0 s1  }
0xa4: {  	[bflag:$0x3] =	sbarrier.arrive $0xFFFF  }
0xa5: {  	_ =	shalt  }

// kernel: kernel.17.cloned.1.call-start
scs
__scs_entry_jumppad:
0x0: {  	(pc) =	sbr.rel $0x88, $3  }
0x1: {  	(tag) =	ssettag $0x0;
	lr =	simm.s32 $0x1  }
0x2: {  	[smem:$0x3F85] =	sst lr;
	_ =	strace $0xD0000000  }
0x3: {  	_ = 	snop  }
0x4: {  	_ = 	snop  }
0x5: {  	_ = 	snop  }
0x6: {  	_ = 	snop  }
0x7: {  	_ = 	snop  }
__scs_overlays_trampoline_lowered:
0x8: {  	[smem:$0x3F94] =	sst s0  }
0x9: {  	[smem:$0x3F95] =	sst s1  }
0xa: {  	[smem:$0x3F96] =	sst s2  }
0xb: {  	[smem:$0x3F97] =	sst s3  }
0xc: {  	[smem:$0x3F98] =	sst s4  }
0xd: {  	[smem:$0x3F99] =	sst s5  }
0xe: {  	[smem:$0x3F9A] =	sst s6  }
0xf: {  	[smem:$0x3F9B] =	sst s7  }
0x10: {  	[smem:$0x3F9C] =	sst s8  }
0x11: {  	[smem:$0x3F9D] =	sst s9;
	s0 =	simm.s32 @!p0 $0x0  }
0x12: {  	s1 =	sld [smem:$0x3F83];
	s0 =	simm.s32 @p0 $0x1  }
0x13: {  	[smem:$0x3F9E] =	sst s0;
	s0 =	simm.s32 @!p1 $0x0  }
0x14: {  	s2 =	sld [smem:$0x3F82];
	s0 =	simm.s32 @p1 $0x1  }
0x15: {  	[smem:$0x3F9F] =	sst s0;
	s0 =	simm.s32 @!p2 $0x0  }
0x16: {  	s3 =	sld [smem:$0x3FDB];
	s0 =	simm.s32 @p2 $0x1  }
0x17: {  	s4 =	simm.s32 $0x1BF5;
	[smem:$0x3FA1] =	sst s0  }
0x18: {  	s0 =	sld [smem:$0x3F84];
	_ =	swait.ge [sflag:s4], $0x0  }
0x19: {  	s7 =	sld [smem:$0x3F85]  }
0x1a: {  	s8 =	sadd.s32 $0xFFFFE003, lr  }
0x1b: {  	s9 =	sadd.s32 $0xFFFFFEF7, lr;
	s5 =	simm.s32 $0xFFFFFFFF;
	p2 =	slt.u32 s8, $0xFFFFF086  }
0x1c: {  	p1 =	slt.u32 s9, $0xF7A;
	s5 =	simm.s32 @!p2 $0x0  }
0x1d: {  	s5 =	simm.s32 @p1 $0x1;
	p0 =	seq.s32 s7, s2  }
0x1e: {  	s7 =	smul.u32 @!p0 $0xF7A, s2;
	p2 =	seq.s32 @!p0 s5, $0x0  }
0x1f: {  	s9 =	smul.u32 $0xF7A, s1;
	s8 =	simm.s32 @!p0 $0x1BF5;
	p2 =	por !p2, p0  }
0x20: {  	[sflag:s8] =	ssyncset.s32 @!p0 $0xFFFFF086;
	s6 =	sadd.s32 @!p0 s3, s7;
	s7 =	simm.s32 @!p0 $0x108  }
0x21: {  	s3 =	sadd.s32 s3, s9;
	s6 =	sadd.s32 @!p0 $0x88, s6;
	s7 =	simm.s32 @p2 $0x1082  }
0x22: {  	[simem:s7], [sflag:s8] =	dma.local @!p0 [hbm:s6], $0xF7A  }
0x23: {  	s9 =	sor.u32 $0xD0000000, s2;
	s6 =	simm.s32 $0x108;
	_ =	swait.ge @!p0 [sflag:s8], $0x0  }
0x24: {  	s3 =	sadd.s32 $0x88, s3;
	s6 =	simm.s32 @!p1 $0x1082;
	[sflag:s4] =	ssyncset.s32 $0xFFFFF086  }
0x25: {  	[simem:s6], [sflag:s4] =	dma.local [hbm:s3], $0xF7A  }
0x26: {  	[smem:$0x3F85] =	sst s1;
	(tag) =	ssettag s2;
	_ =	strace s9  }
0x27: {  	s1 =	sld [smem:$0x3F95]  }
0x28: {  	s2 =	sld [smem:$0x3F96]  }
0x29: {  	s4 =	sld [smem:$0x3F98]  }
0x2a: {  	p0 =	seq.s32 s5, $0x0;
	s5 =	sld [smem:$0x3F99]  }
0x2b: {  	s6 =	sld [smem:$0x3F9A]  }
0x2c: {  	s7 =	sld [smem:$0x3F9B]  }
0x2d: {  	s3 =	simm.s32 $0x108;
	s8 =	sld [smem:$0x3F9C]  }
0x2e: {  	s3 =	simm.s32 @!p0 $0x1082;
	s9 =	sld [smem:$0x3F9D]  }
0x2f: {  	lr =	sadd.s32 s0, s3;
	s0 =	sld [smem:$0x3F94]  }
0x30: {  	s3 =	sld [smem:$0x3F97]  }
0x31: {  	[smem:$0x3FA0] =	sst s10  }
0x32: {  	s10 =	sld [smem:$0x3F9E];
	_ =	sdelay $0x3  }
0x33: {  	p0 =	seq.s32 s10, $0x1;
	s10 =	sld [smem:$0x3FA0];
	_ =	sdelay $0x3  }
0x34: {  	[smem:$0x3FA0] =	sst s10  }
0x35: {  	s10 =	sld [smem:$0x3F9F];
	_ =	sdelay $0x3  }
0x36: {  	p1 =	seq.s32 s10, $0x1;
	s10 =	sld [smem:$0x3FA0];
	_ =	sdelay $0x3  }
0x37: {  	[smem:$0x3FA0] =	sst s10  }
0x38: {  	s10 =	sld [smem:$0x3FA1]  }
0x39: {  	_ = 	snop;
	(pc) =	sbr.ind lr, $3  }
0x3a: {  	_ = 	snop  }
0x3b: {  	_ = 	snop  }
0x3c: {  	p2 =	seq.s32 s10, $0x1;
	s10 =	sld [smem:$0x3FA0]  }
0x3d: {  	_ =	shalt  }
0x3e: {  	_ =	shalt  }
0x3f: {  	_ =	shalt  }
0x40: {  	_ =	shalt  }
0x41: {  	_ =	shalt  }
0x42: {  	_ =	shalt  }
0x43: {  	_ =	shalt  }
0x44: {  	_ =	shalt  }
0x45: {  	_ =	shalt  }
0x46: {  	_ =	shalt  }
0x47: {  	_ =	shalt  }
0x48: {  	_ =	shalt  }
0x49: {  	_ =	shalt  }
0x4a: {  	_ =	shalt  }
0x4b: {  	_ =	shalt  }
0x4c: {  	_ =	shalt  }
0x4d: {  	_ =	shalt  }
0x4e: {  	_ =	shalt  }
0x4f: {  	_ =	shalt  }
0x50: {  	_ =	shalt  }
0x51: {  	_ =	shalt  }
0x52: {  	_ =	shalt  }
0x53: {  	_ =	shalt  }
0x54: {  	_ =	shalt  }
0x55: {  	_ =	shalt  }
0x56: {  	_ =	shalt  }
0x57: {  	_ =	shalt  }
0x58: {  	_ =	shalt  }
0x59: {  	_ =	shalt  }
0x5a: {  	_ =	shalt  }
0x5b: {  	_ =	shalt  }
0x5c: {  	_ =	shalt  }
0x5d: {  	_ =	shalt  }
0x5e: {  	_ =	shalt  }
0x5f: {  	_ =	shalt  }
0x60: {  	_ =	shalt  }
0x61: {  	_ =	shalt  }
0x62: {  	_ =	shalt  }
0x63: {  	_ =	shalt  }
0x64: {  	_ =	shalt  }
0x65: {  	_ =	shalt  }
0x66: {  	_ =	shalt  }
0x67: {  	_ =	shalt  }
0x68: {  	_ =	shalt  }
0x69: {  	_ =	shalt  }
0x6a: {  	_ =	shalt  }
0x6b: {  	_ =	shalt  }
0x6c: {  	_ =	shalt  }
0x6d: {  	_ =	shalt  }
0x6e: {  	_ =	shalt  }
0x6f: {  	_ =	shalt  }
0x70: {  	_ =	shalt  }
0x71: {  	_ =	shalt  }
0x72: {  	_ =	shalt  }
0x73: {  	_ =	shalt  }
0x74: {  	_ =	shalt  }
0x75: {  	_ =	shalt  }
0x76: {  	_ =	shalt  }
0x77: {  	_ =	shalt  }
0x78: {  	_ =	shalt  }
0x79: {  	_ =	shalt  }
0x7a: {  	_ =	shalt  }
0x7b: {  	_ =	shalt  }
0x7c: {  	_ =	shalt  }
0x7d: {  	_ =	shalt  }
0x7e: {  	_ =	shalt  }
0x7f: {  	_ =	shalt  }
0x80: {  	_ =	shalt  }
0x81: {  	_ =	shalt  }
0x82: {  	_ =	shalt  }
0x83: {  	_ =	shalt  }
0x84: {  	_ =	shalt  }
0x85: {  	_ =	shalt  }
0x86: {  	_ =	shalt  }
0x87: {  	_ =	shalt  }
.Lfunc_end0:
.L_simem_size_0:
called_computation.1_lowered:
.L_overlay_start_0:
0x88: {  	s2 =	sld [smem:$0x3FD9]  }
0x89: {  	s3 =	sld [smem:$0x3FFE];
	_ =	sdelay $0x1  }
0x8a: {  	s1 =	srdreg.scid  }
0x8b: {  	s0 =	sand.u32 $0x1, s1  }
0x8c: {  	s16 =	sshll.u32 s0, $0xA;
	s2 =	sadd.s32 s3, s2  }
0x8d: {  	s2 =	sadd.s32 s2, s16  }
0x8e: {  	[smem:$0x3FAC] =	sst s2  }
0x8f: {  	_ = 	snop  }
0x90: {  	(tm) =	ssettm $0x1  }
0x91: {  	s17 =	sld [smem:$0x3FFB];
	_ =	sdelay $0x3  }
0x92: {  	_ =	strace s17  }
0x93: {  	s2 =	sld [smem:$0x3FFC];
	_ =	sdelay $0x3  }
0x94: {  	_ =	strace s2  }
0x95: {  	s2 =	sld [smem:$0x3FFD];
	_ =	sdelay $0x3  }
0x96: {  	_ =	strace s2  }
0x97: {  	_ =	strace $0x8FFFFFFF  }
0x98: {  	s18 =	sld [smem:$0x3FDB];
	_ =	sdelay $0x1  }
0x99: {  	s19 =	simm.s32 $_scs_section_size  }
0x9a: {  	s4 =	simm.s32 $_size__tile_overlayer_lowered;
	s5 =	simm.s32 $_tile_overlayer_lowered  }
0x9b: {  	s22 =	simm.s32 $0x1BFF;
	s21 =	sshll.u32 s5, $0x1;
	s2 =	sadd.s32 s19, s18  }
0x9c: {  	s6 =	simm.s32 $0x0;
	s20 =	sshll.u32 s4, $0x1;
	s4 =	sadd.s32 s21, s2  }
0x9d: {  	[timem:s6], [sflag:s22] =	dma.local [hbm:s4], s20  }
0x9e: {  	_ =	swait.ge [sflag:s22], s20  }
0x9f: {  	s3 =	ssub.s32 $0x0, s20;
	[sflag:s22] =	ssyncset.done $0x0  }
0xa0: {  	[sflag:s22] =	ssyncadd.s32 s3;
	_ =	sdelay $0x1  }
0xa1: {  	s23 =	simm.s32 $0x1B8B  }
0xa2: {  	_ =	swait.ge [sflag:s23], $0x1  }
0xa3: {  	[sflag:s23] =	ssyncset.done $0x0  }
0xa4: {  	s25 =	simm.s32 $0x1B8E;
	s24 =	sld [smem:$0x3FFE];
	[sflag:s23] =	ssyncadd.s32 $0xFFFFFFFF  }
0xa5: {  	s26 =	simm.s32 $execute0_lowered;
	[smem:$0x3FD2] =	sst s25  }
0xa6: {  	s4 =	sshll.u32 s26, $0x1;
	_ =	strace $0x80000049;
	[dreg:$0x1] =	wrdreg $0xFFFFFFFF  }
0xa7: {  	s28 =	simm.s32 $_size_execute0_lowered;
	s2 =	sadd.s32 s2, s4;
	[dreg:$0x0] =	wrdreg $0x0  }
0xa8: {  	s4 =	sshll.u32 s28, $0x1;
	[dreg:$0x2] =	wrdreg s2  }
0xa9: {  	[dreg:$0x3] =	wrdreg s4  }
0xaa: {  	[dreg:$0x4] =	wrdreg $0xC0  }
0xab: {  	_ =	task [dreg:s6], $0x5FFFF  }
0xac: {  	[dreg:$0x1] =	wrdreg $0xFFFFFFFF  }
0xad: {  	[dreg:$0x0] =	wrdreg $0x60  }
0xae: {  	[dreg:$0x2] =	wrdreg s24  }
0xaf: {  	[dreg:$0x3] =	wrdreg $0xD0000  }
0xb0: {  	[dreg:$0x4] =	wrdreg $0x9  }
0xb1: {  	_ =	task.clear_ibuf [dreg:s6], $0x5FFFF;
	_ =	strace $0x90000049  }
0xb2: {  	s29 =	simm.s32 $0x9;
	_ =	strace $0x8000004B  }
0xb3: {  	_ =	swait.ge [sflag:s29], $0x1  }
0xb4: {  	[sflag:s29] =	ssyncadd.s32 $0xFFFFFFFF  }
0xb5: {  	_ =	strace $0x9000004B  }
0xb6: {  	_ =	sfence  }
0xb7: {  	s30 =	sld [smem:$0x0];
	_ =	sdelay $0x2  }
0xb8: {  	s31 =	sshll.u32 s1, $0xD;
	s1 =	sshrl.u32 s1, $0x2  }
0xb9: {  	s3 =	sand.u32 $0x4000, s31;
	s1 =	sadd.s32 s1, s30  }
0xba: {  	s0 =	sor.u32 s3, s0;
	s1 =	sshll.u32 s1, $0x11  }
0xbb: {  	s0 =	sor.u32 s1, s0  }
0xbc: {  	s0 =	sadd.s32 $0x8F2B, s0  }
0xbd: {  	[sflag:s0] =	ssyncadd.remote.s32 $0x1  }
0xbe: {  	_ =	sfence.sel $0xFFFF  }
0xbf: {  	[dreg:$0x0] =	wrdreg $0xFFFFFFFF;
	(pc) =	sbr.abs _section_cstart, $3  }
0xc0: {  	[dreg:$0x1] =	wrdreg $0xFFFFFFFF  }
0xc1: {  	_ =	task.clear_ibuf [dreg:s6], $0x2FFFF;
	_ =	strace $0x9FFFFFFF  }
0xc2: {  	(tm) =	ssettm $0x7FFFFFFF  }
0xc3: {  	_ =	shalt  }
tec
execute0_lowered:
.L_overlay_start_1:
0x0: {  	(tag) =	ssettag $0x1  }
0x1: {  	s0 =	srdreg.scid;
	s1 =	rddreg [dreg:$0x0]  }
0x2: {  	s2 =	rddreg [dreg:$0x1];
	s14 =	stileid.u32  }
0x3: {  	s3 =	simm.s32 $0x0;
	s16 =	simm.s32 $0x80;
	s17 =	simm.s32 $0x5000  }
0x4: {  	s18 =	simm.s32 $0x7000;
	s20 =	simm.s32 $0x9000;
	s22 =	simm.s32 $0xB000  }
0x5: {  	s23 =	simm.s32 $0x1;
	s24 =	simm.s32 $0x2;
	s28 =	simm.s32 $0x4  }
0x6: {  	s29 =	simm.s32 $0x5;
	s30 =	simm.s32 $0x6;
	s31 =	simm.s32 $0x7  }
0x7: {  	s0 =	sand.u32 $0x1, s0;
	[smem:$0x7FF] =	sst s3;
	s8 =	smul.u32 $0x27800, s14  }
0x8: {  	s10 =	smul.u32 $0x9E00, s14;
	s13 =	sadd.s32 $0x94200, s2;
	p0 =	seq.s32 s14, $0xF  }
0x9: {  	s4 =	sshll.u32 s0, $0x4;
	_ =	strace $0x8000004A;
	s6 =	ssub.s32 $0x2, s0  }
0xa: {  	s0 =	smul.u32 $0x9C800, s0;
	s13 =	sshrl.u32 @p0 s13, $0x3;
	s4 =	sor.u32 s14, s4  }
0xb: {  	s9 =	sshrl.u32 s6, $0x1;
	s8 =	sshrl.u32 s8, $0x2;
	s19 =	sadd.s32 s10, s2  }
0xc: {  	s5 =	smul.u32 $0x500, s4;
	s4 =	sadd.s32 $0x4C00, s1;
	s11 =	ssub.s32 s6, s9  }
0xd: {  	s12 =	sadd.s32 s8, s2;
	s26 =	sadd.s32 s10, s0;
	s0 =	sshrl.u32 s0, $0x3  }
0xe: {  	s25 =	sshrl.u32 @!p0 s19, $0x3;
	s8 =	sshrl.u32 s26, $0x3;
	s10 =	smax.u32 s11, $0x1  }
0xf: {  	s11 =	simm.s32 $0x9;
	s15 =	sshrl.u32 @!p0 s12, $0x3;
	s26 =	simm.s32 $0x3  }
0x10: {  	s7 =	sadd.s32 s5, s1;
	s5 =	sadd.s32 $0x2C600, s1;
	s1 =	sadd.s32 $0x2DA00, s1  }
0x11: {  	s6 =	sadd.s32 $0x18600, s7;
	s7 =	sadd.s32 $0x22600, s7;
	s0 =	sadd.s32 s1, s0  }
0x12: {  	s8 =	sadd.s32 s1, s8;
	s9 =	sadd.s32 $0x12840, s0;
	s0 =	sshll.u32 @!p0 s14, $0x6  }
0x13: {  	s1 =	simm.s32 $0x0;
	s14 =	sor.u32 @!p0 $0x1C09, s0;
	s0 =	simm.s32 $0x8  }
.LBB2_1:
0x14: {  	[tilespmem:s3], [sflag:$0x9] =	stream.linear.gather [hbm4b:s6+s3], $0x2800, $0x38;
	[tilespmem:$0x16C40] =	vst v63  }
0x15: {  	_ =	swait.ge [sflag:s11], $0x2800  }
0x16: {  	[sflag:s11] =	ssyncset.done $0x0  }
0x17: {  	s12 =	simm.s32 $0x2800;
	[sflag:s11] =	ssyncadd.s32 $0xFFFFD800  }
0x18: {  	[tilespmem:s12], [sflag:$0x9] =	stream.linear.gather [hbm4b:s7+s3], $0x2800, $0x38;
	[tilespmem:$0x16C40] =	vst v63  }
0x19: {  	_ =	swait.ge [sflag:s11], $0x2800  }
0x1a: {  	[sflag:s11] =	ssyncset.done $0x0  }
0x1b: {  	s12 =	simm.s32 @p0 $0x1FC9;
	[sflag:s11] =	ssyncadd.s32 $0xFFFFD800  }
0x1c: {  	[spmem:s13], [sflag:s12] =	dma.local @p0 [hbm:s5], $0x1040  }
0x1d: {  	s12 =	simm.s32 @p0 $0x9  }
0x1e: {  	_ =	swait.ge @p0 [sflag:s12], $0x1040  }
0x1f: {  	[sflag:s12] =	ssyncset.done @p0 $0x0  }
0x20: {  	[sflag:s12] =	ssyncadd.s32 @p0 $0xFFFFEFC0;
	s12 =	simm.s32 @!p0 $0x9  }
0x21: {  	[spmem:s15], [sflag:s14] =	dma.local @!p0 [hbm:s5], $0x13C0  }
0x22: {  	_ =	swait.ge @!p0 [sflag:s12], $0x13C0  }
0x23: {  	[sflag:s12] =	ssyncset.done @!p0 $0x0  }
0x24: {  	[sflag:s12] =	ssyncadd.s32 @!p0 $0xFFFFEC40  }
0x25: {  	[bflag:$0x0] =	sbarrier.arrive $0xFFFF  }
0x26: {  	[tilespmem:s17], [sflag:$0x1] =	stream.indirect.gather [hbm4b:s4+s16], $0x40, s3, s16, $0xb8;
	[tilespmem:$0x16C40] =	vst v63  }
0x27: {  	_ = 	snop  }
0x28: {  	[tilespmem:s18], [sflag:$0x2] =	stream.indirect.gather [hbm4b:s4+s16], $0x40, s16, s16, $0xb8;
	[tilespmem:$0x16C40] =	vst v63  }
0x29: {  	s21 =	simm.s32 $0x100  }
0x2a: {  	[tilespmem:s20], [sflag:$0x3] =	stream.indirect.gather [hbm4b:s4+s16], $0x40, s21, s16, $0xb8;
	[tilespmem:$0x16C40] =	vst v63  }
0x2b: {  	s19 =	simm.s32 $0x180  }
0x2c: {  	[tilespmem:s22], [sflag:$0x4] =	stream.indirect.gather [hbm4b:s4+s16], $0x40, s19, s16, $0xb8;
	[tilespmem:$0x16C40] =	vst v63  }
0x2d: {  	_ =	swait.ge [sflag:s23], $0x2000  }
0x2e: {  	[sflag:s23] =	ssyncset.done $0x0  }
0x2f: {  	s21 =	simm.s32 $0x2800;
	[sflag:s23] =	ssyncadd.s32 $0xFFFFE000  }
0x30: {  	[spmem:s2] =	stream.indirect.scatter.add.f32 [tilespmem:s17], [sflag:$0x5], $0x40, s21, s16, $0xb8;
	[tilespmem:$0x16C40] =	vst v63  }
0x31: {  	_ =	swait.ge [sflag:s24], $0x2000  }
0x32: {  	[sflag:s24] =	ssyncset.done $0x0  }
0x33: {  	s19 =	simm.s32 $0x2880;
	[sflag:s24] =	ssyncadd.s32 $0xFFFFE000  }
0x34: {  	[spmem:s2] =	stream.indirect.scatter.add.f32 [tilespmem:s18], [sflag:$0x6], $0x40, s19, s16, $0xb8;
	[tilespmem:$0x16C40] =	vst v63  }
0x35: {  	_ =	swait.ge [sflag:s26], $0x2000  }
0x36: {  	[sflag:s26] =	ssyncset.done $0x0  }
0x37: {  	s21 =	simm.s32 $0x2900;
	[sflag:s26] =	ssyncadd.s32 $0xFFFFE000  }
0x38: {  	[spmem:s2] =	stream.indirect.scatter.add.f32 [tilespmem:s20], [sflag:$0x7], $0x40, s21, s16, $0xb8;
	[tilespmem:$0x16C40] =	vst v63  }
0x39: {  	_ =	swait.ge [sflag:s28], $0x2000  }
0x3a: {  	[sflag:s28] =	ssyncset.done $0x0  }
0x3b: {  	s19 =	simm.s32 $0x2980;
	[sflag:s28] =	ssyncadd.s32 $0xFFFFE000  }
0x3c: {  	[spmem:s2] =	stream.indirect.scatter.add.f32 [tilespmem:s22], [sflag:$0x8], $0x40, s19, s16, $0xb8;
	[tilespmem:$0x16C40] =	vst v63  }
0x3d: {  	_ =	swait.ge [sflag:s29], $0x2000  }
0x3e: {  	[sflag:s29] =	ssyncset.done $0x0  }
0x3f: {  	s21 =	simm.s32 $0x200;
	[sflag:s29] =	ssyncadd.s32 $0xFFFFE000  }
0x40: {  	[tilespmem:s17], [sflag:$0x1] =	stream.indirect.gather [hbm4b:s4+s16], $0x40, s21, s16, $0xb8;
	[tilespmem:$0x16C40] =	vst v63  }
0x41: {  	_ =	swait.ge [sflag:s30], $0x2000  }
0x42: {  	[sflag:s30] =	ssyncset.done $0x0  }
0x43: {  	s19 =	simm.s32 $0x280;
	[sflag:s30] =	ssyncadd.s32 $0xFFFFE000  }
0x44: {  	[tilespmem:s18], [sflag:$0x2] =	stream.indirect.gather [hbm4b:s4+s16], $0x40, s19, s16, $0xb8;
	[tilespmem:$0x16C40] =	vst v63  }
0x45: {  	_ =	swait.ge [sflag:s31], $0x2000  }
0x46: {  	[sflag:s31] =	ssyncset.done $0x0  }
0x47: {  	s21 =	simm.s32 $0x300;
	[sflag:s31] =	ssyncadd.s32 $0xFFFFE000  }
0x48: {  	[tilespmem:s20], [sflag:$0x3] =	stream.indirect.gather [hbm4b:s4+s16], $0x40, s21, s16, $0xb8;
	[tilespmem:$0x16C40] =	vst v63  }
0x49: {  	_ =	swait.ge [sflag:s0], $0x2000  }
0x4a: {  	[sflag:s0] =	ssyncset.done $0x0  }
0x4b: {  	s12 =	simm.s32 $0x800;
	s19 =	simm.s32 $0x380;
	[sflag:s0] =	ssyncadd.s32 $0xFFFFE000  }
.LBB2_2:
0x4c: {  	[tilespmem:s22], [sflag:$0x4] =	stream.indirect.gather [hbm4b:s4+s16], $0x40, s19, s16, $0xb8;
	[tilespmem:$0x16C40] =	vst v63  }
0x4d: {  	s19 =	smov.u32 s12  }
0x4e: {  	p1 =	sne.s32 s12, $0x9000;
	s12 =	sadd.s32 $0x800, s12;
	_ =	swait.ge [sflag:s23], $0x2000  }
0x4f: {  	s19 =	sshra.s32 s19, $0x2;
	[sflag:s23] =	ssyncset.done $0x0  }
0x50: {  	s21 =	sadd.s32 $0x2800, s19;
	[sflag:s23] =	ssyncadd.s32 $0xFFFFE000  }
0x51: {  	[spmem:s2] =	stream.indirect.scatter.add.f32 [tilespmem:s17], [sflag:$0x5], $0x40, s21, s16, $0xb8;
	[tilespmem:$0x16C40] =	vst v63  }
0x52: {  	_ =	swait.ge [sflag:s24], $0x2000  }
0x53: {  	[sflag:s24] =	ssyncset.done $0x0  }
0x54: {  	s21 =	sadd.s32 $0x2880, s19;
	[sflag:s24] =	ssyncadd.s32 $0xFFFFE000  }
0x55: {  	[spmem:s2] =	stream.indirect.scatter.add.f32 [tilespmem:s18], [sflag:$0x6], $0x40, s21, s16, $0xb8;
	[tilespmem:$0x16C40] =	vst v63  }
0x56: {  	_ =	swait.ge [sflag:s26], $0x2000  }
0x57: {  	[sflag:s26] =	ssyncset.done $0x0  }
0x58: {  	s21 =	sadd.s32 $0x2900, s19;
	[sflag:s26] =	ssyncadd.s32 $0xFFFFE000  }
0x59: {  	[spmem:s2] =	stream.indirect.scatter.add.f32 [tilespmem:s20], [sflag:$0x7], $0x40, s21, s16, $0xb8;
	[tilespmem:$0x16C40] =	vst v63  }
0x5a: {  	_ =	swait.ge [sflag:s28], $0x2000  }
0x5b: {  	[sflag:s28] =	ssyncset.done $0x0  }
0x5c: {  	s21 =	sadd.s32 $0x2980, s19;
	[sflag:s28] =	ssyncadd.s32 $0xFFFFE000  }
0x5d: {  	[spmem:s2] =	stream.indirect.scatter.add.f32 [tilespmem:s22], [sflag:$0x8], $0x40, s21, s16, $0xb8;
	[tilespmem:$0x16C40] =	vst v63  }
0x5e: {  	_ =	swait.ge [sflag:s29], $0x2000  }
0x5f: {  	[sflag:s29] =	ssyncset.done $0x0  }
0x60: {  	s21 =	sadd.s32 $0x200, s19;
	[sflag:s29] =	ssyncadd.s32 $0xFFFFE000  }
0x61: {  	[tilespmem:s17], [sflag:$0x1] =	stream.indirect.gather [hbm4b:s4+s16], $0x40, s21, s16, $0xb8;
	[tilespmem:$0x16C40] =	vst v63  }
0x62: {  	_ =	swait.ge [sflag:s30], $0x2000  }
0x63: {  	[sflag:s30] =	ssyncset.done $0x0  }
0x64: {  	s21 =	sadd.s32 $0x280, s19;
	[sflag:s30] =	ssyncadd.s32 $0xFFFFE000  }
0x65: {  	[tilespmem:s18], [sflag:$0x2] =	stream.indirect.gather [hbm4b:s4+s16], $0x40, s21, s16, $0xb8;
	[tilespmem:$0x16C40] =	vst v63  }
0x66: {  	_ =	swait.ge [sflag:s31], $0x2000  }
0x67: {  	[sflag:s31] =	ssyncset.done $0x0  }
.Ltmp0:
0x68: {  	s21 =	sadd.s32 $0x300, s19;
	[sflag:s31] =	ssyncadd.s32 $0xFFFFE000;
	(pc) =	sbr.rel @p1 .LBB2_2-.Ltmp0, $4  }
0x69: {  	[tilespmem:s20], [sflag:$0x3] =	stream.indirect.gather [hbm4b:s4+s16], $0x40, s21, s16, $0xb8;
	[tilespmem:$0x16C40] =	vst v63  }
0x6a: {  	_ =	swait.ge [sflag:s0], $0x2000  }
0x6b: {  	[sflag:s0] =	ssyncset.done $0x0  }
0x6c: {  	s19 =	sadd.s32 $0x380, s19;
	[sflag:s0] =	ssyncadd.s32 $0xFFFFE000  }
0x6d: {  	[tilespmem:s22], [sflag:$0x4] =	stream.indirect.gather [hbm4b:s4+s16], $0x40, s19, s16, $0xb8;
	[tilespmem:$0x16C40] =	vst v63  }
0x6e: {  	_ =	swait.ge [sflag:s23], $0x2000  }
0x6f: {  	[sflag:s23] =	ssyncset.done $0x0  }
0x70: {  	s12 =	simm.s32 $0x4E00;
	[sflag:s23] =	ssyncadd.s32 $0xFFFFE000  }
0x71: {  	[spmem:s2] =	stream.indirect.scatter.add.f32 [tilespmem:s17], [sflag:$0x5], $0x40, s12, s16, $0xb8;
	[tilespmem:$0x16C40] =	vst v63  }
0x72: {  	_ =	swait.ge [sflag:s24], $0x2000  }
0x73: {  	[sflag:s24] =	ssyncset.done $0x0  }
0x74: {  	s21 =	simm.s32 $0x4E80;
	[sflag:s24] =	ssyncadd.s32 $0xFFFFE000  }
0x75: {  	[spmem:s2] =	stream.indirect.scatter.add.f32 [tilespmem:s18], [sflag:$0x6], $0x40, s21, s16, $0xb8;
	[tilespmem:$0x16C40] =	vst v63  }
0x76: {  	_ =	swait.ge [sflag:s26], $0x2000  }
0x77: {  	[sflag:s26] =	ssyncset.done $0x0  }
0x78: {  	s19 =	simm.s32 $0x4F00;
	[sflag:s26] =	ssyncadd.s32 $0xFFFFE000  }
0x79: {  	[spmem:s2] =	stream.indirect.scatter.add.f32 [tilespmem:s20], [sflag:$0x7], $0x40, s19, s16, $0xb8;
	[tilespmem:$0x16C40] =	vst v63  }
0x7a: {  	_ =	swait.ge [sflag:s28], $0x2000  }
0x7b: {  	[sflag:s28] =	ssyncset.done $0x0  }
0x7c: {  	s21 =	simm.s32 $0x4F80;
	[sflag:s28] =	ssyncadd.s32 $0xFFFFE000  }
0x7d: {  	[spmem:s2] =	stream.indirect.scatter.add.f32 [tilespmem:s22], [sflag:$0x8], $0x40, s21, s16, $0xb8;
	[tilespmem:$0x16C40] =	vst v63  }
0x7e: {  	_ =	swait.ge [sflag:s29], $0x2000  }
0x7f: {  	[sflag:s29] =	ssyncset.done $0x0  }
0x80: {  	[sflag:s29] =	ssyncadd.s32 $0xFFFFE000  }
0x81: {  	_ =	swait.ge [sflag:s30], $0x2000  }
0x82: {  	[sflag:s30] =	ssyncset.done $0x0  }
0x83: {  	[sflag:s30] =	ssyncadd.s32 $0xFFFFE000  }
0x84: {  	_ =	swait.ge [sflag:s31], $0x2000  }
0x85: {  	[sflag:s31] =	ssyncset.done $0x0  }
0x86: {  	[sflag:s31] =	ssyncadd.s32 $0xFFFFE000  }
0x87: {  	_ =	swait.ge [sflag:s0], $0x2000  }
0x88: {  	[sflag:s0] =	ssyncset.done $0x0  }
0x89: {  	[sflag:s0] =	ssyncadd.s32 $0xFFFFE000  }
0x8a: {  	s12 =	simm.s32 @p0 $0x1FC9;
	[bflag:$0x0] =	sbarrier.arrive $0xFFFF  }
0x8b: {  	[hbm:s9], [sflag:s12] =	dma.local @p0 [spmem:s13], $0x1040  }
0x8c: {  	s12 =	simm.s32 @p0 $0x9  }
0x8d: {  	s1 =	sadd.s32 $0x1, s1;
	_ =	swait.ge @p0 [sflag:s12], $0x1040  }
0x8e: {  	p1 =	sne.s32 s1, s10;
	[sflag:s12] =	ssyncset.done @p0 $0x0  }
.Ltmp1:
0x8f: {  	[sflag:s12] =	ssyncadd.s32 @p0 $0xFFFFEFC0;
	s12 =	simm.s32 @!p0 $0x9;
	(pc) =	sbr.rel @p1 .LBB2_1-.Ltmp1, $4  }
0x90: {  	[hbm:s8], [sflag:s14] =	dma.local @!p0 [spmem:s25], $0x13C0  }
0x91: {  	_ =	swait.ge @!p0 [sflag:s12], $0x13C0  }
0x92: {  	[sflag:s12] =	ssyncset.done @!p0 $0x0  }
0x93: {  	[sflag:s12] =	ssyncadd.s32 @!p0 $0xFFFFEC40  }
0x94: {  	_ =	sfence.sel $0x180000  }
0x95: {  	[bflag:$0x0] =	sbarrier.arrive $0xFFFF  }
0x96: {  	_ =	strace $0x9000004A  }
0x97: {  	s0 =	stileid.u32;
	[bflag:$0x2] =	sbarrier.arrive $0xFFFF  }
0x98: {  	p0 =	sne.s32 s0, $0x0;
	s0 =	rddreg [dreg:$0x2]  }
0x99: {  	s0 =	sadd.s32 @!p0 $0x100000, s0  }
0x9a: {  	[sflag:s0] =	ssyncadd.tile.s32 @!p0 $0x1;
	_ =	shalt  }
.Lfunc_end2:
_tile_overlayer_lowered:
.L_overlay_start_2:
0x9b: {  	(tag) =	ssettag $0x2  }
0x9c: {  	s0 =	rddreg [dreg:$0x0];
	s2 =	stileid.u32  }
0x9d: {  	s1 =	rddreg [dreg:$0x1];
	p0 =	sne.s32 s2, $0x0  }
0x9e: {  	s3 =	rddreg [dreg:$0x2];
	[bflag:$0x3] =	sbarrier.arrive $0xFFFF;
	s2 =	simm.s32 @!p0 $0x1C09  }
0x9f: {  	[timem:s3], [sflag:s2] =	dma.local @!p0 [hbm:s0], s1  }
0xa0: {  	s0 =	simm.s32 @!p0 $0x9  }
0xa1: {  	_ =	swait.ge @!p0 [sflag:s0], s1  }
0xa2: {  	s1 =	ssub.s32 @!p0 $0x0, s1;
	[sflag:s0] =	ssyncset.done @!p0 $0x0  }
0xa3: {  	[sflag:s0] =	ssyncadd.s32 @!p0 s1  }
0xa4: {  	[bflag:$0x3] =	sbarrier.arrive $0xFFFF  }
0xa5: {  	_ =	shalt  }

// kernel: kernel.20.cloned.1.call-start
scs
__scs_entry_jumppad:
0x0: {  	(pc) =	sbr.rel $0x88, $3  }
0x1: {  	(tag) =	ssettag $0x0;
	lr =	simm.s32 $0x1  }
0x2: {  	[smem:$0x3F85] =	sst lr;
	_ =	strace $0xD0000000  }
0x3: {  	_ = 	snop  }
0x4: {  	_ = 	snop  }
0x5: {  	_ = 	snop  }
0x6: {  	_ = 	snop  }
0x7: {  	_ = 	snop  }
__scs_overlays_trampoline_lowered:
0x8: {  	[smem:$0x3F94] =	sst s0  }
0x9: {  	[smem:$0x3F95] =	sst s1  }
0xa: {  	[smem:$0x3F96] =	sst s2  }
0xb: {  	[smem:$0x3F97] =	sst s3  }
0xc: {  	[smem:$0x3F98] =	sst s4  }
0xd: {  	[smem:$0x3F99] =	sst s5  }
0xe: {  	[smem:$0x3F9A] =	sst s6  }
0xf: {  	[smem:$0x3F9B] =	sst s7  }
0x10: {  	[smem:$0x3F9C] =	sst s8  }
0x11: {  	[smem:$0x3F9D] =	sst s9;
	s0 =	simm.s32 @!p0 $0x0  }
0x12: {  	s1 =	sld [smem:$0x3F83];
	s0 =	simm.s32 @p0 $0x1  }
0x13: {  	[smem:$0x3F9E] =	sst s0;
	s0 =	simm.s32 @!p1 $0x0  }
0x14: {  	s2 =	sld [smem:$0x3F82];
	s0 =	simm.s32 @p1 $0x1  }
0x15: {  	[smem:$0x3F9F] =	sst s0;
	s0 =	simm.s32 @!p2 $0x0  }
0x16: {  	s3 =	sld [smem:$0x3FDB];
	s0 =	simm.s32 @p2 $0x1  }
0x17: {  	s4 =	simm.s32 $0x1BF5;
	[smem:$0x3FA1] =	sst s0  }
0x18: {  	s0 =	sld [smem:$0x3F84];
	_ =	swait.ge [sflag:s4], $0x0  }
0x19: {  	s7 =	sld [smem:$0x3F85]  }
0x1a: {  	s8 =	sadd.s32 $0xFFFFE003, lr  }
0x1b: {  	s9 =	sadd.s32 $0xFFFFFEF7, lr;
	s5 =	simm.s32 $0xFFFFFFFF;
	p2 =	slt.u32 s8, $0xFFFFF086  }
0x1c: {  	p1 =	slt.u32 s9, $0xF7A;
	s5 =	simm.s32 @!p2 $0x0  }
0x1d: {  	s5 =	simm.s32 @p1 $0x1;
	p0 =	seq.s32 s7, s2  }
0x1e: {  	s7 =	smul.u32 @!p0 $0xF7A, s2;
	p2 =	seq.s32 @!p0 s5, $0x0  }
0x1f: {  	s9 =	smul.u32 $0xF7A, s1;
	s8 =	simm.s32 @!p0 $0x1BF5;
	p2 =	por !p2, p0  }
0x20: {  	[sflag:s8] =	ssyncset.s32 @!p0 $0xFFFFF086;
	s6 =	sadd.s32 @!p0 s3, s7;
	s7 =	simm.s32 @!p0 $0x108  }
0x21: {  	s3 =	sadd.s32 s3, s9;
	s6 =	sadd.s32 @!p0 $0x88, s6;
	s7 =	simm.s32 @p2 $0x1082  }
0x22: {  	[simem:s7], [sflag:s8] =	dma.local @!p0 [hbm:s6], $0xF7A  }
0x23: {  	s9 =	sor.u32 $0xD0000000, s2;
	s6 =	simm.s32 $0x108;
	_ =	swait.ge @!p0 [sflag:s8], $0x0  }
0x24: {  	s3 =	sadd.s32 $0x88, s3;
	s6 =	simm.s32 @!p1 $0x1082;
	[sflag:s4] =	ssyncset.s32 $0xFFFFF086  }
0x25: {  	[simem:s6], [sflag:s4] =	dma.local [hbm:s3], $0xF7A  }
0x26: {  	[smem:$0x3F85] =	sst s1;
	(tag) =	ssettag s2;
	_ =	strace s9  }
0x27: {  	s1 =	sld [smem:$0x3F95]  }
0x28: {  	s2 =	sld [smem:$0x3F96]  }
0x29: {  	s4 =	sld [smem:$0x3F98]  }
0x2a: {  	p0 =	seq.s32 s5, $0x0;
	s5 =	sld [smem:$0x3F99]  }
0x2b: {  	s6 =	sld [smem:$0x3F9A]  }
0x2c: {  	s7 =	sld [smem:$0x3F9B]  }
0x2d: {  	s3 =	simm.s32 $0x108;
	s8 =	sld [smem:$0x3F9C]  }
0x2e: {  	s3 =	simm.s32 @!p0 $0x1082;
	s9 =	sld [smem:$0x3F9D]  }
0x2f: {  	lr =	sadd.s32 s0, s3;
	s0 =	sld [smem:$0x3F94]  }
0x30: {  	s3 =	sld [smem:$0x3F97]  }
0x31: {  	[smem:$0x3FA0] =	sst s10  }
0x32: {  	s10 =	sld [smem:$0x3F9E];
	_ =	sdelay $0x3  }
0x33: {  	p0 =	seq.s32 s10, $0x1;
	s10 =	sld [smem:$0x3FA0];
	_ =	sdelay $0x3  }
0x34: {  	[smem:$0x3FA0] =	sst s10  }
0x35: {  	s10 =	sld [smem:$0x3F9F];
	_ =	sdelay $0x3  }
0x36: {  	p1 =	seq.s32 s10, $0x1;
	s10 =	sld [smem:$0x3FA0];
	_ =	sdelay $0x3  }
0x37: {  	[smem:$0x3FA0] =	sst s10  }
0x38: {  	s10 =	sld [smem:$0x3FA1]  }
0x39: {  	_ = 	snop;
	(pc) =	sbr.ind lr, $3  }
0x3a: {  	_ = 	snop  }
0x3b: {  	_ = 	snop  }
0x3c: {  	p2 =	seq.s32 s10, $0x1;
	s10 =	sld [smem:$0x3FA0]  }
0x3d: {  	_ =	shalt  }
0x3e: {  	_ =	shalt  }
0x3f: {  	_ =	shalt  }
0x40: {  	_ =	shalt  }
0x41: {  	_ =	shalt  }
0x42: {  	_ =	shalt  }
0x43: {  	_ =	shalt  }
0x44: {  	_ =	shalt  }
0x45: {  	_ =	shalt  }
0x46: {  	_ =	shalt  }
0x47: {  	_ =	shalt  }
0x48: {  	_ =	shalt  }
0x49: {  	_ =	shalt  }
0x4a: {  	_ =	shalt  }
0x4b: {  	_ =	shalt  }
0x4c: {  	_ =	shalt  }
0x4d: {  	_ =	shalt  }
0x4e: {  	_ =	shalt  }
0x4f: {  	_ =	shalt  }
0x50: {  	_ =	shalt  }
0x51: {  	_ =	shalt  }
0x52: {  	_ =	shalt  }
0x53: {  	_ =	shalt  }
0x54: {  	_ =	shalt  }
0x55: {  	_ =	shalt  }
0x56: {  	_ =	shalt  }
0x57: {  	_ =	shalt  }
0x58: {  	_ =	shalt  }
0x59: {  	_ =	shalt  }
0x5a: {  	_ =	shalt  }
0x5b: {  	_ =	shalt  }
0x5c: {  	_ =	shalt  }
0x5d: {  	_ =	shalt  }
0x5e: {  	_ =	shalt  }
0x5f: {  	_ =	shalt  }
0x60: {  	_ =	shalt  }
0x61: {  	_ =	shalt  }
0x62: {  	_ =	shalt  }
0x63: {  	_ =	shalt  }
0x64: {  	_ =	shalt  }
0x65: {  	_ =	shalt  }
0x66: {  	_ =	shalt  }
0x67: {  	_ =	shalt  }
0x68: {  	_ =	shalt  }
0x69: {  	_ =	shalt  }
0x6a: {  	_ =	shalt  }
0x6b: {  	_ =	shalt  }
0x6c: {  	_ =	shalt  }
0x6d: {  	_ =	shalt  }
0x6e: {  	_ =	shalt  }
0x6f: {  	_ =	shalt  }
0x70: {  	_ =	shalt  }
0x71: {  	_ =	shalt  }
0x72: {  	_ =	shalt  }
0x73: {  	_ =	shalt  }
0x74: {  	_ =	shalt  }
0x75: {  	_ =	shalt  }
0x76: {  	_ =	shalt  }
0x77: {  	_ =	shalt  }
0x78: {  	_ =	shalt  }
0x79: {  	_ =	shalt  }
0x7a: {  	_ =	shalt  }
0x7b: {  	_ =	shalt  }
0x7c: {  	_ =	shalt  }
0x7d: {  	_ =	shalt  }
0x7e: {  	_ =	shalt  }
0x7f: {  	_ =	shalt  }
0x80: {  	_ =	shalt  }
0x81: {  	_ =	shalt  }
0x82: {  	_ =	shalt  }
0x83: {  	_ =	shalt  }
0x84: {  	_ =	shalt  }
0x85: {  	_ =	shalt  }
0x86: {  	_ =	shalt  }
0x87: {  	_ =	shalt  }
.Lfunc_end0:
.L_simem_size_0:
called_computation.2_lowered:
.L_overlay_start_0:
0x88: {  	s2 =	sld [smem:$0x3FD9]  }
0x89: {  	s3 =	sld [smem:$0x3FFE];
	_ =	sdelay $0x1  }
0x8a: {  	s1 =	srdreg.scid  }
0x8b: {  	s0 =	sand.u32 $0x1, s1  }
0x8c: {  	s16 =	sshll.u32 s0, $0xA;
	s2 =	sadd.s32 s3, s2  }
0x8d: {  	s2 =	sadd.s32 s2, s16  }
0x8e: {  	[smem:$0x3FAC] =	sst s2  }
0x8f: {  	_ = 	snop  }
0x90: {  	(tm) =	ssettm $0x1  }
0x91: {  	s17 =	sld [smem:$0x3FFB];
	_ =	sdelay $0x3  }
0x92: {  	_ =	strace s17  }
0x93: {  	s2 =	sld [smem:$0x3FFC];
	_ =	sdelay $0x3  }
0x94: {  	_ =	strace s2  }
0x95: {  	s2 =	sld [smem:$0x3FFD];
	_ =	sdelay $0x3  }
0x96: {  	_ =	strace s2  }
0x97: {  	_ =	strace $0x8FFFFFFF  }
0x98: {  	s18 =	sld [smem:$0x3FDB];
	_ =	sdelay $0x1  }
0x99: {  	s19 =	simm.s32 $_scs_section_size  }
0x9a: {  	s4 =	simm.s32 $_size__tile_overlayer_lowered;
	s5 =	simm.s32 $_tile_overlayer_lowered  }
0x9b: {  	s22 =	simm.s32 $0x1BFF;
	s21 =	sshll.u32 s5, $0x1;
	s2 =	sadd.s32 s19, s18  }
0x9c: {  	s6 =	simm.s32 $0x0;
	s20 =	sshll.u32 s4, $0x1;
	s4 =	sadd.s32 s21, s2  }
0x9d: {  	[timem:s6], [sflag:s22] =	dma.local [hbm:s4], s20  }
0x9e: {  	_ =	swait.ge [sflag:s22], s20  }
0x9f: {  	s3 =	ssub.s32 $0x0, s20;
	[sflag:s22] =	ssyncset.done $0x0  }
0xa0: {  	[sflag:s22] =	ssyncadd.s32 s3;
	_ =	sdelay $0x1  }
0xa1: {  	s23 =	simm.s32 $0x1B8B  }
0xa2: {  	_ =	swait.ge [sflag:s23], $0x1  }
0xa3: {  	[sflag:s23] =	ssyncset.done $0x0  }
0xa4: {  	s25 =	simm.s32 $0x1B8E;
	s24 =	sld [smem:$0x3FFE];
	[sflag:s23] =	ssyncadd.s32 $0xFFFFFFFF  }
0xa5: {  	s26 =	simm.s32 $execute0_lowered;
	[smem:$0x3FD2] =	sst s25  }
0xa6: {  	s4 =	sshll.u32 s26, $0x1;
	_ =	strace $0x8000004C;
	[dreg:$0x1] =	wrdreg $0xFFFFFFFF  }
0xa7: {  	s28 =	simm.s32 $_size_execute0_lowered;
	s2 =	sadd.s32 s2, s4;
	[dreg:$0x0] =	wrdreg $0x0  }
0xa8: {  	s4 =	sshll.u32 s28, $0x1;
	[dreg:$0x2] =	wrdreg s2  }
0xa9: {  	[dreg:$0x3] =	wrdreg s4  }
0xaa: {  	[dreg:$0x4] =	wrdreg $0xC0  }
0xab: {  	_ =	task [dreg:s6], $0x5FFFF  }
0xac: {  	[dreg:$0x1] =	wrdreg $0xFFFFFFFF  }
0xad: {  	[dreg:$0x0] =	wrdreg $0x60  }
0xae: {  	[dreg:$0x2] =	wrdreg s24  }
0xaf: {  	[dreg:$0x3] =	wrdreg $0xD0000  }
0xb0: {  	[dreg:$0x4] =	wrdreg $0x9  }
0xb1: {  	_ =	task.clear_ibuf [dreg:s6], $0x5FFFF;
	_ =	strace $0x9000004C  }
0xb2: {  	s29 =	simm.s32 $0x9;
	_ =	strace $0x8000004E  }
0xb3: {  	_ =	swait.ge [sflag:s29], $0x1  }
0xb4: {  	[sflag:s29] =	ssyncadd.s32 $0xFFFFFFFF  }
0xb5: {  	_ =	strace $0x9000004E  }
0xb6: {  	_ =	sfence  }
0xb7: {  	s30 =	sld [smem:$0x0];
	_ =	sdelay $0x2  }
0xb8: {  	s31 =	sshll.u32 s1, $0xD;
	s1 =	sshrl.u32 s1, $0x2  }
0xb9: {  	s3 =	sand.u32 $0x4000, s31;
	s1 =	sadd.s32 s1, s30  }
0xba: {  	s0 =	sor.u32 s3, s0;
	s1 =	sshll.u32 s1, $0x11  }
0xbb: {  	s0 =	sor.u32 s1, s0  }
0xbc: {  	s0 =	sadd.s32 $0x8F2B, s0  }
0xbd: {  	[sflag:s0] =	ssyncadd.remote.s32 $0x1  }
0xbe: {  	_ =	sfence.sel $0xFFFF  }
0xbf: {  	[dreg:$0x0] =	wrdreg $0xFFFFFFFF;
	(pc) =	sbr.abs _section_cstart, $3  }
0xc0: {  	[dreg:$0x1] =	wrdreg $0xFFFFFFFF  }
0xc1: {  	_ =	task.clear_ibuf [dreg:s6], $0x2FFFF;
	_ =	strace $0x9FFFFFFF  }
0xc2: {  	(tm) =	ssettm $0x7FFFFFFF  }
0xc3: {  	_ =	shalt  }
tec
execute0_lowered:
.L_overlay_start_1:
0x0: {  	(tag) =	ssettag $0x1  }
0x1: {  	s0 =	srdreg.scid;
	s1 =	rddreg [dreg:$0x0]  }
0x2: {  	s2 =	rddreg [dreg:$0x1];
	s14 =	stileid.u32  }
0x3: {  	s3 =	simm.s32 $0x0;
	s16 =	simm.s32 $0x80;
	s17 =	simm.s32 $0x5000  }
0x4: {  	s18 =	simm.s32 $0x7000;
	s20 =	simm.s32 $0x9000;
	s22 =	simm.s32 $0xB000  }
0x5: {  	s23 =	simm.s32 $0x1;
	s24 =	simm.s32 $0x2;
	s28 =	simm.s32 $0x4  }
0x6: {  	s29 =	simm.s32 $0x5;
	s30 =	simm.s32 $0x6;
	s31 =	simm.s32 $0x7  }
0x7: {  	s0 =	sand.u32 $0x1, s0;
	[smem:$0x7FF] =	sst s3;
	s8 =	smul.u32 $0x27800, s14  }
0x8: {  	s10 =	smul.u32 $0x9E00, s14;
	s13 =	sadd.s32 $0x94200, s2;
	p0 =	seq.s32 s14, $0xF  }
0x9: {  	s4 =	sshll.u32 s0, $0x4;
	_ =	strace $0x8000004D;
	s6 =	ssub.s32 $0x2, s0  }
0xa: {  	s0 =	smul.u32 $0x9C800, s0;
	s13 =	sshrl.u32 @p0 s13, $0x3;
	s4 =	sor.u32 s14, s4  }
0xb: {  	s9 =	sshrl.u32 s6, $0x1;
	s8 =	sshrl.u32 s8, $0x2;
	s19 =	sadd.s32 s10, s2  }
0xc: {  	s5 =	smul.u32 $0x500, s4;
	s4 =	sadd.s32 $0x4C00, s1;
	s11 =	ssub.s32 s6, s9  }
0xd: {  	s12 =	sadd.s32 s8, s2;
	s26 =	sadd.s32 s10, s0;
	s0 =	sshrl.u32 s0, $0x3  }
0xe: {  	s25 =	sshrl.u32 @!p0 s19, $0x3;
	s8 =	sshrl.u32 s26, $0x3;
	s10 =	smax.u32 s11, $0x1  }
0xf: {  	s11 =	simm.s32 $0x9;
	s15 =	sshrl.u32 @!p0 s12, $0x3;
	s26 =	simm.s32 $0x3  }
0x10: {  	s7 =	sadd.s32 s5, s1;
	s5 =	sadd.s32 $0x2C600, s1;
	s1 =	sadd.s32 $0x2DA00, s1  }
0x11: {  	s6 =	sadd.s32 $0x18600, s7;
	s7 =	sadd.s32 $0x22600, s7;
	s0 =	sadd.s32 s1, s0  }
0x12: {  	s8 =	sadd.s32 s1, s8;
	s9 =	sadd.s32 $0x12840, s0;
	s0 =	sshll.u32 @!p0 s14, $0x6  }
0x13: {  	s1 =	simm.s32 $0x0;
	s14 =	sor.u32 @!p0 $0x1C09, s0;
	s0 =	simm.s32 $0x8  }
.LBB2_1:
0x14: {  	[tilespmem:s3], [sflag:$0x9] =	stream.linear.gather [hbm4b:s6+s3], $0x2800, $0x38;
	[tilespmem:$0x16C40] =	vst v63  }
0x15: {  	_ =	swait.ge [sflag:s11], $0x2800  }
0x16: {  	[sflag:s11] =	ssyncset.done $0x0  }
0x17: {  	s12 =	simm.s32 $0x2800;
	[sflag:s11] =	ssyncadd.s32 $0xFFFFD800  }
0x18: {  	[tilespmem:s12], [sflag:$0x9] =	stream.linear.gather [hbm4b:s7+s3], $0x2800, $0x38;
	[tilespmem:$0x16C40] =	vst v63  }
0x19: {  	_ =	swait.ge [sflag:s11], $0x2800  }
0x1a: {  	[sflag:s11] =	ssyncset.done $0x0  }
0x1b: {  	s12 =	simm.s32 @p0 $0x1FC9;
	[sflag:s11] =	ssyncadd.s32 $0xFFFFD800  }
0x1c: {  	[spmem:s13], [sflag:s12] =	dma.local @p0 [hbm:s5], $0x1040  }
0x1d: {  	s12 =	simm.s32 @p0 $0x9  }
0x1e: {  	_ =	swait.ge @p0 [sflag:s12], $0x1040  }
0x1f: {  	[sflag:s12] =	ssyncset.done @p0 $0x0  }
0x20: {  	[sflag:s12] =	ssyncadd.s32 @p0 $0xFFFFEFC0;
	s12 =	simm.s32 @!p0 $0x9  }
0x21: {  	[spmem:s15], [sflag:s14] =	dma.local @!p0 [hbm:s5], $0x13C0  }
0x22: {  	_ =	swait.ge @!p0 [sflag:s12], $0x13C0  }
0x23: {  	[sflag:s12] =	ssyncset.done @!p0 $0x0  }
0x24: {  	[sflag:s12] =	ssyncadd.s32 @!p0 $0xFFFFEC40  }
0x25: {  	[bflag:$0x0] =	sbarrier.arrive $0xFFFF  }
0x26: {  	[tilespmem:s17], [sflag:$0x1] =	stream.indirect.gather [hbm4b:s4+s16], $0x40, s3, s16, $0xb8;
	[tilespmem:$0x16C40] =	vst v63  }
0x27: {  	_ = 	snop  }
0x28: {  	[tilespmem:s18], [sflag:$0x2] =	stream.indirect.gather [hbm4b:s4+s16], $0x40, s16, s16, $0xb8;
	[tilespmem:$0x16C40] =	vst v63  }
0x29: {  	s21 =	simm.s32 $0x100  }
0x2a: {  	[tilespmem:s20], [sflag:$0x3] =	stream.indirect.gather [hbm4b:s4+s16], $0x40, s21, s16, $0xb8;
	[tilespmem:$0x16C40] =	vst v63  }
0x2b: {  	s19 =	simm.s32 $0x180  }
0x2c: {  	[tilespmem:s22], [sflag:$0x4] =	stream.indirect.gather [hbm4b:s4+s16], $0x40, s19, s16, $0xb8;
	[tilespmem:$0x16C40] =	vst v63  }
0x2d: {  	_ =	swait.ge [sflag:s23], $0x2000  }
0x2e: {  	[sflag:s23] =	ssyncset.done $0x0  }
0x2f: {  	s21 =	simm.s32 $0x2800;
	[sflag:s23] =	ssyncadd.s32 $0xFFFFE000  }
0x30: {  	[spmem:s2] =	stream.indirect.scatter.add.f32 [tilespmem:s17], [sflag:$0x5], $0x40, s21, s16, $0xb8;
	[tilespmem:$0x16C40] =	vst v63  }
0x31: {  	_ =	swait.ge [sflag:s24], $0x2000  }
0x32: {  	[sflag:s24] =	ssyncset.done $0x0  }
0x33: {  	s19 =	simm.s32 $0x2880;
	[sflag:s24] =	ssyncadd.s32 $0xFFFFE000  }
0x34: {  	[spmem:s2] =	stream.indirect.scatter.add.f32 [tilespmem:s18], [sflag:$0x6], $0x40, s19, s16, $0xb8;
	[tilespmem:$0x16C40] =	vst v63  }
0x35: {  	_ =	swait.ge [sflag:s26], $0x2000  }
0x36: {  	[sflag:s26] =	ssyncset.done $0x0  }
0x37: {  	s21 =	simm.s32 $0x2900;
	[sflag:s26] =	ssyncadd.s32 $0xFFFFE000  }
0x38: {  	[spmem:s2] =	stream.indirect.scatter.add.f32 [tilespmem:s20], [sflag:$0x7], $0x40, s21, s16, $0xb8;
	[tilespmem:$0x16C40] =	vst v63  }
0x39: {  	_ =	swait.ge [sflag:s28], $0x2000  }
0x3a: {  	[sflag:s28] =	ssyncset.done $0x0  }
0x3b: {  	s19 =	simm.s32 $0x2980;
	[sflag:s28] =	ssyncadd.s32 $0xFFFFE000  }
0x3c: {  	[spmem:s2] =	stream.indirect.scatter.add.f32 [tilespmem:s22], [sflag:$0x8], $0x40, s19, s16, $0xb8;
	[tilespmem:$0x16C40] =	vst v63  }
0x3d: {  	_ =	swait.ge [sflag:s29], $0x2000  }
0x3e: {  	[sflag:s29] =	ssyncset.done $0x0  }
0x3f: {  	s21 =	simm.s32 $0x200;
	[sflag:s29] =	ssyncadd.s32 $0xFFFFE000  }
0x40: {  	[tilespmem:s17], [sflag:$0x1] =	stream.indirect.gather [hbm4b:s4+s16], $0x40, s21, s16, $0xb8;
	[tilespmem:$0x16C40] =	vst v63  }
0x41: {  	_ =	swait.ge [sflag:s30], $0x2000  }
0x42: {  	[sflag:s30] =	ssyncset.done $0x0  }
0x43: {  	s19 =	simm.s32 $0x280;
	[sflag:s30] =	ssyncadd.s32 $0xFFFFE000  }
0x44: {  	[tilespmem:s18], [sflag:$0x2] =	stream.indirect.gather [hbm4b:s4+s16], $0x40, s19, s16, $0xb8;
	[tilespmem:$0x16C40] =	vst v63  }
0x45: {  	_ =	swait.ge [sflag:s31], $0x2000  }
0x46: {  	[sflag:s31] =	ssyncset.done $0x0  }
0x47: {  	s21 =	simm.s32 $0x300;
	[sflag:s31] =	ssyncadd.s32 $0xFFFFE000  }
0x48: {  	[tilespmem:s20], [sflag:$0x3] =	stream.indirect.gather [hbm4b:s4+s16], $0x40, s21, s16, $0xb8;
	[tilespmem:$0x16C40] =	vst v63  }
0x49: {  	_ =	swait.ge [sflag:s0], $0x2000  }
0x4a: {  	[sflag:s0] =	ssyncset.done $0x0  }
0x4b: {  	s12 =	simm.s32 $0x800;
	s19 =	simm.s32 $0x380;
	[sflag:s0] =	ssyncadd.s32 $0xFFFFE000  }
.LBB2_2:
0x4c: {  	[tilespmem:s22], [sflag:$0x4] =	stream.indirect.gather [hbm4b:s4+s16], $0x40, s19, s16, $0xb8;
	[tilespmem:$0x16C40] =	vst v63  }
0x4d: {  	s19 =	smov.u32 s12  }
0x4e: {  	p1 =	sne.s32 s12, $0x9000;
	s12 =	sadd.s32 $0x800, s12;
	_ =	swait.ge [sflag:s23], $0x2000  }
0x4f: {  	s19 =	sshra.s32 s19, $0x2;
	[sflag:s23] =	ssyncset.done $0x0  }
0x50: {  	s21 =	sadd.s32 $0x2800, s19;
	[sflag:s23] =	ssyncadd.s32 $0xFFFFE000  }
0x51: {  	[spmem:s2] =	stream.indirect.scatter.add.f32 [tilespmem:s17], [sflag:$0x5], $0x40, s21, s16, $0xb8;
	[tilespmem:$0x16C40] =	vst v63  }
0x52: {  	_ =	swait.ge [sflag:s24], $0x2000  }
0x53: {  	[sflag:s24] =	ssyncset.done $0x0  }
0x54: {  	s21 =	sadd.s32 $0x2880, s19;
	[sflag:s24] =	ssyncadd.s32 $0xFFFFE000  }
0x55: {  	[spmem:s2] =	stream.indirect.scatter.add.f32 [tilespmem:s18], [sflag:$0x6], $0x40, s21, s16, $0xb8;
	[tilespmem:$0x16C40] =	vst v63  }
0x56: {  	_ =	swait.ge [sflag:s26], $0x2000  }
0x57: {  	[sflag:s26] =	ssyncset.done $0x0  }
0x58: {  	s21 =	sadd.s32 $0x2900, s19;
	[sflag:s26] =	ssyncadd.s32 $0xFFFFE000  }
0x59: {  	[spmem:s2] =	stream.indirect.scatter.add.f32 [tilespmem:s20], [sflag:$0x7], $0x40, s21, s16, $0xb8;
	[tilespmem:$0x16C40] =	vst v63  }
0x5a: {  	_ =	swait.ge [sflag:s28], $0x2000  }
0x5b: {  	[sflag:s28] =	ssyncset.done $0x0  }
0x5c: {  	s21 =	sadd.s32 $0x2980, s19;
	[sflag:s28] =	ssyncadd.s32 $0xFFFFE000  }
0x5d: {  	[spmem:s2] =	stream.indirect.scatter.add.f32 [tilespmem:s22], [sflag:$0x8], $0x40, s21, s16, $0xb8;
	[tilespmem:$0x16C40] =	vst v63  }
0x5e: {  	_ =	swait.ge [sflag:s29], $0x2000  }
0x5f: {  	[sflag:s29] =	ssyncset.done $0x0  }
0x60: {  	s21 =	sadd.s32 $0x200, s19;
	[sflag:s29] =	ssyncadd.s32 $0xFFFFE000  }
0x61: {  	[tilespmem:s17], [sflag:$0x1] =	stream.indirect.gather [hbm4b:s4+s16], $0x40, s21, s16, $0xb8;
	[tilespmem:$0x16C40] =	vst v63  }
0x62: {  	_ =	swait.ge [sflag:s30], $0x2000  }
0x63: {  	[sflag:s30] =	ssyncset.done $0x0  }
0x64: {  	s21 =	sadd.s32 $0x280, s19;
	[sflag:s30] =	ssyncadd.s32 $0xFFFFE000  }
0x65: {  	[tilespmem:s18], [sflag:$0x2] =	stream.indirect.gather [hbm4b:s4+s16], $0x40, s21, s16, $0xb8;
	[tilespmem:$0x16C40] =	vst v63  }
0x66: {  	_ =	swait.ge [sflag:s31], $0x2000  }
0x67: {  	[sflag:s31] =	ssyncset.done $0x0  }
.Ltmp0:
0x68: {  	s21 =	sadd.s32 $0x300, s19;
	[sflag:s31] =	ssyncadd.s32 $0xFFFFE000;
	(pc) =	sbr.rel @p1 .LBB2_2-.Ltmp0, $4  }
0x69: {  	[tilespmem:s20], [sflag:$0x3] =	stream.indirect.gather [hbm4b:s4+s16], $0x40, s21, s16, $0xb8;
	[tilespmem:$0x16C40] =	vst v63  }
0x6a: {  	_ =	swait.ge [sflag:s0], $0x2000  }
0x6b: {  	[sflag:s0] =	ssyncset.done $0x0  }
0x6c: {  	s19 =	sadd.s32 $0x380, s19;
	[sflag:s0] =	ssyncadd.s32 $0xFFFFE000  }
0x6d: {  	[tilespmem:s22], [sflag:$0x4] =	stream.indirect.gather [hbm4b:s4+s16], $0x40, s19, s16, $0xb8;
	[tilespmem:$0x16C40] =	vst v63  }
0x6e: {  	_ =	swait.ge [sflag:s23], $0x2000  }
0x6f: {  	[sflag:s23] =	ssyncset.done $0x0  }
0x70: {  	s12 =	simm.s32 $0x4E00;
	[sflag:s23] =	ssyncadd.s32 $0xFFFFE000  }
0x71: {  	[spmem:s2] =	stream.indirect.scatter.add.f32 [tilespmem:s17], [sflag:$0x5], $0x40, s12, s16, $0xb8;
	[tilespmem:$0x16C40] =	vst v63  }
0x72: {  	_ =	swait.ge [sflag:s24], $0x2000  }
0x73: {  	[sflag:s24] =	ssyncset.done $0x0  }
0x74: {  	s21 =	simm.s32 $0x4E80;
	[sflag:s24] =	ssyncadd.s32 $0xFFFFE000  }
0x75: {  	[spmem:s2] =	stream.indirect.scatter.add.f32 [tilespmem:s18], [sflag:$0x6], $0x40, s21, s16, $0xb8;
	[tilespmem:$0x16C40] =	vst v63  }
0x76: {  	_ =	swait.ge [sflag:s26], $0x2000  }
0x77: {  	[sflag:s26] =	ssyncset.done $0x0  }
0x78: {  	s19 =	simm.s32 $0x4F00;
	[sflag:s26] =	ssyncadd.s32 $0xFFFFE000  }
0x79: {  	[spmem:s2] =	stream.indirect.scatter.add.f32 [tilespmem:s20], [sflag:$0x7], $0x40, s19, s16, $0xb8;
	[tilespmem:$0x16C40] =	vst v63  }
0x7a: {  	_ =	swait.ge [sflag:s28], $0x2000  }
0x7b: {  	[sflag:s28] =	ssyncset.done $0x0  }
0x7c: {  	s21 =	simm.s32 $0x4F80;
	[sflag:s28] =	ssyncadd.s32 $0xFFFFE000  }
0x7d: {  	[spmem:s2] =	stream.indirect.scatter.add.f32 [tilespmem:s22], [sflag:$0x8], $0x40, s21, s16, $0xb8;
	[tilespmem:$0x16C40] =	vst v63  }
0x7e: {  	_ =	swait.ge [sflag:s29], $0x2000  }
0x7f: {  	[sflag:s29] =	ssyncset.done $0x0  }
0x80: {  	[sflag:s29] =	ssyncadd.s32 $0xFFFFE000  }
0x81: {  	_ =	swait.ge [sflag:s30], $0x2000  }
0x82: {  	[sflag:s30] =	ssyncset.done $0x0  }
0x83: {  	[sflag:s30] =	ssyncadd.s32 $0xFFFFE000  }
0x84: {  	_ =	swait.ge [sflag:s31], $0x2000  }
0x85: {  	[sflag:s31] =	ssyncset.done $0x0  }
0x86: {  	[sflag:s31] =	ssyncadd.s32 $0xFFFFE000  }
0x87: {  	_ =	swait.ge [sflag:s0], $0x2000  }
0x88: {  	[sflag:s0] =	ssyncset.done $0x0  }
0x89: {  	[sflag:s0] =	ssyncadd.s32 $0xFFFFE000  }
0x8a: {  	s12 =	simm.s32 @p0 $0x1FC9;
	[bflag:$0x0] =	sbarrier.arrive $0xFFFF  }
0x8b: {  	[hbm:s9], [sflag:s12] =	dma.local @p0 [spmem:s13], $0x1040  }
0x8c: {  	s12 =	simm.s32 @p0 $0x9  }
0x8d: {  	s1 =	sadd.s32 $0x1, s1;
	_ =	swait.ge @p0 [sflag:s12], $0x1040  }
0x8e: {  	p1 =	sne.s32 s1, s10;
	[sflag:s12] =	ssyncset.done @p0 $0x0  }
.Ltmp1:
0x8f: {  	[sflag:s12] =	ssyncadd.s32 @p0 $0xFFFFEFC0;
	s12 =	simm.s32 @!p0 $0x9;
	(pc) =	sbr.rel @p1 .LBB2_1-.Ltmp1, $4  }
0x90: {  	[hbm:s8], [sflag:s14] =	dma.local @!p0 [spmem:s25], $0x13C0  }
0x91: {  	_ =	swait.ge @!p0 [sflag:s12], $0x13C0  }
0x92: {  	[sflag:s12] =	ssyncset.done @!p0 $0x0  }
0x93: {  	[sflag:s12] =	ssyncadd.s32 @!p0 $0xFFFFEC40  }
0x94: {  	_ =	sfence.sel $0x180000  }
0x95: {  	[bflag:$0x0] =	sbarrier.arrive $0xFFFF  }
0x96: {  	_ =	strace $0x9000004D  }
0x97: {  	s0 =	stileid.u32;
	[bflag:$0x2] =	sbarrier.arrive $0xFFFF  }
0x98: {  	p0 =	sne.s32 s0, $0x0;
	s0 =	rddreg [dreg:$0x2]  }
0x99: {  	s0 =	sadd.s32 @!p0 $0x100000, s0  }
0x9a: {  	[sflag:s0] =	ssyncadd.tile.s32 @!p0 $0x1;
	_ =	shalt  }
.Lfunc_end2:
_tile_overlayer_lowered:
.L_overlay_start_2:
0x9b: {  	(tag) =	ssettag $0x2  }
0x9c: {  	s0 =	rddreg [dreg:$0x0];
	s2 =	stileid.u32  }
0x9d: {  	s1 =	rddreg [dreg:$0x1];
	p0 =	sne.s32 s2, $0x0  }
0x9e: {  	s3 =	rddreg [dreg:$0x2];
	[bflag:$0x3] =	sbarrier.arrive $0xFFFF;
	s2 =	simm.s32 @!p0 $0x1C09  }
0x9f: {  	[timem:s3], [sflag:s2] =	dma.local @!p0 [hbm:s0], s1  }
0xa0: {  	s0 =	simm.s32 @!p0 $0x9  }
0xa1: {  	_ =	swait.ge @!p0 [sflag:s0], s1  }
0xa2: {  	s1 =	ssub.s32 @!p0 $0x0, s1;
	[sflag:s0] =	ssyncset.done @!p0 $0x0  }
0xa3: {  	[sflag:s0] =	ssyncadd.s32 @!p0 s1  }
0xa4: {  	[bflag:$0x3] =	sbarrier.arrive $0xFFFF  }
0xa5: {  	_ =	shalt  }

// kernel: kernel.23.cloned.1.call-start
scs
__scs_entry_jumppad:
0x0: {  	(pc) =	sbr.rel $0x88, $3  }
0x1: {  	(tag) =	ssettag $0x0;
	lr =	simm.s32 $0x1  }
0x2: {  	[smem:$0x3F85] =	sst lr;
	_ =	strace $0xD0000000  }
0x3: {  	_ = 	snop  }
0x4: {  	_ = 	snop  }
0x5: {  	_ = 	snop  }
0x6: {  	_ = 	snop  }
0x7: {  	_ = 	snop  }
__scs_overlays_trampoline_lowered:
0x8: {  	[smem:$0x3F94] =	sst s0  }
0x9: {  	[smem:$0x3F95] =	sst s1  }
0xa: {  	[smem:$0x3F96] =	sst s2  }
0xb: {  	[smem:$0x3F97] =	sst s3  }
0xc: {  	[smem:$0x3F98] =	sst s4  }
0xd: {  	[smem:$0x3F99] =	sst s5  }
0xe: {  	[smem:$0x3F9A] =	sst s6  }
0xf: {  	[smem:$0x3F9B] =	sst s7  }
0x10: {  	[smem:$0x3F9C] =	sst s8  }
0x11: {  	[smem:$0x3F9D] =	sst s9;
	s0 =	simm.s32 @!p0 $0x0  }
0x12: {  	s1 =	sld [smem:$0x3F83];
	s0 =	simm.s32 @p0 $0x1  }
0x13: {  	[smem:$0x3F9E] =	sst s0;
	s0 =	simm.s32 @!p1 $0x0  }
0x14: {  	s2 =	sld [smem:$0x3F82];
	s0 =	simm.s32 @p1 $0x1  }
0x15: {  	[smem:$0x3F9F] =	sst s0;
	s0 =	simm.s32 @!p2 $0x0  }
0x16: {  	s3 =	sld [smem:$0x3FDB];
	s0 =	simm.s32 @p2 $0x1  }
0x17: {  	s4 =	simm.s32 $0x1BF5;
	[smem:$0x3FA1] =	sst s0  }
0x18: {  	s0 =	sld [smem:$0x3F84];
	_ =	swait.ge [sflag:s4], $0x0  }
0x19: {  	s7 =	sld [smem:$0x3F85]  }
0x1a: {  	s8 =	sadd.s32 $0xFFFFE003, lr  }
0x1b: {  	s9 =	sadd.s32 $0xFFFFFEF7, lr;
	s5 =	simm.s32 $0xFFFFFFFF;
	p2 =	slt.u32 s8, $0xFFFFF086  }
0x1c: {  	p1 =	slt.u32 s9, $0xF7A;
	s5 =	simm.s32 @!p2 $0x0  }
0x1d: {  	s5 =	simm.s32 @p1 $0x1;
	p0 =	seq.s32 s7, s2  }
0x1e: {  	s7 =	smul.u32 @!p0 $0xF7A, s2;
	p2 =	seq.s32 @!p0 s5, $0x0  }
0x1f: {  	s9 =	smul.u32 $0xF7A, s1;
	s8 =	simm.s32 @!p0 $0x1BF5;
	p2 =	por !p2, p0  }
0x20: {  	[sflag:s8] =	ssyncset.s32 @!p0 $0xFFFFF086;
	s6 =	sadd.s32 @!p0 s3, s7;
	s7 =	simm.s32 @!p0 $0x108  }
0x21: {  	s3 =	sadd.s32 s3, s9;
	s6 =	sadd.s32 @!p0 $0x88, s6;
	s7 =	simm.s32 @p2 $0x1082  }
0x22: {  	[simem:s7], [sflag:s8] =	dma.local @!p0 [hbm:s6], $0xF7A  }
0x23: {  	s9 =	sor.u32 $0xD0000000, s2;
	s6 =	simm.s32 $0x108;
	_ =	swait.ge @!p0 [sflag:s8], $0x0  }
0x24: {  	s3 =	sadd.s32 $0x88, s3;
	s6 =	simm.s32 @!p1 $0x1082;
	[sflag:s4] =	ssyncset.s32 $0xFFFFF086  }
0x25: {  	[simem:s6], [sflag:s4] =	dma.local [hbm:s3], $0xF7A  }
0x26: {  	[smem:$0x3F85] =	sst s1;
	(tag) =	ssettag s2;
	_ =	strace s9  }
0x27: {  	s1 =	sld [smem:$0x3F95]  }
0x28: {  	s2 =	sld [smem:$0x3F96]  }
0x29: {  	s4 =	sld [smem:$0x3F98]  }
0x2a: {  	p0 =	seq.s32 s5, $0x0;
	s5 =	sld [smem:$0x3F99]  }
0x2b: {  	s6 =	sld [smem:$0x3F9A]  }
0x2c: {  	s7 =	sld [smem:$0x3F9B]  }
0x2d: {  	s3 =	simm.s32 $0x108;
	s8 =	sld [smem:$0x3F9C]  }
0x2e: {  	s3 =	simm.s32 @!p0 $0x1082;
	s9 =	sld [smem:$0x3F9D]  }
0x2f: {  	lr =	sadd.s32 s0, s3;
	s0 =	sld [smem:$0x3F94]  }
0x30: {  	s3 =	sld [smem:$0x3F97]  }
0x31: {  	[smem:$0x3FA0] =	sst s10  }
0x32: {  	s10 =	sld [smem:$0x3F9E];
	_ =	sdelay $0x3  }
0x33: {  	p0 =	seq.s32 s10, $0x1;
	s10 =	sld [smem:$0x3FA0];
	_ =	sdelay $0x3  }
0x34: {  	[smem:$0x3FA0] =	sst s10  }
0x35: {  	s10 =	sld [smem:$0x3F9F];
	_ =	sdelay $0x3  }
0x36: {  	p1 =	seq.s32 s10, $0x1;
	s10 =	sld [smem:$0x3FA0];
	_ =	sdelay $0x3  }
0x37: {  	[smem:$0x3FA0] =	sst s10  }
0x38: {  	s10 =	sld [smem:$0x3FA1]  }
0x39: {  	_ = 	snop;
	(pc) =	sbr.ind lr, $3  }
0x3a: {  	_ = 	snop  }
0x3b: {  	_ = 	snop  }
0x3c: {  	p2 =	seq.s32 s10, $0x1;
	s10 =	sld [smem:$0x3FA0]  }
0x3d: {  	_ =	shalt  }
0x3e: {  	_ =	shalt  }
0x3f: {  	_ =	shalt  }
0x40: {  	_ =	shalt  }
0x41: {  	_ =	shalt  }
0x42: {  	_ =	shalt  }
0x43: {  	_ =	shalt  }
0x44: {  	_ =	shalt  }
0x45: {  	_ =	shalt  }
0x46: {  	_ =	shalt  }
0x47: {  	_ =	shalt  }
0x48: {  	_ =	shalt  }
0x49: {  	_ =	shalt  }
0x4a: {  	_ =	shalt  }
0x4b: {  	_ =	shalt  }
0x4c: {  	_ =	shalt  }
0x4d: {  	_ =	shalt  }
0x4e: {  	_ =	shalt  }
0x4f: {  	_ =	shalt  }
0x50: {  	_ =	shalt  }
0x51: {  	_ =	shalt  }
0x52: {  	_ =	shalt  }
0x53: {  	_ =	shalt  }
0x54: {  	_ =	shalt  }
0x55: {  	_ =	shalt  }
0x56: {  	_ =	shalt  }
0x57: {  	_ =	shalt  }
0x58: {  	_ =	shalt  }
0x59: {  	_ =	shalt  }
0x5a: {  	_ =	shalt  }
0x5b: {  	_ =	shalt  }
0x5c: {  	_ =	shalt  }
0x5d: {  	_ =	shalt  }
0x5e: {  	_ =	shalt  }
0x5f: {  	_ =	shalt  }
0x60: {  	_ =	shalt  }
0x61: {  	_ =	shalt  }
0x62: {  	_ =	shalt  }
0x63: {  	_ =	shalt  }
0x64: {  	_ =	shalt  }
0x65: {  	_ =	shalt  }
0x66: {  	_ =	shalt  }
0x67: {  	_ =	shalt  }
0x68: {  	_ =	shalt  }
0x69: {  	_ =	shalt  }
0x6a: {  	_ =	shalt  }
0x6b: {  	_ =	shalt  }
0x6c: {  	_ =	shalt  }
0x6d: {  	_ =	shalt  }
0x6e: {  	_ =	shalt  }
0x6f: {  	_ =	shalt  }
0x70: {  	_ =	shalt  }
0x71: {  	_ =	shalt  }
0x72: {  	_ =	shalt  }
0x73: {  	_ =	shalt  }
0x74: {  	_ =	shalt  }
0x75: {  	_ =	shalt  }
0x76: {  	_ =	shalt  }
0x77: {  	_ =	shalt  }
0x78: {  	_ =	shalt  }
0x79: {  	_ =	shalt  }
0x7a: {  	_ =	shalt  }
0x7b: {  	_ =	shalt  }
0x7c: {  	_ =	shalt  }
0x7d: {  	_ =	shalt  }
0x7e: {  	_ =	shalt  }
0x7f: {  	_ =	shalt  }
0x80: {  	_ =	shalt  }
0x81: {  	_ =	shalt  }
0x82: {  	_ =	shalt  }
0x83: {  	_ =	shalt  }
0x84: {  	_ =	shalt  }
0x85: {  	_ =	shalt  }
0x86: {  	_ =	shalt  }
0x87: {  	_ =	shalt  }
.Lfunc_end0:
.L_simem_size_0:
called_computation.3_lowered:
.L_overlay_start_0:
0x88: {  	s2 =	sld [smem:$0x3FD9]  }
0x89: {  	s3 =	sld [smem:$0x3FFE];
	_ =	sdelay $0x1  }
0x8a: {  	s1 =	srdreg.scid  }
0x8b: {  	s0 =	sand.u32 $0x1, s1  }
0x8c: {  	s16 =	sshll.u32 s0, $0xA;
	s2 =	sadd.s32 s3, s2  }
0x8d: {  	s2 =	sadd.s32 s2, s16  }
0x8e: {  	[smem:$0x3FAC] =	sst s2  }
0x8f: {  	_ = 	snop  }
0x90: {  	(tm) =	ssettm $0x1  }
0x91: {  	s17 =	sld [smem:$0x3FFB];
	_ =	sdelay $0x3  }
0x92: {  	_ =	strace s17  }
0x93: {  	s2 =	sld [smem:$0x3FFC];
	_ =	sdelay $0x3  }
0x94: {  	_ =	strace s2  }
0x95: {  	s2 =	sld [smem:$0x3FFD];
	_ =	sdelay $0x3  }
0x96: {  	_ =	strace s2  }
0x97: {  	_ =	strace $0x8FFFFFFF  }
0x98: {  	s18 =	sld [smem:$0x3FDB];
	_ =	sdelay $0x1  }
0x99: {  	s19 =	simm.s32 $_scs_section_size  }
0x9a: {  	s4 =	simm.s32 $_size__tile_overlayer_lowered;
	s5 =	simm.s32 $_tile_overlayer_lowered  }
0x9b: {  	s22 =	simm.s32 $0x1BFF;
	s21 =	sshll.u32 s5, $0x1;
	s2 =	sadd.s32 s19, s18  }
0x9c: {  	s6 =	simm.s32 $0x0;
	s20 =	sshll.u32 s4, $0x1;
	s4 =	sadd.s32 s21, s2  }
0x9d: {  	[timem:s6], [sflag:s22] =	dma.local [hbm:s4], s20  }
0x9e: {  	_ =	swait.ge [sflag:s22], s20  }
0x9f: {  	s3 =	ssub.s32 $0x0, s20;
	[sflag:s22] =	ssyncset.done $0x0  }
0xa0: {  	[sflag:s22] =	ssyncadd.s32 s3;
	_ =	sdelay $0x1  }
0xa1: {  	s23 =	simm.s32 $0x1B8B  }
0xa2: {  	_ =	swait.ge [sflag:s23], $0x1  }
0xa3: {  	[sflag:s23] =	ssyncset.done $0x0  }
0xa4: {  	s25 =	simm.s32 $0x1B8E;
	s24 =	sld [smem:$0x3FFE];
	[sflag:s23] =	ssyncadd.s32 $0xFFFFFFFF  }
0xa5: {  	s26 =	simm.s32 $execute0_lowered;
	[smem:$0x3FD2] =	sst s25  }
0xa6: {  	s4 =	sshll.u32 s26, $0x1;
	_ =	strace $0x8000004F;
	[dreg:$0x1] =	wrdreg $0xFFFFFFFF  }
0xa7: {  	s28 =	simm.s32 $_size_execute0_lowered;
	s2 =	sadd.s32 s2, s4;
	[dreg:$0x0] =	wrdreg $0x0  }
0xa8: {  	s4 =	sshll.u32 s28, $0x1;
	[dreg:$0x2] =	wrdreg s2  }
0xa9: {  	[dreg:$0x3] =	wrdreg s4  }
0xaa: {  	[dreg:$0x4] =	wrdreg $0xC0  }
0xab: {  	_ =	task [dreg:s6], $0x5FFFF  }
0xac: {  	[dreg:$0x1] =	wrdreg $0xFFFFFFFF  }
0xad: {  	[dreg:$0x0] =	wrdreg $0x60  }
0xae: {  	[dreg:$0x2] =	wrdreg s24  }
0xaf: {  	[dreg:$0x3] =	wrdreg $0xD0000  }
0xb0: {  	[dreg:$0x4] =	wrdreg $0x9  }
0xb1: {  	_ =	task.clear_ibuf [dreg:s6], $0x5FFFF;
	_ =	strace $0x9000004F  }
0xb2: {  	s29 =	simm.s32 $0x9;
	_ =	strace $0x80000051  }
0xb3: {  	_ =	swait.ge [sflag:s29], $0x1  }
0xb4: {  	[sflag:s29] =	ssyncadd.s32 $0xFFFFFFFF  }
0xb5: {  	_ =	strace $0x90000051  }
0xb6: {  	_ =	sfence  }
0xb7: {  	s30 =	sld [smem:$0x0];
	_ =	sdelay $0x2  }
0xb8: {  	s31 =	sshll.u32 s1, $0xD;
	s1 =	sshrl.u32 s1, $0x2  }
0xb9: {  	s3 =	sand.u32 $0x4000, s31;
	s1 =	sadd.s32 s1, s30  }
0xba: {  	s0 =	sor.u32 s3, s0;
	s1 =	sshll.u32 s1, $0x11  }
0xbb: {  	s0 =	sor.u32 s1, s0  }
0xbc: {  	s0 =	sadd.s32 $0x8F2B, s0  }
0xbd: {  	[sflag:s0] =	ssyncadd.remote.s32 $0x1  }
0xbe: {  	_ =	sfence.sel $0xFFFF  }
0xbf: {  	[dreg:$0x0] =	wrdreg $0xFFFFFFFF;
	(pc) =	sbr.abs _section_cstart, $3  }
0xc0: {  	[dreg:$0x1] =	wrdreg $0xFFFFFFFF  }
0xc1: {  	_ =	task.clear_ibuf [dreg:s6], $0x2FFFF;
	_ =	strace $0x9FFFFFFF  }
0xc2: {  	(tm) =	ssettm $0x7FFFFFFF  }
0xc3: {  	_ =	shalt  }
tec
execute0_lowered:
.L_overlay_start_1:
0x0: {  	(tag) =	ssettag $0x1  }
0x1: {  	s0 =	srdreg.scid;
	s1 =	rddreg [dreg:$0x0]  }
0x2: {  	s2 =	rddreg [dreg:$0x1];
	s14 =	stileid.u32  }
0x3: {  	s3 =	simm.s32 $0x0;
	s16 =	simm.s32 $0x80;
	s17 =	simm.s32 $0x5000  }
0x4: {  	s18 =	simm.s32 $0x7000;
	s20 =	simm.s32 $0x9000;
	s22 =	simm.s32 $0xB000  }
0x5: {  	s23 =	simm.s32 $0x1;
	s24 =	simm.s32 $0x2;
	s28 =	simm.s32 $0x4  }
0x6: {  	s29 =	simm.s32 $0x5;
	s30 =	simm.s32 $0x6;
	s31 =	simm.s32 $0x7  }
0x7: {  	s0 =	sand.u32 $0x1, s0;
	[smem:$0x7FF] =	sst s3;
	s8 =	smul.u32 $0x27800, s14  }
0x8: {  	s10 =	smul.u32 $0x9E00, s14;
	s13 =	sadd.s32 $0x94200, s2;
	p0 =	seq.s32 s14, $0xF  }
0x9: {  	s4 =	sshll.u32 s0, $0x4;
	_ =	strace $0x80000050;
	s6 =	ssub.s32 $0x2, s0  }
0xa: {  	s0 =	smul.u32 $0x9C800, s0;
	s13 =	sshrl.u32 @p0 s13, $0x3;
	s4 =	sor.u32 s14, s4  }
0xb: {  	s9 =	sshrl.u32 s6, $0x1;
	s8 =	sshrl.u32 s8, $0x2;
	s19 =	sadd.s32 s10, s2  }
0xc: {  	s5 =	smul.u32 $0x500, s4;
	s4 =	sadd.s32 $0x4C00, s1;
	s11 =	ssub.s32 s6, s9  }
0xd: {  	s12 =	sadd.s32 s8, s2;
	s26 =	sadd.s32 s10, s0;
	s0 =	sshrl.u32 s0, $0x3  }
0xe: {  	s25 =	sshrl.u32 @!p0 s19, $0x3;
	s8 =	sshrl.u32 s26, $0x3;
	s10 =	smax.u32 s11, $0x1  }
0xf: {  	s11 =	simm.s32 $0x9;
	s15 =	sshrl.u32 @!p0 s12, $0x3;
	s26 =	simm.s32 $0x3  }
0x10: {  	s7 =	sadd.s32 s5, s1;
	s5 =	sadd.s32 $0x2C600, s1;
	s1 =	sadd.s32 $0x2DA00, s1  }
0x11: {  	s6 =	sadd.s32 $0x18600, s7;
	s7 =	sadd.s32 $0x22600, s7;
	s0 =	sadd.s32 s1, s0  }
0x12: {  	s8 =	sadd.s32 s1, s8;
	s9 =	sadd.s32 $0x12840, s0;
	s0 =	sshll.u32 @!p0 s14, $0x6  }
0x13: {  	s1 =	simm.s32 $0x0;
	s14 =	sor.u32 @!p0 $0x1C09, s0;
	s0 =	simm.s32 $0x8  }
.LBB2_1:
0x14: {  	[tilespmem:s3], [sflag:$0x9] =	stream.linear.gather [hbm4b:s6+s3], $0x2800, $0x38;
	[tilespmem:$0x16C40] =	vst v63  }
0x15: {  	_ =	swait.ge [sflag:s11], $0x2800  }
0x16: {  	[sflag:s11] =	ssyncset.done $0x0  }
0x17: {  	s12 =	simm.s32 $0x2800;
	[sflag:s11] =	ssyncadd.s32 $0xFFFFD800  }
0x18: {  	[tilespmem:s12], [sflag:$0x9] =	stream.linear.gather [hbm4b:s7+s3], $0x2800, $0x38;
	[tilespmem:$0x16C40] =	vst v63  }
0x19: {  	_ =	swait.ge [sflag:s11], $0x2800  }
0x1a: {  	[sflag:s11] =	ssyncset.done $0x0  }
0x1b: {  	s12 =	simm.s32 @p0 $0x1FC9;
	[sflag:s11] =	ssyncadd.s32 $0xFFFFD800  }
0x1c: {  	[spmem:s13], [sflag:s12] =	dma.local @p0 [hbm:s5], $0x1040  }
0x1d: {  	s12 =	simm.s32 @p0 $0x9  }
0x1e: {  	_ =	swait.ge @p0 [sflag:s12], $0x1040  }
0x1f: {  	[sflag:s12] =	ssyncset.done @p0 $0x0  }
0x20: {  	[sflag:s12] =	ssyncadd.s32 @p0 $0xFFFFEFC0;
	s12 =	simm.s32 @!p0 $0x9  }
0x21: {  	[spmem:s15], [sflag:s14] =	dma.local @!p0 [hbm:s5], $0x13C0  }
0x22: {  	_ =	swait.ge @!p0 [sflag:s12], $0x13C0  }
0x23: {  	[sflag:s12] =	ssyncset.done @!p0 $0x0  }
0x24: {  	[sflag:s12] =	ssyncadd.s32 @!p0 $0xFFFFEC40  }
0x25: {  	[bflag:$0x0] =	sbarrier.arrive $0xFFFF  }
0x26: {  	[tilespmem:s17], [sflag:$0x1] =	stream.indirect.gather [hbm4b:s4+s16], $0x40, s3, s16, $0xb8;
	[tilespmem:$0x16C40] =	vst v63  }
0x27: {  	_ = 	snop  }
0x28: {  	[tilespmem:s18], [sflag:$0x2] =	stream.indirect.gather [hbm4b:s4+s16], $0x40, s16, s16, $0xb8;
	[tilespmem:$0x16C40] =	vst v63  }
0x29: {  	s21 =	simm.s32 $0x100  }
0x2a: {  	[tilespmem:s20], [sflag:$0x3] =	stream.indirect.gather [hbm4b:s4+s16], $0x40, s21, s16, $0xb8;
	[tilespmem:$0x16C40] =	vst v63  }
0x2b: {  	s19 =	simm.s32 $0x180  }
0x2c: {  	[tilespmem:s22], [sflag:$0x4] =	stream.indirect.gather [hbm4b:s4+s16], $0x40, s19, s16, $0xb8;
	[tilespmem:$0x16C40] =	vst v63  }
0x2d: {  	_ =	swait.ge [sflag:s23], $0x2000  }
0x2e: {  	[sflag:s23] =	ssyncset.done $0x0  }
0x2f: {  	s21 =	simm.s32 $0x2800;
	[sflag:s23] =	ssyncadd.s32 $0xFFFFE000  }
0x30: {  	[spmem:s2] =	stream.indirect.scatter.add.f32 [tilespmem:s17], [sflag:$0x5], $0x40, s21, s16, $0xb8;
	[tilespmem:$0x16C40] =	vst v63  }
0x31: {  	_ =	swait.ge [sflag:s24], $0x2000  }
0x32: {  	[sflag:s24] =	ssyncset.done $0x0  }
0x33: {  	s19 =	simm.s32 $0x2880;
	[sflag:s24] =	ssyncadd.s32 $0xFFFFE000  }
0x34: {  	[spmem:s2] =	stream.indirect.scatter.add.f32 [tilespmem:s18], [sflag:$0x6], $0x40, s19, s16, $0xb8;
	[tilespmem:$0x16C40] =	vst v63  }
0x35: {  	_ =	swait.ge [sflag:s26], $0x2000  }
0x36: {  	[sflag:s26] =	ssyncset.done $0x0  }
0x37: {  	s21 =	simm.s32 $0x2900;
	[sflag:s26] =	ssyncadd.s32 $0xFFFFE000  }
0x38: {  	[spmem:s2] =	stream.indirect.scatter.add.f32 [tilespmem:s20], [sflag:$0x7], $0x40, s21, s16, $0xb8;
	[tilespmem:$0x16C40] =	vst v63  }
0x39: {  	_ =	swait.ge [sflag:s28], $0x2000  }
0x3a: {  	[sflag:s28] =	ssyncset.done $0x0  }
0x3b: {  	s19 =	simm.s32 $0x2980;
	[sflag:s28] =	ssyncadd.s32 $0xFFFFE000  }
0x3c: {  	[spmem:s2] =	stream.indirect.scatter.add.f32 [tilespmem:s22], [sflag:$0x8], $0x40, s19, s16, $0xb8;
	[tilespmem:$0x16C40] =	vst v63  }
0x3d: {  	_ =	swait.ge [sflag:s29], $0x2000  }
0x3e: {  	[sflag:s29] =	ssyncset.done $0x0  }
0x3f: {  	s21 =	simm.s32 $0x200;
	[sflag:s29] =	ssyncadd.s32 $0xFFFFE000  }
0x40: {  	[tilespmem:s17], [sflag:$0x1] =	stream.indirect.gather [hbm4b:s4+s16], $0x40, s21, s16, $0xb8;
	[tilespmem:$0x16C40] =	vst v63  }
0x41: {  	_ =	swait.ge [sflag:s30], $0x2000  }
0x42: {  	[sflag:s30] =	ssyncset.done $0x0  }
0x43: {  	s19 =	simm.s32 $0x280;
	[sflag:s30] =	ssyncadd.s32 $0xFFFFE000  }
0x44: {  	[tilespmem:s18], [sflag:$0x2] =	stream.indirect.gather [hbm4b:s4+s16], $0x40, s19, s16, $0xb8;
	[tilespmem:$0x16C40] =	vst v63  }
0x45: {  	_ =	swait.ge [sflag:s31], $0x2000  }
0x46: {  	[sflag:s31] =	ssyncset.done $0x0  }
0x47: {  	s21 =	simm.s32 $0x300;
	[sflag:s31] =	ssyncadd.s32 $0xFFFFE000  }
0x48: {  	[tilespmem:s20], [sflag:$0x3] =	stream.indirect.gather [hbm4b:s4+s16], $0x40, s21, s16, $0xb8;
	[tilespmem:$0x16C40] =	vst v63  }
0x49: {  	_ =	swait.ge [sflag:s0], $0x2000  }
0x4a: {  	[sflag:s0] =	ssyncset.done $0x0  }
0x4b: {  	s12 =	simm.s32 $0x800;
	s19 =	simm.s32 $0x380;
	[sflag:s0] =	ssyncadd.s32 $0xFFFFE000  }
.LBB2_2:
0x4c: {  	[tilespmem:s22], [sflag:$0x4] =	stream.indirect.gather [hbm4b:s4+s16], $0x40, s19, s16, $0xb8;
	[tilespmem:$0x16C40] =	vst v63  }
0x4d: {  	s19 =	smov.u32 s12  }
0x4e: {  	p1 =	sne.s32 s12, $0x9000;
	s12 =	sadd.s32 $0x800, s12;
	_ =	swait.ge [sflag:s23], $0x2000  }
0x4f: {  	s19 =	sshra.s32 s19, $0x2;
	[sflag:s23] =	ssyncset.done $0x0  }
0x50: {  	s21 =	sadd.s32 $0x2800, s19;
	[sflag:s23] =	ssyncadd.s32 $0xFFFFE000  }
0x51: {  	[spmem:s2] =	stream.indirect.scatter.add.f32 [tilespmem:s17], [sflag:$0x5], $0x40, s21, s16, $0xb8;
	[tilespmem:$0x16C40] =	vst v63  }
0x52: {  	_ =	swait.ge [sflag:s24], $0x2000  }
0x53: {  	[sflag:s24] =	ssyncset.done $0x0  }
0x54: {  	s21 =	sadd.s32 $0x2880, s19;
	[sflag:s24] =	ssyncadd.s32 $0xFFFFE000  }
0x55: {  	[spmem:s2] =	stream.indirect.scatter.add.f32 [tilespmem:s18], [sflag:$0x6], $0x40, s21, s16, $0xb8;
	[tilespmem:$0x16C40] =	vst v63  }
0x56: {  	_ =	swait.ge [sflag:s26], $0x2000  }
0x57: {  	[sflag:s26] =	ssyncset.done $0x0  }
0x58: {  	s21 =	sadd.s32 $0x2900, s19;
	[sflag:s26] =	ssyncadd.s32 $0xFFFFE000  }
0x59: {  	[spmem:s2] =	stream.indirect.scatter.add.f32 [tilespmem:s20], [sflag:$0x7], $0x40, s21, s16, $0xb8;
	[tilespmem:$0x16C40] =	vst v63  }
0x5a: {  	_ =	swait.ge [sflag:s28], $0x2000  }
0x5b: {  	[sflag:s28] =	ssyncset.done $0x0  }
0x5c: {  	s21 =	sadd.s32 $0x2980, s19;
	[sflag:s28] =	ssyncadd.s32 $0xFFFFE000  }
0x5d: {  	[spmem:s2] =	stream.indirect.scatter.add.f32 [tilespmem:s22], [sflag:$0x8], $0x40, s21, s16, $0xb8;
	[tilespmem:$0x16C40] =	vst v63  }
0x5e: {  	_ =	swait.ge [sflag:s29], $0x2000  }
0x5f: {  	[sflag:s29] =	ssyncset.done $0x0  }
0x60: {  	s21 =	sadd.s32 $0x200, s19;
	[sflag:s29] =	ssyncadd.s32 $0xFFFFE000  }
0x61: {  	[tilespmem:s17], [sflag:$0x1] =	stream.indirect.gather [hbm4b:s4+s16], $0x40, s21, s16, $0xb8;
	[tilespmem:$0x16C40] =	vst v63  }
0x62: {  	_ =	swait.ge [sflag:s30], $0x2000  }
0x63: {  	[sflag:s30] =	ssyncset.done $0x0  }
0x64: {  	s21 =	sadd.s32 $0x280, s19;
	[sflag:s30] =	ssyncadd.s32 $0xFFFFE000  }
0x65: {  	[tilespmem:s18], [sflag:$0x2] =	stream.indirect.gather [hbm4b:s4+s16], $0x40, s21, s16, $0xb8;
	[tilespmem:$0x16C40] =	vst v63  }
0x66: {  	_ =	swait.ge [sflag:s31], $0x2000  }
0x67: {  	[sflag:s31] =	ssyncset.done $0x0  }
.Ltmp0:
0x68: {  	s21 =	sadd.s32 $0x300, s19;
	[sflag:s31] =	ssyncadd.s32 $0xFFFFE000;
	(pc) =	sbr.rel @p1 .LBB2_2-.Ltmp0, $4  }
0x69: {  	[tilespmem:s20], [sflag:$0x3] =	stream.indirect.gather [hbm4b:s4+s16], $0x40, s21, s16, $0xb8;
	[tilespmem:$0x16C40] =	vst v63  }
0x6a: {  	_ =	swait.ge [sflag:s0], $0x2000  }
0x6b: {  	[sflag:s0] =	ssyncset.done $0x0  }
0x6c: {  	s19 =	sadd.s32 $0x380, s19;
	[sflag:s0] =	ssyncadd.s32 $0xFFFFE000  }
0x6d: {  	[tilespmem:s22], [sflag:$0x4] =	stream.indirect.gather [hbm4b:s4+s16], $0x40, s19, s16, $0xb8;
	[tilespmem:$0x16C40] =	vst v63  }
0x6e: {  	_ =	swait.ge [sflag:s23], $0x2000  }
0x6f: {  	[sflag:s23] =	ssyncset.done $0x0  }
0x70: {  	s12 =	simm.s32 $0x4E00;
	[sflag:s23] =	ssyncadd.s32 $0xFFFFE000  }
0x71: {  	[spmem:s2] =	stream.indirect.scatter.add.f32 [tilespmem:s17], [sflag:$0x5], $0x40, s12, s16, $0xb8;
	[tilespmem:$0x16C40] =	vst v63  }
0x72: {  	_ =	swait.ge [sflag:s24], $0x2000  }
0x73: {  	[sflag:s24] =	ssyncset.done $0x0  }
0x74: {  	s21 =	simm.s32 $0x4E80;
	[sflag:s24] =	ssyncadd.s32 $0xFFFFE000  }
0x75: {  	[spmem:s2] =	stream.indirect.scatter.add.f32 [tilespmem:s18], [sflag:$0x6], $0x40, s21, s16, $0xb8;
	[tilespmem:$0x16C40] =	vst v63  }
0x76: {  	_ =	swait.ge [sflag:s26], $0x2000  }
0x77: {  	[sflag:s26] =	ssyncset.done $0x0  }
0x78: {  	s19 =	simm.s32 $0x4F00;
	[sflag:s26] =	ssyncadd.s32 $0xFFFFE000  }
0x79: {  	[spmem:s2] =	stream.indirect.scatter.add.f32 [tilespmem:s20], [sflag:$0x7], $0x40, s19, s16, $0xb8;
	[tilespmem:$0x16C40] =	vst v63  }
0x7a: {  	_ =	swait.ge [sflag:s28], $0x2000  }
0x7b: {  	[sflag:s28] =	ssyncset.done $0x0  }
0x7c: {  	s21 =	simm.s32 $0x4F80;
	[sflag:s28] =	ssyncadd.s32 $0xFFFFE000  }
0x7d: {  	[spmem:s2] =	stream.indirect.scatter.add.f32 [tilespmem:s22], [sflag:$0x8], $0x40, s21, s16, $0xb8;
	[tilespmem:$0x16C40] =	vst v63  }
0x7e: {  	_ =	swait.ge [sflag:s29], $0x2000  }
0x7f: {  	[sflag:s29] =	ssyncset.done $0x0  }
0x80: {  	[sflag:s29] =	ssyncadd.s32 $0xFFFFE000  }
0x81: {  	_ =	swait.ge [sflag:s30], $0x2000  }
0x82: {  	[sflag:s30] =	ssyncset.done $0x0  }
0x83: {  	[sflag:s30] =	ssyncadd.s32 $0xFFFFE000  }
0x84: {  	_ =	swait.ge [sflag:s31], $0x2000  }
0x85: {  	[sflag:s31] =	ssyncset.done $0x0  }
0x86: {  	[sflag:s31] =	ssyncadd.s32 $0xFFFFE000  }
0x87: {  	_ =	swait.ge [sflag:s0], $0x2000  }
0x88: {  	[sflag:s0] =	ssyncset.done $0x0  }
0x89: {  	[sflag:s0] =	ssyncadd.s32 $0xFFFFE000  }
0x8a: {  	s12 =	simm.s32 @p0 $0x1FC9;
	[bflag:$0x0] =	sbarrier.arrive $0xFFFF  }
0x8b: {  	[hbm:s9], [sflag:s12] =	dma.local @p0 [spmem:s13], $0x1040  }
0x8c: {  	s12 =	simm.s32 @p0 $0x9  }
0x8d: {  	s1 =	sadd.s32 $0x1, s1;
	_ =	swait.ge @p0 [sflag:s12], $0x1040  }
0x8e: {  	p1 =	sne.s32 s1, s10;
	[sflag:s12] =	ssyncset.done @p0 $0x0  }
.Ltmp1:
0x8f: {  	[sflag:s12] =	ssyncadd.s32 @p0 $0xFFFFEFC0;
	s12 =	simm.s32 @!p0 $0x9;
	(pc) =	sbr.rel @p1 .LBB2_1-.Ltmp1, $4  }
0x90: {  	[hbm:s8], [sflag:s14] =	dma.local @!p0 [spmem:s25], $0x13C0  }
0x91: {  	_ =	swait.ge @!p0 [sflag:s12], $0x13C0  }
0x92: {  	[sflag:s12] =	ssyncset.done @!p0 $0x0  }
0x93: {  	[sflag:s12] =	ssyncadd.s32 @!p0 $0xFFFFEC40  }
0x94: {  	_ =	sfence.sel $0x180000  }
0x95: {  	[bflag:$0x0] =	sbarrier.arrive $0xFFFF  }
0x96: {  	_ =	strace $0x90000050  }
0x97: {  	s0 =	stileid.u32;
	[bflag:$0x2] =	sbarrier.arrive $0xFFFF  }
0x98: {  	p0 =	sne.s32 s0, $0x0;
	s0 =	rddreg [dreg:$0x2]  }
0x99: {  	s0 =	sadd.s32 @!p0 $0x100000, s0  }
0x9a: {  	[sflag:s0] =	ssyncadd.tile.s32 @!p0 $0x1;
	_ =	shalt  }
.Lfunc_end2:
_tile_overlayer_lowered:
.L_overlay_start_2:
0x9b: {  	(tag) =	ssettag $0x2  }
0x9c: {  	s0 =	rddreg [dreg:$0x0];
	s2 =	stileid.u32  }
0x9d: {  	s1 =	rddreg [dreg:$0x1];
	p0 =	sne.s32 s2, $0x0  }
0x9e: {  	s3 =	rddreg [dreg:$0x2];
	[bflag:$0x3] =	sbarrier.arrive $0xFFFF;
	s2 =	simm.s32 @!p0 $0x1C09  }
0x9f: {  	[timem:s3], [sflag:s2] =	dma.local @!p0 [hbm:s0], s1  }
0xa0: {  	s0 =	simm.s32 @!p0 $0x9  }
0xa1: {  	_ =	swait.ge @!p0 [sflag:s0], s1  }
0xa2: {  	s1 =	ssub.s32 @!p0 $0x0, s1;
	[sflag:s0] =	ssyncset.done @!p0 $0x0  }
0xa3: {  	[sflag:s0] =	ssyncadd.s32 @!p0 s1  }
0xa4: {  	[bflag:$0x3] =	sbarrier.arrive $0xFFFF  }
0xa5: {  	_ =	shalt  }

// kernel: kernel.26.cloned.1.call-start
scs
__scs_entry_jumppad:
0x0: {  	(pc) =	sbr.rel $0x88, $3  }
0x1: {  	(tag) =	ssettag $0x0;
	lr =	simm.s32 $0x1  }
0x2: {  	[smem:$0x3F85] =	sst lr;
	_ =	strace $0xD0000000  }
0x3: {  	_ = 	snop  }
0x4: {  	_ = 	snop  }
0x5: {  	_ = 	snop  }
0x6: {  	_ = 	snop  }
0x7: {  	_ = 	snop  }
__scs_overlays_trampoline_lowered:
0x8: {  	[smem:$0x3F94] =	sst s0  }
0x9: {  	[smem:$0x3F95] =	sst s1  }
0xa: {  	[smem:$0x3F96] =	sst s2  }
0xb: {  	[smem:$0x3F97] =	sst s3  }
0xc: {  	[smem:$0x3F98] =	sst s4  }
0xd: {  	[smem:$0x3F99] =	sst s5  }
0xe: {  	[smem:$0x3F9A] =	sst s6  }
0xf: {  	[smem:$0x3F9B] =	sst s7  }
0x10: {  	[smem:$0x3F9C] =	sst s8  }
0x11: {  	[smem:$0x3F9D] =	sst s9;
	s0 =	simm.s32 @!p0 $0x0  }
0x12: {  	s1 =	sld [smem:$0x3F83];
	s0 =	simm.s32 @p0 $0x1  }
0x13: {  	[smem:$0x3F9E] =	sst s0;
	s0 =	simm.s32 @!p1 $0x0  }
0x14: {  	s2 =	sld [smem:$0x3F82];
	s0 =	simm.s32 @p1 $0x1  }
0x15: {  	[smem:$0x3F9F] =	sst s0;
	s0 =	simm.s32 @!p2 $0x0  }
0x16: {  	s3 =	sld [smem:$0x3FDB];
	s0 =	simm.s32 @p2 $0x1  }
0x17: {  	s4 =	simm.s32 $0x1BF5;
	[smem:$0x3FA1] =	sst s0  }
0x18: {  	s0 =	sld [smem:$0x3F84];
	_ =	swait.ge [sflag:s4], $0x0  }
0x19: {  	s7 =	sld [smem:$0x3F85]  }
0x1a: {  	s8 =	sadd.s32 $0xFFFFE003, lr  }
0x1b: {  	s9 =	sadd.s32 $0xFFFFFEF7, lr;
	s5 =	simm.s32 $0xFFFFFFFF;
	p2 =	slt.u32 s8, $0xFFFFF086  }
0x1c: {  	p1 =	slt.u32 s9, $0xF7A;
	s5 =	simm.s32 @!p2 $0x0  }
0x1d: {  	s5 =	simm.s32 @p1 $0x1;
	p0 =	seq.s32 s7, s2  }
0x1e: {  	s7 =	smul.u32 @!p0 $0xF7A, s2;
	p2 =	seq.s32 @!p0 s5, $0x0  }
0x1f: {  	s9 =	smul.u32 $0xF7A, s1;
	s8 =	simm.s32 @!p0 $0x1BF5;
	p2 =	por !p2, p0  }
0x20: {  	[sflag:s8] =	ssyncset.s32 @!p0 $0xFFFFF086;
	s6 =	sadd.s32 @!p0 s3, s7;
	s7 =	simm.s32 @!p0 $0x108  }
0x21: {  	s3 =	sadd.s32 s3, s9;
	s6 =	sadd.s32 @!p0 $0x88, s6;
	s7 =	simm.s32 @p2 $0x1082  }
0x22: {  	[simem:s7], [sflag:s8] =	dma.local @!p0 [hbm:s6], $0xF7A  }
0x23: {  	s9 =	sor.u32 $0xD0000000, s2;
	s6 =	simm.s32 $0x108;
	_ =	swait.ge @!p0 [sflag:s8], $0x0  }
0x24: {  	s3 =	sadd.s32 $0x88, s3;
	s6 =	simm.s32 @!p1 $0x1082;
	[sflag:s4] =	ssyncset.s32 $0xFFFFF086  }
0x25: {  	[simem:s6], [sflag:s4] =	dma.local [hbm:s3], $0xF7A  }
0x26: {  	[smem:$0x3F85] =	sst s1;
	(tag) =	ssettag s2;
	_ =	strace s9  }
0x27: {  	s1 =	sld [smem:$0x3F95]  }
0x28: {  	s2 =	sld [smem:$0x3F96]  }
0x29: {  	s4 =	sld [smem:$0x3F98]  }
0x2a: {  	p0 =	seq.s32 s5, $0x0;
	s5 =	sld [smem:$0x3F99]  }
0x2b: {  	s6 =	sld [smem:$0x3F9A]  }
0x2c: {  	s7 =	sld [smem:$0x3F9B]  }
0x2d: {  	s3 =	simm.s32 $0x108;
	s8 =	sld [smem:$0x3F9C]  }
0x2e: {  	s3 =	simm.s32 @!p0 $0x1082;
	s9 =	sld [smem:$0x3F9D]  }
0x2f: {  	lr =	sadd.s32 s0, s3;
	s0 =	sld [smem:$0x3F94]  }
0x30: {  	s3 =	sld [smem:$0x3F97]  }
0x31: {  	[smem:$0x3FA0] =	sst s10  }
0x32: {  	s10 =	sld [smem:$0x3F9E];
	_ =	sdelay $0x3  }
0x33: {  	p0 =	seq.s32 s10, $0x1;
	s10 =	sld [smem:$0x3FA0];
	_ =	sdelay $0x3  }
0x34: {  	[smem:$0x3FA0] =	sst s10  }
0x35: {  	s10 =	sld [smem:$0x3F9F];
	_ =	sdelay $0x3  }
0x36: {  	p1 =	seq.s32 s10, $0x1;
	s10 =	sld [smem:$0x3FA0];
	_ =	sdelay $0x3  }
0x37: {  	[smem:$0x3FA0] =	sst s10  }
0x38: {  	s10 =	sld [smem:$0x3FA1]  }
0x39: {  	_ = 	snop;
	(pc) =	sbr.ind lr, $3  }
0x3a: {  	_ = 	snop  }
0x3b: {  	_ = 	snop  }
0x3c: {  	p2 =	seq.s32 s10, $0x1;
	s10 =	sld [smem:$0x3FA0]  }
0x3d: {  	_ =	shalt  }
0x3e: {  	_ =	shalt  }
0x3f: {  	_ =	shalt  }
0x40: {  	_ =	shalt  }
0x41: {  	_ =	shalt  }
0x42: {  	_ =	shalt  }
0x43: {  	_ =	shalt  }
0x44: {  	_ =	shalt  }
0x45: {  	_ =	shalt  }
0x46: {  	_ =	shalt  }
0x47: {  	_ =	shalt  }
0x48: {  	_ =	shalt  }
0x49: {  	_ =	shalt  }
0x4a: {  	_ =	shalt  }
0x4b: {  	_ =	shalt  }
0x4c: {  	_ =	shalt  }
0x4d: {  	_ =	shalt  }
0x4e: {  	_ =	shalt  }
0x4f: {  	_ =	shalt  }
0x50: {  	_ =	shalt  }
0x51: {  	_ =	shalt  }
0x52: {  	_ =	shalt  }
0x53: {  	_ =	shalt  }
0x54: {  	_ =	shalt  }
0x55: {  	_ =	shalt  }
0x56: {  	_ =	shalt  }
0x57: {  	_ =	shalt  }
0x58: {  	_ =	shalt  }
0x59: {  	_ =	shalt  }
0x5a: {  	_ =	shalt  }
0x5b: {  	_ =	shalt  }
0x5c: {  	_ =	shalt  }
0x5d: {  	_ =	shalt  }
0x5e: {  	_ =	shalt  }
0x5f: {  	_ =	shalt  }
0x60: {  	_ =	shalt  }
0x61: {  	_ =	shalt  }
0x62: {  	_ =	shalt  }
0x63: {  	_ =	shalt  }
0x64: {  	_ =	shalt  }
0x65: {  	_ =	shalt  }
0x66: {  	_ =	shalt  }
0x67: {  	_ =	shalt  }
0x68: {  	_ =	shalt  }
0x69: {  	_ =	shalt  }
0x6a: {  	_ =	shalt  }
0x6b: {  	_ =	shalt  }
0x6c: {  	_ =	shalt  }
0x6d: {  	_ =	shalt  }
0x6e: {  	_ =	shalt  }
0x6f: {  	_ =	shalt  }
0x70: {  	_ =	shalt  }
0x71: {  	_ =	shalt  }
0x72: {  	_ =	shalt  }
0x73: {  	_ =	shalt  }
0x74: {  	_ =	shalt  }
0x75: {  	_ =	shalt  }
0x76: {  	_ =	shalt  }
0x77: {  	_ =	shalt  }
0x78: {  	_ =	shalt  }
0x79: {  	_ =	shalt  }
0x7a: {  	_ =	shalt  }
0x7b: {  	_ =	shalt  }
0x7c: {  	_ =	shalt  }
0x7d: {  	_ =	shalt  }
0x7e: {  	_ =	shalt  }
0x7f: {  	_ =	shalt  }
0x80: {  	_ =	shalt  }
0x81: {  	_ =	shalt  }
0x82: {  	_ =	shalt  }
0x83: {  	_ =	shalt  }
0x84: {  	_ =	shalt  }
0x85: {  	_ =	shalt  }
0x86: {  	_ =	shalt  }
0x87: {  	_ =	shalt  }
.Lfunc_end0:
.L_simem_size_0:
called_computation.4_lowered:
.L_overlay_start_0:
0x88: {  	s2 =	sld [smem:$0x3FD9]  }
0x89: {  	s3 =	sld [smem:$0x3FFE];
	_ =	sdelay $0x1  }
0x8a: {  	s1 =	srdreg.scid  }
0x8b: {  	s0 =	sand.u32 $0x1, s1  }
0x8c: {  	s16 =	sshll.u32 s0, $0xA;
	s2 =	sadd.s32 s3, s2  }
0x8d: {  	s2 =	sadd.s32 s2, s16  }
0x8e: {  	[smem:$0x3FAC] =	sst s2  }
0x8f: {  	_ = 	snop  }
0x90: {  	(tm) =	ssettm $0x1  }
0x91: {  	s17 =	sld [smem:$0x3FFB];
	_ =	sdelay $0x3  }
0x92: {  	_ =	strace s17  }
0x93: {  	s2 =	sld [smem:$0x3FFC];
	_ =	sdelay $0x3  }
0x94: {  	_ =	strace s2  }
0x95: {  	s2 =	sld [smem:$0x3FFD];
	_ =	sdelay $0x3  }
0x96: {  	_ =	strace s2  }
0x97: {  	_ =	strace $0x8FFFFFFF  }
0x98: {  	s18 =	sld [smem:$0x3FDB];
	_ =	sdelay $0x1  }
0x99: {  	s19 =	simm.s32 $_scs_section_size  }
0x9a: {  	s4 =	simm.s32 $_size__tile_overlayer_lowered;
	s5 =	simm.s32 $_tile_overlayer_lowered  }
0x9b: {  	s22 =	simm.s32 $0x1BFF;
	s21 =	sshll.u32 s5, $0x1;
	s2 =	sadd.s32 s19, s18  }
0x9c: {  	s6 =	simm.s32 $0x0;
	s20 =	sshll.u32 s4, $0x1;
	s4 =	sadd.s32 s21, s2  }
0x9d: {  	[timem:s6], [sflag:s22] =	dma.local [hbm:s4], s20  }
0x9e: {  	_ =	swait.ge [sflag:s22], s20  }
0x9f: {  	s3 =	ssub.s32 $0x0, s20;
	[sflag:s22] =	ssyncset.done $0x0  }
0xa0: {  	[sflag:s22] =	ssyncadd.s32 s3;
	_ =	sdelay $0x1  }
0xa1: {  	s23 =	simm.s32 $0x1B8B  }
0xa2: {  	_ =	swait.ge [sflag:s23], $0x1  }
0xa3: {  	[sflag:s23] =	ssyncset.done $0x0  }
0xa4: {  	s25 =	simm.s32 $0x1B8E;
	s24 =	sld [smem:$0x3FFE];
	[sflag:s23] =	ssyncadd.s32 $0xFFFFFFFF  }
0xa5: {  	s26 =	simm.s32 $execute0_lowered;
	[smem:$0x3FD2] =	sst s25  }
0xa6: {  	s4 =	sshll.u32 s26, $0x1;
	_ =	strace $0x80000052;
	[dreg:$0x1] =	wrdreg $0xFFFFFFFF  }
0xa7: {  	s28 =	simm.s32 $_size_execute0_lowered;
	s2 =	sadd.s32 s2, s4;
	[dreg:$0x0] =	wrdreg $0x0  }
0xa8: {  	s4 =	sshll.u32 s28, $0x1;
	[dreg:$0x2] =	wrdreg s2  }
0xa9: {  	[dreg:$0x3] =	wrdreg s4  }
0xaa: {  	[dreg:$0x4] =	wrdreg $0xC0  }
0xab: {  	_ =	task [dreg:s6], $0x5FFFF  }
0xac: {  	[dreg:$0x1] =	wrdreg $0xFFFFFFFF  }
0xad: {  	[dreg:$0x0] =	wrdreg $0x60  }
0xae: {  	[dreg:$0x2] =	wrdreg s24  }
0xaf: {  	[dreg:$0x3] =	wrdreg $0xD0000  }
0xb0: {  	[dreg:$0x4] =	wrdreg $0x9  }
0xb1: {  	_ =	task.clear_ibuf [dreg:s6], $0x5FFFF;
	_ =	strace $0x90000052  }
0xb2: {  	s29 =	simm.s32 $0x9;
	_ =	strace $0x80000054  }
0xb3: {  	_ =	swait.ge [sflag:s29], $0x1  }
0xb4: {  	[sflag:s29] =	ssyncadd.s32 $0xFFFFFFFF  }
0xb5: {  	_ =	strace $0x90000054  }
0xb6: {  	_ =	sfence  }
0xb7: {  	s30 =	sld [smem:$0x0];
	_ =	sdelay $0x2  }
0xb8: {  	s31 =	sshll.u32 s1, $0xD;
	s1 =	sshrl.u32 s1, $0x2  }
0xb9: {  	s3 =	sand.u32 $0x4000, s31;
	s1 =	sadd.s32 s1, s30  }
0xba: {  	s0 =	sor.u32 s3, s0;
	s1 =	sshll.u32 s1, $0x11  }
0xbb: {  	s0 =	sor.u32 s1, s0  }
0xbc: {  	s0 =	sadd.s32 $0x8F2B, s0  }
0xbd: {  	[sflag:s0] =	ssyncadd.remote.s32 $0x1  }
0xbe: {  	_ =	sfence.sel $0xFFFF  }
0xbf: {  	[dreg:$0x0] =	wrdreg $0xFFFFFFFF;
	(pc) =	sbr.abs _section_cstart, $3  }
0xc0: {  	[dreg:$0x1] =	wrdreg $0xFFFFFFFF  }
0xc1: {  	_ =	task.clear_ibuf [dreg:s6], $0x2FFFF;
	_ =	strace $0x9FFFFFFF  }
0xc2: {  	(tm) =	ssettm $0x7FFFFFFF  }
0xc3: {  	_ =	shalt  }
tec
execute0_lowered:
.L_overlay_start_1:
0x0: {  	(tag) =	ssettag $0x1  }
0x1: {  	s0 =	srdreg.scid;
	s1 =	rddreg [dreg:$0x0]  }
0x2: {  	s2 =	rddreg [dreg:$0x1];
	s14 =	stileid.u32  }
0x3: {  	s3 =	simm.s32 $0x0;
	s16 =	simm.s32 $0x80;
	s17 =	simm.s32 $0x5000  }
0x4: {  	s18 =	simm.s32 $0x7000;
	s20 =	simm.s32 $0x9000;
	s22 =	simm.s32 $0xB000  }
0x5: {  	s23 =	simm.s32 $0x1;
	s24 =	simm.s32 $0x2;
	s28 =	simm.s32 $0x4  }
0x6: {  	s29 =	simm.s32 $0x5;
	s30 =	simm.s32 $0x6;
	s31 =	simm.s32 $0x7  }
0x7: {  	s0 =	sand.u32 $0x1, s0;
	[smem:$0x7FF] =	sst s3;
	s8 =	smul.u32 $0x27800, s14  }
0x8: {  	s10 =	smul.u32 $0x9E00, s14;
	s13 =	sadd.s32 $0x94200, s2;
	p0 =	seq.s32 s14, $0xF  }
0x9: {  	s4 =	sshll.u32 s0, $0x4;
	_ =	strace $0x80000053;
	s6 =	ssub.s32 $0x2, s0  }
0xa: {  	s0 =	smul.u32 $0x9C800, s0;
	s13 =	sshrl.u32 @p0 s13, $0x3;
	s4 =	sor.u32 s14, s4  }
0xb: {  	s9 =	sshrl.u32 s6, $0x1;
	s8 =	sshrl.u32 s8, $0x2;
	s19 =	sadd.s32 s10, s2  }
0xc: {  	s5 =	smul.u32 $0x500, s4;
	s4 =	sadd.s32 $0x4C00, s1;
	s11 =	ssub.s32 s6, s9  }
0xd: {  	s12 =	sadd.s32 s8, s2;
	s26 =	sadd.s32 s10, s0;
	s0 =	sshrl.u32 s0, $0x3  }
0xe: {  	s25 =	sshrl.u32 @!p0 s19, $0x3;
	s8 =	sshrl.u32 s26, $0x3;
	s10 =	smax.u32 s11, $0x1  }
0xf: {  	s11 =	simm.s32 $0x9;
	s15 =	sshrl.u32 @!p0 s12, $0x3;
	s26 =	simm.s32 $0x3  }
0x10: {  	s7 =	sadd.s32 s5, s1;
	s5 =	sadd.s32 $0x2C600, s1;
	s1 =	sadd.s32 $0x2DA00, s1  }
0x11: {  	s6 =	sadd.s32 $0x18600, s7;
	s7 =	sadd.s32 $0x22600, s7;
	s0 =	sadd.s32 s1, s0  }
0x12: {  	s8 =	sadd.s32 s1, s8;
	s9 =	sadd.s32 $0x12840, s0;
	s0 =	sshll.u32 @!p0 s14, $0x6  }
0x13: {  	s1 =	simm.s32 $0x0;
	s14 =	sor.u32 @!p0 $0x1C09, s0;
	s0 =	simm.s32 $0x8  }
.LBB2_1:
0x14: {  	[tilespmem:s3], [sflag:$0x9] =	stream.linear.gather [hbm4b:s6+s3], $0x2800, $0x38;
	[tilespmem:$0x16C40] =	vst v63  }
0x15: {  	_ =	swait.ge [sflag:s11], $0x2800  }
0x16: {  	[sflag:s11] =	ssyncset.done $0x0  }
0x17: {  	s12 =	simm.s32 $0x2800;
	[sflag:s11] =	ssyncadd.s32 $0xFFFFD800  }
0x18: {  	[tilespmem:s12], [sflag:$0x9] =	stream.linear.gather [hbm4b:s7+s3], $0x2800, $0x38;
	[tilespmem:$0x16C40] =	vst v63  }
0x19: {  	_ =	swait.ge [sflag:s11], $0x2800  }
0x1a: {  	[sflag:s11] =	ssyncset.done $0x0  }
0x1b: {  	s12 =	simm.s32 @p0 $0x1FC9;
	[sflag:s11] =	ssyncadd.s32 $0xFFFFD800  }
0x1c: {  	[spmem:s13], [sflag:s12] =	dma.local @p0 [hbm:s5], $0x1040  }
0x1d: {  	s12 =	simm.s32 @p0 $0x9  }
0x1e: {  	_ =	swait.ge @p0 [sflag:s12], $0x1040  }
0x1f: {  	[sflag:s12] =	ssyncset.done @p0 $0x0  }
0x20: {  	[sflag:s12] =	ssyncadd.s32 @p0 $0xFFFFEFC0;
	s12 =	simm.s32 @!p0 $0x9  }
0x21: {  	[spmem:s15], [sflag:s14] =	dma.local @!p0 [hbm:s5], $0x13C0  }
0x22: {  	_ =	swait.ge @!p0 [sflag:s12], $0x13C0  }
0x23: {  	[sflag:s12] =	ssyncset.done @!p0 $0x0  }
0x24: {  	[sflag:s12] =	ssyncadd.s32 @!p0 $0xFFFFEC40  }
0x25: {  	[bflag:$0x0] =	sbarrier.arrive $0xFFFF  }
0x26: {  	[tilespmem:s17], [sflag:$0x1] =	stream.indirect.gather [hbm4b:s4+s16], $0x40, s3, s16, $0xb8;
	[tilespmem:$0x16C40] =	vst v63  }
0x27: {  	_ = 	snop  }
0x28: {  	[tilespmem:s18], [sflag:$0x2] =	stream.indirect.gather [hbm4b:s4+s16], $0x40, s16, s16, $0xb8;
	[tilespmem:$0x16C40] =	vst v63  }
0x29: {  	s21 =	simm.s32 $0x100  }
0x2a: {  	[tilespmem:s20], [sflag:$0x3] =	stream.indirect.gather [hbm4b:s4+s16], $0x40, s21, s16, $0xb8;
	[tilespmem:$0x16C40] =	vst v63  }
0x2b: {  	s19 =	simm.s32 $0x180  }
0x2c: {  	[tilespmem:s22], [sflag:$0x4] =	stream.indirect.gather [hbm4b:s4+s16], $0x40, s19, s16, $0xb8;
	[tilespmem:$0x16C40] =	vst v63  }
0x2d: {  	_ =	swait.ge [sflag:s23], $0x2000  }
0x2e: {  	[sflag:s23] =	ssyncset.done $0x0  }
0x2f: {  	s21 =	simm.s32 $0x2800;
	[sflag:s23] =	ssyncadd.s32 $0xFFFFE000  }
0x30: {  	[spmem:s2] =	stream.indirect.scatter.add.f32 [tilespmem:s17], [sflag:$0x5], $0x40, s21, s16, $0xb8;
	[tilespmem:$0x16C40] =	vst v63  }
0x31: {  	_ =	swait.ge [sflag:s24], $0x2000  }
0x32: {  	[sflag:s24] =	ssyncset.done $0x0  }
0x33: {  	s19 =	simm.s32 $0x2880;
	[sflag:s24] =	ssyncadd.s32 $0xFFFFE000  }
0x34: {  	[spmem:s2] =	stream.indirect.scatter.add.f32 [tilespmem:s18], [sflag:$0x6], $0x40, s19, s16, $0xb8;
	[tilespmem:$0x16C40] =	vst v63  }
0x35: {  	_ =	swait.ge [sflag:s26], $0x2000  }
0x36: {  	[sflag:s26] =	ssyncset.done $0x0  }
0x37: {  	s21 =	simm.s32 $0x2900;
	[sflag:s26] =	ssyncadd.s32 $0xFFFFE000  }
0x38: {  	[spmem:s2] =	stream.indirect.scatter.add.f32 [tilespmem:s20], [sflag:$0x7], $0x40, s21, s16, $0xb8;
	[tilespmem:$0x16C40] =	vst v63  }
0x39: {  	_ =	swait.ge [sflag:s28], $0x2000  }
0x3a: {  	[sflag:s28] =	ssyncset.done $0x0  }
0x3b: {  	s19 =	simm.s32 $0x2980;
	[sflag:s28] =	ssyncadd.s32 $0xFFFFE000  }
0x3c: {  	[spmem:s2] =	stream.indirect.scatter.add.f32 [tilespmem:s22], [sflag:$0x8], $0x40, s19, s16, $0xb8;
	[tilespmem:$0x16C40] =	vst v63  }
0x3d: {  	_ =	swait.ge [sflag:s29], $0x2000  }
0x3e: {  	[sflag:s29] =	ssyncset.done $0x0  }
0x3f: {  	s21 =	simm.s32 $0x200;
	[sflag:s29] =	ssyncadd.s32 $0xFFFFE000  }
0x40: {  	[tilespmem:s17], [sflag:$0x1] =	stream.indirect.gather [hbm4b:s4+s16], $0x40, s21, s16, $0xb8;
	[tilespmem:$0x16C40] =	vst v63  }
0x41: {  	_ =	swait.ge [sflag:s30], $0x2000  }
0x42: {  	[sflag:s30] =	ssyncset.done $0x0  }
0x43: {  	s19 =	simm.s32 $0x280;
	[sflag:s30] =	ssyncadd.s32 $0xFFFFE000  }
0x44: {  	[tilespmem:s18], [sflag:$0x2] =	stream.indirect.gather [hbm4b:s4+s16], $0x40, s19, s16, $0xb8;
	[tilespmem:$0x16C40] =	vst v63  }
0x45: {  	_ =	swait.ge [sflag:s31], $0x2000  }
0x46: {  	[sflag:s31] =	ssyncset.done $0x0  }
0x47: {  	s21 =	simm.s32 $0x300;
	[sflag:s31] =	ssyncadd.s32 $0xFFFFE000  }
0x48: {  	[tilespmem:s20], [sflag:$0x3] =	stream.indirect.gather [hbm4b:s4+s16], $0x40, s21, s16, $0xb8;
	[tilespmem:$0x16C40] =	vst v63  }
0x49: {  	_ =	swait.ge [sflag:s0], $0x2000  }
0x4a: {  	[sflag:s0] =	ssyncset.done $0x0  }
0x4b: {  	s12 =	simm.s32 $0x800;
	s19 =	simm.s32 $0x380;
	[sflag:s0] =	ssyncadd.s32 $0xFFFFE000  }
.LBB2_2:
0x4c: {  	[tilespmem:s22], [sflag:$0x4] =	stream.indirect.gather [hbm4b:s4+s16], $0x40, s19, s16, $0xb8;
	[tilespmem:$0x16C40] =	vst v63  }
0x4d: {  	s19 =	smov.u32 s12  }
0x4e: {  	p1 =	sne.s32 s12, $0x9000;
	s12 =	sadd.s32 $0x800, s12;
	_ =	swait.ge [sflag:s23], $0x2000  }
0x4f: {  	s19 =	sshra.s32 s19, $0x2;
	[sflag:s23] =	ssyncset.done $0x0  }
0x50: {  	s21 =	sadd.s32 $0x2800, s19;
	[sflag:s23] =	ssyncadd.s32 $0xFFFFE000  }
0x51: {  	[spmem:s2] =	stream.indirect.scatter.add.f32 [tilespmem:s17], [sflag:$0x5], $0x40, s21, s16, $0xb8;
	[tilespmem:$0x16C40] =	vst v63  }
0x52: {  	_ =	swait.ge [sflag:s24], $0x2000  }
0x53: {  	[sflag:s24] =	ssyncset.done $0x0  }
0x54: {  	s21 =	sadd.s32 $0x2880, s19;
	[sflag:s24] =	ssyncadd.s32 $0xFFFFE000  }
0x55: {  	[spmem:s2] =	stream.indirect.scatter.add.f32 [tilespmem:s18], [sflag:$0x6], $0x40, s21, s16, $0xb8;
	[tilespmem:$0x16C40] =	vst v63  }
0x56: {  	_ =	swait.ge [sflag:s26], $0x2000  }
0x57: {  	[sflag:s26] =	ssyncset.done $0x0  }
0x58: {  	s21 =	sadd.s32 $0x2900, s19;
	[sflag:s26] =	ssyncadd.s32 $0xFFFFE000  }
0x59: {  	[spmem:s2] =	stream.indirect.scatter.add.f32 [tilespmem:s20], [sflag:$0x7], $0x40, s21, s16, $0xb8;
	[tilespmem:$0x16C40] =	vst v63  }
0x5a: {  	_ =	swait.ge [sflag:s28], $0x2000  }
0x5b: {  	[sflag:s28] =	ssyncset.done $0x0  }
0x5c: {  	s21 =	sadd.s32 $0x2980, s19;
	[sflag:s28] =	ssyncadd.s32 $0xFFFFE000  }
0x5d: {  	[spmem:s2] =	stream.indirect.scatter.add.f32 [tilespmem:s22], [sflag:$0x8], $0x40, s21, s16, $0xb8;
	[tilespmem:$0x16C40] =	vst v63  }
0x5e: {  	_ =	swait.ge [sflag:s29], $0x2000  }
0x5f: {  	[sflag:s29] =	ssyncset.done $0x0  }
0x60: {  	s21 =	sadd.s32 $0x200, s19;
	[sflag:s29] =	ssyncadd.s32 $0xFFFFE000  }
0x61: {  	[tilespmem:s17], [sflag:$0x1] =	stream.indirect.gather [hbm4b:s4+s16], $0x40, s21, s16, $0xb8;
	[tilespmem:$0x16C40] =	vst v63  }
0x62: {  	_ =	swait.ge [sflag:s30], $0x2000  }
0x63: {  	[sflag:s30] =	ssyncset.done $0x0  }
0x64: {  	s21 =	sadd.s32 $0x280, s19;
	[sflag:s30] =	ssyncadd.s32 $0xFFFFE000  }
0x65: {  	[tilespmem:s18], [sflag:$0x2] =	stream.indirect.gather [hbm4b:s4+s16], $0x40, s21, s16, $0xb8;
	[tilespmem:$0x16C40] =	vst v63  }
0x66: {  	_ =	swait.ge [sflag:s31], $0x2000  }
0x67: {  	[sflag:s31] =	ssyncset.done $0x0  }
.Ltmp0:
0x68: {  	s21 =	sadd.s32 $0x300, s19;
	[sflag:s31] =	ssyncadd.s32 $0xFFFFE000;
	(pc) =	sbr.rel @p1 .LBB2_2-.Ltmp0, $4  }
0x69: {  	[tilespmem:s20], [sflag:$0x3] =	stream.indirect.gather [hbm4b:s4+s16], $0x40, s21, s16, $0xb8;
	[tilespmem:$0x16C40] =	vst v63  }
0x6a: {  	_ =	swait.ge [sflag:s0], $0x2000  }
0x6b: {  	[sflag:s0] =	ssyncset.done $0x0  }
0x6c: {  	s19 =	sadd.s32 $0x380, s19;
	[sflag:s0] =	ssyncadd.s32 $0xFFFFE000  }
0x6d: {  	[tilespmem:s22], [sflag:$0x4] =	stream.indirect.gather [hbm4b:s4+s16], $0x40, s19, s16, $0xb8;
	[tilespmem:$0x16C40] =	vst v63  }
0x6e: {  	_ =	swait.ge [sflag:s23], $0x2000  }
0x6f: {  	[sflag:s23] =	ssyncset.done $0x0  }
0x70: {  	s12 =	simm.s32 $0x4E00;
	[sflag:s23] =	ssyncadd.s32 $0xFFFFE000  }
0x71: {  	[spmem:s2] =	stream.indirect.scatter.add.f32 [tilespmem:s17], [sflag:$0x5], $0x40, s12, s16, $0xb8;
	[tilespmem:$0x16C40] =	vst v63  }
0x72: {  	_ =	swait.ge [sflag:s24], $0x2000  }
0x73: {  	[sflag:s24] =	ssyncset.done $0x0  }
0x74: {  	s21 =	simm.s32 $0x4E80;
	[sflag:s24] =	ssyncadd.s32 $0xFFFFE000  }
0x75: {  	[spmem:s2] =	stream.indirect.scatter.add.f32 [tilespmem:s18], [sflag:$0x6], $0x40, s21, s16, $0xb8;
	[tilespmem:$0x16C40] =	vst v63  }
0x76: {  	_ =	swait.ge [sflag:s26], $0x2000  }
0x77: {  	[sflag:s26] =	ssyncset.done $0x0  }
0x78: {  	s19 =	simm.s32 $0x4F00;
	[sflag:s26] =	ssyncadd.s32 $0xFFFFE000  }
0x79: {  	[spmem:s2] =	stream.indirect.scatter.add.f32 [tilespmem:s20], [sflag:$0x7], $0x40, s19, s16, $0xb8;
	[tilespmem:$0x16C40] =	vst v63  }
0x7a: {  	_ =	swait.ge [sflag:s28], $0x2000  }
0x7b: {  	[sflag:s28] =	ssyncset.done $0x0  }
0x7c: {  	s21 =	simm.s32 $0x4F80;
	[sflag:s28] =	ssyncadd.s32 $0xFFFFE000  }
0x7d: {  	[spmem:s2] =	stream.indirect.scatter.add.f32 [tilespmem:s22], [sflag:$0x8], $0x40, s21, s16, $0xb8;
	[tilespmem:$0x16C40] =	vst v63  }
0x7e: {  	_ =	swait.ge [sflag:s29], $0x2000  }
0x7f: {  	[sflag:s29] =	ssyncset.done $0x0  }
0x80: {  	[sflag:s29] =	ssyncadd.s32 $0xFFFFE000  }
0x81: {  	_ =	swait.ge [sflag:s30], $0x2000  }
0x82: {  	[sflag:s30] =	ssyncset.done $0x0  }
0x83: {  	[sflag:s30] =	ssyncadd.s32 $0xFFFFE000  }
0x84: {  	_ =	swait.ge [sflag:s31], $0x2000  }
0x85: {  	[sflag:s31] =	ssyncset.done $0x0  }
0x86: {  	[sflag:s31] =	ssyncadd.s32 $0xFFFFE000  }
0x87: {  	_ =	swait.ge [sflag:s0], $0x2000  }
0x88: {  	[sflag:s0] =	ssyncset.done $0x0  }
0x89: {  	[sflag:s0] =	ssyncadd.s32 $0xFFFFE000  }
0x8a: {  	s12 =	simm.s32 @p0 $0x1FC9;
	[bflag:$0x0] =	sbarrier.arrive $0xFFFF  }
0x8b: {  	[hbm:s9], [sflag:s12] =	dma.local @p0 [spmem:s13], $0x1040  }
0x8c: {  	s12 =	simm.s32 @p0 $0x9  }
0x8d: {  	s1 =	sadd.s32 $0x1, s1;
	_ =	swait.ge @p0 [sflag:s12], $0x1040  }
0x8e: {  	p1 =	sne.s32 s1, s10;
	[sflag:s12] =	ssyncset.done @p0 $0x0  }
.Ltmp1:
0x8f: {  	[sflag:s12] =	ssyncadd.s32 @p0 $0xFFFFEFC0;
	s12 =	simm.s32 @!p0 $0x9;
	(pc) =	sbr.rel @p1 .LBB2_1-.Ltmp1, $4  }
0x90: {  	[hbm:s8], [sflag:s14] =	dma.local @!p0 [spmem:s25], $0x13C0  }
0x91: {  	_ =	swait.ge @!p0 [sflag:s12], $0x13C0  }
0x92: {  	[sflag:s12] =	ssyncset.done @!p0 $0x0  }
0x93: {  	[sflag:s12] =	ssyncadd.s32 @!p0 $0xFFFFEC40  }
0x94: {  	_ =	sfence.sel $0x180000  }
0x95: {  	[bflag:$0x0] =	sbarrier.arrive $0xFFFF  }
0x96: {  	_ =	strace $0x90000053  }
0x97: {  	s0 =	stileid.u32;
	[bflag:$0x2] =	sbarrier.arrive $0xFFFF  }
0x98: {  	p0 =	sne.s32 s0, $0x0;
	s0 =	rddreg [dreg:$0x2]  }
0x99: {  	s0 =	sadd.s32 @!p0 $0x100000, s0  }
0x9a: {  	[sflag:s0] =	ssyncadd.tile.s32 @!p0 $0x1;
	_ =	shalt  }
.Lfunc_end2:
_tile_overlayer_lowered:
.L_overlay_start_2:
0x9b: {  	(tag) =	ssettag $0x2  }
0x9c: {  	s0 =	rddreg [dreg:$0x0];
	s2 =	stileid.u32  }
0x9d: {  	s1 =	rddreg [dreg:$0x1];
	p0 =	sne.s32 s2, $0x0  }
0x9e: {  	s3 =	rddreg [dreg:$0x2];
	[bflag:$0x3] =	sbarrier.arrive $0xFFFF;
	s2 =	simm.s32 @!p0 $0x1C09  }
0x9f: {  	[timem:s3], [sflag:s2] =	dma.local @!p0 [hbm:s0], s1  }
0xa0: {  	s0 =	simm.s32 @!p0 $0x9  }
0xa1: {  	_ =	swait.ge @!p0 [sflag:s0], s1  }
0xa2: {  	s1 =	ssub.s32 @!p0 $0x0, s1;
	[sflag:s0] =	ssyncset.done @!p0 $0x0  }
0xa3: {  	[sflag:s0] =	ssyncadd.s32 @!p0 s1  }
0xa4: {  	[bflag:$0x3] =	sbarrier.arrive $0xFFFF  }
0xa5: {  	_ =	shalt  }

</sc_bundles>
